<compile_context>
chip_gen: v7x
topology: tpu7x:2x2x1
jax: 0.10.2.dev20260603
libtpu: 0.0.44.dev20260713+nightly
codegen_flags: <defaults>
</compile_context>

<pallas_src>
import functools
import math

import jax
import jax.numpy as jnp
from jax import lax
from jax.experimental import pallas as pl
from jax.experimental.pallas import tpu as pltpu
from jax.experimental.pallas import tpu_sc as plsc

_EPS = 1e-20
_IDX_CHUNK = 128


def _sc_gather(fidx, table):
    n_rows = fidx.shape[0]
    d = table.shape[1]
    try:
        info = plsc.get_sparse_core_info()
        nc, ns = info.num_cores, info.num_subcores
    except Exception:
        nc, ns = 2, 16
    nw = nc * ns
    chunks_pw = n_rows // (nw * _IDX_CHUNK)
    rows_pw = chunks_pw * _IDX_CHUNK
    fidx3d = fidx.reshape(nw, chunks_pw, _IDX_CHUNK)
    mesh = plsc.VectorSubcoreMesh(core_axis_name="c", subcore_axis_name="s")

    @functools.partial(
        pl.kernel,
        out_type=jax.ShapeDtypeStruct((n_rows, d), jnp.float32),
        mesh=mesh,
        scratch_types=[
            pltpu.VMEM((chunks_pw, _IDX_CHUNK), jnp.int32),
            pltpu.VMEM((_IDX_CHUNK, d), jnp.float32),
            pltpu.VMEM((_IDX_CHUNK, d), jnp.float32),
            pltpu.SemaphoreType.DMA,
            pltpu.SemaphoreType.DMA,
            pltpu.SemaphoreType.DMA,
            pltpu.SemaphoreType.DMA,
        ],
    )
    def gather_kernel(idx_hbm, tab_hbm, out_hbm, idxv, b0, b1, g0, g1, s0, s1):
        wid = lax.axis_index("s") * nc + lax.axis_index("c")
        pltpu.sync_copy(idx_hbm.at[wid], idxv)
        bufs = (b0, b1)
        gsem = (g0, g1)
        ssem = (s0, s1)
        pending = [None, None]
        for j in range(chunks_pw):
            b = j & 1
            if pending[b] is not None:
                pending[b].wait()
            g = pltpu.async_copy(tab_hbm.at[idxv.at[j]], bufs[b], gsem[b])
            g.wait()
            s = pltpu.async_copy(
                bufs[b],
                out_hbm.at[pl.ds(wid * rows_pw + j * _IDX_CHUNK, _IDX_CHUNK)],
                ssem[b],
            )
            pending[b] = s
        for s in pending:
            if s is not None:
                s.wait()

    return gather_kernel(fidx3d, table)


def _precompute(centers):
    c, k, d = centers.shape

    def body(cent_ref, hst_ref, csq_ref):
        cent = cent_ref[...]
        sq = cent * cent
        csq_ref[...] = sq
        hst_ref[...] = 0.5 * jnp.swapaxes(jnp.sum(sq, axis=-1), 0, 1)

    return pl.pallas_call(
        body,
        out_shape=(
            jax.ShapeDtypeStruct((k, c), jnp.float32),
            jax.ShapeDtypeStruct((c, k, d), jnp.float32),
        ),
    )(centers)


def _argmax_sublanes(logits_t, k):
    iota = lax.broadcasted_iota(jnp.int32, logits_t.shape, 0)
    m = jnp.max(logits_t, axis=0, keepdims=True)
    return jnp.min(jnp.where(logits_t == m, iota, k), axis=0).astype(jnp.int32)


def _tc_iter(x2, chosen3, centers, hst, tb, off_blk, bh):
    d = x2.shape[1]
    c, k, _ = centers.shape
    grid = (bh // tb,)

    def body(x_ref, ch_ref, cent_ref, hst_ref, fidx_ref):
        x = x_ref[...]
        ch = ch_ref[...]
        tot = jnp.sum(ch, axis=0)
        for ci in range(c):
            y = x - (tot - ch[ci])
            dots_t = lax.dot_general(
                cent_ref[ci], y, (((1,), (1,)), ((), ())))
            logits_t = dots_t - hst_ref[:, ci:ci + 1]
            fidx_ref[ci, :] = _argmax_sublanes(logits_t, k) + ci * k

    return pl.pallas_call(
        body,
        grid=grid,
        in_specs=[
            pl.BlockSpec((tb, d), lambda i: (i + off_blk, 0)),
            pl.BlockSpec((c, tb, d), lambda i: (0, i, 0)),
            pl.BlockSpec((c, k, d), lambda i: (0, 0, 0)),
            pl.BlockSpec((k, c), lambda i: (0, 0)),
        ],
        out_specs=pl.BlockSpec((c, tb), lambda i: (0, i)),
        out_shape=jax.ShapeDtypeStruct((c, bh), jnp.int32),
    )(x2, chosen3, centers, hst)


def _tc_final_part(x2, chosen3, centers, csq, hst, fes, tb, off_blk, bh):
    d = x2.shape[1]
    c, k, _ = centers.shape
    grid = (bh // tb,)

    def body(x_ref, ch_ref, cent_ref, csq_ref, hst_ref, fes_ref,
             idx_ref, ap_ref, acc_ref):
        i = pl.program_id(0)

        @pl.when(i == 0)
        def _():
            ap_ref[...] = jnp.zeros_like(ap_ref)
            acc_ref[0] = 0.0
            acc_ref[1] = 0.0
            acc_ref[2] = 0.0

        x = x_ref[...]
        ch = ch_ref[...]
        tot = jnp.sum(ch, axis=0)
        scale = jnp.exp(fes_ref[0])
        mean_recon = jnp.zeros_like(x)
        fe_part = jnp.float32(0.0)
        var_part = jnp.float32(0.0)
        for ci in range(c):
            y = x - (tot - ch[ci])
            dots_t = lax.dot_general(
                cent_ref[ci], y, (((1,), (1,)), ((), ())))
            logits_t = dots_t - hst_ref[:, ci:ci + 1]
            idx_ref[ci, :] = _argmax_sublanes(logits_t, k)
            scaled = logits_t * scale
            sm = jnp.max(scaled, axis=0, keepdims=True)
            t = scaled - sm
            e = jnp.exp(t)
            s = jnp.sum(e, axis=0, keepdims=True)
            rinv = 1.0 / s
            probs = e * rinv
            fe_part += jnp.sum(
                jnp.log(s) - jnp.sum(e * t, axis=0, keepdims=True) * rinv)
            ap_ref[:, ci:ci + 1] += jnp.sum(probs, axis=1, keepdims=True)
            ec = lax.dot_general(probs, cent_ref[ci], (((0,), (0,)), ((), ())))
            mean_recon = mean_recon + ec
            vterm = lax.dot_general(probs, csq_ref[ci], (((0,), (0,)), ((), ())))
            var_part += jnp.sum(vterm - ec * ec)
        err_part = jnp.sum((x - mean_recon) ** 2)
        xsq_part = jnp.sum(x * x)
        acc_ref[0] += fe_part
        acc_ref[1] += err_part + var_part
        acc_ref[2] += xsq_part

    return pl.pallas_call(
        body,
        grid=grid,
        in_specs=[
            pl.BlockSpec((tb, d), lambda i: (i + off_blk, 0)),
            pl.BlockSpec((c, tb, d), lambda i: (0, i, 0)),
            pl.BlockSpec((c, k, d), lambda i: (0, 0, 0)),
            pl.BlockSpec((c, k, d), lambda i: (0, 0, 0)),
            pl.BlockSpec((k, c), lambda i: (0, 0)),
            pl.BlockSpec(memory_space=pltpu.SMEM),
        ],
        out_specs=(
            pl.BlockSpec((c, tb), lambda i: (0, i)),
            pl.BlockSpec((k, c), lambda i: (0, 0)),
            pl.BlockSpec(memory_space=pltpu.SMEM),
        ),
        out_shape=(
            jax.ShapeDtypeStruct((c, bh), jnp.int32),
            jax.ShapeDtypeStruct((k, c), jnp.float32),
            jax.ShapeDtypeStruct((3,), jnp.float32),
        ),
    )(x2, chosen3, centers, csq, hst, fes)


def _tc_merge(ap_a, ap_b, acc_a, acc_b, b, c, k):

    def body(apa_ref, apb_ref, acca_ref, accb_ref, el_ref, fe_ref, rl_ref):
        ap = (apa_ref[...] + apb_ref[...]) * (1.0 / b)
        ce = -jnp.sum(ap * jnp.log(ap + _EPS)) * (1.0 / c)
        el_ref[0] = math.log(k) - ce
        fe_ref[0] = (acca_ref[0] + accb_ref[0]) * (1.0 / (b * c))
        rl_ref[0] = (acca_ref[1] + accb_ref[1]) / (
            acca_ref[2] + accb_ref[2] + _EPS)

    return pl.pallas_call(
        body,
        in_specs=[
            pl.BlockSpec((k, c), lambda: (0, 0)),
            pl.BlockSpec((k, c), lambda: (0, 0)),
            pl.BlockSpec(memory_space=pltpu.SMEM),
            pl.BlockSpec(memory_space=pltpu.SMEM),
        ],
        out_specs=(
            pl.BlockSpec(memory_space=pltpu.SMEM),
            pl.BlockSpec(memory_space=pltpu.SMEM),
            pl.BlockSpec(memory_space=pltpu.SMEM),
        ),
        out_shape=(
            jax.ShapeDtypeStruct((1,), jnp.float32),
            jax.ShapeDtypeStruct((1,), jnp.float32),
            jax.ShapeDtypeStruct((1,), jnp.float32),
        ),
    )(ap_a, ap_b, acc_a, acc_b)


def kernel(x, num_iters, centers, frame_entropy_scale):
    c, k, d = centers.shape
    x2 = x.reshape(-1, d)
    b = x2.shape[0]
    tb = 512

    idx0 = jax.random.randint(jax.random.key(1), (b, c), 0, k - 1)
    cidx = jnp.arange(c, dtype=jnp.int32)
    ba = 2048
    bb = b - ba
    fidx_cb0 = idx0.T.astype(jnp.int32) + cidx[:, None] * k
    fa0 = fidx_cb0[:, :ba].reshape(c * ba)
    fb0 = fidx_cb0[:, ba:].reshape(c * bb)

    table = centers.reshape(c * k, d)
    hst, csq = _precompute(centers)

    cha0 = _sc_gather(fa0, table)

    def body(_, carry):
        cha_flat, fb = carry
        na = _tc_iter(x2, cha_flat.reshape(c, ba, d), centers, hst, tb, 0, ba)
        chb = _sc_gather(fb, table).reshape(c, bb, d)
        cha_next = _sc_gather(na.reshape(c * ba), table)
        nb = _tc_iter(x2, chb, centers, hst, tb, ba // tb, bb)
        return cha_next, nb.reshape(c * bb)

    cha_flat, fb = lax.fori_loop(0, num_iters - 1, body, (cha0, fb0))
    idx_a, ap_a, acc_a = _tc_final_part(
        x2, cha_flat.reshape(c, ba, d), centers, csq, hst,
        frame_entropy_scale, tb, 0, ba)
    chb = _sc_gather(fb, table).reshape(c, bb, d)
    idx_b, ap_b, acc_b = _tc_final_part(
        x2, chb, centers, csq, hst, frame_entropy_scale, tb, ba // tb, bb)
    el, fe, rl = _tc_merge(ap_a, ap_b, acc_a, acc_b, b, c, k)

    idx_cb = jnp.concatenate([idx_a, idx_b], axis=1)
    indexes_out = idx_cb.T.reshape(x.shape[:-1] + (c,))
    return indexes_out, el[0], fe[0], rl[0]

# --- scband reference (transcript-rebuilt; emitter-appended) ---
"""Pipeline reference for scband-multi-kmeans-quantizer-68384469287198 (READ-ONLY COPY).

The authoritative reference and input builder live on the scoring server;
editing this copy changes nothing except your own understanding.
"""

import math
import jax, jax.numpy as jnp
import numpy as np


def setup_inputs(seed: int = 0) -> dict:
    key = jax.random.key(seed)
    k1, k2 = jax.random.split(key)
    dim, K, C = 256, 512, 8
    x = jax.random.normal(k1, (8, 576, dim), dtype=jnp.float32)
    centers = (dim ** -0.5) * jax.random.normal(k2, (C, K, dim), dtype=jnp.float32)
    frame_entropy_scale = jnp.zeros((1,), dtype=jnp.float32)
    return {"x": x, "num_iters": 4, "centers": centers, "frame_entropy_scale": frame_entropy_scale}


def _quantize(x, centers, frame_entropy_scale, num_iters):
    C, K, dim = centers.shape
    x2 = x.reshape(-1, dim)
    B = x2.shape[0]
    # torch.randint(codebook_size - 1, (B, C)) -> values in [0, K-2]
    indexes = jax.random.randint(jax.random.key(1), (B, C), 0, K - 1)
    cidx = jnp.arange(C)
    half_sumsq = 0.5 * (centers ** 2).sum(-1)  # (C, K)

    def body(_, carry):
        indexes, _logits = carry
        # gather currently chosen centers: (B, C, dim)
        chosen = centers[cidx[None, :], indexes]
        tot = chosen.sum(axis=1)  # (B, dim)
        # residual target for each codebook, excluding its own contribution
        residual = x2[:, None, :] - (tot[:, None, :] - chosen)  # (B, C, dim)
        # -0.5||residual - center_k||^2 up to a constant in k
        dots = jnp.einsum('bcd,ckd->bck', residual, centers)
        logits = dots - half_sumsq[None, :, :]  # (B, C, K)
        indexes = jnp.argmax(logits, axis=-1)
        return indexes, logits

    logits0 = jnp.zeros((B, C, K), dtype=jnp.float32)
    indexes, logits = jax.lax.fori_loop(0, num_iters, body, (indexes, logits0))
    scaled = logits * jnp.exp(frame_entropy_scale[0])
    probs = jax.nn.softmax(scaled, axis=-1)  # (B, C, K)
    eps = 1e-20
    frame_entropy = -(probs * jnp.log(probs + eps)).sum(-1).mean()
    avg_probs = probs.mean(axis=0)  # (C, K)
    class_entropy = -(avg_probs * jnp.log(avg_probs + eps)).sum(-1).mean()
    entropy_loss = math.log(K) - class_entropy
    # expected sum-squared reconstruction error under the per-codebook distributions
    exp_chosen = jnp.einsum('bck,ckd->bcd', probs, centers)
    mean_recon = exp_chosen.sum(axis=1)
    err = ((x2 - mean_recon) ** 2).sum()
    var = (jnp.einsum('bck,ckd->bcd', probs, centers ** 2) - exp_chosen ** 2).sum()
    reconstruction_loss = (err + var) / ((x2 ** 2).sum() + 1e-20)
    indexes_out = indexes.reshape(x.shape[:-1] + (C,))
    return indexes_out, entropy_loss, frame_entropy, reconstruction_loss


def reference(x, num_iters, centers, frame_entropy_scale):
    return _quantize(x, centers, frame_entropy_scale, num_iters)

if __name__ == "__main__":
    import jax
    _d = setup_inputs()
    print(jax.jit(kernel)(*tuple(_d.values())))

</pallas_src>

<mosaic_0001>
#map = affine_map<(d0, d1) -> (0, 0, 0)>
#map1 = affine_map<(d0, d1) -> (0, 0)>
module attributes {stable_mosaic.version = 14 : i64} {
  func.func @gather_kernel(%arg0: i32, %arg1: i32, %arg2: memref<32x4x128xi32, #tpu.memory_space<hbm>>, %arg3: memref<4096x256xf32, #tpu.memory_space<hbm>>, %arg4: memref<16384x256xf32, #tpu.memory_space<hbm>>, %arg5: memref<4x128xi32, #tpu.memory_space<vmem>>, %arg6: memref<128x256xf32, #tpu.memory_space<vmem>>, %arg7: memref<128x256xf32, #tpu.memory_space<vmem>>, %arg8: memref<!tpu.dma_semaphore, #tpu.memory_space<semaphore_mem>>, %arg9: memref<!tpu.dma_semaphore, #tpu.memory_space<semaphore_mem>>, %arg10: memref<!tpu.dma_semaphore, #tpu.memory_space<semaphore_mem>>, %arg11: memref<!tpu.dma_semaphore, #tpu.memory_space<semaphore_mem>>) attributes {dimension_semantics = [#tpu.dimension_semantics<core_parallel>, #tpu.dimension_semantics<subcore_parallel>], iteration_bounds = array<i64: 2, 16>, scalar_prefetch = 0 : i64, scratch_operands = 7 : i64, tpu.core_type = #tpu.core_type<sc_vector_subcore>, window_params = [{transform_indices = #map}, {transform_indices = #map1}, {transform_indices = #map1}]} {
    %mul3A = arith.constant 2 : i32
    %mul3A_0 = arith.muli %arg1, %mul3A : i32
    %add3A = arith.addi %mul3A_0, %arg0 : i32
    "tpu.region"() ({
      %run_scoped3A = tpu.sem_alloc : memref<!tpu.dma_semaphore, #tpu.memory_space<semaphore_mem>>
      %dma_start3A_103 = arith.constant 0 : i32
      %dma_start3A_104 = arith.constant 0 : i32
      %dma_start3A_105 = tpu.memref_slice %arg2[%add3A, %dma_start3A_103, %dma_start3A_104] : memref<32x4x128xi32, #tpu.memory_space<hbm>> -> memref<1x4x128xi32, #tpu.memory_space<hbm>>
      %dma_start3A_106 = tpu.memref_squeeze %dma_start3A_105 : memref<1x4x128xi32, #tpu.memory_space<hbm>> -> memref<4x128xi32, #tpu.memory_space<hbm>>
      %dma_start3A_107 = arith.constant 0 : i32
      %dma_start3A_108 = arith.constant 0 : i32
      %dma_start3A_109 = tpu.memref_slice %arg2[%add3A, %dma_start3A_107, %dma_start3A_108] : memref<32x4x128xi32, #tpu.memory_space<hbm>> -> memref<1x4x128xi32, #tpu.memory_space<hbm>>
      %dma_start3A_110 = tpu.memref_squeeze %dma_start3A_109 : memref<1x4x128xi32, #tpu.memory_space<hbm>> -> memref<4x128xi32, #tpu.memory_space<hbm>>
      tpu.enqueue_dma source(%dma_start3A_110 : memref<4x128xi32, #tpu.memory_space<hbm>>) target(%arg5 : memref<4x128xi32, #tpu.memory_space<vmem>>) target_semaphore(%run_scoped3A : memref<!tpu.dma_semaphore, #tpu.memory_space<semaphore_mem>>)
      %dma_wait3A_111 = arith.constant 0 : i32
      %dma_wait3A_112 = arith.constant 0 : i32
      %dma_wait3A_113 = tpu.memref_slice %arg2[%add3A, %dma_wait3A_111, %dma_wait3A_112] : memref<32x4x128xi32, #tpu.memory_space<hbm>> -> memref<1x4x128xi32, #tpu.memory_space<hbm>>
      %dma_wait3A_114 = tpu.memref_squeeze %dma_wait3A_113 : memref<1x4x128xi32, #tpu.memory_space<hbm>> -> memref<4x128xi32, #tpu.memory_space<hbm>>
      %dma_wait3A_115 = arith.constant 0 : i32
      %dma_wait3A_116 = arith.constant 0 : i32
      %dma_wait3A_117 = tpu.memref_slice %arg2[%add3A, %dma_wait3A_115, %dma_wait3A_116] : memref<32x4x128xi32, #tpu.memory_space<hbm>> -> memref<1x4x128xi32, #tpu.memory_space<hbm>>
      %dma_wait3A_118 = tpu.memref_squeeze %dma_wait3A_117 : memref<1x4x128xi32, #tpu.memory_space<hbm>> -> memref<4x128xi32, #tpu.memory_space<hbm>>
      tpu.wait_dma2 semaphore(%run_scoped3A : memref<!tpu.dma_semaphore, #tpu.memory_space<semaphore_mem>>) src(%dma_wait3A_118 : memref<4x128xi32, #tpu.memory_space<hbm>>) dst(%arg5 : memref<4x128xi32, #tpu.memory_space<vmem>>)
      tpu.yield
    }) : () -> ()
    %dma_start3A = arith.constant 0 : i32
    %dma_start3A_1 = arith.constant 0 : i32
    %dma_start3A_2 = tpu.memref_slice %arg5[%dma_start3A, %dma_start3A_1] : memref<4x128xi32, #tpu.memory_space<vmem>> -> memref<1x128xi32, #tpu.memory_space<vmem>>
    %dma_start3A_3 = tpu.memref_squeeze %dma_start3A_2 : memref<1x128xi32, #tpu.memory_space<vmem>> -> memref<128xi32, #tpu.memory_space<vmem>>
    %dma_start3A_4 = arith.constant 0 : i32
    %dma_start3A_5 = arith.constant 0 : i32
    %dma_start3A_6 = tpu.memref_slice %arg3[%dma_start3A_4, %dma_start3A_5] : memref<4096x256xf32, #tpu.memory_space<hbm>> -> memref<4096x256xf32, #tpu.memory_space<hbm>>
    tpu.enqueue_indirect_dma source(%dma_start3A_6 : memref<4096x256xf32, #tpu.memory_space<hbm>>) target(%arg6 : memref<128x256xf32, #tpu.memory_space<vmem>>) offsets(%dma_start3A_3 : memref<128xi32, #tpu.memory_space<vmem>>) semaphore(%arg8 : memref<!tpu.dma_semaphore, #tpu.memory_space<semaphore_mem>>)
    %dma_wait3A = arith.constant 0 : i32
    %dma_wait3A_7 = arith.constant 0 : i32
    %dma_wait3A_8 = tpu.memref_slice %arg5[%dma_wait3A, %dma_wait3A_7] : memref<4x128xi32, #tpu.memory_space<vmem>> -> memref<1x128xi32, #tpu.memory_space<vmem>>
    %dma_wait3A_9 = tpu.memref_squeeze %dma_wait3A_8 : memref<1x128xi32, #tpu.memory_space<vmem>> -> memref<128xi32, #tpu.memory_space<vmem>>
    %dma_wait3A_10 = arith.constant 0 : i32
    %dma_wait3A_11 = arith.constant 0 : i32
    %dma_wait3A_12 = tpu.memref_slice %arg3[%dma_wait3A_10, %dma_wait3A_11] : memref<4096x256xf32, #tpu.memory_space<hbm>> -> memref<4096x256xf32, #tpu.memory_space<hbm>>
    tpu.wait_indirect_dma semaphore(%arg8 : memref<!tpu.dma_semaphore, #tpu.memory_space<semaphore_mem>>) src(%dma_wait3A_12 : memref<4096x256xf32, #tpu.memory_space<hbm>>) dst(%arg6 : memref<128x256xf32, #tpu.memory_space<vmem>>)
    %mul3A_13 = arith.constant 512 : i32
    %mul3A_14 = arith.muli %add3A, %mul3A_13 : i32
    %add3A_15 = arith.constant 0 : i32
    %add3A_16 = arith.addi %mul3A_14, %add3A_15 : i32
    %dma_start3A_17 = arith.constant 0 : i32
    %dma_start3A_18 = tpu.memref_slice %arg4[%add3A_16, %dma_start3A_17] : memref<16384x256xf32, #tpu.memory_space<hbm>> -> memref<128x256xf32, #tpu.memory_space<hbm>>
    %dma_start3A_19 = arith.constant 0 : i32
    %dma_start3A_20 = tpu.memref_slice %arg4[%add3A_16, %dma_start3A_19] : memref<16384x256xf32, #tpu.memory_space<hbm>> -> memref<128x256xf32, #tpu.memory_space<hbm>>
    tpu.enqueue_dma source(%arg6 : memref<128x256xf32, #tpu.memory_space<vmem>>) target(%dma_start3A_20 : memref<128x256xf32, #tpu.memory_space<hbm>>) target_semaphore(%arg10 : memref<!tpu.dma_semaphore, #tpu.memory_space<semaphore_mem>>)
    %dma_start3A_21 = arith.constant 1 : i32
    %dma_start3A_22 = arith.constant 0 : i32
    %dma_start3A_23 = tpu.memref_slice %arg5[%dma_start3A_21, %dma_start3A_22] : memref<4x128xi32, #tpu.memory_space<vmem>> -> memref<1x128xi32, #tpu.memory_space<vmem>>
    %dma_start3A_24 = tpu.memref_squeeze %dma_start3A_23 : memref<1x128xi32, #tpu.memory_space<vmem>> -> memref<128xi32, #tpu.memory_space<vmem>>
    %dma_start3A_25 = arith.constant 0 : i32
    %dma_start3A_26 = arith.constant 0 : i32
    %dma_start3A_27 = tpu.memref_slice %arg3[%dma_start3A_25, %dma_start3A_26] : memref<4096x256xf32, #tpu.memory_space<hbm>> -> memref<4096x256xf32, #tpu.memory_space<hbm>>
    tpu.enqueue_indirect_dma source(%dma_start3A_27 : memref<4096x256xf32, #tpu.memory_space<hbm>>) target(%arg7 : memref<128x256xf32, #tpu.memory_space<vmem>>) offsets(%dma_start3A_24 : memref<128xi32, #tpu.memory_space<vmem>>) semaphore(%arg9 : memref<!tpu.dma_semaphore, #tpu.memory_space<semaphore_mem>>)
    %dma_wait3A_28 = arith.constant 1 : i32
    %dma_wait3A_29 = arith.constant 0 : i32
    %dma_wait3A_30 = tpu.memref_slice %arg5[%dma_wait3A_28, %dma_wait3A_29] : memref<4x128xi32, #tpu.memory_space<vmem>> -> memref<1x128xi32, #tpu.memory_space<vmem>>
    %dma_wait3A_31 = tpu.memref_squeeze %dma_wait3A_30 : memref<1x128xi32, #tpu.memory_space<vmem>> -> memref<128xi32, #tpu.memory_space<vmem>>
    %dma_wait3A_32 = arith.constant 0 : i32
    %dma_wait3A_33 = arith.constant 0 : i32
    %dma_wait3A_34 = tpu.memref_slice %arg3[%dma_wait3A_32, %dma_wait3A_33] : memref<4096x256xf32, #tpu.memory_space<hbm>> -> memref<4096x256xf32, #tpu.memory_space<hbm>>
    tpu.wait_indirect_dma semaphore(%arg9 : memref<!tpu.dma_semaphore, #tpu.memory_space<semaphore_mem>>) src(%dma_wait3A_34 : memref<4096x256xf32, #tpu.memory_space<hbm>>) dst(%arg7 : memref<128x256xf32, #tpu.memory_space<vmem>>)
    %mul3A_35 = arith.constant 512 : i32
    %mul3A_36 = arith.muli %add3A, %mul3A_35 : i32
    %add3A_37 = arith.constant 128 : i32
    %add3A_38 = arith.addi %mul3A_36, %add3A_37 : i32
    %dma_start3A_39 = arith.constant 0 : i32
    %dma_start3A_40 = tpu.memref_slice %arg4[%add3A_38, %dma_start3A_39] : memref<16384x256xf32, #tpu.memory_space<hbm>> -> memref<128x256xf32, #tpu.memory_space<hbm>>
    %dma_start3A_41 = arith.constant 0 : i32
    %dma_start3A_42 = tpu.memref_slice %arg4[%add3A_38, %dma_start3A_41] : memref<16384x256xf32, #tpu.memory_space<hbm>> -> memref<128x256xf32, #tpu.memory_space<hbm>>
    tpu.enqueue_dma source(%arg7 : memref<128x256xf32, #tpu.memory_space<vmem>>) target(%dma_start3A_42 : memref<128x256xf32, #tpu.memory_space<hbm>>) target_semaphore(%arg11 : memref<!tpu.dma_semaphore, #tpu.memory_space<semaphore_mem>>)
    %dma_wait3A_43 = arith.constant 0 : i32
    %dma_wait3A_44 = tpu.memref_slice %arg4[%add3A_16, %dma_wait3A_43] : memref<16384x256xf32, #tpu.memory_space<hbm>> -> memref<128x256xf32, #tpu.memory_space<hbm>>
    %dma_wait3A_45 = arith.constant 0 : i32
    %dma_wait3A_46 = tpu.memref_slice %arg4[%add3A_16, %dma_wait3A_45] : memref<16384x256xf32, #tpu.memory_space<hbm>> -> memref<128x256xf32, #tpu.memory_space<hbm>>
    tpu.wait_dma2 semaphore(%arg10 : memref<!tpu.dma_semaphore, #tpu.memory_space<semaphore_mem>>) src(%arg6 : memref<128x256xf32, #tpu.memory_space<vmem>>) dst(%dma_wait3A_46 : memref<128x256xf32, #tpu.memory_space<hbm>>)
    %dma_start3A_47 = arith.constant 2 : i32
    %dma_start3A_48 = arith.constant 0 : i32
    %dma_start3A_49 = tpu.memref_slice %arg5[%dma_start3A_47, %dma_start3A_48] : memref<4x128xi32, #tpu.memory_space<vmem>> -> memref<1x128xi32, #tpu.memory_space<vmem>>
    %dma_start3A_50 = tpu.memref_squeeze %dma_start3A_49 : memref<1x128xi32, #tpu.memory_space<vmem>> -> memref<128xi32, #tpu.memory_space<vmem>>
    %dma_start3A_51 = arith.constant 0 : i32
    %dma_start3A_52 = arith.constant 0 : i32
    %dma_start3A_53 = tpu.memref_slice %arg3[%dma_start3A_51, %dma_start3A_52] : memref<4096x256xf32, #tpu.memory_space<hbm>> -> memref<4096x256xf32, #tpu.memory_space<hbm>>
    tpu.enqueue_indirect_dma source(%dma_start3A_53 : memref<4096x256xf32, #tpu.memory_space<hbm>>) target(%arg6 : memref<128x256xf32, #tpu.memory_space<vmem>>) offsets(%dma_start3A_50 : memref<128xi32, #tpu.memory_space<vmem>>) semaphore(%arg8 : memref<!tpu.dma_semaphore, #tpu.memory_space<semaphore_mem>>)
    %dma_wait3A_54 = arith.constant 2 : i32
    %dma_wait3A_55 = arith.constant 0 : i32
    %dma_wait3A_56 = tpu.memref_slice %arg5[%dma_wait3A_54, %dma_wait3A_55] : memref<4x128xi32, #tpu.memory_space<vmem>> -> memref<1x128xi32, #tpu.memory_space<vmem>>
    %dma_wait3A_57 = tpu.memref_squeeze %dma_wait3A_56 : memref<1x128xi32, #tpu.memory_space<vmem>> -> memref<128xi32, #tpu.memory_space<vmem>>
    %dma_wait3A_58 = arith.constant 0 : i32
    %dma_wait3A_59 = arith.constant 0 : i32
    %dma_wait3A_60 = tpu.memref_slice %arg3[%dma_wait3A_58, %dma_wait3A_59] : memref<4096x256xf32, #tpu.memory_space<hbm>> -> memref<4096x256xf32, #tpu.memory_space<hbm>>
    tpu.wait_indirect_dma semaphore(%arg8 : memref<!tpu.dma_semaphore, #tpu.memory_space<semaphore_mem>>) src(%dma_wait3A_60 : memref<4096x256xf32, #tpu.memory_space<hbm>>) dst(%arg6 : memref<128x256xf32, #tpu.memory_space<vmem>>)
    %mul3A_61 = arith.constant 512 : i32
    %mul3A_62 = arith.muli %add3A, %mul3A_61 : i32
    %add3A_63 = arith.constant 256 : i32
    %add3A_64 = arith.addi %mul3A_62, %add3A_63 : i32
    %dma_start3A_65 = arith.constant 0 : i32
    %dma_start3A_66 = tpu.memref_slice %arg4[%add3A_64, %dma_start3A_65] : memref<16384x256xf32, #tpu.memory_space<hbm>> -> memref<128x256xf32, #tpu.memory_space<hbm>>
    %dma_start3A_67 = arith.constant 0 : i32
    %dma_start3A_68 = tpu.memref_slice %arg4[%add3A_64, %dma_start3A_67] : memref<16384x256xf32, #tpu.memory_space<hbm>> -> memref<128x256xf32, #tpu.memory_space<hbm>>
    tpu.enqueue_dma source(%arg6 : memref<128x256xf32, #tpu.memory_space<vmem>>) target(%dma_start3A_68 : memref<128x256xf32, #tpu.memory_space<hbm>>) target_semaphore(%arg10 : memref<!tpu.dma_semaphore, #tpu.memory_space<semaphore_mem>>)
    %dma_wait3A_69 = arith.constant 0 : i32
    %dma_wait3A_70 = tpu.memref_slice %arg4[%add3A_38, %dma_wait3A_69] : memref<16384x256xf32, #tpu.memory_space<hbm>> -> memref<128x256xf32, #tpu.memory_space<hbm>>
    %dma_wait3A_71 = arith.constant 0 : i32
    %dma_wait3A_72 = tpu.memref_slice %arg4[%add3A_38, %dma_wait3A_71] : memref<16384x256xf32, #tpu.memory_space<hbm>> -> memref<128x256xf32, #tpu.memory_space<hbm>>
    tpu.wait_dma2 semaphore(%arg11 : memref<!tpu.dma_semaphore, #tpu.memory_space<semaphore_mem>>) src(%arg7 : memref<128x256xf32, #tpu.memory_space<vmem>>) dst(%dma_wait3A_72 : memref<128x256xf32, #tpu.memory_space<hbm>>)
    %dma_start3A_73 = arith.constant 3 : i32
    %dma_start3A_74 = arith.constant 0 : i32
    %dma_start3A_75 = tpu.memref_slice %arg5[%dma_start3A_73, %dma_start3A_74] : memref<4x128xi32, #tpu.memory_space<vmem>> -> memref<1x128xi32, #tpu.memory_space<vmem>>
    %dma_start3A_76 = tpu.memref_squeeze %dma_start3A_75 : memref<1x128xi32, #tpu.memory_space<vmem>> -> memref<128xi32, #tpu.memory_space<vmem>>
    %dma_start3A_77 = arith.constant 0 : i32
    %dma_start3A_78 = arith.constant 0 : i32
    %dma_start3A_79 = tpu.memref_slice %arg3[%dma_start3A_77, %dma_start3A_78] : memref<4096x256xf32, #tpu.memory_space<hbm>> -> memref<4096x256xf32, #tpu.memory_space<hbm>>
    tpu.enqueue_indirect_dma source(%dma_start3A_79 : memref<4096x256xf32, #tpu.memory_space<hbm>>) target(%arg7 : memref<128x256xf32, #tpu.memory_space<vmem>>) offsets(%dma_start3A_76 : memref<128xi32, #tpu.memory_space<vmem>>) semaphore(%arg9 : memref<!tpu.dma_semaphore, #tpu.memory_space<semaphore_mem>>)
    %dma_wait3A_80 = arith.constant 3 : i32
    %dma_wait3A_81 = arith.constant 0 : i32
    %dma_wait3A_82 = tpu.memref_slice %arg5[%dma_wait3A_80, %dma_wait3A_81] : memref<4x128xi32, #tpu.memory_space<vmem>> -> memref<1x128xi32, #tpu.memory_space<vmem>>
    %dma_wait3A_83 = tpu.memref_squeeze %dma_wait3A_82 : memref<1x128xi32, #tpu.memory_space<vmem>> -> memref<128xi32, #tpu.memory_space<vmem>>
    %dma_wait3A_84 = arith.constant 0 : i32
    %dma_wait3A_85 = arith.constant 0 : i32
    %dma_wait3A_86 = tpu.memref_slice %arg3[%dma_wait3A_84, %dma_wait3A_85] : memref<4096x256xf32, #tpu.memory_space<hbm>> -> memref<4096x256xf32, #tpu.memory_space<hbm>>
    tpu.wait_indirect_dma semaphore(%arg9 : memref<!tpu.dma_semaphore, #tpu.memory_space<semaphore_mem>>) src(%dma_wait3A_86 : memref<4096x256xf32, #tpu.memory_space<hbm>>) dst(%arg7 : memref<128x256xf32, #tpu.memory_space<vmem>>)
    %mul3A_87 = arith.constant 512 : i32
    %mul3A_88 = arith.muli %add3A, %mul3A_87 : i32
    %add3A_89 = arith.constant 384 : i32
    %add3A_90 = arith.addi %mul3A_88, %add3A_89 : i32
    %dma_start3A_91 = arith.constant 0 : i32
    %dma_start3A_92 = tpu.memref_slice %arg4[%add3A_90, %dma_start3A_91] : memref<16384x256xf32, #tpu.memory_space<hbm>> -> memref<128x256xf32, #tpu.memory_space<hbm>>
    %dma_start3A_93 = arith.constant 0 : i32
    %dma_start3A_94 = tpu.memref_slice %arg4[%add3A_90, %dma_start3A_93] : memref<16384x256xf32, #tpu.memory_space<hbm>> -> memref<128x256xf32, #tpu.memory_space<hbm>>
    tpu.enqueue_dma source(%arg7 : memref<128x256xf32, #tpu.memory_space<vmem>>) target(%dma_start3A_94 : memref<128x256xf32, #tpu.memory_space<hbm>>) target_semaphore(%arg11 : memref<!tpu.dma_semaphore, #tpu.memory_space<semaphore_mem>>)
    %dma_wait3A_95 = arith.constant 0 : i32
    %dma_wait3A_96 = tpu.memref_slice %arg4[%add3A_64, %dma_wait3A_95] : memref<16384x256xf32, #tpu.memory_space<hbm>> -> memref<128x256xf32, #tpu.memory_space<hbm>>
    %dma_wait3A_97 = arith.constant 0 : i32
    %dma_wait3A_98 = tpu.memref_slice %arg4[%add3A_64, %dma_wait3A_97] : memref<16384x256xf32, #tpu.memory_space<hbm>> -> memref<128x256xf32, #tpu.memory_space<hbm>>
    tpu.wait_dma2 semaphore(%arg10 : memref<!tpu.dma_semaphore, #tpu.memory_space<semaphore_mem>>) src(%arg6 : memref<128x256xf32, #tpu.memory_space<vmem>>) dst(%dma_wait3A_98 : memref<128x256xf32, #tpu.memory_space<hbm>>)
    %dma_wait3A_99 = arith.constant 0 : i32
    %dma_wait3A_100 = tpu.memref_slice %arg4[%add3A_90, %dma_wait3A_99] : memref<16384x256xf32, #tpu.memory_space<hbm>> -> memref<128x256xf32, #tpu.memory_space<hbm>>
    %dma_wait3A_101 = arith.constant 0 : i32
    %dma_wait3A_102 = tpu.memref_slice %arg4[%add3A_90, %dma_wait3A_101] : memref<16384x256xf32, #tpu.memory_space<hbm>> -> memref<128x256xf32, #tpu.memory_space<hbm>>
    tpu.wait_dma2 semaphore(%arg11 : memref<!tpu.dma_semaphore, #tpu.memory_space<semaphore_mem>>) src(%arg7 : memref<128x256xf32, #tpu.memory_space<vmem>>) dst(%dma_wait3A_102 : memref<128x256xf32, #tpu.memory_space<hbm>>)
    return
  }
}

#map = affine_map<(d0, d1) -> (0, 0, 0)>
#map1 = affine_map<(d0, d1) -> (0, 0)>
module attributes {stable_mosaic.version = 14 : i64} {
  func.func @gather_kernel(%arg0: i32, %arg1: i32, %arg2: memref<32x4x128xi32, #tpu.memory_space<hbm>>, %arg3: memref<4096x256xf32, #tpu.memory_space<hbm>>, %arg4: memref<16384x256xf32, #tpu.memory_space<hbm>>, %arg5: memref<4x128xi32, #tpu.memory_space<vmem>>, %arg6: memref<128x256xf32, #tpu.memory_space<vmem>>, %arg7: memref<128x256xf32, #tpu.memory_space<vmem>>, %arg8: memref<!tpu.dma_semaphore, #tpu.memory_space<semaphore_mem>>, %arg9: memref<!tpu.dma_semaphore, #tpu.memory_space<semaphore_mem>>, %arg10: memref<!tpu.dma_semaphore, #tpu.memory_space<semaphore_mem>>, %arg11: memref<!tpu.dma_semaphore, #tpu.memory_space<semaphore_mem>>) attributes {dimension_semantics = [#tpu.dimension_semantics<core_parallel>, #tpu.dimension_semantics<subcore_parallel>], iteration_bounds = array<i64: 2, 16>, scalar_prefetch = 0 : i64, scratch_operands = 7 : i64, tpu.core_type = #tpu.core_type<sc_vector_subcore>, window_params = [{transform_indices = #map}, {transform_indices = #map1}, {transform_indices = #map1}]} {
    %mul3A = arith.constant 2 : i32
    %mul3A_0 = arith.muli %arg1, %mul3A : i32
    %add3A = arith.addi %mul3A_0, %arg0 : i32
    "tpu.region"() ({
      %run_scoped3A = tpu.sem_alloc : memref<!tpu.dma_semaphore, #tpu.memory_space<semaphore_mem>>
      %dma_start3A_103 = arith.constant 0 : i32
      %dma_start3A_104 = arith.constant 0 : i32
      %dma_start3A_105 = tpu.memref_slice %arg2[%add3A, %dma_start3A_103, %dma_start3A_104] : memref<32x4x128xi32, #tpu.memory_space<hbm>> -> memref<1x4x128xi32, #tpu.memory_space<hbm>>
      %dma_start3A_106 = tpu.memref_squeeze %dma_start3A_105 : memref<1x4x128xi32, #tpu.memory_space<hbm>> -> memref<4x128xi32, #tpu.memory_space<hbm>>
      %dma_start3A_107 = arith.constant 0 : i32
      %dma_start3A_108 = arith.constant 0 : i32
      %dma_start3A_109 = tpu.memref_slice %arg2[%add3A, %dma_start3A_107, %dma_start3A_108] : memref<32x4x128xi32, #tpu.memory_space<hbm>> -> memref<1x4x128xi32, #tpu.memory_space<hbm>>
      %dma_start3A_110 = tpu.memref_squeeze %dma_start3A_109 : memref<1x4x128xi32, #tpu.memory_space<hbm>> -> memref<4x128xi32, #tpu.memory_space<hbm>>
      tpu.enqueue_dma source(%dma_start3A_110 : memref<4x128xi32, #tpu.memory_space<hbm>>) target(%arg5 : memref<4x128xi32, #tpu.memory_space<vmem>>) target_semaphore(%run_scoped3A : memref<!tpu.dma_semaphore, #tpu.memory_space<semaphore_mem>>)
      %dma_wait3A_111 = arith.constant 0 : i32
      %dma_wait3A_112 = arith.constant 0 : i32
      %dma_wait3A_113 = tpu.memref_slice %arg2[%add3A, %dma_wait3A_111, %dma_wait3A_112] : memref<32x4x128xi32, #tpu.memory_space<hbm>> -> memref<1x4x128xi32, #tpu.memory_space<hbm>>
      %dma_wait3A_114 = tpu.memref_squeeze %dma_wait3A_113 : memref<1x4x128xi32, #tpu.memory_space<hbm>> -> memref<4x128xi32, #tpu.memory_space<hbm>>
      %dma_wait3A_115 = arith.constant 0 : i32
      %dma_wait3A_116 = arith.constant 0 : i32
      %dma_wait3A_117 = tpu.memref_slice %arg2[%add3A, %dma_wait3A_115, %dma_wait3A_116] : memref<32x4x128xi32, #tpu.memory_space<hbm>> -> memref<1x4x128xi32, #tpu.memory_space<hbm>>
      %dma_wait3A_118 = tpu.memref_squeeze %dma_wait3A_117 : memref<1x4x128xi32, #tpu.memory_space<hbm>> -> memref<4x128xi32, #tpu.memory_space<hbm>>
      tpu.wait_dma2 semaphore(%run_scoped3A : memref<!tpu.dma_semaphore, #tpu.memory_space<semaphore_mem>>) src(%dma_wait3A_118 : memref<4x128xi32, #tpu.memory_space<hbm>>) dst(%arg5 : memref<4x128xi32, #tpu.memory_space<vmem>>)
      tpu.yield
    }) : () -> ()
    %dma_start3A = arith.constant 0 : i32
    %dma_start3A_1 = arith.constant 0 : i32
    %dma_start3A_2 = tpu.memref_slice %arg5[%dma_start3A, %dma_start3A_1] : memref<4x128xi32, #tpu.memory_space<vmem>> -> memref<1x128xi32, #tpu.memory_space<vmem>>
    %dma_start3A_3 = tpu.memref_squeeze %dma_start3A_2 : memref<1x128xi32, #tpu.memory_space<vmem>> -> memref<128xi32, #tpu.memory_space<vmem>>
    %dma_start3A_4 = arith.constant 0 : i32
    %dma_start3A_5 = arith.constant 0 : i32
    %dma_start3A_6 = tpu.memref_slice %arg3[%dma_start3A_4, %dma_start3A_5] : memref<4096x256xf32, #tpu.memory_space<hbm>> -> memref<4096x256xf32, #tpu.memory_space<hbm>>
    tpu.enqueue_indirect_dma source(%dma_start3A_6 : memref<4096x256xf32, #tpu.memory_space<hbm>>) target(%arg6 : memref<128x256xf32, #tpu.memory_space<vmem>>) offsets(%dma_start3A_3 : memref<128xi32, #tpu.memory_space<vmem>>) semaphore(%arg8 : memref<!tpu.dma_semaphore, #tpu.memory_space<semaphore_mem>>)
    %dma_wait3A = arith.constant 0 : i32
    %dma_wait3A_7 = arith.constant 0 : i32
    %dma_wait3A_8 = tpu.memref_slice %arg5[%dma_wait3A, %dma_wait3A_7] : memref<4x128xi32, #tpu.memory_space<vmem>> -> memref<1x128xi32, #tpu.memory_space<vmem>>
    %dma_wait3A_9 = tpu.memref_squeeze %dma_wait3A_8 : memref<1x128xi32, #tpu.memory_space<vmem>> -> memref<128xi32, #tpu.memory_space<vmem>>
    %dma_wait3A_10 = arith.constant 0 : i32
    %dma_wait3A_11 = arith.constant 0 : i32
    %dma_wait3A_12 = tpu.memref_slice %arg3[%dma_wait3A_10, %dma_wait3A_11] : memref<4096x256xf32, #tpu.memory_space<hbm>> -> memref<4096x256xf32, #tpu.memory_space<hbm>>
    tpu.wait_indirect_dma semaphore(%arg8 : memref<!tpu.dma_semaphore, #tpu.memory_space<semaphore_mem>>) src(%dma_wait3A_12 : memref<4096x256xf32, #tpu.memory_space<hbm>>) dst(%arg6 : memref<128x256xf32, #tpu.memory_space<vmem>>)
    %mul3A_13 = arith.constant 512 : i32
    %mul3A_14 = arith.muli %add3A, %mul3A_13 : i32
    %add3A_15 = arith.constant 0 : i32
    %add3A_16 = arith.addi %mul3A_14, %add3A_15 : i32
    %dma_start3A_17 = arith.constant 0 : i32
    %dma_start3A_18 = tpu.memref_slice %arg4[%add3A_16, %dma_start3A_17] : memref<16384x256xf32, #tpu.memory_space<hbm>> -> memref<128x256xf32, #tpu.memory_space<hbm>>
    %dma_start3A_19 = arith.constant 0 : i32
    %dma_start3A_20 = tpu.memref_slice %arg4[%add3A_16, %dma_start3A_19] : memref<16384x256xf32, #tpu.memory_space<hbm>> -> memref<128x256xf32, #tpu.memory_space<hbm>>
    tpu.enqueue_dma source(%arg6 : memref<128x256xf32, #tpu.memory_space<vmem>>) target(%dma_start3A_20 : memref<128x256xf32, #tpu.memory_space<hbm>>) target_semaphore(%arg10 : memref<!tpu.dma_semaphore, #tpu.memory_space<semaphore_mem>>)
    %dma_start3A_21 = arith.constant 1 : i32
    %dma_start3A_22 = arith.constant 0 : i32
    %dma_start3A_23 = tpu.memref_slice %arg5[%dma_start3A_21, %dma_start3A_22] : memref<4x128xi32, #tpu.memory_space<vmem>> -> memref<1x128xi32, #tpu.memory_space<vmem>>
    %dma_start3A_24 = tpu.memref_squeeze %dma_start3A_23 : memref<1x128xi32, #tpu.memory_space<vmem>> -> memref<128xi32, #tpu.memory_space<vmem>>
    %dma_start3A_25 = arith.constant 0 : i32
    %dma_start3A_26 = arith.constant 0 : i32
    %dma_start3A_27 = tpu.memref_slice %arg3[%dma_start3A_25, %dma_start3A_26] : memref<4096x256xf32, #tpu.memory_space<hbm>> -> memref<4096x256xf32, #tpu.memory_space<hbm>>
    tpu.enqueue_indirect_dma source(%dma_start3A_27 : memref<4096x256xf32, #tpu.memory_space<hbm>>) target(%arg7 : memref<128x256xf32, #tpu.memory_space<vmem>>) offsets(%dma_start3A_24 : memref<128xi32, #tpu.memory_space<vmem>>) semaphore(%arg9 : memref<!tpu.dma_semaphore, #tpu.memory_space<semaphore_mem>>)
    %dma_wait3A_28 = arith.constant 1 : i32
    %dma_wait3A_29 = arith.constant 0 : i32
    %dma_wait3A_30 = tpu.memref_slice %arg5[%dma_wait3A_28, %dma_wait3A_29] : memref<4x128xi32, #tpu.memory_space<vmem>> -> memref<1x128xi32, #tpu.memory_space<vmem>>
    %dma_wait3A_31 = tpu.memref_squeeze %dma_wait3A_30 : memref<1x128xi32, #tpu.memory_space<vmem>> -> memref<128xi32, #tpu.memory_space<vmem>>
    %dma_wait3A_32 = arith.constant 0 : i32
    %dma_wait3A_33 = arith.constant 0 : i32
    %dma_wait3A_34 = tpu.memref_slice %arg3[%dma_wait3A_32, %dma_wait3A_33] : memref<4096x256xf32, #tpu.memory_space<hbm>> -> memref<4096x256xf32, #tpu.memory_space<hbm>>
    tpu.wait_indirect_dma semaphore(%arg9 : memref<!tpu.dma_semaphore, #tpu.memory_space<semaphore_mem>>) src(%dma_wait3A_34 : memref<4096x256xf32, #tpu.memory_space<hbm>>) dst(%arg7 : memref<128x256xf32, #tpu.memory_space<vmem>>)
    %mul3A_35 = arith.constant 512 : i32
    %mul3A_36 = arith.muli %add3A, %mul3A_35 : i32
    %add3A_37 = arith.constant 128 : i32
    %add3A_38 = arith.addi %mul3A_36, %add3A_37 : i32
    %dma_start3A_39 = arith.constant 0 : i32
    %dma_start3A_40 = tpu.memref_slice %arg4[%add3A_38, %dma_start3A_39] : memref<16384x256xf32, #tpu.memory_space<hbm>> -> memref<128x256xf32, #tpu.memory_space<hbm>>
    %dma_start3A_41 = arith.constant 0 : i32
    %dma_start3A_42 = tpu.memref_slice %arg4[%add3A_38, %dma_start3A_41] : memref<16384x256xf32, #tpu.memory_space<hbm>> -> memref<128x256xf32, #tpu.memory_space<hbm>>
    tpu.enqueue_dma source(%arg7 : memref<128x256xf32, #tpu.memory_space<vmem>>) target(%dma_start3A_42 : memref<128x256xf32, #tpu.memory_space<hbm>>) target_semaphore(%arg11 : memref<!tpu.dma_semaphore, #tpu.memory_space<semaphore_mem>>)
    %dma_wait3A_43 = arith.constant 0 : i32
    %dma_wait3A_44 = tpu.memref_slice %arg4[%add3A_16, %dma_wait3A_43] : memref<16384x256xf32, #tpu.memory_space<hbm>> -> memref<128x256xf32, #tpu.memory_space<hbm>>
    %dma_wait3A_45 = arith.constant 0 : i32
    %dma_wait3A_46 = tpu.memref_slice %arg4[%add3A_16, %dma_wait3A_45] : memref<16384x256xf32, #tpu.memory_space<hbm>> -> memref<128x256xf32, #tpu.memory_space<hbm>>
    tpu.wait_dma2 semaphore(%arg10 : memref<!tpu.dma_semaphore, #tpu.memory_space<semaphore_mem>>) src(%arg6 : memref<128x256xf32, #tpu.memory_space<vmem>>) dst(%dma_wait3A_46 : memref<128x256xf32, #tpu.memory_space<hbm>>)
    %dma_start3A_47 = arith.constant 2 : i32
    %dma_start3A_48 = arith.constant 0 : i32
    %dma_start3A_49 = tpu.memref_slice %arg5[%dma_start3A_47, %dma_start3A_48] : memref<4x128xi32, #tpu.memory_space<vmem>> -> memref<1x128xi32, #tpu.memory_space<vmem>>
    %dma_start3A_50 = tpu.memref_squeeze %dma_start3A_49 : memref<1x128xi32, #tpu.memory_space<vmem>> -> memref<128xi32, #tpu.memory_space<vmem>>
    %dma_start3A_51 = arith.constant 0 : i32
    %dma_start3A_52 = arith.constant 0 : i32
    %dma_start3A_53 = tpu.memref_slice %arg3[%dma_start3A_51, %dma_start3A_52] : memref<4096x256xf32, #tpu.memory_space<hbm>> -> memref<4096x256xf32, #tpu.memory_space<hbm>>
    tpu.enqueue_indirect_dma source(%dma_start3A_53 : memref<4096x256xf32, #tpu.memory_space<hbm>>) target(%arg6 : memref<128x256xf32, #tpu.memory_space<vmem>>) offsets(%dma_start3A_50 : memref<128xi32, #tpu.memory_space<vmem>>) semaphore(%arg8 : memref<!tpu.dma_semaphore, #tpu.memory_space<semaphore_mem>>)
    %dma_wait3A_54 = arith.constant 2 : i32
    %dma_wait3A_55 = arith.constant 0 : i32
    %dma_wait3A_56 = tpu.memref_slice %arg5[%dma_wait3A_54, %dma_wait3A_55] : memref<4x128xi32, #tpu.memory_space<vmem>> -> memref<1x128xi32, #tpu.memory_space<vmem>>
    %dma_wait3A_57 = tpu.memref_squeeze %dma_wait3A_56 : memref<1x128xi32, #tpu.memory_space<vmem>> -> memref<128xi32, #tpu.memory_space<vmem>>
    %dma_wait3A_58 = arith.constant 0 : i32
    %dma_wait3A_59 = arith.constant 0 : i32
    %dma_wait3A_60 = tpu.memref_slice %arg3[%dma_wait3A_58, %dma_wait3A_59] : memref<4096x256xf32, #tpu.memory_space<hbm>> -> memref<4096x256xf32, #tpu.memory_space<hbm>>
    tpu.wait_indirect_dma semaphore(%arg8 : memref<!tpu.dma_semaphore, #tpu.memory_space<semaphore_mem>>) src(%dma_wait3A_60 : memref<4096x256xf32, #tpu.memory_space<hbm>>) dst(%arg6 : memref<128x256xf32, #tpu.memory_space<vmem>>)
    %mul3A_61 = arith.constant 512 : i32
    %mul3A_62 = arith.muli %add3A, %mul3A_61 : i32
    %add3A_63 = arith.constant 256 : i32
    %add3A_64 = arith.addi %mul3A_62, %add3A_63 : i32
    %dma_start3A_65 = arith.constant 0 : i32
    %dma_start3A_66 = tpu.memref_slice %arg4[%add3A_64, %dma_start3A_65] : memref<16384x256xf32, #tpu.memory_space<hbm>> -> memref<128x256xf32, #tpu.memory_space<hbm>>
    %dma_start3A_67 = arith.constant 0 : i32
    %dma_start3A_68 = tpu.memref_slice %arg4[%add3A_64, %dma_start3A_67] : memref<16384x256xf32, #tpu.memory_space<hbm>> -> memref<128x256xf32, #tpu.memory_space<hbm>>
    tpu.enqueue_dma source(%arg6 : memref<128x256xf32, #tpu.memory_space<vmem>>) target(%dma_start3A_68 : memref<128x256xf32, #tpu.memory_space<hbm>>) target_semaphore(%arg10 : memref<!tpu.dma_semaphore, #tpu.memory_space<semaphore_mem>>)
    %dma_wait3A_69 = arith.constant 0 : i32
    %dma_wait3A_70 = tpu.memref_slice %arg4[%add3A_38, %dma_wait3A_69] : memref<16384x256xf32, #tpu.memory_space<hbm>> -> memref<128x256xf32, #tpu.memory_space<hbm>>
    %dma_wait3A_71 = arith.constant 0 : i32
    %dma_wait3A_72 = tpu.memref_slice %arg4[%add3A_38, %dma_wait3A_71] : memref<16384x256xf32, #tpu.memory_space<hbm>> -> memref<128x256xf32, #tpu.memory_space<hbm>>
    tpu.wait_dma2 semaphore(%arg11 : memref<!tpu.dma_semaphore, #tpu.memory_space<semaphore_mem>>) src(%arg7 : memref<128x256xf32, #tpu.memory_space<vmem>>) dst(%dma_wait3A_72 : memref<128x256xf32, #tpu.memory_space<hbm>>)
    %dma_start3A_73 = arith.constant 3 : i32
    %dma_start3A_74 = arith.constant 0 : i32
    %dma_start3A_75 = tpu.memref_slice %arg5[%dma_start3A_73, %dma_start3A_74] : memref<4x128xi32, #tpu.memory_space<vmem>> -> memref<1x128xi32, #tpu.memory_space<vmem>>
    %dma_start3A_76 = tpu.memref_squeeze %dma_start3A_75 : memref<1x128xi32, #tpu.memory_space<vmem>> -> memref<128xi32, #tpu.memory_space<vmem>>
    %dma_start3A_77 = arith.constant 0 : i32
    %dma_start3A_78 = arith.constant 0 : i32
    %dma_start3A_79 = tpu.memref_slice %arg3[%dma_start3A_77, %dma_start3A_78] : memref<4096x256xf32, #tpu.memory_space<hbm>> -> memref<4096x256xf32, #tpu.memory_space<hbm>>
    tpu.enqueue_indirect_dma source(%dma_start3A_79 : memref<4096x256xf32, #tpu.memory_space<hbm>>) target(%arg7 : memref<128x256xf32, #tpu.memory_space<vmem>>) offsets(%dma_start3A_76 : memref<128xi32, #tpu.memory_space<vmem>>) semaphore(%arg9 : memref<!tpu.dma_semaphore, #tpu.memory_space<semaphore_mem>>)
    %dma_wait3A_80 = arith.constant 3 : i32
    %dma_wait3A_81 = arith.constant 0 : i32
    %dma_wait3A_82 = tpu.memref_slice %arg5[%dma_wait3A_80, %dma_wait3A_81] : memref<4x128xi32, #tpu.memory_space<vmem>> -> memref<1x128xi32, #tpu.memory_space<vmem>>
    %dma_wait3A_83 = tpu.memref_squeeze %dma_wait3A_82 : memref<1x128xi32, #tpu.memory_space<vmem>> -> memref<128xi32, #tpu.memory_space<vmem>>
    %dma_wait3A_84 = arith.constant 0 : i32
    %dma_wait3A_85 = arith.constant 0 : i32
    %dma_wait3A_86 = tpu.memref_slice %arg3[%dma_wait3A_84, %dma_wait3A_85] : memref<4096x256xf32, #tpu.memory_space<hbm>> -> memref<4096x256xf32, #tpu.memory_space<hbm>>
    tpu.wait_indirect_dma semaphore(%arg9 : memref<!tpu.dma_semaphore, #tpu.memory_space<semaphore_mem>>) src(%dma_wait3A_86 : memref<4096x256xf32, #tpu.memory_space<hbm>>) dst(%arg7 : memref<128x256xf32, #tpu.memory_space<vmem>>)
    %mul3A_87 = arith.constant 512 : i32
    %mul3A_88 = arith.muli %add3A, %mul3A_87 : i32
    %add3A_89 = arith.constant 384 : i32
    %add3A_90 = arith.addi %mul3A_88, %add3A_89 : i32
    %dma_start3A_91 = arith.constant 0 : i32
    %dma_start3A_92 = tpu.memref_slice %arg4[%add3A_90, %dma_start3A_91] : memref<16384x256xf32, #tpu.memory_space<hbm>> -> memref<128x256xf32, #tpu.memory_space<hbm>>
    %dma_start3A_93 = arith.constant 0 : i32
    %dma_start3A_94 = tpu.memref_slice %arg4[%add3A_90, %dma_start3A_93] : memref<16384x256xf32, #tpu.memory_space<hbm>> -> memref<128x256xf32, #tpu.memory_space<hbm>>
    tpu.enqueue_dma source(%arg7 : memref<128x256xf32, #tpu.memory_space<vmem>>) target(%dma_start3A_94 : memref<128x256xf32, #tpu.memory_space<hbm>>) target_semaphore(%arg11 : memref<!tpu.dma_semaphore, #tpu.memory_space<semaphore_mem>>)
    %dma_wait3A_95 = arith.constant 0 : i32
    %dma_wait3A_96 = tpu.memref_slice %arg4[%add3A_64, %dma_wait3A_95] : memref<16384x256xf32, #tpu.memory_space<hbm>> -> memref<128x256xf32, #tpu.memory_space<hbm>>
    %dma_wait3A_97 = arith.constant 0 : i32
    %dma_wait3A_98 = tpu.memref_slice %arg4[%add3A_64, %dma_wait3A_97] : memref<16384x256xf32, #tpu.memory_space<hbm>> -> memref<128x256xf32, #tpu.memory_space<hbm>>
    tpu.wait_dma2 semaphore(%arg10 : memref<!tpu.dma_semaphore, #tpu.memory_space<semaphore_mem>>) src(%arg6 : memref<128x256xf32, #tpu.memory_space<vmem>>) dst(%dma_wait3A_98 : memref<128x256xf32, #tpu.memory_space<hbm>>)
    %dma_wait3A_99 = arith.constant 0 : i32
    %dma_wait3A_100 = tpu.memref_slice %arg4[%add3A_90, %dma_wait3A_99] : memref<16384x256xf32, #tpu.memory_space<hbm>> -> memref<128x256xf32, #tpu.memory_space<hbm>>
    %dma_wait3A_101 = arith.constant 0 : i32
    %dma_wait3A_102 = tpu.memref_slice %arg4[%add3A_90, %dma_wait3A_101] : memref<16384x256xf32, #tpu.memory_space<hbm>> -> memref<128x256xf32, #tpu.memory_space<hbm>>
    tpu.wait_dma2 semaphore(%arg11 : memref<!tpu.dma_semaphore, #tpu.memory_space<semaphore_mem>>) src(%arg7 : memref<128x256xf32, #tpu.memory_space<vmem>>) dst(%dma_wait3A_102 : memref<128x256xf32, #tpu.memory_space<hbm>>)
    return
  }
}

#map = affine_map<(d0, d1) -> (0, 0, 0)>
#map1 = affine_map<(d0, d1) -> (0, 0)>
module attributes {stable_mosaic.version = 14 : i64} {
  func.func @gather_kernel(%arg0: i32, %arg1: i32, %arg2: memref<32x5x128xi32, #tpu.memory_space<hbm>>, %arg3: memref<4096x256xf32, #tpu.memory_space<hbm>>, %arg4: memref<20480x256xf32, #tpu.memory_space<hbm>>, %arg5: memref<5x128xi32, #tpu.memory_space<vmem>>, %arg6: memref<128x256xf32, #tpu.memory_space<vmem>>, %arg7: memref<128x256xf32, #tpu.memory_space<vmem>>, %arg8: memref<!tpu.dma_semaphore, #tpu.memory_space<semaphore_mem>>, %arg9: memref<!tpu.dma_semaphore, #tpu.memory_space<semaphore_mem>>, %arg10: memref<!tpu.dma_semaphore, #tpu.memory_space<semaphore_mem>>, %arg11: memref<!tpu.dma_semaphore, #tpu.memory_space<semaphore_mem>>) attributes {dimension_semantics = [#tpu.dimension_semantics<core_parallel>, #tpu.dimension_semantics<subcore_parallel>], iteration_bounds = array<i64: 2, 16>, scalar_prefetch = 0 : i64, scratch_operands = 7 : i64, tpu.core_type = #tpu.core_type<sc_vector_subcore>, window_params = [{transform_indices = #map}, {transform_indices = #map1}, {transform_indices = #map1}]} {
    %mul3A = arith.constant 2 : i32
    %mul3A_0 = arith.muli %arg1, %mul3A : i32
    %add3A = arith.addi %mul3A_0, %arg0 : i32
    "tpu.region"() ({
      %run_scoped3A = tpu.sem_alloc : memref<!tpu.dma_semaphore, #tpu.memory_space<semaphore_mem>>
      %dma_start3A_129 = arith.constant 0 : i32
      %dma_start3A_130 = arith.constant 0 : i32
      %dma_start3A_131 = tpu.memref_slice %arg2[%add3A, %dma_start3A_129, %dma_start3A_130] : memref<32x5x128xi32, #tpu.memory_space<hbm>> -> memref<1x5x128xi32, #tpu.memory_space<hbm>>
      %dma_start3A_132 = tpu.memref_squeeze %dma_start3A_131 : memref<1x5x128xi32, #tpu.memory_space<hbm>> -> memref<5x128xi32, #tpu.memory_space<hbm>>
      %dma_start3A_133 = arith.constant 0 : i32
      %dma_start3A_134 = arith.constant 0 : i32
      %dma_start3A_135 = tpu.memref_slice %arg2[%add3A, %dma_start3A_133, %dma_start3A_134] : memref<32x5x128xi32, #tpu.memory_space<hbm>> -> memref<1x5x128xi32, #tpu.memory_space<hbm>>
      %dma_start3A_136 = tpu.memref_squeeze %dma_start3A_135 : memref<1x5x128xi32, #tpu.memory_space<hbm>> -> memref<5x128xi32, #tpu.memory_space<hbm>>
      tpu.enqueue_dma source(%dma_start3A_136 : memref<5x128xi32, #tpu.memory_space<hbm>>) target(%arg5 : memref<5x128xi32, #tpu.memory_space<vmem>>) target_semaphore(%run_scoped3A : memref<!tpu.dma_semaphore, #tpu.memory_space<semaphore_mem>>)
      %dma_wait3A_137 = arith.constant 0 : i32
      %dma_wait3A_138 = arith.constant 0 : i32
      %dma_wait3A_139 = tpu.memref_slice %arg2[%add3A, %dma_wait3A_137, %dma_wait3A_138] : memref<32x5x128xi32, #tpu.memory_space<hbm>> -> memref<1x5x128xi32, #tpu.memory_space<hbm>>
      %dma_wait3A_140 = tpu.memref_squeeze %dma_wait3A_139 : memref<1x5x128xi32, #tpu.memory_space<hbm>> -> memref<5x128xi32, #tpu.memory_space<hbm>>
      %dma_wait3A_141 = arith.constant 0 : i32
      %dma_wait3A_142 = arith.constant 0 : i32
      %dma_wait3A_143 = tpu.memref_slice %arg2[%add3A, %dma_wait3A_141, %dma_wait3A_142] : memref<32x5x128xi32, #tpu.memory_space<hbm>> -> memref<1x5x128xi32, #tpu.memory_space<hbm>>
      %dma_wait3A_144 = tpu.memref_squeeze %dma_wait3A_143 : memref<1x5x128xi32, #tpu.memory_space<hbm>> -> memref<5x128xi32, #tpu.memory_space<hbm>>
      tpu.wait_dma2 semaphore(%run_scoped3A : memref<!tpu.dma_semaphore, #tpu.memory_space<semaphore_mem>>) src(%dma_wait3A_144 : memref<5x128xi32, #tpu.memory_space<hbm>>) dst(%arg5 : memref<5x128xi32, #tpu.memory_space<vmem>>)
      tpu.yield
    }) : () -> ()
    %dma_start3A = arith.constant 0 : i32
    %dma_start3A_1 = arith.constant 0 : i32
    %dma_start3A_2 = tpu.memref_slice %arg5[%dma_start3A, %dma_start3A_1] : memref<5x128xi32, #tpu.memory_space<vmem>> -> memref<1x128xi32, #tpu.memory_space<vmem>>
    %dma_start3A_3 = tpu.memref_squeeze %dma_start3A_2 : memref<1x128xi32, #tpu.memory_space<vmem>> -> memref<128xi32, #tpu.memory_space<vmem>>
    %dma_start3A_4 = arith.constant 0 : i32
    %dma_start3A_5 = arith.constant 0 : i32
    %dma_start3A_6 = tpu.memref_slice %arg3[%dma_start3A_4, %dma_start3A_5] : memref<4096x256xf32, #tpu.memory_space<hbm>> -> memref<4096x256xf32, #tpu.memory_space<hbm>>
    tpu.enqueue_indirect_dma source(%dma_start3A_6 : memref<4096x256xf32, #tpu.memory_space<hbm>>) target(%arg6 : memref<128x256xf32, #tpu.memory_space<vmem>>) offsets(%dma_start3A_3 : memref<128xi32, #tpu.memory_space<vmem>>) semaphore(%arg8 : memref<!tpu.dma_semaphore, #tpu.memory_space<semaphore_mem>>)
    %dma_wait3A = arith.constant 0 : i32
    %dma_wait3A_7 = arith.constant 0 : i32
    %dma_wait3A_8 = tpu.memref_slice %arg5[%dma_wait3A, %dma_wait3A_7] : memref<5x128xi32, #tpu.memory_space<vmem>> -> memref<1x128xi32, #tpu.memory_space<vmem>>
    %dma_wait3A_9 = tpu.memref_squeeze %dma_wait3A_8 : memref<1x128xi32, #tpu.memory_space<vmem>> -> memref<128xi32, #tpu.memory_space<vmem>>
    %dma_wait3A_10 = arith.constant 0 : i32
    %dma_wait3A_11 = arith.constant 0 : i32
    %dma_wait3A_12 = tpu.memref_slice %arg3[%dma_wait3A_10, %dma_wait3A_11] : memref<4096x256xf32, #tpu.memory_space<hbm>> -> memref<4096x256xf32, #tpu.memory_space<hbm>>
    tpu.wait_indirect_dma semaphore(%arg8 : memref<!tpu.dma_semaphore, #tpu.memory_space<semaphore_mem>>) src(%dma_wait3A_12 : memref<4096x256xf32, #tpu.memory_space<hbm>>) dst(%arg6 : memref<128x256xf32, #tpu.memory_space<vmem>>)
    %mul3A_13 = arith.constant 640 : i32
    %mul3A_14 = arith.muli %add3A, %mul3A_13 : i32
    %add3A_15 = arith.constant 0 : i32
    %add3A_16 = arith.addi %mul3A_14, %add3A_15 : i32
    %dma_start3A_17 = arith.constant 0 : i32
    %dma_start3A_18 = tpu.memref_slice %arg4[%add3A_16, %dma_start3A_17] : memref<20480x256xf32, #tpu.memory_space<hbm>> -> memref<128x256xf32, #tpu.memory_space<hbm>>
    %dma_start3A_19 = arith.constant 0 : i32
    %dma_start3A_20 = tpu.memref_slice %arg4[%add3A_16, %dma_start3A_19] : memref<20480x256xf32, #tpu.memory_space<hbm>> -> memref<128x256xf32, #tpu.memory_space<hbm>>
    tpu.enqueue_dma source(%arg6 : memref<128x256xf32, #tpu.memory_space<vmem>>) target(%dma_start3A_20 : memref<128x256xf32, #tpu.memory_space<hbm>>) target_semaphore(%arg10 : memref<!tpu.dma_semaphore, #tpu.memory_space<semaphore_mem>>)
    %dma_start3A_21 = arith.constant 1 : i32
    %dma_start3A_22 = arith.constant 0 : i32
    %dma_start3A_23 = tpu.memref_slice %arg5[%dma_start3A_21, %dma_start3A_22] : memref<5x128xi32, #tpu.memory_space<vmem>> -> memref<1x128xi32, #tpu.memory_space<vmem>>
    %dma_start3A_24 = tpu.memref_squeeze %dma_start3A_23 : memref<1x128xi32, #tpu.memory_space<vmem>> -> memref<128xi32, #tpu.memory_space<vmem>>
    %dma_start3A_25 = arith.constant 0 : i32
    %dma_start3A_26 = arith.constant 0 : i32
    %dma_start3A_27 = tpu.memref_slice %arg3[%dma_start3A_25, %dma_start3A_26] : memref<4096x256xf32, #tpu.memory_space<hbm>> -> memref<4096x256xf32, #tpu.memory_space<hbm>>
    tpu.enqueue_indirect_dma source(%dma_start3A_27 : memref<4096x256xf32, #tpu.memory_space<hbm>>) target(%arg7 : memref<128x256xf32, #tpu.memory_space<vmem>>) offsets(%dma_start3A_24 : memref<128xi32, #tpu.memory_space<vmem>>) semaphore(%arg9 : memref<!tpu.dma_semaphore, #tpu.memory_space<semaphore_mem>>)
    %dma_wait3A_28 = arith.constant 1 : i32
    %dma_wait3A_29 = arith.constant 0 : i32
    %dma_wait3A_30 = tpu.memref_slice %arg5[%dma_wait3A_28, %dma_wait3A_29] : memref<5x128xi32, #tpu.memory_space<vmem>> -> memref<1x128xi32, #tpu.memory_space<vmem>>
    %dma_wait3A_31 = tpu.memref_squeeze %dma_wait3A_30 : memref<1x128xi32, #tpu.memory_space<vmem>> -> memref<128xi32, #tpu.memory_space<vmem>>
    %dma_wait3A_32 = arith.constant 0 : i32
    %dma_wait3A_33 = arith.constant 0 : i32
    %dma_wait3A_34 = tpu.memref_slice %arg3[%dma_wait3A_32, %dma_wait3A_33] : memref<4096x256xf32, #tpu.memory_space<hbm>> -> memref<4096x256xf32, #tpu.memory_space<hbm>>
    tpu.wait_indirect_dma semaphore(%arg9 : memref<!tpu.dma_semaphore, #tpu.memory_space<semaphore_mem>>) src(%dma_wait3A_34 : memref<4096x256xf32, #tpu.memory_space<hbm>>) dst(%arg7 : memref<128x256xf32, #tpu.memory_space<vmem>>)
    %mul3A_35 = arith.constant 640 : i32
    %mul3A_36 = arith.muli %add3A, %mul3A_35 : i32
    %add3A_37 = arith.constant 128 : i32
    %add3A_38 = arith.addi %mul3A_36, %add3A_37 : i32
    %dma_start3A_39 = arith.constant 0 : i32
    %dma_start3A_40 = tpu.memref_slice %arg4[%add3A_38, %dma_start3A_39] : memref<20480x256xf32, #tpu.memory_space<hbm>> -> memref<128x256xf32, #tpu.memory_space<hbm>>
    %dma_start3A_41 = arith.constant 0 : i32
    %dma_start3A_42 = tpu.memref_slice %arg4[%add3A_38, %dma_start3A_41] : memref<20480x256xf32, #tpu.memory_space<hbm>> -> memref<128x256xf32, #tpu.memory_space<hbm>>
    tpu.enqueue_dma source(%arg7 : memref<128x256xf32, #tpu.memory_space<vmem>>) target(%dma_start3A_42 : memref<128x256xf32, #tpu.memory_space<hbm>>) target_semaphore(%arg11 : memref<!tpu.dma_semaphore, #tpu.memory_space<semaphore_mem>>)
    %dma_wait3A_43 = arith.constant 0 : i32
    %dma_wait3A_44 = tpu.memref_slice %arg4[%add3A_16, %dma_wait3A_43] : memref<20480x256xf32, #tpu.memory_space<hbm>> -> memref<128x256xf32, #tpu.memory_space<hbm>>
    %dma_wait3A_45 = arith.constant 0 : i32
    %dma_wait3A_46 = tpu.memref_slice %arg4[%add3A_16, %dma_wait3A_45] : memref<20480x256xf32, #tpu.memory_space<hbm>> -> memref<128x256xf32, #tpu.memory_space<hbm>>
    tpu.wait_dma2 semaphore(%arg10 : memref<!tpu.dma_semaphore, #tpu.memory_space<semaphore_mem>>) src(%arg6 : memref<128x256xf32, #tpu.memory_space<vmem>>) dst(%dma_wait3A_46 : memref<128x256xf32, #tpu.memory_space<hbm>>)
    %dma_start3A_47 = arith.constant 2 : i32
    %dma_start3A_48 = arith.constant 0 : i32
    %dma_start3A_49 = tpu.memref_slice %arg5[%dma_start3A_47, %dma_start3A_48] : memref<5x128xi32, #tpu.memory_space<vmem>> -> memref<1x128xi32, #tpu.memory_space<vmem>>
    %dma_start3A_50 = tpu.memref_squeeze %dma_start3A_49 : memref<1x128xi32, #tpu.memory_space<vmem>> -> memref<128xi32, #tpu.memory_space<vmem>>
    %dma_start3A_51 = arith.constant 0 : i32
    %dma_start3A_52 = arith.constant 0 : i32
    %dma_start3A_53 = tpu.memref_slice %arg3[%dma_start3A_51, %dma_start3A_52] : memref<4096x256xf32, #tpu.memory_space<hbm>> -> memref<4096x256xf32, #tpu.memory_space<hbm>>
    tpu.enqueue_indirect_dma source(%dma_start3A_53 : memref<4096x256xf32, #tpu.memory_space<hbm>>) target(%arg6 : memref<128x256xf32, #tpu.memory_space<vmem>>) offsets(%dma_start3A_50 : memref<128xi32, #tpu.memory_space<vmem>>) semaphore(%arg8 : memref<!tpu.dma_semaphore, #tpu.memory_space<semaphore_mem>>)
    %dma_wait3A_54 = arith.constant 2 : i32
    %dma_wait3A_55 = arith.constant 0 : i32
    %dma_wait3A_56 = tpu.memref_slice %arg5[%dma_wait3A_54, %dma_wait3A_55] : memref<5x128xi32, #tpu.memory_space<vmem>> -> memref<1x128xi32, #tpu.memory_space<vmem>>
    %dma_wait3A_57 = tpu.memref_squeeze %dma_wait3A_56 : memref<1x128xi32, #tpu.memory_space<vmem>> -> memref<128xi32, #tpu.memory_space<vmem>>
    %dma_wait3A_58 = arith.constant 0 : i32
    %dma_wait3A_59 = arith.constant 0 : i32
    %dma_wait3A_60 = tpu.memref_slice %arg3[%dma_wait3A_58, %dma_wait3A_59] : memref<4096x256xf32, #tpu.memory_space<hbm>> -> memref<4096x256xf32, #tpu.memory_space<hbm>>
    tpu.wait_indirect_dma semaphore(%arg8 : memref<!tpu.dma_semaphore, #tpu.memory_space<semaphore_mem>>) src(%dma_wait3A_60 : memref<4096x256xf32, #tpu.memory_space<hbm>>) dst(%arg6 : memref<128x256xf32, #tpu.memory_space<vmem>>)
    %mul3A_61 = arith.constant 640 : i32
    %mul3A_62 = arith.muli %add3A, %mul3A_61 : i32
    %add3A_63 = arith.constant 256 : i32
    %add3A_64 = arith.addi %mul3A_62, %add3A_63 : i32
    %dma_start3A_65 = arith.constant 0 : i32
    %dma_start3A_66 = tpu.memref_slice %arg4[%add3A_64, %dma_start3A_65] : memref<20480x256xf32, #tpu.memory_space<hbm>> -> memref<128x256xf32, #tpu.memory_space<hbm>>
    %dma_start3A_67 = arith.constant 0 : i32
    %dma_start3A_68 = tpu.memref_slice %arg4[%add3A_64, %dma_start3A_67] : memref<20480x256xf32, #tpu.memory_space<hbm>> -> memref<128x256xf32, #tpu.memory_space<hbm>>
    tpu.enqueue_dma source(%arg6 : memref<128x256xf32, #tpu.memory_space<vmem>>) target(%dma_start3A_68 : memref<128x256xf32, #tpu.memory_space<hbm>>) target_semaphore(%arg10 : memref<!tpu.dma_semaphore, #tpu.memory_space<semaphore_mem>>)
    %dma_wait3A_69 = arith.constant 0 : i32
    %dma_wait3A_70 = tpu.memref_slice %arg4[%add3A_38, %dma_wait3A_69] : memref<20480x256xf32, #tpu.memory_space<hbm>> -> memref<128x256xf32, #tpu.memory_space<hbm>>
    %dma_wait3A_71 = arith.constant 0 : i32
    %dma_wait3A_72 = tpu.memref_slice %arg4[%add3A_38, %dma_wait3A_71] : memref<20480x256xf32, #tpu.memory_space<hbm>> -> memref<128x256xf32, #tpu.memory_space<hbm>>
    tpu.wait_dma2 semaphore(%arg11 : memref<!tpu.dma_semaphore, #tpu.memory_space<semaphore_mem>>) src(%arg7 : memref<128x256xf32, #tpu.memory_space<vmem>>) dst(%dma_wait3A_72 : memref<128x256xf32, #tpu.memory_space<hbm>>)
    %dma_start3A_73 = arith.constant 3 : i32
    %dma_start3A_74 = arith.constant 0 : i32
    %dma_start3A_75 = tpu.memref_slice %arg5[%dma_start3A_73, %dma_start3A_74] : memref<5x128xi32, #tpu.memory_space<vmem>> -> memref<1x128xi32, #tpu.memory_space<vmem>>
    %dma_start3A_76 = tpu.memref_squeeze %dma_start3A_75 : memref<1x128xi32, #tpu.memory_space<vmem>> -> memref<128xi32, #tpu.memory_space<vmem>>
    %dma_start3A_77 = arith.constant 0 : i32
    %dma_start3A_78 = arith.constant 0 : i32
    %dma_start3A_79 = tpu.memref_slice %arg3[%dma_start3A_77, %dma_start3A_78] : memref<4096x256xf32, #tpu.memory_space<hbm>> -> memref<4096x256xf32, #tpu.memory_space<hbm>>
    tpu.enqueue_indirect_dma source(%dma_start3A_79 : memref<4096x256xf32, #tpu.memory_space<hbm>>) target(%arg7 : memref<128x256xf32, #tpu.memory_space<vmem>>) offsets(%dma_start3A_76 : memref<128xi32, #tpu.memory_space<vmem>>) semaphore(%arg9 : memref<!tpu.dma_semaphore, #tpu.memory_space<semaphore_mem>>)
    %dma_wait3A_80 = arith.constant 3 : i32
    %dma_wait3A_81 = arith.constant 0 : i32
    %dma_wait3A_82 = tpu.memref_slice %arg5[%dma_wait3A_80, %dma_wait3A_81] : memref<5x128xi32, #tpu.memory_space<vmem>> -> memref<1x128xi32, #tpu.memory_space<vmem>>
    %dma_wait3A_83 = tpu.memref_squeeze %dma_wait3A_82 : memref<1x128xi32, #tpu.memory_space<vmem>> -> memref<128xi32, #tpu.memory_space<vmem>>
    %dma_wait3A_84 = arith.constant 0 : i32
    %dma_wait3A_85 = arith.constant 0 : i32
    %dma_wait3A_86 = tpu.memref_slice %arg3[%dma_wait3A_84, %dma_wait3A_85] : memref<4096x256xf32, #tpu.memory_space<hbm>> -> memref<4096x256xf32, #tpu.memory_space<hbm>>
    tpu.wait_indirect_dma semaphore(%arg9 : memref<!tpu.dma_semaphore, #tpu.memory_space<semaphore_mem>>) src(%dma_wait3A_86 : memref<4096x256xf32, #tpu.memory_space<hbm>>) dst(%arg7 : memref<128x256xf32, #tpu.memory_space<vmem>>)
    %mul3A_87 = arith.constant 640 : i32
    %mul3A_88 = arith.muli %add3A, %mul3A_87 : i32
    %add3A_89 = arith.constant 384 : i32
    %add3A_90 = arith.addi %mul3A_88, %add3A_89 : i32
    %dma_start3A_91 = arith.constant 0 : i32
    %dma_start3A_92 = tpu.memref_slice %arg4[%add3A_90, %dma_start3A_91] : memref<20480x256xf32, #tpu.memory_space<hbm>> -> memref<128x256xf32, #tpu.memory_space<hbm>>
    %dma_start3A_93 = arith.constant 0 : i32
    %dma_start3A_94 = tpu.memref_slice %arg4[%add3A_90, %dma_start3A_93] : memref<20480x256xf32, #tpu.memory_space<hbm>> -> memref<128x256xf32, #tpu.memory_space<hbm>>
    tpu.enqueue_dma source(%arg7 : memref<128x256xf32, #tpu.memory_space<vmem>>) target(%dma_start3A_94 : memref<128x256xf32, #tpu.memory_space<hbm>>) target_semaphore(%arg11 : memref<!tpu.dma_semaphore, #tpu.memory_space<semaphore_mem>>)
    %dma_wait3A_95 = arith.constant 0 : i32
    %dma_wait3A_96 = tpu.memref_slice %arg4[%add3A_64, %dma_wait3A_95] : memref<20480x256xf32, #tpu.memory_space<hbm>> -> memref<128x256xf32, #tpu.memory_space<hbm>>
    %dma_wait3A_97 = arith.constant 0 : i32
    %dma_wait3A_98 = tpu.memref_slice %arg4[%add3A_64, %dma_wait3A_97] : memref<20480x256xf32, #tpu.memory_space<hbm>> -> memref<128x256xf32, #tpu.memory_space<hbm>>
    tpu.wait_dma2 semaphore(%arg10 : memref<!tpu.dma_semaphore, #tpu.memory_space<semaphore_mem>>) src(%arg6 : memref<128x256xf32, #tpu.memory_space<vmem>>) dst(%dma_wait3A_98 : memref<128x256xf32, #tpu.memory_space<hbm>>)
    %dma_start3A_99 = arith.constant 4 : i32
    %dma_start3A_100 = arith.constant 0 : i32
    %dma_start3A_101 = tpu.memref_slice %arg5[%dma_start3A_99, %dma_start3A_100] : memref<5x128xi32, #tpu.memory_space<vmem>> -> memref<1x128xi32, #tpu.memory_space<vmem>>
    %dma_start3A_102 = tpu.memref_squeeze %dma_start3A_101 : memref<1x128xi32, #tpu.memory_space<vmem>> -> memref<128xi32, #tpu.memory_space<vmem>>
    %dma_start3A_103 = arith.constant 0 : i32
    %dma_start3A_104 = arith.constant 0 : i32
    %dma_start3A_105 = tpu.memref_slice %arg3[%dma_start3A_103, %dma_start3A_104] : memref<4096x256xf32, #tpu.memory_space<hbm>> -> memref<4096x256xf32, #tpu.memory_space<hbm>>
    tpu.enqueue_indirect_dma source(%dma_start3A_105 : memref<4096x256xf32, #tpu.memory_space<hbm>>) target(%arg6 : memref<128x256xf32, #tpu.memory_space<vmem>>) offsets(%dma_start3A_102 : memref<128xi32, #tpu.memory_space<vmem>>) semaphore(%arg8 : memref<!tpu.dma_semaphore, #tpu.memory_space<semaphore_mem>>)
    %dma_wait3A_106 = arith.constant 4 : i32
    %dma_wait3A_107 = arith.constant 0 : i32
    %dma_wait3A_108 = tpu.memref_slice %arg5[%dma_wait3A_106, %dma_wait3A_107] : memref<5x128xi32, #tpu.memory_space<vmem>> -> memref<1x128xi32, #tpu.memory_space<vmem>>
    %dma_wait3A_109 = tpu.memref_squeeze %dma_wait3A_108 : memref<1x128xi32, #tpu.memory_space<vmem>> -> memref<128xi32, #tpu.memory_space<vmem>>
    %dma_wait3A_110 = arith.constant 0 : i32
    %dma_wait3A_111 = arith.constant 0 : i32
    %dma_wait3A_112 = tpu.memref_slice %arg3[%dma_wait3A_110, %dma_wait3A_111] : memref<4096x256xf32, #tpu.memory_space<hbm>> -> memref<4096x256xf32, #tpu.memory_space<hbm>>
    tpu.wait_indirect_dma semaphore(%arg8 : memref<!tpu.dma_semaphore, #tpu.memory_space<semaphore_mem>>) src(%dma_wait3A_112 : memref<4096x256xf32, #tpu.memory_space<hbm>>) dst(%arg6 : memref<128x256xf32, #tpu.memory_space<vmem>>)
    %mul3A_113 = arith.constant 640 : i32
    %mul3A_114 = arith.muli %add3A, %mul3A_113 : i32
    %add3A_115 = arith.constant 512 : i32
    %add3A_116 = arith.addi %mul3A_114, %add3A_115 : i32
    %dma_start3A_117 = arith.constant 0 : i32
    %dma_start3A_118 = tpu.memref_slice %arg4[%add3A_116, %dma_start3A_117] : memref<20480x256xf32, #tpu.memory_space<hbm>> -> memref<128x256xf32, #tpu.memory_space<hbm>>
    %dma_start3A_119 = arith.constant 0 : i32
    %dma_start3A_120 = tpu.memref_slice %arg4[%add3A_116, %dma_start3A_119] : memref<20480x256xf32, #tpu.memory_space<hbm>> -> memref<128x256xf32, #tpu.memory_space<hbm>>
    tpu.enqueue_dma source(%arg6 : memref<128x256xf32, #tpu.memory_space<vmem>>) target(%dma_start3A_120 : memref<128x256xf32, #tpu.memory_space<hbm>>) target_semaphore(%arg10 : memref<!tpu.dma_semaphore, #tpu.memory_space<semaphore_mem>>)
    %dma_wait3A_121 = arith.constant 0 : i32
    %dma_wait3A_122 = tpu.memref_slice %arg4[%add3A_116, %dma_wait3A_121] : memref<20480x256xf32, #tpu.memory_space<hbm>> -> memref<128x256xf32, #tpu.memory_space<hbm>>
    %dma_wait3A_123 = arith.constant 0 : i32
    %dma_wait3A_124 = tpu.memref_slice %arg4[%add3A_116, %dma_wait3A_123] : memref<20480x256xf32, #tpu.memory_space<hbm>> -> memref<128x256xf32, #tpu.memory_space<hbm>>
    tpu.wait_dma2 semaphore(%arg10 : memref<!tpu.dma_semaphore, #tpu.memory_space<semaphore_mem>>) src(%arg6 : memref<128x256xf32, #tpu.memory_space<vmem>>) dst(%dma_wait3A_124 : memref<128x256xf32, #tpu.memory_space<hbm>>)
    %dma_wait3A_125 = arith.constant 0 : i32
    %dma_wait3A_126 = tpu.memref_slice %arg4[%add3A_90, %dma_wait3A_125] : memref<20480x256xf32, #tpu.memory_space<hbm>> -> memref<128x256xf32, #tpu.memory_space<hbm>>
    %dma_wait3A_127 = arith.constant 0 : i32
    %dma_wait3A_128 = tpu.memref_slice %arg4[%add3A_90, %dma_wait3A_127] : memref<20480x256xf32, #tpu.memory_space<hbm>> -> memref<128x256xf32, #tpu.memory_space<hbm>>
    tpu.wait_dma2 semaphore(%arg11 : memref<!tpu.dma_semaphore, #tpu.memory_space<semaphore_mem>>) src(%arg7 : memref<128x256xf32, #tpu.memory_space<vmem>>) dst(%dma_wait3A_128 : memref<128x256xf32, #tpu.memory_space<hbm>>)
    return
  }
}

#map = affine_map<(d0, d1) -> (0, 0, 0)>
#map1 = affine_map<(d0, d1) -> (0, 0)>
module attributes {stable_mosaic.version = 14 : i64} {
  func.func @gather_kernel(%arg0: i32, %arg1: i32, %arg2: memref<32x5x128xi32, #tpu.memory_space<hbm>>, %arg3: memref<4096x256xf32, #tpu.memory_space<hbm>>, %arg4: memref<20480x256xf32, #tpu.memory_space<hbm>>, %arg5: memref<5x128xi32, #tpu.memory_space<vmem>>, %arg6: memref<128x256xf32, #tpu.memory_space<vmem>>, %arg7: memref<128x256xf32, #tpu.memory_space<vmem>>, %arg8: memref<!tpu.dma_semaphore, #tpu.memory_space<semaphore_mem>>, %arg9: memref<!tpu.dma_semaphore, #tpu.memory_space<semaphore_mem>>, %arg10: memref<!tpu.dma_semaphore, #tpu.memory_space<semaphore_mem>>, %arg11: memref<!tpu.dma_semaphore, #tpu.memory_space<semaphore_mem>>) attributes {dimension_semantics = [#tpu.dimension_semantics<core_parallel>, #tpu.dimension_semantics<subcore_parallel>], iteration_bounds = array<i64: 2, 16>, scalar_prefetch = 0 : i64, scratch_operands = 7 : i64, tpu.core_type = #tpu.core_type<sc_vector_subcore>, window_params = [{transform_indices = #map}, {transform_indices = #map1}, {transform_indices = #map1}]} {
    %mul3A = arith.constant 2 : i32
    %mul3A_0 = arith.muli %arg1, %mul3A : i32
    %add3A = arith.addi %mul3A_0, %arg0 : i32
    "tpu.region"() ({
      %run_scoped3A = tpu.sem_alloc : memref<!tpu.dma_semaphore, #tpu.memory_space<semaphore_mem>>
      %dma_start3A_129 = arith.constant 0 : i32
      %dma_start3A_130 = arith.constant 0 : i32
      %dma_start3A_131 = tpu.memref_slice %arg2[%add3A, %dma_start3A_129, %dma_start3A_130] : memref<32x5x128xi32, #tpu.memory_space<hbm>> -> memref<1x5x128xi32, #tpu.memory_space<hbm>>
      %dma_start3A_132 = tpu.memref_squeeze %dma_start3A_131 : memref<1x5x128xi32, #tpu.memory_space<hbm>> -> memref<5x128xi32, #tpu.memory_space<hbm>>
      %dma_start3A_133 = arith.constant 0 : i32
      %dma_start3A_134 = arith.constant 0 : i32
      %dma_start3A_135 = tpu.memref_slice %arg2[%add3A, %dma_start3A_133, %dma_start3A_134] : memref<32x5x128xi32, #tpu.memory_space<hbm>> -> memref<1x5x128xi32, #tpu.memory_space<hbm>>
      %dma_start3A_136 = tpu.memref_squeeze %dma_start3A_135 : memref<1x5x128xi32, #tpu.memory_space<hbm>> -> memref<5x128xi32, #tpu.memory_space<hbm>>
      tpu.enqueue_dma source(%dma_start3A_136 : memref<5x128xi32, #tpu.memory_space<hbm>>) target(%arg5 : memref<5x128xi32, #tpu.memory_space<vmem>>) target_semaphore(%run_scoped3A : memref<!tpu.dma_semaphore, #tpu.memory_space<semaphore_mem>>)
      %dma_wait3A_137 = arith.constant 0 : i32
      %dma_wait3A_138 = arith.constant 0 : i32
      %dma_wait3A_139 = tpu.memref_slice %arg2[%add3A, %dma_wait3A_137, %dma_wait3A_138] : memref<32x5x128xi32, #tpu.memory_space<hbm>> -> memref<1x5x128xi32, #tpu.memory_space<hbm>>
      %dma_wait3A_140 = tpu.memref_squeeze %dma_wait3A_139 : memref<1x5x128xi32, #tpu.memory_space<hbm>> -> memref<5x128xi32, #tpu.memory_space<hbm>>
      %dma_wait3A_141 = arith.constant 0 : i32
      %dma_wait3A_142 = arith.constant 0 : i32
      %dma_wait3A_143 = tpu.memref_slice %arg2[%add3A, %dma_wait3A_141, %dma_wait3A_142] : memref<32x5x128xi32, #tpu.memory_space<hbm>> -> memref<1x5x128xi32, #tpu.memory_space<hbm>>
      %dma_wait3A_144 = tpu.memref_squeeze %dma_wait3A_143 : memref<1x5x128xi32, #tpu.memory_space<hbm>> -> memref<5x128xi32, #tpu.memory_space<hbm>>
      tpu.wait_dma2 semaphore(%run_scoped3A : memref<!tpu.dma_semaphore, #tpu.memory_space<semaphore_mem>>) src(%dma_wait3A_144 : memref<5x128xi32, #tpu.memory_space<hbm>>) dst(%arg5 : memref<5x128xi32, #tpu.memory_space<vmem>>)
      tpu.yield
    }) : () -> ()
    %dma_start3A = arith.constant 0 : i32
    %dma_start3A_1 = arith.constant 0 : i32
    %dma_start3A_2 = tpu.memref_slice %arg5[%dma_start3A, %dma_start3A_1] : memref<5x128xi32, #tpu.memory_space<vmem>> -> memref<1x128xi32, #tpu.memory_space<vmem>>
    %dma_start3A_3 = tpu.memref_squeeze %dma_start3A_2 : memref<1x128xi32, #tpu.memory_space<vmem>> -> memref<128xi32, #tpu.memory_space<vmem>>
    %dma_start3A_4 = arith.constant 0 : i32
    %dma_start3A_5 = arith.constant 0 : i32
    %dma_start3A_6 = tpu.memref_slice %arg3[%dma_start3A_4, %dma_start3A_5] : memref<4096x256xf32, #tpu.memory_space<hbm>> -> memref<4096x256xf32, #tpu.memory_space<hbm>>
    tpu.enqueue_indirect_dma source(%dma_start3A_6 : memref<4096x256xf32, #tpu.memory_space<hbm>>) target(%arg6 : memref<128x256xf32, #tpu.memory_space<vmem>>) offsets(%dma_start3A_3 : memref<128xi32, #tpu.memory_space<vmem>>) semaphore(%arg8 : memref<!tpu.dma_semaphore, #tpu.memory_space<semaphore_mem>>)
    %dma_wait3A = arith.constant 0 : i32
    %dma_wait3A_7 = arith.constant 0 : i32
    %dma_wait3A_8 = tpu.memref_slice %arg5[%dma_wait3A, %dma_wait3A_7] : memref<5x128xi32, #tpu.memory_space<vmem>> -> memref<1x128xi32, #tpu.memory_space<vmem>>
    %dma_wait3A_9 = tpu.memref_squeeze %dma_wait3A_8 : memref<1x128xi32, #tpu.memory_space<vmem>> -> memref<128xi32, #tpu.memory_space<vmem>>
    %dma_wait3A_10 = arith.constant 0 : i32
    %dma_wait3A_11 = arith.constant 0 : i32
    %dma_wait3A_12 = tpu.memref_slice %arg3[%dma_wait3A_10, %dma_wait3A_11] : memref<4096x256xf32, #tpu.memory_space<hbm>> -> memref<4096x256xf32, #tpu.memory_space<hbm>>
    tpu.wait_indirect_dma semaphore(%arg8 : memref<!tpu.dma_semaphore, #tpu.memory_space<semaphore_mem>>) src(%dma_wait3A_12 : memref<4096x256xf32, #tpu.memory_space<hbm>>) dst(%arg6 : memref<128x256xf32, #tpu.memory_space<vmem>>)
    %mul3A_13 = arith.constant 640 : i32
    %mul3A_14 = arith.muli %add3A, %mul3A_13 : i32
    %add3A_15 = arith.constant 0 : i32
    %add3A_16 = arith.addi %mul3A_14, %add3A_15 : i32
    %dma_start3A_17 = arith.constant 0 : i32
    %dma_start3A_18 = tpu.memref_slice %arg4[%add3A_16, %dma_start3A_17] : memref<20480x256xf32, #tpu.memory_space<hbm>> -> memref<128x256xf32, #tpu.memory_space<hbm>>
    %dma_start3A_19 = arith.constant 0 : i32
    %dma_start3A_20 = tpu.memref_slice %arg4[%add3A_16, %dma_start3A_19] : memref<20480x256xf32, #tpu.memory_space<hbm>> -> memref<128x256xf32, #tpu.memory_space<hbm>>
    tpu.enqueue_dma source(%arg6 : memref<128x256xf32, #tpu.memory_space<vmem>>) target(%dma_start3A_20 : memref<128x256xf32, #tpu.memory_space<hbm>>) target_semaphore(%arg10 : memref<!tpu.dma_semaphore, #tpu.memory_space<semaphore_mem>>)
    %dma_start3A_21 = arith.constant 1 : i32
    %dma_start3A_22 = arith.constant 0 : i32
    %dma_start3A_23 = tpu.memref_slice %arg5[%dma_start3A_21, %dma_start3A_22] : memref<5x128xi32, #tpu.memory_space<vmem>> -> memref<1x128xi32, #tpu.memory_space<vmem>>
    %dma_start3A_24 = tpu.memref_squeeze %dma_start3A_23 : memref<1x128xi32, #tpu.memory_space<vmem>> -> memref<128xi32, #tpu.memory_space<vmem>>
    %dma_start3A_25 = arith.constant 0 : i32
    %dma_start3A_26 = arith.constant 0 : i32
    %dma_start3A_27 = tpu.memref_slice %arg3[%dma_start3A_25, %dma_start3A_26] : memref<4096x256xf32, #tpu.memory_space<hbm>> -> memref<4096x256xf32, #tpu.memory_space<hbm>>
    tpu.enqueue_indirect_dma source(%dma_start3A_27 : memref<4096x256xf32, #tpu.memory_space<hbm>>) target(%arg7 : memref<128x256xf32, #tpu.memory_space<vmem>>) offsets(%dma_start3A_24 : memref<128xi32, #tpu.memory_space<vmem>>) semaphore(%arg9 : memref<!tpu.dma_semaphore, #tpu.memory_space<semaphore_mem>>)
    %dma_wait3A_28 = arith.constant 1 : i32
    %dma_wait3A_29 = arith.constant 0 : i32
    %dma_wait3A_30 = tpu.memref_slice %arg5[%dma_wait3A_28, %dma_wait3A_29] : memref<5x128xi32, #tpu.memory_space<vmem>> -> memref<1x128xi32, #tpu.memory_space<vmem>>
    %dma_wait3A_31 = tpu.memref_squeeze %dma_wait3A_30 : memref<1x128xi32, #tpu.memory_space<vmem>> -> memref<128xi32, #tpu.memory_space<vmem>>
    %dma_wait3A_32 = arith.constant 0 : i32
    %dma_wait3A_33 = arith.constant 0 : i32
    %dma_wait3A_34 = tpu.memref_slice %arg3[%dma_wait3A_32, %dma_wait3A_33] : memref<4096x256xf32, #tpu.memory_space<hbm>> -> memref<4096x256xf32, #tpu.memory_space<hbm>>
    tpu.wait_indirect_dma semaphore(%arg9 : memref<!tpu.dma_semaphore, #tpu.memory_space<semaphore_mem>>) src(%dma_wait3A_34 : memref<4096x256xf32, #tpu.memory_space<hbm>>) dst(%arg7 : memref<128x256xf32, #tpu.memory_space<vmem>>)
    %mul3A_35 = arith.constant 640 : i32
    %mul3A_36 = arith.muli %add3A, %mul3A_35 : i32
    %add3A_37 = arith.constant 128 : i32
    %add3A_38 = arith.addi %mul3A_36, %add3A_37 : i32
    %dma_start3A_39 = arith.constant 0 : i32
    %dma_start3A_40 = tpu.memref_slice %arg4[%add3A_38, %dma_start3A_39] : memref<20480x256xf32, #tpu.memory_space<hbm>> -> memref<128x256xf32, #tpu.memory_space<hbm>>
    %dma_start3A_41 = arith.constant 0 : i32
    %dma_start3A_42 = tpu.memref_slice %arg4[%add3A_38, %dma_start3A_41] : memref<20480x256xf32, #tpu.memory_space<hbm>> -> memref<128x256xf32, #tpu.memory_space<hbm>>
    tpu.enqueue_dma source(%arg7 : memref<128x256xf32, #tpu.memory_space<vmem>>) target(%dma_start3A_42 : memref<128x256xf32, #tpu.memory_space<hbm>>) target_semaphore(%arg11 : memref<!tpu.dma_semaphore, #tpu.memory_space<semaphore_mem>>)
    %dma_wait3A_43 = arith.constant 0 : i32
    %dma_wait3A_44 = tpu.memref_slice %arg4[%add3A_16, %dma_wait3A_43] : memref<20480x256xf32, #tpu.memory_space<hbm>> -> memref<128x256xf32, #tpu.memory_space<hbm>>
    %dma_wait3A_45 = arith.constant 0 : i32
    %dma_wait3A_46 = tpu.memref_slice %arg4[%add3A_16, %dma_wait3A_45] : memref<20480x256xf32, #tpu.memory_space<hbm>> -> memref<128x256xf32, #tpu.memory_space<hbm>>
    tpu.wait_dma2 semaphore(%arg10 : memref<!tpu.dma_semaphore, #tpu.memory_space<semaphore_mem>>) src(%arg6 : memref<128x256xf32, #tpu.memory_space<vmem>>) dst(%dma_wait3A_46 : memref<128x256xf32, #tpu.memory_space<hbm>>)
    %dma_start3A_47 = arith.constant 2 : i32
    %dma_start3A_48 = arith.constant 0 : i32
    %dma_start3A_49 = tpu.memref_slice %arg5[%dma_start3A_47, %dma_start3A_48] : memref<5x128xi32, #tpu.memory_space<vmem>> -> memref<1x128xi32, #tpu.memory_space<vmem>>
    %dma_start3A_50 = tpu.memref_squeeze %dma_start3A_49 : memref<1x128xi32, #tpu.memory_space<vmem>> -> memref<128xi32, #tpu.memory_space<vmem>>
    %dma_start3A_51 = arith.constant 0 : i32
    %dma_start3A_52 = arith.constant 0 : i32
    %dma_start3A_53 = tpu.memref_slice %arg3[%dma_start3A_51, %dma_start3A_52] : memref<4096x256xf32, #tpu.memory_space<hbm>> -> memref<4096x256xf32, #tpu.memory_space<hbm>>
    tpu.enqueue_indirect_dma source(%dma_start3A_53 : memref<4096x256xf32, #tpu.memory_space<hbm>>) target(%arg6 : memref<128x256xf32, #tpu.memory_space<vmem>>) offsets(%dma_start3A_50 : memref<128xi32, #tpu.memory_space<vmem>>) semaphore(%arg8 : memref<!tpu.dma_semaphore, #tpu.memory_space<semaphore_mem>>)
    %dma_wait3A_54 = arith.constant 2 : i32
    %dma_wait3A_55 = arith.constant 0 : i32
    %dma_wait3A_56 = tpu.memref_slice %arg5[%dma_wait3A_54, %dma_wait3A_55] : memref<5x128xi32, #tpu.memory_space<vmem>> -> memref<1x128xi32, #tpu.memory_space<vmem>>
    %dma_wait3A_57 = tpu.memref_squeeze %dma_wait3A_56 : memref<1x128xi32, #tpu.memory_space<vmem>> -> memref<128xi32, #tpu.memory_space<vmem>>
    %dma_wait3A_58 = arith.constant 0 : i32
    %dma_wait3A_59 = arith.constant 0 : i32
    %dma_wait3A_60 = tpu.memref_slice %arg3[%dma_wait3A_58, %dma_wait3A_59] : memref<4096x256xf32, #tpu.memory_space<hbm>> -> memref<4096x256xf32, #tpu.memory_space<hbm>>
    tpu.wait_indirect_dma semaphore(%arg8 : memref<!tpu.dma_semaphore, #tpu.memory_space<semaphore_mem>>) src(%dma_wait3A_60 : memref<4096x256xf32, #tpu.memory_space<hbm>>) dst(%arg6 : memref<128x256xf32, #tpu.memory_space<vmem>>)
    %mul3A_61 = arith.constant 640 : i32
    %mul3A_62 = arith.muli %add3A, %mul3A_61 : i32
    %add3A_63 = arith.constant 256 : i32
    %add3A_64 = arith.addi %mul3A_62, %add3A_63 : i32
    %dma_start3A_65 = arith.constant 0 : i32
    %dma_start3A_66 = tpu.memref_slice %arg4[%add3A_64, %dma_start3A_65] : memref<20480x256xf32, #tpu.memory_space<hbm>> -> memref<128x256xf32, #tpu.memory_space<hbm>>
    %dma_start3A_67 = arith.constant 0 : i32
    %dma_start3A_68 = tpu.memref_slice %arg4[%add3A_64, %dma_start3A_67] : memref<20480x256xf32, #tpu.memory_space<hbm>> -> memref<128x256xf32, #tpu.memory_space<hbm>>
    tpu.enqueue_dma source(%arg6 : memref<128x256xf32, #tpu.memory_space<vmem>>) target(%dma_start3A_68 : memref<128x256xf32, #tpu.memory_space<hbm>>) target_semaphore(%arg10 : memref<!tpu.dma_semaphore, #tpu.memory_space<semaphore_mem>>)
    %dma_wait3A_69 = arith.constant 0 : i32
    %dma_wait3A_70 = tpu.memref_slice %arg4[%add3A_38, %dma_wait3A_69] : memref<20480x256xf32, #tpu.memory_space<hbm>> -> memref<128x256xf32, #tpu.memory_space<hbm>>
    %dma_wait3A_71 = arith.constant 0 : i32
    %dma_wait3A_72 = tpu.memref_slice %arg4[%add3A_38, %dma_wait3A_71] : memref<20480x256xf32, #tpu.memory_space<hbm>> -> memref<128x256xf32, #tpu.memory_space<hbm>>
    tpu.wait_dma2 semaphore(%arg11 : memref<!tpu.dma_semaphore, #tpu.memory_space<semaphore_mem>>) src(%arg7 : memref<128x256xf32, #tpu.memory_space<vmem>>) dst(%dma_wait3A_72 : memref<128x256xf32, #tpu.memory_space<hbm>>)
    %dma_start3A_73 = arith.constant 3 : i32
    %dma_start3A_74 = arith.constant 0 : i32
    %dma_start3A_75 = tpu.memref_slice %arg5[%dma_start3A_73, %dma_start3A_74] : memref<5x128xi32, #tpu.memory_space<vmem>> -> memref<1x128xi32, #tpu.memory_space<vmem>>
    %dma_start3A_76 = tpu.memref_squeeze %dma_start3A_75 : memref<1x128xi32, #tpu.memory_space<vmem>> -> memref<128xi32, #tpu.memory_space<vmem>>
    %dma_start3A_77 = arith.constant 0 : i32
    %dma_start3A_78 = arith.constant 0 : i32
    %dma_start3A_79 = tpu.memref_slice %arg3[%dma_start3A_77, %dma_start3A_78] : memref<4096x256xf32, #tpu.memory_space<hbm>> -> memref<4096x256xf32, #tpu.memory_space<hbm>>
    tpu.enqueue_indirect_dma source(%dma_start3A_79 : memref<4096x256xf32, #tpu.memory_space<hbm>>) target(%arg7 : memref<128x256xf32, #tpu.memory_space<vmem>>) offsets(%dma_start3A_76 : memref<128xi32, #tpu.memory_space<vmem>>) semaphore(%arg9 : memref<!tpu.dma_semaphore, #tpu.memory_space<semaphore_mem>>)
    %dma_wait3A_80 = arith.constant 3 : i32
    %dma_wait3A_81 = arith.constant 0 : i32
    %dma_wait3A_82 = tpu.memref_slice %arg5[%dma_wait3A_80, %dma_wait3A_81] : memref<5x128xi32, #tpu.memory_space<vmem>> -> memref<1x128xi32, #tpu.memory_space<vmem>>
    %dma_wait3A_83 = tpu.memref_squeeze %dma_wait3A_82 : memref<1x128xi32, #tpu.memory_space<vmem>> -> memref<128xi32, #tpu.memory_space<vmem>>
    %dma_wait3A_84 = arith.constant 0 : i32
    %dma_wait3A_85 = arith.constant 0 : i32
    %dma_wait3A_86 = tpu.memref_slice %arg3[%dma_wait3A_84, %dma_wait3A_85] : memref<4096x256xf32, #tpu.memory_space<hbm>> -> memref<4096x256xf32, #tpu.memory_space<hbm>>
    tpu.wait_indirect_dma semaphore(%arg9 : memref<!tpu.dma_semaphore, #tpu.memory_space<semaphore_mem>>) src(%dma_wait3A_86 : memref<4096x256xf32, #tpu.memory_space<hbm>>) dst(%arg7 : memref<128x256xf32, #tpu.memory_space<vmem>>)
    %mul3A_87 = arith.constant 640 : i32
    %mul3A_88 = arith.muli %add3A, %mul3A_87 : i32
    %add3A_89 = arith.constant 384 : i32
    %add3A_90 = arith.addi %mul3A_88, %add3A_89 : i32
    %dma_start3A_91 = arith.constant 0 : i32
    %dma_start3A_92 = tpu.memref_slice %arg4[%add3A_90, %dma_start3A_91] : memref<20480x256xf32, #tpu.memory_space<hbm>> -> memref<128x256xf32, #tpu.memory_space<hbm>>
    %dma_start3A_93 = arith.constant 0 : i32
    %dma_start3A_94 = tpu.memref_slice %arg4[%add3A_90, %dma_start3A_93] : memref<20480x256xf32, #tpu.memory_space<hbm>> -> memref<128x256xf32, #tpu.memory_space<hbm>>
    tpu.enqueue_dma source(%arg7 : memref<128x256xf32, #tpu.memory_space<vmem>>) target(%dma_start3A_94 : memref<128x256xf32, #tpu.memory_space<hbm>>) target_semaphore(%arg11 : memref<!tpu.dma_semaphore, #tpu.memory_space<semaphore_mem>>)
    %dma_wait3A_95 = arith.constant 0 : i32
    %dma_wait3A_96 = tpu.memref_slice %arg4[%add3A_64, %dma_wait3A_95] : memref<20480x256xf32, #tpu.memory_space<hbm>> -> memref<128x256xf32, #tpu.memory_space<hbm>>
    %dma_wait3A_97 = arith.constant 0 : i32
    %dma_wait3A_98 = tpu.memref_slice %arg4[%add3A_64, %dma_wait3A_97] : memref<20480x256xf32, #tpu.memory_space<hbm>> -> memref<128x256xf32, #tpu.memory_space<hbm>>
    tpu.wait_dma2 semaphore(%arg10 : memref<!tpu.dma_semaphore, #tpu.memory_space<semaphore_mem>>) src(%arg6 : memref<128x256xf32, #tpu.memory_space<vmem>>) dst(%dma_wait3A_98 : memref<128x256xf32, #tpu.memory_space<hbm>>)
    %dma_start3A_99 = arith.constant 4 : i32
    %dma_start3A_100 = arith.constant 0 : i32
    %dma_start3A_101 = tpu.memref_slice %arg5[%dma_start3A_99, %dma_start3A_100] : memref<5x128xi32, #tpu.memory_space<vmem>> -> memref<1x128xi32, #tpu.memory_space<vmem>>
    %dma_start3A_102 = tpu.memref_squeeze %dma_start3A_101 : memref<1x128xi32, #tpu.memory_space<vmem>> -> memref<128xi32, #tpu.memory_space<vmem>>
    %dma_start3A_103 = arith.constant 0 : i32
    %dma_start3A_104 = arith.constant 0 : i32
    %dma_start3A_105 = tpu.memref_slice %arg3[%dma_start3A_103, %dma_start3A_104] : memref<4096x256xf32, #tpu.memory_space<hbm>> -> memref<4096x256xf32, #tpu.memory_space<hbm>>
    tpu.enqueue_indirect_dma source(%dma_start3A_105 : memref<4096x256xf32, #tpu.memory_space<hbm>>) target(%arg6 : memref<128x256xf32, #tpu.memory_space<vmem>>) offsets(%dma_start3A_102 : memref<128xi32, #tpu.memory_space<vmem>>) semaphore(%arg8 : memref<!tpu.dma_semaphore, #tpu.memory_space<semaphore_mem>>)
    %dma_wait3A_106 = arith.constant 4 : i32
    %dma_wait3A_107 = arith.constant 0 : i32
    %dma_wait3A_108 = tpu.memref_slice %arg5[%dma_wait3A_106, %dma_wait3A_107] : memref<5x128xi32, #tpu.memory_space<vmem>> -> memref<1x128xi32, #tpu.memory_space<vmem>>
    %dma_wait3A_109 = tpu.memref_squeeze %dma_wait3A_108 : memref<1x128xi32, #tpu.memory_space<vmem>> -> memref<128xi32, #tpu.memory_space<vmem>>
    %dma_wait3A_110 = arith.constant 0 : i32
    %dma_wait3A_111 = arith.constant 0 : i32
    %dma_wait3A_112 = tpu.memref_slice %arg3[%dma_wait3A_110, %dma_wait3A_111] : memref<4096x256xf32, #tpu.memory_space<hbm>> -> memref<4096x256xf32, #tpu.memory_space<hbm>>
    tpu.wait_indirect_dma semaphore(%arg8 : memref<!tpu.dma_semaphore, #tpu.memory_space<semaphore_mem>>) src(%dma_wait3A_112 : memref<4096x256xf32, #tpu.memory_space<hbm>>) dst(%arg6 : memref<128x256xf32, #tpu.memory_space<vmem>>)
    %mul3A_113 = arith.constant 640 : i32
    %mul3A_114 = arith.muli %add3A, %mul3A_113 : i32
    %add3A_115 = arith.constant 512 : i32
    %add3A_116 = arith.addi %mul3A_114, %add3A_115 : i32
    %dma_start3A_117 = arith.constant 0 : i32
    %dma_start3A_118 = tpu.memref_slice %arg4[%add3A_116, %dma_start3A_117] : memref<20480x256xf32, #tpu.memory_space<hbm>> -> memref<128x256xf32, #tpu.memory_space<hbm>>
    %dma_start3A_119 = arith.constant 0 : i32
    %dma_start3A_120 = tpu.memref_slice %arg4[%add3A_116, %dma_start3A_119] : memref<20480x256xf32, #tpu.memory_space<hbm>> -> memref<128x256xf32, #tpu.memory_space<hbm>>
    tpu.enqueue_dma source(%arg6 : memref<128x256xf32, #tpu.memory_space<vmem>>) target(%dma_start3A_120 : memref<128x256xf32, #tpu.memory_space<hbm>>) target_semaphore(%arg10 : memref<!tpu.dma_semaphore, #tpu.memory_space<semaphore_mem>>)
    %dma_wait3A_121 = arith.constant 0 : i32
    %dma_wait3A_122 = tpu.memref_slice %arg4[%add3A_116, %dma_wait3A_121] : memref<20480x256xf32, #tpu.memory_space<hbm>> -> memref<128x256xf32, #tpu.memory_space<hbm>>
    %dma_wait3A_123 = arith.constant 0 : i32
    %dma_wait3A_124 = tpu.memref_slice %arg4[%add3A_116, %dma_wait3A_123] : memref<20480x256xf32, #tpu.memory_space<hbm>> -> memref<128x256xf32, #tpu.memory_space<hbm>>
    tpu.wait_dma2 semaphore(%arg10 : memref<!tpu.dma_semaphore, #tpu.memory_space<semaphore_mem>>) src(%arg6 : memref<128x256xf32, #tpu.memory_space<vmem>>) dst(%dma_wait3A_124 : memref<128x256xf32, #tpu.memory_space<hbm>>)
    %dma_wait3A_125 = arith.constant 0 : i32
    %dma_wait3A_126 = tpu.memref_slice %arg4[%add3A_90, %dma_wait3A_125] : memref<20480x256xf32, #tpu.memory_space<hbm>> -> memref<128x256xf32, #tpu.memory_space<hbm>>
    %dma_wait3A_127 = arith.constant 0 : i32
    %dma_wait3A_128 = tpu.memref_slice %arg4[%add3A_90, %dma_wait3A_127] : memref<20480x256xf32, #tpu.memory_space<hbm>> -> memref<128x256xf32, #tpu.memory_space<hbm>>
    tpu.wait_dma2 semaphore(%arg11 : memref<!tpu.dma_semaphore, #tpu.memory_space<semaphore_mem>>) src(%arg7 : memref<128x256xf32, #tpu.memory_space<vmem>>) dst(%dma_wait3A_128 : memref<128x256xf32, #tpu.memory_space<hbm>>)
    return
  }
}

module attributes {stable_mosaic.version = 14 : i64} {
  func.func @body(%arg0: memref<8x512x256xf32, #tpu.memory_space<vmem>>, %arg1: memref<512x8xf32, #tpu.memory_space<vmem>>, %arg2: memref<8x512x256xf32, #tpu.memory_space<vmem>>) attributes {dimension_semantics = [], scalar_prefetch = 0 : i64, scratch_operands = 0 : i64, tpu.core_type = #tpu.core_type<tc>} {
    %get3A = arith.constant 0 : index
    %get3A_0 = arith.constant 0 : index
    %get3A_1 = arith.constant 0 : index
    %get3A_2 = vector.load %arg0[%get3A, %get3A_0, %get3A_1] : memref<8x512x256xf32, #tpu.memory_space<vmem>>, vector<8x512x256xf32>
    %mul3A = arith.mulf %get3A_2, %get3A_2 : vector<8x512x256xf32>
    %swap3A = arith.constant 0 : index
    %swap3A_3 = arith.constant 0 : index
    %swap3A_4 = arith.constant 0 : index
    %swap3A_5 = vector.load %arg2[%swap3A, %swap3A_3, %swap3A_4] : memref<8x512x256xf32, #tpu.memory_space<vmem>>, vector<8x512x256xf32>
    tpu.vector_store %arg2[%swap3A, %swap3A_3, %swap3A_4], %mul3A {strides = array<i32>} : memref<8x512x256xf32, #tpu.memory_space<vmem>>, vector<8x512x256xf32>,
    %reduce_sum3A = arith.constant dense<0.000000e+00> : vector<8x512xf32>
    %reduce_sum3A_6 = vector.multi_reduction <add>, %mul3A, %reduce_sum3A [2] : vector<8x512x256xf32> to vector<8x512xf32>
    %transpose3A = tpu.transpose %reduce_sum3A_6, [1, 0] : vector<8x512xf32> -> vector<512x8xf32>
    %mul3A_7 = arith.constant 5.000000e-01 : f32
    %mul3A_8 = vector.broadcast %mul3A_7 : f32 to vector<512x8xf32>
    %mul3A_9 = arith.mulf %mul3A_8, %transpose3A : vector<512x8xf32>
    %swap3A_10 = arith.constant 0 : index
    %swap3A_11 = arith.constant 0 : index
    %swap3A_12 = vector.load %arg1[%swap3A_10, %swap3A_11] : memref<512x8xf32, #tpu.memory_space<vmem>>, vector<512x8xf32>
    tpu.vector_store %arg1[%swap3A_10, %swap3A_11], %mul3A_9 {strides = array<i32>} : memref<512x8xf32, #tpu.memory_space<vmem>>, vector<512x8xf32>,
    return
  }
}

module attributes {stable_mosaic.version = 14 : i64} {
  func.func @body(%arg0: i32, %arg1: memref<512x256xf32, #tpu.memory_space<vmem>>, %arg2: memref<8x512x256xf32, #tpu.memory_space<vmem>>, %arg3: memref<8x512x256xf32, #tpu.memory_space<vmem>>, %arg4: memref<512x8xf32, #tpu.memory_space<vmem>>, %arg5: memref<8x512xi32, #tpu.memory_space<vmem>>) attributes {dimension_semantics = [#tpu.dimension_semantics<arbitrary>], iteration_bounds = array<i64: 4>, scalar_prefetch = 0 : i64, scratch_operands = 0 : i64, tpu.core_type = #tpu.core_type<tc>, window_params = [{transform_indices = @transform_0, window_bounds = array<i64: 512, 256>}, {transform_indices = @transform_1, window_bounds = array<i64: 8, 512, 256>}, {pipeline_mode = #tpu.pipeline_mode<synchronous>, transform_indices = @transform_2, window_bounds = array<i64: 8, 512, 256>}, {pipeline_mode = #tpu.pipeline_mode<synchronous>, transform_indices = @transform_3, window_bounds = array<i64: 512, 8>}, {transform_indices = @transform_4, window_bounds = array<i64: 8, 512>}]} {
    %get3A = arith.constant 0 : index
    %get3A_0 = arith.constant 0 : index
    %get3A_1 = vector.load %arg1[%get3A, %get3A_0] : memref<512x256xf32, #tpu.memory_space<vmem>>, vector<512x256xf32>
    %get3A_2 = arith.constant 0 : index
    %get3A_3 = arith.constant 0 : index
    %get3A_4 = arith.constant 0 : index
    %get3A_5 = vector.load %arg2[%get3A_2, %get3A_3, %get3A_4] : memref<8x512x256xf32, #tpu.memory_space<vmem>>, vector<8x512x256xf32>
    %reduce_sum3A = arith.constant dense<0.000000e+00> : vector<512x256xf32>
    %reduce_sum3A_6 = vector.multi_reduction <add>, %get3A_5, %reduce_sum3A [0] : vector<8x512x256xf32> to vector<512x256xf32>
    %slice3A = vector.extract_strided_slice %get3A_5 {offsets = [0, 0, 0], sizes = [1, 512, 256], strides = [1, 1, 1]} : vector<8x512x256xf32> to vector<1x512x256xf32>
    %squeeze3A = vector.shape_cast %slice3A : vector<1x512x256xf32> to vector<512x256xf32>
    %sub3A = arith.subf %reduce_sum3A_6, %squeeze3A : vector<512x256xf32>
    %sub3A_7 = arith.subf %get3A_1, %sub3A : vector<512x256xf32>
    %get3A_8 = arith.constant 0 : index
    %get3A_9 = arith.constant 0 : index
    %get3A_10 = arith.constant 0 : index
    %get3A_11 = vector.load %arg3[%get3A_8, %get3A_9, %get3A_10] : memref<8x512x256xf32, #tpu.memory_space<vmem>>, vector<1x512x256xf32>
    %get3A_12 = vector.shape_cast %get3A_11 : vector<1x512x256xf32> to vector<512x256xf32>
    %dot_general3A = arith.constant dense<0.000000e+00> : vector<512x512xf32>
    %dot_general3A_13 = tpu.matmul %get3A_12, %sub3A_7, %dot_general3A {dimension_numbers = #tpu.dot_dimension_numbers<[1], [1], [0], [0], [0, 0, 1, 0], [], []>, transpose_lhs_hint = false} : vector<512x256xf32>, vector<512x256xf32>, vector<512x512xf32> -> vector<512x512xf32>
    %get3A_14 = arith.constant 0 : index
    %get3A_15 = arith.constant 0 : index
    %get3A_16 = vector.load %arg4[%get3A_14, %get3A_15] : memref<512x8xf32, #tpu.memory_space<vmem>>, vector<512x1xf32>
    %sub3A_17 = vector.broadcast %get3A_16 : vector<512x1xf32> to vector<512x512xf32>
    %sub3A_18 = arith.subf %dot_general3A_13, %sub3A_17 : vector<512x512xf32>
    %iota3A = tpu.iota {dimensions = array<i32: 0>} : vector<512x512xi32>
    %reduce_max3A = arith.constant dense<0xFF800000> : vector<512xf32>
    %reduce_max3A_19 = vector.multi_reduction <maximumf>, %sub3A_18, %reduce_max3A [0] : vector<512x512xf32> to vector<512xf32>
    %broadcast_in_dim3A = vector.shape_cast %reduce_max3A_19 : vector<512xf32> to vector<1x512xf32>
    %eq3A = vector.broadcast %broadcast_in_dim3A : vector<1x512xf32> to vector<512x512xf32>
    %eq3A_20 = arith.cmpf oeq, %sub3A_18, %eq3A : vector<512x512xf32>
    %jit3A = arith.constant 512 : i32
    %broadcast_in_dim3A_21 = vector.broadcast %jit3A : i32 to vector<512x512xi32>
    %select_n3A = arith.select %eq3A_20, %iota3A, %broadcast_in_dim3A_21 : vector<512x512xi1>, vector<512x512xi32>
    %reduce_min3A = arith.constant dense<2147483647> : vector<512xi32>
    %reduce_min3A_22 = vector.multi_reduction <minsi>, %select_n3A, %reduce_min3A [0] : vector<512x512xi32> to vector<512xi32>
    %add3A = arith.constant 0 : i32
    %add3A_23 = vector.broadcast %add3A : i32 to vector<512xi32>
    %add3A_24 = arith.addi %reduce_min3A_22, %add3A_23 : vector<512xi32>
    %swap3A = arith.constant 0 : index
    %swap3A_25 = arith.constant 0 : index
    %swap3A_26 = vector.load %arg5[%swap3A, %swap3A_25] : memref<8x512xi32, #tpu.memory_space<vmem>>, vector<1x512xi32>
    %swap3A_27 = vector.shape_cast %swap3A_26 : vector<1x512xi32> to vector<512xi32>
    %swap3A_28 = vector.shape_cast %add3A_24 : vector<512xi32> to vector<1x512xi32>
    tpu.vector_store %arg5[%swap3A, %swap3A_25], %swap3A_28 {strides = array<i32>} : memref<8x512xi32, #tpu.memory_space<vmem>>, vector<1x512xi32>,
    %slice3A_29 = vector.extract_strided_slice %get3A_5 {offsets = [1, 0, 0], sizes = [1, 512, 256], strides = [1, 1, 1]} : vector<8x512x256xf32> to vector<1x512x256xf32>
    %squeeze3A_30 = vector.shape_cast %slice3A_29 : vector<1x512x256xf32> to vector<512x256xf32>
    %sub3A_31 = arith.subf %reduce_sum3A_6, %squeeze3A_30 : vector<512x256xf32>
    %sub3A_32 = arith.subf %get3A_1, %sub3A_31 : vector<512x256xf32>
    %get3A_33 = arith.constant 1 : index
    %get3A_34 = arith.constant 0 : index
    %get3A_35 = arith.constant 0 : index
    %get3A_36 = vector.load %arg3[%get3A_33, %get3A_34, %get3A_35] : memref<8x512x256xf32, #tpu.memory_space<vmem>>, vector<1x512x256xf32>
    %get3A_37 = vector.shape_cast %get3A_36 : vector<1x512x256xf32> to vector<512x256xf32>
    %dot_general3A_38 = arith.constant dense<0.000000e+00> : vector<512x512xf32>
    %dot_general3A_39 = tpu.matmul %get3A_37, %sub3A_32, %dot_general3A_38 {dimension_numbers = #tpu.dot_dimension_numbers<[1], [1], [0], [0], [0, 0, 1, 0], [], []>, transpose_lhs_hint = false} : vector<512x256xf32>, vector<512x256xf32>, vector<512x512xf32> -> vector<512x512xf32>
    %get3A_40 = arith.constant 0 : index
    %get3A_41 = arith.constant 1 : index
    %get3A_42 = vector.load %arg4[%get3A_40, %get3A_41] : memref<512x8xf32, #tpu.memory_space<vmem>>, vector<512x1xf32>
    %sub3A_43 = vector.broadcast %get3A_42 : vector<512x1xf32> to vector<512x512xf32>
    %sub3A_44 = arith.subf %dot_general3A_39, %sub3A_43 : vector<512x512xf32>
    %iota3A_45 = tpu.iota {dimensions = array<i32: 0>} : vector<512x512xi32>
    %reduce_max3A_46 = arith.constant dense<0xFF800000> : vector<512xf32>
    %reduce_max3A_47 = vector.multi_reduction <maximumf>, %sub3A_44, %reduce_max3A_46 [0] : vector<512x512xf32> to vector<512xf32>
    %broadcast_in_dim3A_48 = vector.shape_cast %reduce_max3A_47 : vector<512xf32> to vector<1x512xf32>
    %eq3A_49 = vector.broadcast %broadcast_in_dim3A_48 : vector<1x512xf32> to vector<512x512xf32>
    %eq3A_50 = arith.cmpf oeq, %sub3A_44, %eq3A_49 : vector<512x512xf32>
    %jit3A_51 = arith.constant 512 : i32
    %broadcast_in_dim3A_52 = vector.broadcast %jit3A_51 : i32 to vector<512x512xi32>
    %select_n3A_53 = arith.select %eq3A_50, %iota3A_45, %broadcast_in_dim3A_52 : vector<512x512xi1>, vector<512x512xi32>
    %reduce_min3A_54 = arith.constant dense<2147483647> : vector<512xi32>
    %reduce_min3A_55 = vector.multi_reduction <minsi>, %select_n3A_53, %reduce_min3A_54 [0] : vector<512x512xi32> to vector<512xi32>
    %add3A_56 = arith.constant 512 : i32
    %add3A_57 = vector.broadcast %add3A_56 : i32 to vector<512xi32>
    %add3A_58 = arith.addi %reduce_min3A_55, %add3A_57 : vector<512xi32>
    %swap3A_59 = arith.constant 1 : index
    %swap3A_60 = arith.constant 0 : index
    %swap3A_61 = vector.load %arg5[%swap3A_59, %swap3A_60] : memref<8x512xi32, #tpu.memory_space<vmem>>, vector<1x512xi32>
    %swap3A_62 = vector.shape_cast %swap3A_61 : vector<1x512xi32> to vector<512xi32>
    %swap3A_63 = vector.shape_cast %add3A_58 : vector<512xi32> to vector<1x512xi32>
    tpu.vector_store %arg5[%swap3A_59, %swap3A_60], %swap3A_63 {strides = array<i32>} : memref<8x512xi32, #tpu.memory_space<vmem>>, vector<1x512xi32>,
    %slice3A_64 = vector.extract_strided_slice %get3A_5 {offsets = [2, 0, 0], sizes = [1, 512, 256], strides = [1, 1, 1]} : vector<8x512x256xf32> to vector<1x512x256xf32>
    %squeeze3A_65 = vector.shape_cast %slice3A_64 : vector<1x512x256xf32> to vector<512x256xf32>
    %sub3A_66 = arith.subf %reduce_sum3A_6, %squeeze3A_65 : vector<512x256xf32>
    %sub3A_67 = arith.subf %get3A_1, %sub3A_66 : vector<512x256xf32>
    %get3A_68 = arith.constant 2 : index
    %get3A_69 = arith.constant 0 : index
    %get3A_70 = arith.constant 0 : index
    %get3A_71 = vector.load %arg3[%get3A_68, %get3A_69, %get3A_70] : memref<8x512x256xf32, #tpu.memory_space<vmem>>, vector<1x512x256xf32>
    %get3A_72 = vector.shape_cast %get3A_71 : vector<1x512x256xf32> to vector<512x256xf32>
    %dot_general3A_73 = arith.constant dense<0.000000e+00> : vector<512x512xf32>
    %dot_general3A_74 = tpu.matmul %get3A_72, %sub3A_67, %dot_general3A_73 {dimension_numbers = #tpu.dot_dimension_numbers<[1], [1], [0], [0], [0, 0, 1, 0], [], []>, transpose_lhs_hint = false} : vector<512x256xf32>, vector<512x256xf32>, vector<512x512xf32> -> vector<512x512xf32>
    %get3A_75 = arith.constant 0 : index
    %get3A_76 = arith.constant 2 : index
    %get3A_77 = vector.load %arg4[%get3A_75, %get3A_76] : memref<512x8xf32, #tpu.memory_space<vmem>>, vector<512x1xf32>
    %sub3A_78 = vector.broadcast %get3A_77 : vector<512x1xf32> to vector<512x512xf32>
    %sub3A_79 = arith.subf %dot_general3A_74, %sub3A_78 : vector<512x512xf32>
    %iota3A_80 = tpu.iota {dimensions = array<i32: 0>} : vector<512x512xi32>
    %reduce_max3A_81 = arith.constant dense<0xFF800000> : vector<512xf32>
    %reduce_max3A_82 = vector.multi_reduction <maximumf>, %sub3A_79, %reduce_max3A_81 [0] : vector<512x512xf32> to vector<512xf32>
    %broadcast_in_dim3A_83 = vector.shape_cast %reduce_max3A_82 : vector<512xf32> to vector<1x512xf32>
    %eq3A_84 = vector.broadcast %broadcast_in_dim3A_83 : vector<1x512xf32> to vector<512x512xf32>
    %eq3A_85 = arith.cmpf oeq, %sub3A_79, %eq3A_84 : vector<512x512xf32>
    %jit3A_86 = arith.constant 512 : i32
    %broadcast_in_dim3A_87 = vector.broadcast %jit3A_86 : i32 to vector<512x512xi32>
    %select_n3A_88 = arith.select %eq3A_85, %iota3A_80, %broadcast_in_dim3A_87 : vector<512x512xi1>, vector<512x512xi32>
    %reduce_min3A_89 = arith.constant dense<2147483647> : vector<512xi32>
    %reduce_min3A_90 = vector.multi_reduction <minsi>, %select_n3A_88, %reduce_min3A_89 [0] : vector<512x512xi32> to vector<512xi32>
    %add3A_91 = arith.constant 1024 : i32
    %add3A_92 = vector.broadcast %add3A_91 : i32 to vector<512xi32>
    %add3A_93 = arith.addi %reduce_min3A_90, %add3A_92 : vector<512xi32>
    %swap3A_94 = arith.constant 2 : index
    %swap3A_95 = arith.constant 0 : index
    %swap3A_96 = vector.load %arg5[%swap3A_94, %swap3A_95] : memref<8x512xi32, #tpu.memory_space<vmem>>, vector<1x512xi32>
    %swap3A_97 = vector.shape_cast %swap3A_96 : vector<1x512xi32> to vector<512xi32>
    %swap3A_98 = vector.shape_cast %add3A_93 : vector<512xi32> to vector<1x512xi32>
    tpu.vector_store %arg5[%swap3A_94, %swap3A_95], %swap3A_98 {strides = array<i32>} : memref<8x512xi32, #tpu.memory_space<vmem>>, vector<1x512xi32>,
    %slice3A_99 = vector.extract_strided_slice %get3A_5 {offsets = [3, 0, 0], sizes = [1, 512, 256], strides = [1, 1, 1]} : vector<8x512x256xf32> to vector<1x512x256xf32>
    %squeeze3A_100 = vector.shape_cast %slice3A_99 : vector<1x512x256xf32> to vector<512x256xf32>
    %sub3A_101 = arith.subf %reduce_sum3A_6, %squeeze3A_100 : vector<512x256xf32>
    %sub3A_102 = arith.subf %get3A_1, %sub3A_101 : vector<512x256xf32>
    %get3A_103 = arith.constant 3 : index
    %get3A_104 = arith.constant 0 : index
    %get3A_105 = arith.constant 0 : index
    %get3A_106 = vector.load %arg3[%get3A_103, %get3A_104, %get3A_105] : memref<8x512x256xf32, #tpu.memory_space<vmem>>, vector<1x512x256xf32>
    %get3A_107 = vector.shape_cast %get3A_106 : vector<1x512x256xf32> to vector<512x256xf32>
    %dot_general3A_108 = arith.constant dense<0.000000e+00> : vector<512x512xf32>
    %dot_general3A_109 = tpu.matmul %get3A_107, %sub3A_102, %dot_general3A_108 {dimension_numbers = #tpu.dot_dimension_numbers<[1], [1], [0], [0], [0, 0, 1, 0], [], []>, transpose_lhs_hint = false} : vector<512x256xf32>, vector<512x256xf32>, vector<512x512xf32> -> vector<512x512xf32>
    %get3A_110 = arith.constant 0 : index
    %get3A_111 = arith.constant 3 : index
    %get3A_112 = vector.load %arg4[%get3A_110, %get3A_111] : memref<512x8xf32, #tpu.memory_space<vmem>>, vector<512x1xf32>
    %sub3A_113 = vector.broadcast %get3A_112 : vector<512x1xf32> to vector<512x512xf32>
    %sub3A_114 = arith.subf %dot_general3A_109, %sub3A_113 : vector<512x512xf32>
    %iota3A_115 = tpu.iota {dimensions = array<i32: 0>} : vector<512x512xi32>
    %reduce_max3A_116 = arith.constant dense<0xFF800000> : vector<512xf32>
    %reduce_max3A_117 = vector.multi_reduction <maximumf>, %sub3A_114, %reduce_max3A_116 [0] : vector<512x512xf32> to vector<512xf32>
    %broadcast_in_dim3A_118 = vector.shape_cast %reduce_max3A_117 : vector<512xf32> to vector<1x512xf32>
    %eq3A_119 = vector.broadcast %broadcast_in_dim3A_118 : vector<1x512xf32> to vector<512x512xf32>
    %eq3A_120 = arith.cmpf oeq, %sub3A_114, %eq3A_119 : vector<512x512xf32>
    %jit3A_121 = arith.constant 512 : i32
    %broadcast_in_dim3A_122 = vector.broadcast %jit3A_121 : i32 to vector<512x512xi32>
    %select_n3A_123 = arith.select %eq3A_120, %iota3A_115, %broadcast_in_dim3A_122 : vector<512x512xi1>, vector<512x512xi32>
    %reduce_min3A_124 = arith.constant dense<2147483647> : vector<512xi32>
    %reduce_min3A_125 = vector.multi_reduction <minsi>, %select_n3A_123, %reduce_min3A_124 [0] : vector<512x512xi32> to vector<512xi32>
    %add3A_126 = arith.constant 1536 : i32
    %add3A_127 = vector.broadcast %add3A_126 : i32 to vector<512xi32>
    %add3A_128 = arith.addi %reduce_min3A_125, %add3A_127 : vector<512xi32>
    %swap3A_129 = arith.constant 3 : index
    %swap3A_130 = arith.constant 0 : index
    %swap3A_131 = vector.load %arg5[%swap3A_129, %swap3A_130] : memref<8x512xi32, #tpu.memory_space<vmem>>, vector<1x512xi32>
    %swap3A_132 = vector.shape_cast %swap3A_131 : vector<1x512xi32> to vector<512xi32>
    %swap3A_133 = vector.shape_cast %add3A_128 : vector<512xi32> to vector<1x512xi32>
    tpu.vector_store %arg5[%swap3A_129, %swap3A_130], %swap3A_133 {strides = array<i32>} : memref<8x512xi32, #tpu.memory_space<vmem>>, vector<1x512xi32>,
    %slice3A_134 = vector.extract_strided_slice %get3A_5 {offsets = [4, 0, 0], sizes = [1, 512, 256], strides = [1, 1, 1]} : vector<8x512x256xf32> to vector<1x512x256xf32>
    %squeeze3A_135 = vector.shape_cast %slice3A_134 : vector<1x512x256xf32> to vector<512x256xf32>
    %sub3A_136 = arith.subf %reduce_sum3A_6, %squeeze3A_135 : vector<512x256xf32>
    %sub3A_137 = arith.subf %get3A_1, %sub3A_136 : vector<512x256xf32>
    %get3A_138 = arith.constant 4 : index
    %get3A_139 = arith.constant 0 : index
    %get3A_140 = arith.constant 0 : index
    %get3A_141 = vector.load %arg3[%get3A_138, %get3A_139, %get3A_140] : memref<8x512x256xf32, #tpu.memory_space<vmem>>, vector<1x512x256xf32>
    %get3A_142 = vector.shape_cast %get3A_141 : vector<1x512x256xf32> to vector<512x256xf32>
    %dot_general3A_143 = arith.constant dense<0.000000e+00> : vector<512x512xf32>
    %dot_general3A_144 = tpu.matmul %get3A_142, %sub3A_137, %dot_general3A_143 {dimension_numbers = #tpu.dot_dimension_numbers<[1], [1], [0], [0], [0, 0, 1, 0], [], []>, transpose_lhs_hint = false} : vector<512x256xf32>, vector<512x256xf32>, vector<512x512xf32> -> vector<512x512xf32>
    %get3A_145 = arith.constant 0 : index
    %get3A_146 = arith.constant 4 : index
    %get3A_147 = vector.load %arg4[%get3A_145, %get3A_146] : memref<512x8xf32, #tpu.memory_space<vmem>>, vector<512x1xf32>
    %sub3A_148 = vector.broadcast %get3A_147 : vector<512x1xf32> to vector<512x512xf32>
    %sub3A_149 = arith.subf %dot_general3A_144, %sub3A_148 : vector<512x512xf32>
    %iota3A_150 = tpu.iota {dimensions = array<i32: 0>} : vector<512x512xi32>
    %reduce_max3A_151 = arith.constant dense<0xFF800000> : vector<512xf32>
    %reduce_max3A_152 = vector.multi_reduction <maximumf>, %sub3A_149, %reduce_max3A_151 [0] : vector<512x512xf32> to vector<512xf32>
    %broadcast_in_dim3A_153 = vector.shape_cast %reduce_max3A_152 : vector<512xf32> to vector<1x512xf32>
    %eq3A_154 = vector.broadcast %broadcast_in_dim3A_153 : vector<1x512xf32> to vector<512x512xf32>
    %eq3A_155 = arith.cmpf oeq, %sub3A_149, %eq3A_154 : vector<512x512xf32>
    %jit3A_156 = arith.constant 512 : i32
    %broadcast_in_dim3A_157 = vector.broadcast %jit3A_156 : i32 to vector<512x512xi32>
    %select_n3A_158 = arith.select %eq3A_155, %iota3A_150, %broadcast_in_dim3A_157 : vector<512x512xi1>, vector<512x512xi32>
    %reduce_min3A_159 = arith.constant dense<2147483647> : vector<512xi32>
    %reduce_min3A_160 = vector.multi_reduction <minsi>, %select_n3A_158, %reduce_min3A_159 [0] : vector<512x512xi32> to vector<512xi32>
    %add3A_161 = arith.constant 2048 : i32
    %add3A_162 = vector.broadcast %add3A_161 : i32 to vector<512xi32>
    %add3A_163 = arith.addi %reduce_min3A_160, %add3A_162 : vector<512xi32>
    %swap3A_164 = arith.constant 4 : index
    %swap3A_165 = arith.constant 0 : index
    %swap3A_166 = vector.load %arg5[%swap3A_164, %swap3A_165] : memref<8x512xi32, #tpu.memory_space<vmem>>, vector<1x512xi32>
    %swap3A_167 = vector.shape_cast %swap3A_166 : vector<1x512xi32> to vector<512xi32>
    %swap3A_168 = vector.shape_cast %add3A_163 : vector<512xi32> to vector<1x512xi32>
    tpu.vector_store %arg5[%swap3A_164, %swap3A_165], %swap3A_168 {strides = array<i32>} : memref<8x512xi32, #tpu.memory_space<vmem>>, vector<1x512xi32>,
    %slice3A_169 = vector.extract_strided_slice %get3A_5 {offsets = [5, 0, 0], sizes = [1, 512, 256], strides = [1, 1, 1]} : vector<8x512x256xf32> to vector<1x512x256xf32>
    %squeeze3A_170 = vector.shape_cast %slice3A_169 : vector<1x512x256xf32> to vector<512x256xf32>
    %sub3A_171 = arith.subf %reduce_sum3A_6, %squeeze3A_170 : vector<512x256xf32>
    %sub3A_172 = arith.subf %get3A_1, %sub3A_171 : vector<512x256xf32>
    %get3A_173 = arith.constant 5 : index
    %get3A_174 = arith.constant 0 : index
    %get3A_175 = arith.constant 0 : index
    %get3A_176 = vector.load %arg3[%get3A_173, %get3A_174, %get3A_175] : memref<8x512x256xf32, #tpu.memory_space<vmem>>, vector<1x512x256xf32>
    %get3A_177 = vector.shape_cast %get3A_176 : vector<1x512x256xf32> to vector<512x256xf32>
    %dot_general3A_178 = arith.constant dense<0.000000e+00> : vector<512x512xf32>
    %dot_general3A_179 = tpu.matmul %get3A_177, %sub3A_172, %dot_general3A_178 {dimension_numbers = #tpu.dot_dimension_numbers<[1], [1], [0], [0], [0, 0, 1, 0], [], []>, transpose_lhs_hint = false} : vector<512x256xf32>, vector<512x256xf32>, vector<512x512xf32> -> vector<512x512xf32>
    %get3A_180 = arith.constant 0 : index
    %get3A_181 = arith.constant 5 : index
    %get3A_182 = vector.load %arg4[%get3A_180, %get3A_181] : memref<512x8xf32, #tpu.memory_space<vmem>>, vector<512x1xf32>
    %sub3A_183 = vector.broadcast %get3A_182 : vector<512x1xf32> to vector<512x512xf32>
    %sub3A_184 = arith.subf %dot_general3A_179, %sub3A_183 : vector<512x512xf32>
    %iota3A_185 = tpu.iota {dimensions = array<i32: 0>} : vector<512x512xi32>
    %reduce_max3A_186 = arith.constant dense<0xFF800000> : vector<512xf32>
    %reduce_max3A_187 = vector.multi_reduction <maximumf>, %sub3A_184, %reduce_max3A_186 [0] : vector<512x512xf32> to vector<512xf32>
    %broadcast_in_dim3A_188 = vector.shape_cast %reduce_max3A_187 : vector<512xf32> to vector<1x512xf32>
    %eq3A_189 = vector.broadcast %broadcast_in_dim3A_188 : vector<1x512xf32> to vector<512x512xf32>
    %eq3A_190 = arith.cmpf oeq, %sub3A_184, %eq3A_189 : vector<512x512xf32>
    %jit3A_191 = arith.constant 512 : i32
    %broadcast_in_dim3A_192 = vector.broadcast %jit3A_191 : i32 to vector<512x512xi32>
    %select_n3A_193 = arith.select %eq3A_190, %iota3A_185, %broadcast_in_dim3A_192 : vector<512x512xi1>, vector<512x512xi32>
    %reduce_min3A_194 = arith.constant dense<2147483647> : vector<512xi32>
    %reduce_min3A_195 = vector.multi_reduction <minsi>, %select_n3A_193, %reduce_min3A_194 [0] : vector<512x512xi32> to vector<512xi32>
    %add3A_196 = arith.constant 2560 : i32
    %add3A_197 = vector.broadcast %add3A_196 : i32 to vector<512xi32>
    %add3A_198 = arith.addi %reduce_min3A_195, %add3A_197 : vector<512xi32>
    %swap3A_199 = arith.constant 5 : index
    %swap3A_200 = arith.constant 0 : index
    %swap3A_201 = vector.load %arg5[%swap3A_199, %swap3A_200] : memref<8x512xi32, #tpu.memory_space<vmem>>, vector<1x512xi32>
    %swap3A_202 = vector.shape_cast %swap3A_201 : vector<1x512xi32> to vector<512xi32>
    %swap3A_203 = vector.shape_cast %add3A_198 : vector<512xi32> to vector<1x512xi32>
    tpu.vector_store %arg5[%swap3A_199, %swap3A_200], %swap3A_203 {strides = array<i32>} : memref<8x512xi32, #tpu.memory_space<vmem>>, vector<1x512xi32>,
    %slice3A_204 = vector.extract_strided_slice %get3A_5 {offsets = [6, 0, 0], sizes = [1, 512, 256], strides = [1, 1, 1]} : vector<8x512x256xf32> to vector<1x512x256xf32>
    %squeeze3A_205 = vector.shape_cast %slice3A_204 : vector<1x512x256xf32> to vector<512x256xf32>
    %sub3A_206 = arith.subf %reduce_sum3A_6, %squeeze3A_205 : vector<512x256xf32>
    %sub3A_207 = arith.subf %get3A_1, %sub3A_206 : vector<512x256xf32>
    %get3A_208 = arith.constant 6 : index
    %get3A_209 = arith.constant 0 : index
    %get3A_210 = arith.constant 0 : index
    %get3A_211 = vector.load %arg3[%get3A_208, %get3A_209, %get3A_210] : memref<8x512x256xf32, #tpu.memory_space<vmem>>, vector<1x512x256xf32>
    %get3A_212 = vector.shape_cast %get3A_211 : vector<1x512x256xf32> to vector<512x256xf32>
    %dot_general3A_213 = arith.constant dense<0.000000e+00> : vector<512x512xf32>
    %dot_general3A_214 = tpu.matmul %get3A_212, %sub3A_207, %dot_general3A_213 {dimension_numbers = #tpu.dot_dimension_numbers<[1], [1], [0], [0], [0, 0, 1, 0], [], []>, transpose_lhs_hint = false} : vector<512x256xf32>, vector<512x256xf32>, vector<512x512xf32> -> vector<512x512xf32>
    %get3A_215 = arith.constant 0 : index
    %get3A_216 = arith.constant 6 : index
    %get3A_217 = vector.load %arg4[%get3A_215, %get3A_216] : memref<512x8xf32, #tpu.memory_space<vmem>>, vector<512x1xf32>
    %sub3A_218 = vector.broadcast %get3A_217 : vector<512x1xf32> to vector<512x512xf32>
    %sub3A_219 = arith.subf %dot_general3A_214, %sub3A_218 : vector<512x512xf32>
    %iota3A_220 = tpu.iota {dimensions = array<i32: 0>} : vector<512x512xi32>
    %reduce_max3A_221 = arith.constant dense<0xFF800000> : vector<512xf32>
    %reduce_max3A_222 = vector.multi_reduction <maximumf>, %sub3A_219, %reduce_max3A_221 [0] : vector<512x512xf32> to vector<512xf32>
    %broadcast_in_dim3A_223 = vector.shape_cast %reduce_max3A_222 : vector<512xf32> to vector<1x512xf32>
    %eq3A_224 = vector.broadcast %broadcast_in_dim3A_223 : vector<1x512xf32> to vector<512x512xf32>
    %eq3A_225 = arith.cmpf oeq, %sub3A_219, %eq3A_224 : vector<512x512xf32>
    %jit3A_226 = arith.constant 512 : i32
    %broadcast_in_dim3A_227 = vector.broadcast %jit3A_226 : i32 to vector<512x512xi32>
    %select_n3A_228 = arith.select %eq3A_225, %iota3A_220, %broadcast_in_dim3A_227 : vector<512x512xi1>, vector<512x512xi32>
    %reduce_min3A_229 = arith.constant dense<2147483647> : vector<512xi32>
    %reduce_min3A_230 = vector.multi_reduction <minsi>, %select_n3A_228, %reduce_min3A_229 [0] : vector<512x512xi32> to vector<512xi32>
    %add3A_231 = arith.constant 3072 : i32
    %add3A_232 = vector.broadcast %add3A_231 : i32 to vector<512xi32>
    %add3A_233 = arith.addi %reduce_min3A_230, %add3A_232 : vector<512xi32>
    %swap3A_234 = arith.constant 6 : index
    %swap3A_235 = arith.constant 0 : index
    %swap3A_236 = vector.load %arg5[%swap3A_234, %swap3A_235] : memref<8x512xi32, #tpu.memory_space<vmem>>, vector<1x512xi32>
    %swap3A_237 = vector.shape_cast %swap3A_236 : vector<1x512xi32> to vector<512xi32>
    %swap3A_238 = vector.shape_cast %add3A_233 : vector<512xi32> to vector<1x512xi32>
    tpu.vector_store %arg5[%swap3A_234, %swap3A_235], %swap3A_238 {strides = array<i32>} : memref<8x512xi32, #tpu.memory_space<vmem>>, vector<1x512xi32>,
    %slice3A_239 = vector.extract_strided_slice %get3A_5 {offsets = [7, 0, 0], sizes = [1, 512, 256], strides = [1, 1, 1]} : vector<8x512x256xf32> to vector<1x512x256xf32>
    %squeeze3A_240 = vector.shape_cast %slice3A_239 : vector<1x512x256xf32> to vector<512x256xf32>
    %sub3A_241 = arith.subf %reduce_sum3A_6, %squeeze3A_240 : vector<512x256xf32>
    %sub3A_242 = arith.subf %get3A_1, %sub3A_241 : vector<512x256xf32>
    %get3A_243 = arith.constant 7 : index
    %get3A_244 = arith.constant 0 : index
    %get3A_245 = arith.constant 0 : index
    %get3A_246 = vector.load %arg3[%get3A_243, %get3A_244, %get3A_245] : memref<8x512x256xf32, #tpu.memory_space<vmem>>, vector<1x512x256xf32>
    %get3A_247 = vector.shape_cast %get3A_246 : vector<1x512x256xf32> to vector<512x256xf32>
    %dot_general3A_248 = arith.constant dense<0.000000e+00> : vector<512x512xf32>
    %dot_general3A_249 = tpu.matmul %get3A_247, %sub3A_242, %dot_general3A_248 {dimension_numbers = #tpu.dot_dimension_numbers<[1], [1], [0], [0], [0, 0, 1, 0], [], []>, transpose_lhs_hint = false} : vector<512x256xf32>, vector<512x256xf32>, vector<512x512xf32> -> vector<512x512xf32>
    %get3A_250 = arith.constant 0 : index
    %get3A_251 = arith.constant 7 : index
    %get3A_252 = vector.load %arg4[%get3A_250, %get3A_251] : memref<512x8xf32, #tpu.memory_space<vmem>>, vector<512x1xf32>
    %sub3A_253 = vector.broadcast %get3A_252 : vector<512x1xf32> to vector<512x512xf32>
    %sub3A_254 = arith.subf %dot_general3A_249, %sub3A_253 : vector<512x512xf32>
    %iota3A_255 = tpu.iota {dimensions = array<i32: 0>} : vector<512x512xi32>
    %reduce_max3A_256 = arith.constant dense<0xFF800000> : vector<512xf32>
    %reduce_max3A_257 = vector.multi_reduction <maximumf>, %sub3A_254, %reduce_max3A_256 [0] : vector<512x512xf32> to vector<512xf32>
    %broadcast_in_dim3A_258 = vector.shape_cast %reduce_max3A_257 : vector<512xf32> to vector<1x512xf32>
    %eq3A_259 = vector.broadcast %broadcast_in_dim3A_258 : vector<1x512xf32> to vector<512x512xf32>
    %eq3A_260 = arith.cmpf oeq, %sub3A_254, %eq3A_259 : vector<512x512xf32>
    %jit3A_261 = arith.constant 512 : i32
    %broadcast_in_dim3A_262 = vector.broadcast %jit3A_261 : i32 to vector<512x512xi32>
    %select_n3A_263 = arith.select %eq3A_260, %iota3A_255, %broadcast_in_dim3A_262 : vector<512x512xi1>, vector<512x512xi32>
    %reduce_min3A_264 = arith.constant dense<2147483647> : vector<512xi32>
    %reduce_min3A_265 = vector.multi_reduction <minsi>, %select_n3A_263, %reduce_min3A_264 [0] : vector<512x512xi32> to vector<512xi32>
    %add3A_266 = arith.constant 3584 : i32
    %add3A_267 = vector.broadcast %add3A_266 : i32 to vector<512xi32>
    %add3A_268 = arith.addi %reduce_min3A_265, %add3A_267 : vector<512xi32>
    %swap3A_269 = arith.constant 7 : index
    %swap3A_270 = arith.constant 0 : index
    %swap3A_271 = vector.load %arg5[%swap3A_269, %swap3A_270] : memref<8x512xi32, #tpu.memory_space<vmem>>, vector<1x512xi32>
    %swap3A_272 = vector.shape_cast %swap3A_271 : vector<1x512xi32> to vector<512xi32>
    %swap3A_273 = vector.shape_cast %add3A_268 : vector<512xi32> to vector<1x512xi32>
    tpu.vector_store %arg5[%swap3A_269, %swap3A_270], %swap3A_273 {strides = array<i32>} : memref<8x512xi32, #tpu.memory_space<vmem>>, vector<1x512xi32>,
    return
  }
  func.func @transform_0(%arg0: i32) -> (i32, i32) {
    %add3A = arith.constant 0 : i32
    %add3A_0 = arith.addi %arg0, %add3A : i32
    %c0_i32 = arith.constant 0 : i32
    %c0_i32_1 = arith.constant 0 : i32
    return %add3A_0, %c0_i32 : i32, i32
  }
  func.func @transform_1(%arg0: i32) -> (i32, i32, i32) {
    %c0_i32 = arith.constant 0 : i32
    %c0_i32_0 = arith.constant 0 : i32
    %c0_i32_1 = arith.constant 0 : i32
    return %c0_i32, %arg0, %c0_i32_0 : i32, i32, i32
  }
  func.func @transform_2(%arg0: i32) -> (i32, i32, i32) {
    %c0_i32 = arith.constant 0 : i32
    %c0_i32_0 = arith.constant 0 : i32
    %c0_i32_1 = arith.constant 0 : i32
    %c0_i32_2 = arith.constant 0 : i32
    return %c0_i32, %c0_i32_0, %c0_i32_1 : i32, i32, i32
  }
  func.func @transform_3(%arg0: i32) -> (i32, i32) {
    %c0_i32 = arith.constant 0 : i32
    %c0_i32_0 = arith.constant 0 : i32
    %c0_i32_1 = arith.constant 0 : i32
    return %c0_i32, %c0_i32_0 : i32, i32
  }
  func.func @transform_4(%arg0: i32) -> (i32, i32) {
    %c0_i32 = arith.constant 0 : i32
    %c0_i32_0 = arith.constant 0 : i32
    return %c0_i32, %arg0 : i32, i32
  }
}

module attributes {stable_mosaic.version = 14 : i64} {
  func.func @body(%arg0: i32, %arg1: memref<512x256xf32, #tpu.memory_space<vmem>>, %arg2: memref<8x512x256xf32, #tpu.memory_space<vmem>>, %arg3: memref<8x512x256xf32, #tpu.memory_space<vmem>>, %arg4: memref<512x8xf32, #tpu.memory_space<vmem>>, %arg5: memref<8x512xi32, #tpu.memory_space<vmem>>) attributes {dimension_semantics = [#tpu.dimension_semantics<arbitrary>], iteration_bounds = array<i64: 5>, scalar_prefetch = 0 : i64, scratch_operands = 0 : i64, tpu.core_type = #tpu.core_type<tc>, window_params = [{transform_indices = @transform_0, window_bounds = array<i64: 512, 256>}, {transform_indices = @transform_1, window_bounds = array<i64: 8, 512, 256>}, {pipeline_mode = #tpu.pipeline_mode<synchronous>, transform_indices = @transform_2, window_bounds = array<i64: 8, 512, 256>}, {pipeline_mode = #tpu.pipeline_mode<synchronous>, transform_indices = @transform_3, window_bounds = array<i64: 512, 8>}, {transform_indices = @transform_4, window_bounds = array<i64: 8, 512>}]} {
    %get3A = arith.constant 0 : index
    %get3A_0 = arith.constant 0 : index
    %get3A_1 = vector.load %arg1[%get3A, %get3A_0] : memref<512x256xf32, #tpu.memory_space<vmem>>, vector<512x256xf32>
    %get3A_2 = arith.constant 0 : index
    %get3A_3 = arith.constant 0 : index
    %get3A_4 = arith.constant 0 : index
    %get3A_5 = vector.load %arg2[%get3A_2, %get3A_3, %get3A_4] : memref<8x512x256xf32, #tpu.memory_space<vmem>>, vector<8x512x256xf32>
    %reduce_sum3A = arith.constant dense<0.000000e+00> : vector<512x256xf32>
    %reduce_sum3A_6 = vector.multi_reduction <add>, %get3A_5, %reduce_sum3A [0] : vector<8x512x256xf32> to vector<512x256xf32>
    %slice3A = vector.extract_strided_slice %get3A_5 {offsets = [0, 0, 0], sizes = [1, 512, 256], strides = [1, 1, 1]} : vector<8x512x256xf32> to vector<1x512x256xf32>
    %squeeze3A = vector.shape_cast %slice3A : vector<1x512x256xf32> to vector<512x256xf32>
    %sub3A = arith.subf %reduce_sum3A_6, %squeeze3A : vector<512x256xf32>
    %sub3A_7 = arith.subf %get3A_1, %sub3A : vector<512x256xf32>
    %get3A_8 = arith.constant 0 : index
    %get3A_9 = arith.constant 0 : index
    %get3A_10 = arith.constant 0 : index
    %get3A_11 = vector.load %arg3[%get3A_8, %get3A_9, %get3A_10] : memref<8x512x256xf32, #tpu.memory_space<vmem>>, vector<1x512x256xf32>
    %get3A_12 = vector.shape_cast %get3A_11 : vector<1x512x256xf32> to vector<512x256xf32>
    %dot_general3A = arith.constant dense<0.000000e+00> : vector<512x512xf32>
    %dot_general3A_13 = tpu.matmul %get3A_12, %sub3A_7, %dot_general3A {dimension_numbers = #tpu.dot_dimension_numbers<[1], [1], [0], [0], [0, 0, 1, 0], [], []>, transpose_lhs_hint = false} : vector<512x256xf32>, vector<512x256xf32>, vector<512x512xf32> -> vector<512x512xf32>
    %get3A_14 = arith.constant 0 : index
    %get3A_15 = arith.constant 0 : index
    %get3A_16 = vector.load %arg4[%get3A_14, %get3A_15] : memref<512x8xf32, #tpu.memory_space<vmem>>, vector<512x1xf32>
    %sub3A_17 = vector.broadcast %get3A_16 : vector<512x1xf32> to vector<512x512xf32>
    %sub3A_18 = arith.subf %dot_general3A_13, %sub3A_17 : vector<512x512xf32>
    %iota3A = tpu.iota {dimensions = array<i32: 0>} : vector<512x512xi32>
    %reduce_max3A = arith.constant dense<0xFF800000> : vector<512xf32>
    %reduce_max3A_19 = vector.multi_reduction <maximumf>, %sub3A_18, %reduce_max3A [0] : vector<512x512xf32> to vector<512xf32>
    %broadcast_in_dim3A = vector.shape_cast %reduce_max3A_19 : vector<512xf32> to vector<1x512xf32>
    %eq3A = vector.broadcast %broadcast_in_dim3A : vector<1x512xf32> to vector<512x512xf32>
    %eq3A_20 = arith.cmpf oeq, %sub3A_18, %eq3A : vector<512x512xf32>
    %jit3A = arith.constant 512 : i32
    %broadcast_in_dim3A_21 = vector.broadcast %jit3A : i32 to vector<512x512xi32>
    %select_n3A = arith.select %eq3A_20, %iota3A, %broadcast_in_dim3A_21 : vector<512x512xi1>, vector<512x512xi32>
    %reduce_min3A = arith.constant dense<2147483647> : vector<512xi32>
    %reduce_min3A_22 = vector.multi_reduction <minsi>, %select_n3A, %reduce_min3A [0] : vector<512x512xi32> to vector<512xi32>
    %add3A = arith.constant 0 : i32
    %add3A_23 = vector.broadcast %add3A : i32 to vector<512xi32>
    %add3A_24 = arith.addi %reduce_min3A_22, %add3A_23 : vector<512xi32>
    %swap3A = arith.constant 0 : index
    %swap3A_25 = arith.constant 0 : index
    %swap3A_26 = vector.load %arg5[%swap3A, %swap3A_25] : memref<8x512xi32, #tpu.memory_space<vmem>>, vector<1x512xi32>
    %swap3A_27 = vector.shape_cast %swap3A_26 : vector<1x512xi32> to vector<512xi32>
    %swap3A_28 = vector.shape_cast %add3A_24 : vector<512xi32> to vector<1x512xi32>
    tpu.vector_store %arg5[%swap3A, %swap3A_25], %swap3A_28 {strides = array<i32>} : memref<8x512xi32, #tpu.memory_space<vmem>>, vector<1x512xi32>,
    %slice3A_29 = vector.extract_strided_slice %get3A_5 {offsets = [1, 0, 0], sizes = [1, 512, 256], strides = [1, 1, 1]} : vector<8x512x256xf32> to vector<1x512x256xf32>
    %squeeze3A_30 = vector.shape_cast %slice3A_29 : vector<1x512x256xf32> to vector<512x256xf32>
    %sub3A_31 = arith.subf %reduce_sum3A_6, %squeeze3A_30 : vector<512x256xf32>
    %sub3A_32 = arith.subf %get3A_1, %sub3A_31 : vector<512x256xf32>
    %get3A_33 = arith.constant 1 : index
    %get3A_34 = arith.constant 0 : index
    %get3A_35 = arith.constant 0 : index
    %get3A_36 = vector.load %arg3[%get3A_33, %get3A_34, %get3A_35] : memref<8x512x256xf32, #tpu.memory_space<vmem>>, vector<1x512x256xf32>
    %get3A_37 = vector.shape_cast %get3A_36 : vector<1x512x256xf32> to vector<512x256xf32>
    %dot_general3A_38 = arith.constant dense<0.000000e+00> : vector<512x512xf32>
    %dot_general3A_39 = tpu.matmul %get3A_37, %sub3A_32, %dot_general3A_38 {dimension_numbers = #tpu.dot_dimension_numbers<[1], [1], [0], [0], [0, 0, 1, 0], [], []>, transpose_lhs_hint = false} : vector<512x256xf32>, vector<512x256xf32>, vector<512x512xf32> -> vector<512x512xf32>
    %get3A_40 = arith.constant 0 : index
    %get3A_41 = arith.constant 1 : index
    %get3A_42 = vector.load %arg4[%get3A_40, %get3A_41] : memref<512x8xf32, #tpu.memory_space<vmem>>, vector<512x1xf32>
    %sub3A_43 = vector.broadcast %get3A_42 : vector<512x1xf32> to vector<512x512xf32>
    %sub3A_44 = arith.subf %dot_general3A_39, %sub3A_43 : vector<512x512xf32>
    %iota3A_45 = tpu.iota {dimensions = array<i32: 0>} : vector<512x512xi32>
    %reduce_max3A_46 = arith.constant dense<0xFF800000> : vector<512xf32>
    %reduce_max3A_47 = vector.multi_reduction <maximumf>, %sub3A_44, %reduce_max3A_46 [0] : vector<512x512xf32> to vector<512xf32>
    %broadcast_in_dim3A_48 = vector.shape_cast %reduce_max3A_47 : vector<512xf32> to vector<1x512xf32>
    %eq3A_49 = vector.broadcast %broadcast_in_dim3A_48 : vector<1x512xf32> to vector<512x512xf32>
    %eq3A_50 = arith.cmpf oeq, %sub3A_44, %eq3A_49 : vector<512x512xf32>
    %jit3A_51 = arith.constant 512 : i32
    %broadcast_in_dim3A_52 = vector.broadcast %jit3A_51 : i32 to vector<512x512xi32>
    %select_n3A_53 = arith.select %eq3A_50, %iota3A_45, %broadcast_in_dim3A_52 : vector<512x512xi1>, vector<512x512xi32>
    %reduce_min3A_54 = arith.constant dense<2147483647> : vector<512xi32>
    %reduce_min3A_55 = vector.multi_reduction <minsi>, %select_n3A_53, %reduce_min3A_54 [0] : vector<512x512xi32> to vector<512xi32>
    %add3A_56 = arith.constant 512 : i32
    %add3A_57 = vector.broadcast %add3A_56 : i32 to vector<512xi32>
    %add3A_58 = arith.addi %reduce_min3A_55, %add3A_57 : vector<512xi32>
    %swap3A_59 = arith.constant 1 : index
    %swap3A_60 = arith.constant 0 : index
    %swap3A_61 = vector.load %arg5[%swap3A_59, %swap3A_60] : memref<8x512xi32, #tpu.memory_space<vmem>>, vector<1x512xi32>
    %swap3A_62 = vector.shape_cast %swap3A_61 : vector<1x512xi32> to vector<512xi32>
    %swap3A_63 = vector.shape_cast %add3A_58 : vector<512xi32> to vector<1x512xi32>
    tpu.vector_store %arg5[%swap3A_59, %swap3A_60], %swap3A_63 {strides = array<i32>} : memref<8x512xi32, #tpu.memory_space<vmem>>, vector<1x512xi32>,
    %slice3A_64 = vector.extract_strided_slice %get3A_5 {offsets = [2, 0, 0], sizes = [1, 512, 256], strides = [1, 1, 1]} : vector<8x512x256xf32> to vector<1x512x256xf32>
    %squeeze3A_65 = vector.shape_cast %slice3A_64 : vector<1x512x256xf32> to vector<512x256xf32>
    %sub3A_66 = arith.subf %reduce_sum3A_6, %squeeze3A_65 : vector<512x256xf32>
    %sub3A_67 = arith.subf %get3A_1, %sub3A_66 : vector<512x256xf32>
    %get3A_68 = arith.constant 2 : index
    %get3A_69 = arith.constant 0 : index
    %get3A_70 = arith.constant 0 : index
    %get3A_71 = vector.load %arg3[%get3A_68, %get3A_69, %get3A_70] : memref<8x512x256xf32, #tpu.memory_space<vmem>>, vector<1x512x256xf32>
    %get3A_72 = vector.shape_cast %get3A_71 : vector<1x512x256xf32> to vector<512x256xf32>
    %dot_general3A_73 = arith.constant dense<0.000000e+00> : vector<512x512xf32>
    %dot_general3A_74 = tpu.matmul %get3A_72, %sub3A_67, %dot_general3A_73 {dimension_numbers = #tpu.dot_dimension_numbers<[1], [1], [0], [0], [0, 0, 1, 0], [], []>, transpose_lhs_hint = false} : vector<512x256xf32>, vector<512x256xf32>, vector<512x512xf32> -> vector<512x512xf32>
    %get3A_75 = arith.constant 0 : index
    %get3A_76 = arith.constant 2 : index
    %get3A_77 = vector.load %arg4[%get3A_75, %get3A_76] : memref<512x8xf32, #tpu.memory_space<vmem>>, vector<512x1xf32>
    %sub3A_78 = vector.broadcast %get3A_77 : vector<512x1xf32> to vector<512x512xf32>
    %sub3A_79 = arith.subf %dot_general3A_74, %sub3A_78 : vector<512x512xf32>
    %iota3A_80 = tpu.iota {dimensions = array<i32: 0>} : vector<512x512xi32>
    %reduce_max3A_81 = arith.constant dense<0xFF800000> : vector<512xf32>
    %reduce_max3A_82 = vector.multi_reduction <maximumf>, %sub3A_79, %reduce_max3A_81 [0] : vector<512x512xf32> to vector<512xf32>
    %broadcast_in_dim3A_83 = vector.shape_cast %reduce_max3A_82 : vector<512xf32> to vector<1x512xf32>
    %eq3A_84 = vector.broadcast %broadcast_in_dim3A_83 : vector<1x512xf32> to vector<512x512xf32>
    %eq3A_85 = arith.cmpf oeq, %sub3A_79, %eq3A_84 : vector<512x512xf32>
    %jit3A_86 = arith.constant 512 : i32
    %broadcast_in_dim3A_87 = vector.broadcast %jit3A_86 : i32 to vector<512x512xi32>
    %select_n3A_88 = arith.select %eq3A_85, %iota3A_80, %broadcast_in_dim3A_87 : vector<512x512xi1>, vector<512x512xi32>
    %reduce_min3A_89 = arith.constant dense<2147483647> : vector<512xi32>
    %reduce_min3A_90 = vector.multi_reduction <minsi>, %select_n3A_88, %reduce_min3A_89 [0] : vector<512x512xi32> to vector<512xi32>
    %add3A_91 = arith.constant 1024 : i32
    %add3A_92 = vector.broadcast %add3A_91 : i32 to vector<512xi32>
    %add3A_93 = arith.addi %reduce_min3A_90, %add3A_92 : vector<512xi32>
    %swap3A_94 = arith.constant 2 : index
    %swap3A_95 = arith.constant 0 : index
    %swap3A_96 = vector.load %arg5[%swap3A_94, %swap3A_95] : memref<8x512xi32, #tpu.memory_space<vmem>>, vector<1x512xi32>
    %swap3A_97 = vector.shape_cast %swap3A_96 : vector<1x512xi32> to vector<512xi32>
    %swap3A_98 = vector.shape_cast %add3A_93 : vector<512xi32> to vector<1x512xi32>
    tpu.vector_store %arg5[%swap3A_94, %swap3A_95], %swap3A_98 {strides = array<i32>} : memref<8x512xi32, #tpu.memory_space<vmem>>, vector<1x512xi32>,
    %slice3A_99 = vector.extract_strided_slice %get3A_5 {offsets = [3, 0, 0], sizes = [1, 512, 256], strides = [1, 1, 1]} : vector<8x512x256xf32> to vector<1x512x256xf32>
    %squeeze3A_100 = vector.shape_cast %slice3A_99 : vector<1x512x256xf32> to vector<512x256xf32>
    %sub3A_101 = arith.subf %reduce_sum3A_6, %squeeze3A_100 : vector<512x256xf32>
    %sub3A_102 = arith.subf %get3A_1, %sub3A_101 : vector<512x256xf32>
    %get3A_103 = arith.constant 3 : index
    %get3A_104 = arith.constant 0 : index
    %get3A_105 = arith.constant 0 : index
    %get3A_106 = vector.load %arg3[%get3A_103, %get3A_104, %get3A_105] : memref<8x512x256xf32, #tpu.memory_space<vmem>>, vector<1x512x256xf32>
    %get3A_107 = vector.shape_cast %get3A_106 : vector<1x512x256xf32> to vector<512x256xf32>
    %dot_general3A_108 = arith.constant dense<0.000000e+00> : vector<512x512xf32>
    %dot_general3A_109 = tpu.matmul %get3A_107, %sub3A_102, %dot_general3A_108 {dimension_numbers = #tpu.dot_dimension_numbers<[1], [1], [0], [0], [0, 0, 1, 0], [], []>, transpose_lhs_hint = false} : vector<512x256xf32>, vector<512x256xf32>, vector<512x512xf32> -> vector<512x512xf32>
    %get3A_110 = arith.constant 0 : index
    %get3A_111 = arith.constant 3 : index
    %get3A_112 = vector.load %arg4[%get3A_110, %get3A_111] : memref<512x8xf32, #tpu.memory_space<vmem>>, vector<512x1xf32>
    %sub3A_113 = vector.broadcast %get3A_112 : vector<512x1xf32> to vector<512x512xf32>
    %sub3A_114 = arith.subf %dot_general3A_109, %sub3A_113 : vector<512x512xf32>
    %iota3A_115 = tpu.iota {dimensions = array<i32: 0>} : vector<512x512xi32>
    %reduce_max3A_116 = arith.constant dense<0xFF800000> : vector<512xf32>
    %reduce_max3A_117 = vector.multi_reduction <maximumf>, %sub3A_114, %reduce_max3A_116 [0] : vector<512x512xf32> to vector<512xf32>
    %broadcast_in_dim3A_118 = vector.shape_cast %reduce_max3A_117 : vector<512xf32> to vector<1x512xf32>
    %eq3A_119 = vector.broadcast %broadcast_in_dim3A_118 : vector<1x512xf32> to vector<512x512xf32>
    %eq3A_120 = arith.cmpf oeq, %sub3A_114, %eq3A_119 : vector<512x512xf32>
    %jit3A_121 = arith.constant 512 : i32
    %broadcast_in_dim3A_122 = vector.broadcast %jit3A_121 : i32 to vector<512x512xi32>
    %select_n3A_123 = arith.select %eq3A_120, %iota3A_115, %broadcast_in_dim3A_122 : vector<512x512xi1>, vector<512x512xi32>
    %reduce_min3A_124 = arith.constant dense<2147483647> : vector<512xi32>
    %reduce_min3A_125 = vector.multi_reduction <minsi>, %select_n3A_123, %reduce_min3A_124 [0] : vector<512x512xi32> to vector<512xi32>
    %add3A_126 = arith.constant 1536 : i32
    %add3A_127 = vector.broadcast %add3A_126 : i32 to vector<512xi32>
    %add3A_128 = arith.addi %reduce_min3A_125, %add3A_127 : vector<512xi32>
    %swap3A_129 = arith.constant 3 : index
    %swap3A_130 = arith.constant 0 : index
    %swap3A_131 = vector.load %arg5[%swap3A_129, %swap3A_130] : memref<8x512xi32, #tpu.memory_space<vmem>>, vector<1x512xi32>
    %swap3A_132 = vector.shape_cast %swap3A_131 : vector<1x512xi32> to vector<512xi32>
    %swap3A_133 = vector.shape_cast %add3A_128 : vector<512xi32> to vector<1x512xi32>
    tpu.vector_store %arg5[%swap3A_129, %swap3A_130], %swap3A_133 {strides = array<i32>} : memref<8x512xi32, #tpu.memory_space<vmem>>, vector<1x512xi32>,
    %slice3A_134 = vector.extract_strided_slice %get3A_5 {offsets = [4, 0, 0], sizes = [1, 512, 256], strides = [1, 1, 1]} : vector<8x512x256xf32> to vector<1x512x256xf32>
    %squeeze3A_135 = vector.shape_cast %slice3A_134 : vector<1x512x256xf32> to vector<512x256xf32>
    %sub3A_136 = arith.subf %reduce_sum3A_6, %squeeze3A_135 : vector<512x256xf32>
    %sub3A_137 = arith.subf %get3A_1, %sub3A_136 : vector<512x256xf32>
    %get3A_138 = arith.constant 4 : index
    %get3A_139 = arith.constant 0 : index
    %get3A_140 = arith.constant 0 : index
    %get3A_141 = vector.load %arg3[%get3A_138, %get3A_139, %get3A_140] : memref<8x512x256xf32, #tpu.memory_space<vmem>>, vector<1x512x256xf32>
    %get3A_142 = vector.shape_cast %get3A_141 : vector<1x512x256xf32> to vector<512x256xf32>
    %dot_general3A_143 = arith.constant dense<0.000000e+00> : vector<512x512xf32>
    %dot_general3A_144 = tpu.matmul %get3A_142, %sub3A_137, %dot_general3A_143 {dimension_numbers = #tpu.dot_dimension_numbers<[1], [1], [0], [0], [0, 0, 1, 0], [], []>, transpose_lhs_hint = false} : vector<512x256xf32>, vector<512x256xf32>, vector<512x512xf32> -> vector<512x512xf32>
    %get3A_145 = arith.constant 0 : index
    %get3A_146 = arith.constant 4 : index
    %get3A_147 = vector.load %arg4[%get3A_145, %get3A_146] : memref<512x8xf32, #tpu.memory_space<vmem>>, vector<512x1xf32>
    %sub3A_148 = vector.broadcast %get3A_147 : vector<512x1xf32> to vector<512x512xf32>
    %sub3A_149 = arith.subf %dot_general3A_144, %sub3A_148 : vector<512x512xf32>
    %iota3A_150 = tpu.iota {dimensions = array<i32: 0>} : vector<512x512xi32>
    %reduce_max3A_151 = arith.constant dense<0xFF800000> : vector<512xf32>
    %reduce_max3A_152 = vector.multi_reduction <maximumf>, %sub3A_149, %reduce_max3A_151 [0] : vector<512x512xf32> to vector<512xf32>
    %broadcast_in_dim3A_153 = vector.shape_cast %reduce_max3A_152 : vector<512xf32> to vector<1x512xf32>
    %eq3A_154 = vector.broadcast %broadcast_in_dim3A_153 : vector<1x512xf32> to vector<512x512xf32>
    %eq3A_155 = arith.cmpf oeq, %sub3A_149, %eq3A_154 : vector<512x512xf32>
    %jit3A_156 = arith.constant 512 : i32
    %broadcast_in_dim3A_157 = vector.broadcast %jit3A_156 : i32 to vector<512x512xi32>
    %select_n3A_158 = arith.select %eq3A_155, %iota3A_150, %broadcast_in_dim3A_157 : vector<512x512xi1>, vector<512x512xi32>
    %reduce_min3A_159 = arith.constant dense<2147483647> : vector<512xi32>
    %reduce_min3A_160 = vector.multi_reduction <minsi>, %select_n3A_158, %reduce_min3A_159 [0] : vector<512x512xi32> to vector<512xi32>
    %add3A_161 = arith.constant 2048 : i32
    %add3A_162 = vector.broadcast %add3A_161 : i32 to vector<512xi32>
    %add3A_163 = arith.addi %reduce_min3A_160, %add3A_162 : vector<512xi32>
    %swap3A_164 = arith.constant 4 : index
    %swap3A_165 = arith.constant 0 : index
    %swap3A_166 = vector.load %arg5[%swap3A_164, %swap3A_165] : memref<8x512xi32, #tpu.memory_space<vmem>>, vector<1x512xi32>
    %swap3A_167 = vector.shape_cast %swap3A_166 : vector<1x512xi32> to vector<512xi32>
    %swap3A_168 = vector.shape_cast %add3A_163 : vector<512xi32> to vector<1x512xi32>
    tpu.vector_store %arg5[%swap3A_164, %swap3A_165], %swap3A_168 {strides = array<i32>} : memref<8x512xi32, #tpu.memory_space<vmem>>, vector<1x512xi32>,
    %slice3A_169 = vector.extract_strided_slice %get3A_5 {offsets = [5, 0, 0], sizes = [1, 512, 256], strides = [1, 1, 1]} : vector<8x512x256xf32> to vector<1x512x256xf32>
    %squeeze3A_170 = vector.shape_cast %slice3A_169 : vector<1x512x256xf32> to vector<512x256xf32>
    %sub3A_171 = arith.subf %reduce_sum3A_6, %squeeze3A_170 : vector<512x256xf32>
    %sub3A_172 = arith.subf %get3A_1, %sub3A_171 : vector<512x256xf32>
    %get3A_173 = arith.constant 5 : index
    %get3A_174 = arith.constant 0 : index
    %get3A_175 = arith.constant 0 : index
    %get3A_176 = vector.load %arg3[%get3A_173, %get3A_174, %get3A_175] : memref<8x512x256xf32, #tpu.memory_space<vmem>>, vector<1x512x256xf32>
    %get3A_177 = vector.shape_cast %get3A_176 : vector<1x512x256xf32> to vector<512x256xf32>
    %dot_general3A_178 = arith.constant dense<0.000000e+00> : vector<512x512xf32>
    %dot_general3A_179 = tpu.matmul %get3A_177, %sub3A_172, %dot_general3A_178 {dimension_numbers = #tpu.dot_dimension_numbers<[1], [1], [0], [0], [0, 0, 1, 0], [], []>, transpose_lhs_hint = false} : vector<512x256xf32>, vector<512x256xf32>, vector<512x512xf32> -> vector<512x512xf32>
    %get3A_180 = arith.constant 0 : index
    %get3A_181 = arith.constant 5 : index
    %get3A_182 = vector.load %arg4[%get3A_180, %get3A_181] : memref<512x8xf32, #tpu.memory_space<vmem>>, vector<512x1xf32>
    %sub3A_183 = vector.broadcast %get3A_182 : vector<512x1xf32> to vector<512x512xf32>
    %sub3A_184 = arith.subf %dot_general3A_179, %sub3A_183 : vector<512x512xf32>
    %iota3A_185 = tpu.iota {dimensions = array<i32: 0>} : vector<512x512xi32>
    %reduce_max3A_186 = arith.constant dense<0xFF800000> : vector<512xf32>
    %reduce_max3A_187 = vector.multi_reduction <maximumf>, %sub3A_184, %reduce_max3A_186 [0] : vector<512x512xf32> to vector<512xf32>
    %broadcast_in_dim3A_188 = vector.shape_cast %reduce_max3A_187 : vector<512xf32> to vector<1x512xf32>
    %eq3A_189 = vector.broadcast %broadcast_in_dim3A_188 : vector<1x512xf32> to vector<512x512xf32>
    %eq3A_190 = arith.cmpf oeq, %sub3A_184, %eq3A_189 : vector<512x512xf32>
    %jit3A_191 = arith.constant 512 : i32
    %broadcast_in_dim3A_192 = vector.broadcast %jit3A_191 : i32 to vector<512x512xi32>
    %select_n3A_193 = arith.select %eq3A_190, %iota3A_185, %broadcast_in_dim3A_192 : vector<512x512xi1>, vector<512x512xi32>
    %reduce_min3A_194 = arith.constant dense<2147483647> : vector<512xi32>
    %reduce_min3A_195 = vector.multi_reduction <minsi>, %select_n3A_193, %reduce_min3A_194 [0] : vector<512x512xi32> to vector<512xi32>
    %add3A_196 = arith.constant 2560 : i32
    %add3A_197 = vector.broadcast %add3A_196 : i32 to vector<512xi32>
    %add3A_198 = arith.addi %reduce_min3A_195, %add3A_197 : vector<512xi32>
    %swap3A_199 = arith.constant 5 : index
    %swap3A_200 = arith.constant 0 : index
    %swap3A_201 = vector.load %arg5[%swap3A_199, %swap3A_200] : memref<8x512xi32, #tpu.memory_space<vmem>>, vector<1x512xi32>
    %swap3A_202 = vector.shape_cast %swap3A_201 : vector<1x512xi32> to vector<512xi32>
    %swap3A_203 = vector.shape_cast %add3A_198 : vector<512xi32> to vector<1x512xi32>
    tpu.vector_store %arg5[%swap3A_199, %swap3A_200], %swap3A_203 {strides = array<i32>} : memref<8x512xi32, #tpu.memory_space<vmem>>, vector<1x512xi32>,
    %slice3A_204 = vector.extract_strided_slice %get3A_5 {offsets = [6, 0, 0], sizes = [1, 512, 256], strides = [1, 1, 1]} : vector<8x512x256xf32> to vector<1x512x256xf32>
    %squeeze3A_205 = vector.shape_cast %slice3A_204 : vector<1x512x256xf32> to vector<512x256xf32>
    %sub3A_206 = arith.subf %reduce_sum3A_6, %squeeze3A_205 : vector<512x256xf32>
    %sub3A_207 = arith.subf %get3A_1, %sub3A_206 : vector<512x256xf32>
    %get3A_208 = arith.constant 6 : index
    %get3A_209 = arith.constant 0 : index
    %get3A_210 = arith.constant 0 : index
    %get3A_211 = vector.load %arg3[%get3A_208, %get3A_209, %get3A_210] : memref<8x512x256xf32, #tpu.memory_space<vmem>>, vector<1x512x256xf32>
    %get3A_212 = vector.shape_cast %get3A_211 : vector<1x512x256xf32> to vector<512x256xf32>
    %dot_general3A_213 = arith.constant dense<0.000000e+00> : vector<512x512xf32>
    %dot_general3A_214 = tpu.matmul %get3A_212, %sub3A_207, %dot_general3A_213 {dimension_numbers = #tpu.dot_dimension_numbers<[1], [1], [0], [0], [0, 0, 1, 0], [], []>, transpose_lhs_hint = false} : vector<512x256xf32>, vector<512x256xf32>, vector<512x512xf32> -> vector<512x512xf32>
    %get3A_215 = arith.constant 0 : index
    %get3A_216 = arith.constant 6 : index
    %get3A_217 = vector.load %arg4[%get3A_215, %get3A_216] : memref<512x8xf32, #tpu.memory_space<vmem>>, vector<512x1xf32>
    %sub3A_218 = vector.broadcast %get3A_217 : vector<512x1xf32> to vector<512x512xf32>
    %sub3A_219 = arith.subf %dot_general3A_214, %sub3A_218 : vector<512x512xf32>
    %iota3A_220 = tpu.iota {dimensions = array<i32: 0>} : vector<512x512xi32>
    %reduce_max3A_221 = arith.constant dense<0xFF800000> : vector<512xf32>
    %reduce_max3A_222 = vector.multi_reduction <maximumf>, %sub3A_219, %reduce_max3A_221 [0] : vector<512x512xf32> to vector<512xf32>
    %broadcast_in_dim3A_223 = vector.shape_cast %reduce_max3A_222 : vector<512xf32> to vector<1x512xf32>
    %eq3A_224 = vector.broadcast %broadcast_in_dim3A_223 : vector<1x512xf32> to vector<512x512xf32>
    %eq3A_225 = arith.cmpf oeq, %sub3A_219, %eq3A_224 : vector<512x512xf32>
    %jit3A_226 = arith.constant 512 : i32
    %broadcast_in_dim3A_227 = vector.broadcast %jit3A_226 : i32 to vector<512x512xi32>
    %select_n3A_228 = arith.select %eq3A_225, %iota3A_220, %broadcast_in_dim3A_227 : vector<512x512xi1>, vector<512x512xi32>
    %reduce_min3A_229 = arith.constant dense<2147483647> : vector<512xi32>
    %reduce_min3A_230 = vector.multi_reduction <minsi>, %select_n3A_228, %reduce_min3A_229 [0] : vector<512x512xi32> to vector<512xi32>
    %add3A_231 = arith.constant 3072 : i32
    %add3A_232 = vector.broadcast %add3A_231 : i32 to vector<512xi32>
    %add3A_233 = arith.addi %reduce_min3A_230, %add3A_232 : vector<512xi32>
    %swap3A_234 = arith.constant 6 : index
    %swap3A_235 = arith.constant 0 : index
    %swap3A_236 = vector.load %arg5[%swap3A_234, %swap3A_235] : memref<8x512xi32, #tpu.memory_space<vmem>>, vector<1x512xi32>
    %swap3A_237 = vector.shape_cast %swap3A_236 : vector<1x512xi32> to vector<512xi32>
    %swap3A_238 = vector.shape_cast %add3A_233 : vector<512xi32> to vector<1x512xi32>
    tpu.vector_store %arg5[%swap3A_234, %swap3A_235], %swap3A_238 {strides = array<i32>} : memref<8x512xi32, #tpu.memory_space<vmem>>, vector<1x512xi32>,
    %slice3A_239 = vector.extract_strided_slice %get3A_5 {offsets = [7, 0, 0], sizes = [1, 512, 256], strides = [1, 1, 1]} : vector<8x512x256xf32> to vector<1x512x256xf32>
    %squeeze3A_240 = vector.shape_cast %slice3A_239 : vector<1x512x256xf32> to vector<512x256xf32>
    %sub3A_241 = arith.subf %reduce_sum3A_6, %squeeze3A_240 : vector<512x256xf32>
    %sub3A_242 = arith.subf %get3A_1, %sub3A_241 : vector<512x256xf32>
    %get3A_243 = arith.constant 7 : index
    %get3A_244 = arith.constant 0 : index
    %get3A_245 = arith.constant 0 : index
    %get3A_246 = vector.load %arg3[%get3A_243, %get3A_244, %get3A_245] : memref<8x512x256xf32, #tpu.memory_space<vmem>>, vector<1x512x256xf32>
    %get3A_247 = vector.shape_cast %get3A_246 : vector<1x512x256xf32> to vector<512x256xf32>
    %dot_general3A_248 = arith.constant dense<0.000000e+00> : vector<512x512xf32>
    %dot_general3A_249 = tpu.matmul %get3A_247, %sub3A_242, %dot_general3A_248 {dimension_numbers = #tpu.dot_dimension_numbers<[1], [1], [0], [0], [0, 0, 1, 0], [], []>, transpose_lhs_hint = false} : vector<512x256xf32>, vector<512x256xf32>, vector<512x512xf32> -> vector<512x512xf32>
    %get3A_250 = arith.constant 0 : index
    %get3A_251 = arith.constant 7 : index
    %get3A_252 = vector.load %arg4[%get3A_250, %get3A_251] : memref<512x8xf32, #tpu.memory_space<vmem>>, vector<512x1xf32>
    %sub3A_253 = vector.broadcast %get3A_252 : vector<512x1xf32> to vector<512x512xf32>
    %sub3A_254 = arith.subf %dot_general3A_249, %sub3A_253 : vector<512x512xf32>
    %iota3A_255 = tpu.iota {dimensions = array<i32: 0>} : vector<512x512xi32>
    %reduce_max3A_256 = arith.constant dense<0xFF800000> : vector<512xf32>
    %reduce_max3A_257 = vector.multi_reduction <maximumf>, %sub3A_254, %reduce_max3A_256 [0] : vector<512x512xf32> to vector<512xf32>
    %broadcast_in_dim3A_258 = vector.shape_cast %reduce_max3A_257 : vector<512xf32> to vector<1x512xf32>
    %eq3A_259 = vector.broadcast %broadcast_in_dim3A_258 : vector<1x512xf32> to vector<512x512xf32>
    %eq3A_260 = arith.cmpf oeq, %sub3A_254, %eq3A_259 : vector<512x512xf32>
    %jit3A_261 = arith.constant 512 : i32
    %broadcast_in_dim3A_262 = vector.broadcast %jit3A_261 : i32 to vector<512x512xi32>
    %select_n3A_263 = arith.select %eq3A_260, %iota3A_255, %broadcast_in_dim3A_262 : vector<512x512xi1>, vector<512x512xi32>
    %reduce_min3A_264 = arith.constant dense<2147483647> : vector<512xi32>
    %reduce_min3A_265 = vector.multi_reduction <minsi>, %select_n3A_263, %reduce_min3A_264 [0] : vector<512x512xi32> to vector<512xi32>
    %add3A_266 = arith.constant 3584 : i32
    %add3A_267 = vector.broadcast %add3A_266 : i32 to vector<512xi32>
    %add3A_268 = arith.addi %reduce_min3A_265, %add3A_267 : vector<512xi32>
    %swap3A_269 = arith.constant 7 : index
    %swap3A_270 = arith.constant 0 : index
    %swap3A_271 = vector.load %arg5[%swap3A_269, %swap3A_270] : memref<8x512xi32, #tpu.memory_space<vmem>>, vector<1x512xi32>
    %swap3A_272 = vector.shape_cast %swap3A_271 : vector<1x512xi32> to vector<512xi32>
    %swap3A_273 = vector.shape_cast %add3A_268 : vector<512xi32> to vector<1x512xi32>
    tpu.vector_store %arg5[%swap3A_269, %swap3A_270], %swap3A_273 {strides = array<i32>} : memref<8x512xi32, #tpu.memory_space<vmem>>, vector<1x512xi32>,
    return
  }
  func.func @transform_0(%arg0: i32) -> (i32, i32) {
    %add3A = arith.constant 4 : i32
    %add3A_0 = arith.addi %arg0, %add3A : i32
    %c0_i32 = arith.constant 0 : i32
    %c0_i32_1 = arith.constant 0 : i32
    return %add3A_0, %c0_i32 : i32, i32
  }
  func.func @transform_1(%arg0: i32) -> (i32, i32, i32) {
    %c0_i32 = arith.constant 0 : i32
    %c0_i32_0 = arith.constant 0 : i32
    %c0_i32_1 = arith.constant 0 : i32
    return %c0_i32, %arg0, %c0_i32_0 : i32, i32, i32
  }
  func.func @transform_2(%arg0: i32) -> (i32, i32, i32) {
    %c0_i32 = arith.constant 0 : i32
    %c0_i32_0 = arith.constant 0 : i32
    %c0_i32_1 = arith.constant 0 : i32
    %c0_i32_2 = arith.constant 0 : i32
    return %c0_i32, %c0_i32_0, %c0_i32_1 : i32, i32, i32
  }
  func.func @transform_3(%arg0: i32) -> (i32, i32) {
    %c0_i32 = arith.constant 0 : i32
    %c0_i32_0 = arith.constant 0 : i32
    %c0_i32_1 = arith.constant 0 : i32
    return %c0_i32, %c0_i32_0 : i32, i32
  }
  func.func @transform_4(%arg0: i32) -> (i32, i32) {
    %c0_i32 = arith.constant 0 : i32
    %c0_i32_0 = arith.constant 0 : i32
    return %c0_i32, %arg0 : i32, i32
  }
}

module attributes {stable_mosaic.version = 14 : i64} {
  func.func @body(%arg0: i32, %arg1: memref<512x256xf32, #tpu.memory_space<vmem>>, %arg2: memref<8x512x256xf32, #tpu.memory_space<vmem>>, %arg3: memref<8x512x256xf32, #tpu.memory_space<vmem>>, %arg4: memref<8x512x256xf32, #tpu.memory_space<vmem>>, %arg5: memref<512x8xf32, #tpu.memory_space<vmem>>, %arg6: memref<1xf32, #tpu.memory_space<smem>>, %arg7: memref<8x512xi32, #tpu.memory_space<vmem>>, %arg8: memref<512x8xf32, #tpu.memory_space<vmem>>, %arg9: memref<3xf32, #tpu.memory_space<smem>>) attributes {dimension_semantics = [#tpu.dimension_semantics<arbitrary>], iteration_bounds = array<i64: 4>, scalar_prefetch = 0 : i64, scratch_operands = 0 : i64, tpu.core_type = #tpu.core_type<tc>, window_params = [{transform_indices = @transform_0, window_bounds = array<i64: 512, 256>}, {transform_indices = @transform_1, window_bounds = array<i64: 8, 512, 256>}, {pipeline_mode = #tpu.pipeline_mode<synchronous>, transform_indices = @transform_2, window_bounds = array<i64: 8, 512, 256>}, {pipeline_mode = #tpu.pipeline_mode<synchronous>, transform_indices = @transform_3, window_bounds = array<i64: 8, 512, 256>}, {pipeline_mode = #tpu.pipeline_mode<synchronous>, transform_indices = @transform_4, window_bounds = array<i64: 512, 8>}, {transform_indices = @transform_5, window_bounds = array<i64: 1>}, {transform_indices = @transform_6, window_bounds = array<i64: 8, 512>}, {pipeline_mode = #tpu.pipeline_mode<synchronous>, transform_indices = @transform_7, window_bounds = array<i64: 512, 8>}, {transform_indices = @transform_8, window_bounds = array<i64: 3>}]} {
    %eq3A = arith.constant 0 : i32
    %eq3A_0 = arith.cmpi eq, %arg0, %eq3A : i32
    %convert_element_type3A = arith.extui %eq3A_0 : i1 to i32
    %cond3A = arith.constant 0 : i32
    %cond3A_1 = arith.cmpi ne, %convert_element_type3A, %cond3A : i32
    scf.if %cond3A_1 {
      %broadcast_in_dim3A_780 = arith.constant 0.000000e+00 : f32
      %broadcast_in_dim3A_781 = vector.broadcast %broadcast_in_dim3A_780 : f32 to vector<512x8xf32>
      %swap3A_782 = arith.constant 0 : index
      %swap3A_783 = arith.constant 0 : index
      %swap3A_784 = vector.load %arg8[%swap3A_782, %swap3A_783] : memref<512x8xf32, #tpu.memory_space<vmem>>, vector<512x8xf32>
      tpu.vector_store %arg8[%swap3A_782, %swap3A_783], %broadcast_in_dim3A_781 {strides = array<i32>} : memref<512x8xf32, #tpu.memory_space<vmem>>, vector<512x8xf32>,
      %swap3A_785 = arith.constant 0.000000e+00 : f32
      %swap3A_786 = arith.constant 0 : index
      %swap3A_787 = memref.load %arg9[%swap3A_786] : memref<3xf32, #tpu.memory_space<smem>>
      memref.store %swap3A_785, %arg9[%swap3A_786] : memref<3xf32, #tpu.memory_space<smem>>
      %swap3A_788 = arith.constant 0.000000e+00 : f32
      %swap3A_789 = arith.constant 1 : index
      %swap3A_790 = memref.load %arg9[%swap3A_789] : memref<3xf32, #tpu.memory_space<smem>>
      memref.store %swap3A_788, %arg9[%swap3A_789] : memref<3xf32, #tpu.memory_space<smem>>
      %swap3A_791 = arith.constant 0.000000e+00 : f32
      %swap3A_792 = arith.constant 2 : index
      %swap3A_793 = memref.load %arg9[%swap3A_792] : memref<3xf32, #tpu.memory_space<smem>>
      memref.store %swap3A_791, %arg9[%swap3A_792] : memref<3xf32, #tpu.memory_space<smem>>
    } else {
    }
    %get3A = arith.constant 0 : index
    %get3A_2 = arith.constant 0 : index
    %get3A_3 = vector.load %arg1[%get3A, %get3A_2] : memref<512x256xf32, #tpu.memory_space<vmem>>, vector<512x256xf32>
    %get3A_4 = arith.constant 0 : index
    %get3A_5 = arith.constant 0 : index
    %get3A_6 = arith.constant 0 : index
    %get3A_7 = vector.load %arg2[%get3A_4, %get3A_5, %get3A_6] : memref<8x512x256xf32, #tpu.memory_space<vmem>>, vector<8x512x256xf32>
    %reduce_sum3A = arith.constant dense<0.000000e+00> : vector<512x256xf32>
    %reduce_sum3A_8 = vector.multi_reduction <add>, %get3A_7, %reduce_sum3A [0] : vector<8x512x256xf32> to vector<512x256xf32>
    %get3A_9 = arith.constant 0 : index
    %get3A_10 = memref.load %arg6[%get3A_9] : memref<1xf32, #tpu.memory_space<smem>>
    %exp3A = math.exp %get3A_10 : f32
    %broadcast_in_dim3A = arith.constant 0.000000e+00 : f32
    %broadcast_in_dim3A_11 = vector.broadcast %broadcast_in_dim3A : f32 to vector<512x256xf32>
    %slice3A = vector.extract_strided_slice %get3A_7 {offsets = [0, 0, 0], sizes = [1, 512, 256], strides = [1, 1, 1]} : vector<8x512x256xf32> to vector<1x512x256xf32>
    %squeeze3A = vector.shape_cast %slice3A : vector<1x512x256xf32> to vector<512x256xf32>
    %sub3A = arith.subf %reduce_sum3A_8, %squeeze3A : vector<512x256xf32>
    %sub3A_12 = arith.subf %get3A_3, %sub3A : vector<512x256xf32>
    %get3A_13 = arith.constant 0 : index
    %get3A_14 = arith.constant 0 : index
    %get3A_15 = arith.constant 0 : index
    %get3A_16 = vector.load %arg3[%get3A_13, %get3A_14, %get3A_15] : memref<8x512x256xf32, #tpu.memory_space<vmem>>, vector<1x512x256xf32>
    %get3A_17 = vector.shape_cast %get3A_16 : vector<1x512x256xf32> to vector<512x256xf32>
    %dot_general3A = arith.constant dense<0.000000e+00> : vector<512x512xf32>
    %dot_general3A_18 = tpu.matmul %get3A_17, %sub3A_12, %dot_general3A {dimension_numbers = #tpu.dot_dimension_numbers<[1], [1], [0], [0], [0, 0, 1, 0], [], []>, transpose_lhs_hint = false} : vector<512x256xf32>, vector<512x256xf32>, vector<512x512xf32> -> vector<512x512xf32>
    %get3A_19 = arith.constant 0 : index
    %get3A_20 = arith.constant 0 : index
    %get3A_21 = vector.load %arg5[%get3A_19, %get3A_20] : memref<512x8xf32, #tpu.memory_space<vmem>>, vector<512x1xf32>
    %sub3A_22 = vector.broadcast %get3A_21 : vector<512x1xf32> to vector<512x512xf32>
    %sub3A_23 = arith.subf %dot_general3A_18, %sub3A_22 : vector<512x512xf32>
    %iota3A = tpu.iota {dimensions = array<i32: 0>} : vector<512x512xi32>
    %reduce_max3A = arith.constant dense<0xFF800000> : vector<512xf32>
    %reduce_max3A_24 = vector.multi_reduction <maximumf>, %sub3A_23, %reduce_max3A [0] : vector<512x512xf32> to vector<512xf32>
    %broadcast_in_dim3A_25 = vector.shape_cast %reduce_max3A_24 : vector<512xf32> to vector<1x512xf32>
    %eq3A_26 = vector.broadcast %broadcast_in_dim3A_25 : vector<1x512xf32> to vector<512x512xf32>
    %eq3A_27 = arith.cmpf oeq, %sub3A_23, %eq3A_26 : vector<512x512xf32>
    %jit3A = arith.constant 512 : i32
    %broadcast_in_dim3A_28 = vector.broadcast %jit3A : i32 to vector<512x512xi32>
    %select_n3A = arith.select %eq3A_27, %iota3A, %broadcast_in_dim3A_28 : vector<512x512xi1>, vector<512x512xi32>
    %reduce_min3A = arith.constant dense<2147483647> : vector<512xi32>
    %reduce_min3A_29 = vector.multi_reduction <minsi>, %select_n3A, %reduce_min3A [0] : vector<512x512xi32> to vector<512xi32>
    %swap3A = arith.constant 0 : index
    %swap3A_30 = arith.constant 0 : index
    %swap3A_31 = vector.load %arg7[%swap3A, %swap3A_30] : memref<8x512xi32, #tpu.memory_space<vmem>>, vector<1x512xi32>
    %swap3A_32 = vector.shape_cast %swap3A_31 : vector<1x512xi32> to vector<512xi32>
    %swap3A_33 = vector.shape_cast %reduce_min3A_29 : vector<512xi32> to vector<1x512xi32>
    tpu.vector_store %arg7[%swap3A, %swap3A_30], %swap3A_33 {strides = array<i32>} : memref<8x512xi32, #tpu.memory_space<vmem>>, vector<1x512xi32>,
    %mul3A = vector.broadcast %exp3A : f32 to vector<512x512xf32>
    %mul3A_34 = arith.mulf %sub3A_23, %mul3A : vector<512x512xf32>
    %reduce_max3A_35 = arith.constant dense<0xFF800000> : vector<512xf32>
    %reduce_max3A_36 = vector.multi_reduction <maximumf>, %mul3A_34, %reduce_max3A_35 [0] : vector<512x512xf32> to vector<512xf32>
    %broadcast_in_dim3A_37 = vector.shape_cast %reduce_max3A_36 : vector<512xf32> to vector<1x512xf32>
    %sub3A_38 = vector.broadcast %broadcast_in_dim3A_37 : vector<1x512xf32> to vector<512x512xf32>
    %sub3A_39 = arith.subf %mul3A_34, %sub3A_38 : vector<512x512xf32>
    %exp3A_40 = math.exp %sub3A_39 : vector<512x512xf32>
    %reduce_sum3A_41 = arith.constant dense<0.000000e+00> : vector<512xf32>
    %reduce_sum3A_42 = vector.multi_reduction <add>, %exp3A_40, %reduce_sum3A_41 [0] : vector<512x512xf32> to vector<512xf32>
    %broadcast_in_dim3A_43 = vector.shape_cast %reduce_sum3A_42 : vector<512xf32> to vector<1x512xf32>
    %div3A = arith.constant 1.000000e+00 : f32
    %div3A_44 = vector.broadcast %div3A : f32 to vector<1x512xf32>
    %div3A_45 = arith.divf %div3A_44, %broadcast_in_dim3A_43 : vector<1x512xf32>
    %mul3A_46 = vector.broadcast %div3A_45 : vector<1x512xf32> to vector<512x512xf32>
    %mul3A_47 = arith.mulf %exp3A_40, %mul3A_46 : vector<512x512xf32>
    %log3A = math.log %broadcast_in_dim3A_43 : vector<1x512xf32>
    %mul3A_48 = arith.mulf %exp3A_40, %sub3A_39 : vector<512x512xf32>
    %reduce_sum3A_49 = arith.constant dense<0.000000e+00> : vector<512xf32>
    %reduce_sum3A_50 = vector.multi_reduction <add>, %mul3A_48, %reduce_sum3A_49 [0] : vector<512x512xf32> to vector<512xf32>
    %broadcast_in_dim3A_51 = vector.shape_cast %reduce_sum3A_50 : vector<512xf32> to vector<1x512xf32>
    %mul3A_52 = arith.mulf %broadcast_in_dim3A_51, %div3A_45 : vector<1x512xf32>
    %sub3A_53 = arith.subf %log3A, %mul3A_52 : vector<1x512xf32>
    %reduce_sum3A_54 = vector.shape_cast %sub3A_53 : vector<1x512xf32> to vector<1x1x512xf32>
    %reduce_sum3A_55 = arith.constant dense<0.000000e+00> : vector<1xf32>
    %reduce_sum3A_56 = vector.multi_reduction <add>, %reduce_sum3A_54, %reduce_sum3A_55 [1, 2] : vector<1x1x512xf32> to vector<1xf32>
    %reduce_sum3A_57 = vector.shape_cast %reduce_sum3A_56 : vector<1xf32> to vector<1x1x1xf32>
    %reduce_sum3A_58 = vector.extract %reduce_sum3A_57[0, 0, 0] : f32 from vector<1x1x1xf32>
    %add3A = arith.constant 0.000000e+00 : f32
    %add3A_59 = arith.addf %add3A, %reduce_sum3A_58 : f32
    %get3A_60 = arith.constant 0 : index
    %get3A_61 = arith.constant 0 : index
    %get3A_62 = vector.load %arg8[%get3A_60, %get3A_61] : memref<512x8xf32, #tpu.memory_space<vmem>>, vector<512x1xf32>
    %reduce_sum3A_63 = arith.constant dense<0.000000e+00> : vector<512xf32>
    %reduce_sum3A_64 = vector.multi_reduction <add>, %mul3A_47, %reduce_sum3A_63 [1] : vector<512x512xf32> to vector<512xf32>
    %broadcast_in_dim3A_65 = vector.shape_cast %reduce_sum3A_64 : vector<512xf32> to vector<512x1xf32>
    %add3A_66 = arith.addf %get3A_62, %broadcast_in_dim3A_65 : vector<512x1xf32>
    %swap3A_67 = arith.constant 0 : index
    %swap3A_68 = arith.constant 0 : index
    %swap3A_69 = vector.load %arg8[%swap3A_67, %swap3A_68] : memref<512x8xf32, #tpu.memory_space<vmem>>, vector<512x1xf32>
    tpu.vector_store %arg8[%swap3A_67, %swap3A_68], %add3A_66 {strides = array<i32>} : memref<512x8xf32, #tpu.memory_space<vmem>>, vector<512x1xf32>,
    %get3A_70 = arith.constant 0 : index
    %get3A_71 = arith.constant 0 : index
    %get3A_72 = arith.constant 0 : index
    %get3A_73 = vector.load %arg3[%get3A_70, %get3A_71, %get3A_72] : memref<8x512x256xf32, #tpu.memory_space<vmem>>, vector<1x512x256xf32>
    %get3A_74 = vector.shape_cast %get3A_73 : vector<1x512x256xf32> to vector<512x256xf32>
    %dot_general3A_75 = arith.constant dense<0.000000e+00> : vector<512x256xf32>
    %dot_general3A_76 = tpu.matmul %mul3A_47, %get3A_74, %dot_general3A_75 {dimension_numbers = #tpu.dot_dimension_numbers<[0], [0], [1], [1], [0, 1, 1, 1], [], []>, transpose_lhs_hint = false} : vector<512x512xf32>, vector<512x256xf32>, vector<512x256xf32> -> vector<512x256xf32>
    %add3A_77 = arith.addf %broadcast_in_dim3A_11, %dot_general3A_76 : vector<512x256xf32>
    %get3A_78 = arith.constant 0 : index
    %get3A_79 = arith.constant 0 : index
    %get3A_80 = arith.constant 0 : index
    %get3A_81 = vector.load %arg4[%get3A_78, %get3A_79, %get3A_80] : memref<8x512x256xf32, #tpu.memory_space<vmem>>, vector<1x512x256xf32>
    %get3A_82 = vector.shape_cast %get3A_81 : vector<1x512x256xf32> to vector<512x256xf32>
    %dot_general3A_83 = arith.constant dense<0.000000e+00> : vector<512x256xf32>
    %dot_general3A_84 = tpu.matmul %mul3A_47, %get3A_82, %dot_general3A_83 {dimension_numbers = #tpu.dot_dimension_numbers<[0], [0], [1], [1], [0, 1, 1, 1], [], []>, transpose_lhs_hint = false} : vector<512x512xf32>, vector<512x256xf32>, vector<512x256xf32> -> vector<512x256xf32>
    %mul3A_85 = arith.mulf %dot_general3A_76, %dot_general3A_76 : vector<512x256xf32>
    %sub3A_86 = arith.subf %dot_general3A_84, %mul3A_85 : vector<512x256xf32>
    %reduce_sum3A_87 = vector.shape_cast %sub3A_86 : vector<512x256xf32> to vector<1x512x256xf32>
    %reduce_sum3A_88 = arith.constant dense<0.000000e+00> : vector<1xf32>
    %reduce_sum3A_89 = vector.multi_reduction <add>, %reduce_sum3A_87, %reduce_sum3A_88 [1, 2] : vector<1x512x256xf32> to vector<1xf32>
    %reduce_sum3A_90 = vector.shape_cast %reduce_sum3A_89 : vector<1xf32> to vector<1x1x1xf32>
    %reduce_sum3A_91 = vector.extract %reduce_sum3A_90[0, 0, 0] : f32 from vector<1x1x1xf32>
    %add3A_92 = arith.constant 0.000000e+00 : f32
    %add3A_93 = arith.addf %add3A_92, %reduce_sum3A_91 : f32
    %slice3A_94 = vector.extract_strided_slice %get3A_7 {offsets = [1, 0, 0], sizes = [1, 512, 256], strides = [1, 1, 1]} : vector<8x512x256xf32> to vector<1x512x256xf32>
    %squeeze3A_95 = vector.shape_cast %slice3A_94 : vector<1x512x256xf32> to vector<512x256xf32>
    %sub3A_96 = arith.subf %reduce_sum3A_8, %squeeze3A_95 : vector<512x256xf32>
    %sub3A_97 = arith.subf %get3A_3, %sub3A_96 : vector<512x256xf32>
    %get3A_98 = arith.constant 1 : index
    %get3A_99 = arith.constant 0 : index
    %get3A_100 = arith.constant 0 : index
    %get3A_101 = vector.load %arg3[%get3A_98, %get3A_99, %get3A_100] : memref<8x512x256xf32, #tpu.memory_space<vmem>>, vector<1x512x256xf32>
    %get3A_102 = vector.shape_cast %get3A_101 : vector<1x512x256xf32> to vector<512x256xf32>
    %dot_general3A_103 = arith.constant dense<0.000000e+00> : vector<512x512xf32>
    %dot_general3A_104 = tpu.matmul %get3A_102, %sub3A_97, %dot_general3A_103 {dimension_numbers = #tpu.dot_dimension_numbers<[1], [1], [0], [0], [0, 0, 1, 0], [], []>, transpose_lhs_hint = false} : vector<512x256xf32>, vector<512x256xf32>, vector<512x512xf32> -> vector<512x512xf32>
    %get3A_105 = arith.constant 0 : index
    %get3A_106 = arith.constant 1 : index
    %get3A_107 = vector.load %arg5[%get3A_105, %get3A_106] : memref<512x8xf32, #tpu.memory_space<vmem>>, vector<512x1xf32>
    %sub3A_108 = vector.broadcast %get3A_107 : vector<512x1xf32> to vector<512x512xf32>
    %sub3A_109 = arith.subf %dot_general3A_104, %sub3A_108 : vector<512x512xf32>
    %iota3A_110 = tpu.iota {dimensions = array<i32: 0>} : vector<512x512xi32>
    %reduce_max3A_111 = arith.constant dense<0xFF800000> : vector<512xf32>
    %reduce_max3A_112 = vector.multi_reduction <maximumf>, %sub3A_109, %reduce_max3A_111 [0] : vector<512x512xf32> to vector<512xf32>
    %broadcast_in_dim3A_113 = vector.shape_cast %reduce_max3A_112 : vector<512xf32> to vector<1x512xf32>
    %eq3A_114 = vector.broadcast %broadcast_in_dim3A_113 : vector<1x512xf32> to vector<512x512xf32>
    %eq3A_115 = arith.cmpf oeq, %sub3A_109, %eq3A_114 : vector<512x512xf32>
    %jit3A_116 = arith.constant 512 : i32
    %broadcast_in_dim3A_117 = vector.broadcast %jit3A_116 : i32 to vector<512x512xi32>
    %select_n3A_118 = arith.select %eq3A_115, %iota3A_110, %broadcast_in_dim3A_117 : vector<512x512xi1>, vector<512x512xi32>
    %reduce_min3A_119 = arith.constant dense<2147483647> : vector<512xi32>
    %reduce_min3A_120 = vector.multi_reduction <minsi>, %select_n3A_118, %reduce_min3A_119 [0] : vector<512x512xi32> to vector<512xi32>
    %swap3A_121 = arith.constant 1 : index
    %swap3A_122 = arith.constant 0 : index
    %swap3A_123 = vector.load %arg7[%swap3A_121, %swap3A_122] : memref<8x512xi32, #tpu.memory_space<vmem>>, vector<1x512xi32>
    %swap3A_124 = vector.shape_cast %swap3A_123 : vector<1x512xi32> to vector<512xi32>
    %swap3A_125 = vector.shape_cast %reduce_min3A_120 : vector<512xi32> to vector<1x512xi32>
    tpu.vector_store %arg7[%swap3A_121, %swap3A_122], %swap3A_125 {strides = array<i32>} : memref<8x512xi32, #tpu.memory_space<vmem>>, vector<1x512xi32>,
    %mul3A_126 = vector.broadcast %exp3A : f32 to vector<512x512xf32>
    %mul3A_127 = arith.mulf %sub3A_109, %mul3A_126 : vector<512x512xf32>
    %reduce_max3A_128 = arith.constant dense<0xFF800000> : vector<512xf32>
    %reduce_max3A_129 = vector.multi_reduction <maximumf>, %mul3A_127, %reduce_max3A_128 [0] : vector<512x512xf32> to vector<512xf32>
    %broadcast_in_dim3A_130 = vector.shape_cast %reduce_max3A_129 : vector<512xf32> to vector<1x512xf32>
    %sub3A_131 = vector.broadcast %broadcast_in_dim3A_130 : vector<1x512xf32> to vector<512x512xf32>
    %sub3A_132 = arith.subf %mul3A_127, %sub3A_131 : vector<512x512xf32>
    %exp3A_133 = math.exp %sub3A_132 : vector<512x512xf32>
    %reduce_sum3A_134 = arith.constant dense<0.000000e+00> : vector<512xf32>
    %reduce_sum3A_135 = vector.multi_reduction <add>, %exp3A_133, %reduce_sum3A_134 [0] : vector<512x512xf32> to vector<512xf32>
    %broadcast_in_dim3A_136 = vector.shape_cast %reduce_sum3A_135 : vector<512xf32> to vector<1x512xf32>
    %div3A_137 = arith.constant 1.000000e+00 : f32
    %div3A_138 = vector.broadcast %div3A_137 : f32 to vector<1x512xf32>
    %div3A_139 = arith.divf %div3A_138, %broadcast_in_dim3A_136 : vector<1x512xf32>
    %mul3A_140 = vector.broadcast %div3A_139 : vector<1x512xf32> to vector<512x512xf32>
    %mul3A_141 = arith.mulf %exp3A_133, %mul3A_140 : vector<512x512xf32>
    %log3A_142 = math.log %broadcast_in_dim3A_136 : vector<1x512xf32>
    %mul3A_143 = arith.mulf %exp3A_133, %sub3A_132 : vector<512x512xf32>
    %reduce_sum3A_144 = arith.constant dense<0.000000e+00> : vector<512xf32>
    %reduce_sum3A_145 = vector.multi_reduction <add>, %mul3A_143, %reduce_sum3A_144 [0] : vector<512x512xf32> to vector<512xf32>
    %broadcast_in_dim3A_146 = vector.shape_cast %reduce_sum3A_145 : vector<512xf32> to vector<1x512xf32>
    %mul3A_147 = arith.mulf %broadcast_in_dim3A_146, %div3A_139 : vector<1x512xf32>
    %sub3A_148 = arith.subf %log3A_142, %mul3A_147 : vector<1x512xf32>
    %reduce_sum3A_149 = vector.shape_cast %sub3A_148 : vector<1x512xf32> to vector<1x1x512xf32>
    %reduce_sum3A_150 = arith.constant dense<0.000000e+00> : vector<1xf32>
    %reduce_sum3A_151 = vector.multi_reduction <add>, %reduce_sum3A_149, %reduce_sum3A_150 [1, 2] : vector<1x1x512xf32> to vector<1xf32>
    %reduce_sum3A_152 = vector.shape_cast %reduce_sum3A_151 : vector<1xf32> to vector<1x1x1xf32>
    %reduce_sum3A_153 = vector.extract %reduce_sum3A_152[0, 0, 0] : f32 from vector<1x1x1xf32>
    %add3A_154 = arith.addf %add3A_59, %reduce_sum3A_153 : f32
    %get3A_155 = arith.constant 0 : index
    %get3A_156 = arith.constant 1 : index
    %get3A_157 = vector.load %arg8[%get3A_155, %get3A_156] : memref<512x8xf32, #tpu.memory_space<vmem>>, vector<512x1xf32>
    %reduce_sum3A_158 = arith.constant dense<0.000000e+00> : vector<512xf32>
    %reduce_sum3A_159 = vector.multi_reduction <add>, %mul3A_141, %reduce_sum3A_158 [1] : vector<512x512xf32> to vector<512xf32>
    %broadcast_in_dim3A_160 = vector.shape_cast %reduce_sum3A_159 : vector<512xf32> to vector<512x1xf32>
    %add3A_161 = arith.addf %get3A_157, %broadcast_in_dim3A_160 : vector<512x1xf32>
    %swap3A_162 = arith.constant 0 : index
    %swap3A_163 = arith.constant 1 : index
    %swap3A_164 = vector.load %arg8[%swap3A_162, %swap3A_163] : memref<512x8xf32, #tpu.memory_space<vmem>>, vector<512x1xf32>
    tpu.vector_store %arg8[%swap3A_162, %swap3A_163], %add3A_161 {strides = array<i32>} : memref<512x8xf32, #tpu.memory_space<vmem>>, vector<512x1xf32>,
    %get3A_165 = arith.constant 1 : index
    %get3A_166 = arith.constant 0 : index
    %get3A_167 = arith.constant 0 : index
    %get3A_168 = vector.load %arg3[%get3A_165, %get3A_166, %get3A_167] : memref<8x512x256xf32, #tpu.memory_space<vmem>>, vector<1x512x256xf32>
    %get3A_169 = vector.shape_cast %get3A_168 : vector<1x512x256xf32> to vector<512x256xf32>
    %dot_general3A_170 = arith.constant dense<0.000000e+00> : vector<512x256xf32>
    %dot_general3A_171 = tpu.matmul %mul3A_141, %get3A_169, %dot_general3A_170 {dimension_numbers = #tpu.dot_dimension_numbers<[0], [0], [1], [1], [0, 1, 1, 1], [], []>, transpose_lhs_hint = false} : vector<512x512xf32>, vector<512x256xf32>, vector<512x256xf32> -> vector<512x256xf32>
    %add3A_172 = arith.addf %add3A_77, %dot_general3A_171 : vector<512x256xf32>
    %get3A_173 = arith.constant 1 : index
    %get3A_174 = arith.constant 0 : index
    %get3A_175 = arith.constant 0 : index
    %get3A_176 = vector.load %arg4[%get3A_173, %get3A_174, %get3A_175] : memref<8x512x256xf32, #tpu.memory_space<vmem>>, vector<1x512x256xf32>
    %get3A_177 = vector.shape_cast %get3A_176 : vector<1x512x256xf32> to vector<512x256xf32>
    %dot_general3A_178 = arith.constant dense<0.000000e+00> : vector<512x256xf32>
    %dot_general3A_179 = tpu.matmul %mul3A_141, %get3A_177, %dot_general3A_178 {dimension_numbers = #tpu.dot_dimension_numbers<[0], [0], [1], [1], [0, 1, 1, 1], [], []>, transpose_lhs_hint = false} : vector<512x512xf32>, vector<512x256xf32>, vector<512x256xf32> -> vector<512x256xf32>
    %mul3A_180 = arith.mulf %dot_general3A_171, %dot_general3A_171 : vector<512x256xf32>
    %sub3A_181 = arith.subf %dot_general3A_179, %mul3A_180 : vector<512x256xf32>
    %reduce_sum3A_182 = vector.shape_cast %sub3A_181 : vector<512x256xf32> to vector<1x512x256xf32>
    %reduce_sum3A_183 = arith.constant dense<0.000000e+00> : vector<1xf32>
    %reduce_sum3A_184 = vector.multi_reduction <add>, %reduce_sum3A_182, %reduce_sum3A_183 [1, 2] : vector<1x512x256xf32> to vector<1xf32>
    %reduce_sum3A_185 = vector.shape_cast %reduce_sum3A_184 : vector<1xf32> to vector<1x1x1xf32>
    %reduce_sum3A_186 = vector.extract %reduce_sum3A_185[0, 0, 0] : f32 from vector<1x1x1xf32>
    %add3A_187 = arith.addf %add3A_93, %reduce_sum3A_186 : f32
    %slice3A_188 = vector.extract_strided_slice %get3A_7 {offsets = [2, 0, 0], sizes = [1, 512, 256], strides = [1, 1, 1]} : vector<8x512x256xf32> to vector<1x512x256xf32>
    %squeeze3A_189 = vector.shape_cast %slice3A_188 : vector<1x512x256xf32> to vector<512x256xf32>
    %sub3A_190 = arith.subf %reduce_sum3A_8, %squeeze3A_189 : vector<512x256xf32>
    %sub3A_191 = arith.subf %get3A_3, %sub3A_190 : vector<512x256xf32>
    %get3A_192 = arith.constant 2 : index
    %get3A_193 = arith.constant 0 : index
    %get3A_194 = arith.constant 0 : index
    %get3A_195 = vector.load %arg3[%get3A_192, %get3A_193, %get3A_194] : memref<8x512x256xf32, #tpu.memory_space<vmem>>, vector<1x512x256xf32>
    %get3A_196 = vector.shape_cast %get3A_195 : vector<1x512x256xf32> to vector<512x256xf32>
    %dot_general3A_197 = arith.constant dense<0.000000e+00> : vector<512x512xf32>
    %dot_general3A_198 = tpu.matmul %get3A_196, %sub3A_191, %dot_general3A_197 {dimension_numbers = #tpu.dot_dimension_numbers<[1], [1], [0], [0], [0, 0, 1, 0], [], []>, transpose_lhs_hint = false} : vector<512x256xf32>, vector<512x256xf32>, vector<512x512xf32> -> vector<512x512xf32>
    %get3A_199 = arith.constant 0 : index
    %get3A_200 = arith.constant 2 : index
    %get3A_201 = vector.load %arg5[%get3A_199, %get3A_200] : memref<512x8xf32, #tpu.memory_space<vmem>>, vector<512x1xf32>
    %sub3A_202 = vector.broadcast %get3A_201 : vector<512x1xf32> to vector<512x512xf32>
    %sub3A_203 = arith.subf %dot_general3A_198, %sub3A_202 : vector<512x512xf32>
    %iota3A_204 = tpu.iota {dimensions = array<i32: 0>} : vector<512x512xi32>
    %reduce_max3A_205 = arith.constant dense<0xFF800000> : vector<512xf32>
    %reduce_max3A_206 = vector.multi_reduction <maximumf>, %sub3A_203, %reduce_max3A_205 [0] : vector<512x512xf32> to vector<512xf32>
    %broadcast_in_dim3A_207 = vector.shape_cast %reduce_max3A_206 : vector<512xf32> to vector<1x512xf32>
    %eq3A_208 = vector.broadcast %broadcast_in_dim3A_207 : vector<1x512xf32> to vector<512x512xf32>
    %eq3A_209 = arith.cmpf oeq, %sub3A_203, %eq3A_208 : vector<512x512xf32>
    %jit3A_210 = arith.constant 512 : i32
    %broadcast_in_dim3A_211 = vector.broadcast %jit3A_210 : i32 to vector<512x512xi32>
    %select_n3A_212 = arith.select %eq3A_209, %iota3A_204, %broadcast_in_dim3A_211 : vector<512x512xi1>, vector<512x512xi32>
    %reduce_min3A_213 = arith.constant dense<2147483647> : vector<512xi32>
    %reduce_min3A_214 = vector.multi_reduction <minsi>, %select_n3A_212, %reduce_min3A_213 [0] : vector<512x512xi32> to vector<512xi32>
    %swap3A_215 = arith.constant 2 : index
    %swap3A_216 = arith.constant 0 : index
    %swap3A_217 = vector.load %arg7[%swap3A_215, %swap3A_216] : memref<8x512xi32, #tpu.memory_space<vmem>>, vector<1x512xi32>
    %swap3A_218 = vector.shape_cast %swap3A_217 : vector<1x512xi32> to vector<512xi32>
    %swap3A_219 = vector.shape_cast %reduce_min3A_214 : vector<512xi32> to vector<1x512xi32>
    tpu.vector_store %arg7[%swap3A_215, %swap3A_216], %swap3A_219 {strides = array<i32>} : memref<8x512xi32, #tpu.memory_space<vmem>>, vector<1x512xi32>,
    %mul3A_220 = vector.broadcast %exp3A : f32 to vector<512x512xf32>
    %mul3A_221 = arith.mulf %sub3A_203, %mul3A_220 : vector<512x512xf32>
    %reduce_max3A_222 = arith.constant dense<0xFF800000> : vector<512xf32>
    %reduce_max3A_223 = vector.multi_reduction <maximumf>, %mul3A_221, %reduce_max3A_222 [0] : vector<512x512xf32> to vector<512xf32>
    %broadcast_in_dim3A_224 = vector.shape_cast %reduce_max3A_223 : vector<512xf32> to vector<1x512xf32>
    %sub3A_225 = vector.broadcast %broadcast_in_dim3A_224 : vector<1x512xf32> to vector<512x512xf32>
    %sub3A_226 = arith.subf %mul3A_221, %sub3A_225 : vector<512x512xf32>
    %exp3A_227 = math.exp %sub3A_226 : vector<512x512xf32>
    %reduce_sum3A_228 = arith.constant dense<0.000000e+00> : vector<512xf32>
    %reduce_sum3A_229 = vector.multi_reduction <add>, %exp3A_227, %reduce_sum3A_228 [0] : vector<512x512xf32> to vector<512xf32>
    %broadcast_in_dim3A_230 = vector.shape_cast %reduce_sum3A_229 : vector<512xf32> to vector<1x512xf32>
    %div3A_231 = arith.constant 1.000000e+00 : f32
    %div3A_232 = vector.broadcast %div3A_231 : f32 to vector<1x512xf32>
    %div3A_233 = arith.divf %div3A_232, %broadcast_in_dim3A_230 : vector<1x512xf32>
    %mul3A_234 = vector.broadcast %div3A_233 : vector<1x512xf32> to vector<512x512xf32>
    %mul3A_235 = arith.mulf %exp3A_227, %mul3A_234 : vector<512x512xf32>
    %log3A_236 = math.log %broadcast_in_dim3A_230 : vector<1x512xf32>
    %mul3A_237 = arith.mulf %exp3A_227, %sub3A_226 : vector<512x512xf32>
    %reduce_sum3A_238 = arith.constant dense<0.000000e+00> : vector<512xf32>
    %reduce_sum3A_239 = vector.multi_reduction <add>, %mul3A_237, %reduce_sum3A_238 [0] : vector<512x512xf32> to vector<512xf32>
    %broadcast_in_dim3A_240 = vector.shape_cast %reduce_sum3A_239 : vector<512xf32> to vector<1x512xf32>
    %mul3A_241 = arith.mulf %broadcast_in_dim3A_240, %div3A_233 : vector<1x512xf32>
    %sub3A_242 = arith.subf %log3A_236, %mul3A_241 : vector<1x512xf32>
    %reduce_sum3A_243 = vector.shape_cast %sub3A_242 : vector<1x512xf32> to vector<1x1x512xf32>
    %reduce_sum3A_244 = arith.constant dense<0.000000e+00> : vector<1xf32>
    %reduce_sum3A_245 = vector.multi_reduction <add>, %reduce_sum3A_243, %reduce_sum3A_244 [1, 2] : vector<1x1x512xf32> to vector<1xf32>
    %reduce_sum3A_246 = vector.shape_cast %reduce_sum3A_245 : vector<1xf32> to vector<1x1x1xf32>
    %reduce_sum3A_247 = vector.extract %reduce_sum3A_246[0, 0, 0] : f32 from vector<1x1x1xf32>
    %add3A_248 = arith.addf %add3A_154, %reduce_sum3A_247 : f32
    %get3A_249 = arith.constant 0 : index
    %get3A_250 = arith.constant 2 : index
    %get3A_251 = vector.load %arg8[%get3A_249, %get3A_250] : memref<512x8xf32, #tpu.memory_space<vmem>>, vector<512x1xf32>
    %reduce_sum3A_252 = arith.constant dense<0.000000e+00> : vector<512xf32>
    %reduce_sum3A_253 = vector.multi_reduction <add>, %mul3A_235, %reduce_sum3A_252 [1] : vector<512x512xf32> to vector<512xf32>
    %broadcast_in_dim3A_254 = vector.shape_cast %reduce_sum3A_253 : vector<512xf32> to vector<512x1xf32>
    %add3A_255 = arith.addf %get3A_251, %broadcast_in_dim3A_254 : vector<512x1xf32>
    %swap3A_256 = arith.constant 0 : index
    %swap3A_257 = arith.constant 2 : index
    %swap3A_258 = vector.load %arg8[%swap3A_256, %swap3A_257] : memref<512x8xf32, #tpu.memory_space<vmem>>, vector<512x1xf32>
    tpu.vector_store %arg8[%swap3A_256, %swap3A_257], %add3A_255 {strides = array<i32>} : memref<512x8xf32, #tpu.memory_space<vmem>>, vector<512x1xf32>,
    %get3A_259 = arith.constant 2 : index
    %get3A_260 = arith.constant 0 : index
    %get3A_261 = arith.constant 0 : index
    %get3A_262 = vector.load %arg3[%get3A_259, %get3A_260, %get3A_261] : memref<8x512x256xf32, #tpu.memory_space<vmem>>, vector<1x512x256xf32>
    %get3A_263 = vector.shape_cast %get3A_262 : vector<1x512x256xf32> to vector<512x256xf32>
    %dot_general3A_264 = arith.constant dense<0.000000e+00> : vector<512x256xf32>
    %dot_general3A_265 = tpu.matmul %mul3A_235, %get3A_263, %dot_general3A_264 {dimension_numbers = #tpu.dot_dimension_numbers<[0], [0], [1], [1], [0, 1, 1, 1], [], []>, transpose_lhs_hint = false} : vector<512x512xf32>, vector<512x256xf32>, vector<512x256xf32> -> vector<512x256xf32>
    %add3A_266 = arith.addf %add3A_172, %dot_general3A_265 : vector<512x256xf32>
    %get3A_267 = arith.constant 2 : index
    %get3A_268 = arith.constant 0 : index
    %get3A_269 = arith.constant 0 : index
    %get3A_270 = vector.load %arg4[%get3A_267, %get3A_268, %get3A_269] : memref<8x512x256xf32, #tpu.memory_space<vmem>>, vector<1x512x256xf32>
    %get3A_271 = vector.shape_cast %get3A_270 : vector<1x512x256xf32> to vector<512x256xf32>
    %dot_general3A_272 = arith.constant dense<0.000000e+00> : vector<512x256xf32>
    %dot_general3A_273 = tpu.matmul %mul3A_235, %get3A_271, %dot_general3A_272 {dimension_numbers = #tpu.dot_dimension_numbers<[0], [0], [1], [1], [0, 1, 1, 1], [], []>, transpose_lhs_hint = false} : vector<512x512xf32>, vector<512x256xf32>, vector<512x256xf32> -> vector<512x256xf32>
    %mul3A_274 = arith.mulf %dot_general3A_265, %dot_general3A_265 : vector<512x256xf32>
    %sub3A_275 = arith.subf %dot_general3A_273, %mul3A_274 : vector<512x256xf32>
    %reduce_sum3A_276 = vector.shape_cast %sub3A_275 : vector<512x256xf32> to vector<1x512x256xf32>
    %reduce_sum3A_277 = arith.constant dense<0.000000e+00> : vector<1xf32>
    %reduce_sum3A_278 = vector.multi_reduction <add>, %reduce_sum3A_276, %reduce_sum3A_277 [1, 2] : vector<1x512x256xf32> to vector<1xf32>
    %reduce_sum3A_279 = vector.shape_cast %reduce_sum3A_278 : vector<1xf32> to vector<1x1x1xf32>
    %reduce_sum3A_280 = vector.extract %reduce_sum3A_279[0, 0, 0] : f32 from vector<1x1x1xf32>
    %add3A_281 = arith.addf %add3A_187, %reduce_sum3A_280 : f32
    %slice3A_282 = vector.extract_strided_slice %get3A_7 {offsets = [3, 0, 0], sizes = [1, 512, 256], strides = [1, 1, 1]} : vector<8x512x256xf32> to vector<1x512x256xf32>
    %squeeze3A_283 = vector.shape_cast %slice3A_282 : vector<1x512x256xf32> to vector<512x256xf32>
    %sub3A_284 = arith.subf %reduce_sum3A_8, %squeeze3A_283 : vector<512x256xf32>
    %sub3A_285 = arith.subf %get3A_3, %sub3A_284 : vector<512x256xf32>
    %get3A_286 = arith.constant 3 : index
    %get3A_287 = arith.constant 0 : index
    %get3A_288 = arith.constant 0 : index
    %get3A_289 = vector.load %arg3[%get3A_286, %get3A_287, %get3A_288] : memref<8x512x256xf32, #tpu.memory_space<vmem>>, vector<1x512x256xf32>
    %get3A_290 = vector.shape_cast %get3A_289 : vector<1x512x256xf32> to vector<512x256xf32>
    %dot_general3A_291 = arith.constant dense<0.000000e+00> : vector<512x512xf32>
    %dot_general3A_292 = tpu.matmul %get3A_290, %sub3A_285, %dot_general3A_291 {dimension_numbers = #tpu.dot_dimension_numbers<[1], [1], [0], [0], [0, 0, 1, 0], [], []>, transpose_lhs_hint = false} : vector<512x256xf32>, vector<512x256xf32>, vector<512x512xf32> -> vector<512x512xf32>
    %get3A_293 = arith.constant 0 : index
    %get3A_294 = arith.constant 3 : index
    %get3A_295 = vector.load %arg5[%get3A_293, %get3A_294] : memref<512x8xf32, #tpu.memory_space<vmem>>, vector<512x1xf32>
    %sub3A_296 = vector.broadcast %get3A_295 : vector<512x1xf32> to vector<512x512xf32>
    %sub3A_297 = arith.subf %dot_general3A_292, %sub3A_296 : vector<512x512xf32>
    %iota3A_298 = tpu.iota {dimensions = array<i32: 0>} : vector<512x512xi32>
    %reduce_max3A_299 = arith.constant dense<0xFF800000> : vector<512xf32>
    %reduce_max3A_300 = vector.multi_reduction <maximumf>, %sub3A_297, %reduce_max3A_299 [0] : vector<512x512xf32> to vector<512xf32>
    %broadcast_in_dim3A_301 = vector.shape_cast %reduce_max3A_300 : vector<512xf32> to vector<1x512xf32>
    %eq3A_302 = vector.broadcast %broadcast_in_dim3A_301 : vector<1x512xf32> to vector<512x512xf32>
    %eq3A_303 = arith.cmpf oeq, %sub3A_297, %eq3A_302 : vector<512x512xf32>
    %jit3A_304 = arith.constant 512 : i32
    %broadcast_in_dim3A_305 = vector.broadcast %jit3A_304 : i32 to vector<512x512xi32>
    %select_n3A_306 = arith.select %eq3A_303, %iota3A_298, %broadcast_in_dim3A_305 : vector<512x512xi1>, vector<512x512xi32>
    %reduce_min3A_307 = arith.constant dense<2147483647> : vector<512xi32>
    %reduce_min3A_308 = vector.multi_reduction <minsi>, %select_n3A_306, %reduce_min3A_307 [0] : vector<512x512xi32> to vector<512xi32>
    %swap3A_309 = arith.constant 3 : index
    %swap3A_310 = arith.constant 0 : index
    %swap3A_311 = vector.load %arg7[%swap3A_309, %swap3A_310] : memref<8x512xi32, #tpu.memory_space<vmem>>, vector<1x512xi32>
    %swap3A_312 = vector.shape_cast %swap3A_311 : vector<1x512xi32> to vector<512xi32>
    %swap3A_313 = vector.shape_cast %reduce_min3A_308 : vector<512xi32> to vector<1x512xi32>
    tpu.vector_store %arg7[%swap3A_309, %swap3A_310], %swap3A_313 {strides = array<i32>} : memref<8x512xi32, #tpu.memory_space<vmem>>, vector<1x512xi32>,
    %mul3A_314 = vector.broadcast %exp3A : f32 to vector<512x512xf32>
    %mul3A_315 = arith.mulf %sub3A_297, %mul3A_314 : vector<512x512xf32>
    %reduce_max3A_316 = arith.constant dense<0xFF800000> : vector<512xf32>
    %reduce_max3A_317 = vector.multi_reduction <maximumf>, %mul3A_315, %reduce_max3A_316 [0] : vector<512x512xf32> to vector<512xf32>
    %broadcast_in_dim3A_318 = vector.shape_cast %reduce_max3A_317 : vector<512xf32> to vector<1x512xf32>
    %sub3A_319 = vector.broadcast %broadcast_in_dim3A_318 : vector<1x512xf32> to vector<512x512xf32>
    %sub3A_320 = arith.subf %mul3A_315, %sub3A_319 : vector<512x512xf32>
    %exp3A_321 = math.exp %sub3A_320 : vector<512x512xf32>
    %reduce_sum3A_322 = arith.constant dense<0.000000e+00> : vector<512xf32>
    %reduce_sum3A_323 = vector.multi_reduction <add>, %exp3A_321, %reduce_sum3A_322 [0] : vector<512x512xf32> to vector<512xf32>
    %broadcast_in_dim3A_324 = vector.shape_cast %reduce_sum3A_323 : vector<512xf32> to vector<1x512xf32>
    %div3A_325 = arith.constant 1.000000e+00 : f32
    %div3A_326 = vector.broadcast %div3A_325 : f32 to vector<1x512xf32>
    %div3A_327 = arith.divf %div3A_326, %broadcast_in_dim3A_324 : vector<1x512xf32>
    %mul3A_328 = vector.broadcast %div3A_327 : vector<1x512xf32> to vector<512x512xf32>
    %mul3A_329 = arith.mulf %exp3A_321, %mul3A_328 : vector<512x512xf32>
    %log3A_330 = math.log %broadcast_in_dim3A_324 : vector<1x512xf32>
    %mul3A_331 = arith.mulf %exp3A_321, %sub3A_320 : vector<512x512xf32>
    %reduce_sum3A_332 = arith.constant dense<0.000000e+00> : vector<512xf32>
    %reduce_sum3A_333 = vector.multi_reduction <add>, %mul3A_331, %reduce_sum3A_332 [0] : vector<512x512xf32> to vector<512xf32>
    %broadcast_in_dim3A_334 = vector.shape_cast %reduce_sum3A_333 : vector<512xf32> to vector<1x512xf32>
    %mul3A_335 = arith.mulf %broadcast_in_dim3A_334, %div3A_327 : vector<1x512xf32>
    %sub3A_336 = arith.subf %log3A_330, %mul3A_335 : vector<1x512xf32>
    %reduce_sum3A_337 = vector.shape_cast %sub3A_336 : vector<1x512xf32> to vector<1x1x512xf32>
    %reduce_sum3A_338 = arith.constant dense<0.000000e+00> : vector<1xf32>
    %reduce_sum3A_339 = vector.multi_reduction <add>, %reduce_sum3A_337, %reduce_sum3A_338 [1, 2] : vector<1x1x512xf32> to vector<1xf32>
    %reduce_sum3A_340 = vector.shape_cast %reduce_sum3A_339 : vector<1xf32> to vector<1x1x1xf32>
    %reduce_sum3A_341 = vector.extract %reduce_sum3A_340[0, 0, 0] : f32 from vector<1x1x1xf32>
    %add3A_342 = arith.addf %add3A_248, %reduce_sum3A_341 : f32
    %get3A_343 = arith.constant 0 : index
    %get3A_344 = arith.constant 3 : index
    %get3A_345 = vector.load %arg8[%get3A_343, %get3A_344] : memref<512x8xf32, #tpu.memory_space<vmem>>, vector<512x1xf32>
    %reduce_sum3A_346 = arith.constant dense<0.000000e+00> : vector<512xf32>
    %reduce_sum3A_347 = vector.multi_reduction <add>, %mul3A_329, %reduce_sum3A_346 [1] : vector<512x512xf32> to vector<512xf32>
    %broadcast_in_dim3A_348 = vector.shape_cast %reduce_sum3A_347 : vector<512xf32> to vector<512x1xf32>
    %add3A_349 = arith.addf %get3A_345, %broadcast_in_dim3A_348 : vector<512x1xf32>
    %swap3A_350 = arith.constant 0 : index
    %swap3A_351 = arith.constant 3 : index
    %swap3A_352 = vector.load %arg8[%swap3A_350, %swap3A_351] : memref<512x8xf32, #tpu.memory_space<vmem>>, vector<512x1xf32>
    tpu.vector_store %arg8[%swap3A_350, %swap3A_351], %add3A_349 {strides = array<i32>} : memref<512x8xf32, #tpu.memory_space<vmem>>, vector<512x1xf32>,
    %get3A_353 = arith.constant 3 : index
    %get3A_354 = arith.constant 0 : index
    %get3A_355 = arith.constant 0 : index
    %get3A_356 = vector.load %arg3[%get3A_353, %get3A_354, %get3A_355] : memref<8x512x256xf32, #tpu.memory_space<vmem>>, vector<1x512x256xf32>
    %get3A_357 = vector.shape_cast %get3A_356 : vector<1x512x256xf32> to vector<512x256xf32>
    %dot_general3A_358 = arith.constant dense<0.000000e+00> : vector<512x256xf32>
    %dot_general3A_359 = tpu.matmul %mul3A_329, %get3A_357, %dot_general3A_358 {dimension_numbers = #tpu.dot_dimension_numbers<[0], [0], [1], [1], [0, 1, 1, 1], [], []>, transpose_lhs_hint = false} : vector<512x512xf32>, vector<512x256xf32>, vector<512x256xf32> -> vector<512x256xf32>
    %add3A_360 = arith.addf %add3A_266, %dot_general3A_359 : vector<512x256xf32>
    %get3A_361 = arith.constant 3 : index
    %get3A_362 = arith.constant 0 : index
    %get3A_363 = arith.constant 0 : index
    %get3A_364 = vector.load %arg4[%get3A_361, %get3A_362, %get3A_363] : memref<8x512x256xf32, #tpu.memory_space<vmem>>, vector<1x512x256xf32>
    %get3A_365 = vector.shape_cast %get3A_364 : vector<1x512x256xf32> to vector<512x256xf32>
    %dot_general3A_366 = arith.constant dense<0.000000e+00> : vector<512x256xf32>
    %dot_general3A_367 = tpu.matmul %mul3A_329, %get3A_365, %dot_general3A_366 {dimension_numbers = #tpu.dot_dimension_numbers<[0], [0], [1], [1], [0, 1, 1, 1], [], []>, transpose_lhs_hint = false} : vector<512x512xf32>, vector<512x256xf32>, vector<512x256xf32> -> vector<512x256xf32>
    %mul3A_368 = arith.mulf %dot_general3A_359, %dot_general3A_359 : vector<512x256xf32>
    %sub3A_369 = arith.subf %dot_general3A_367, %mul3A_368 : vector<512x256xf32>
    %reduce_sum3A_370 = vector.shape_cast %sub3A_369 : vector<512x256xf32> to vector<1x512x256xf32>
    %reduce_sum3A_371 = arith.constant dense<0.000000e+00> : vector<1xf32>
    %reduce_sum3A_372 = vector.multi_reduction <add>, %reduce_sum3A_370, %reduce_sum3A_371 [1, 2] : vector<1x512x256xf32> to vector<1xf32>
    %reduce_sum3A_373 = vector.shape_cast %reduce_sum3A_372 : vector<1xf32> to vector<1x1x1xf32>
    %reduce_sum3A_374 = vector.extract %reduce_sum3A_373[0, 0, 0] : f32 from vector<1x1x1xf32>
    %add3A_375 = arith.addf %add3A_281, %reduce_sum3A_374 : f32
    %slice3A_376 = vector.extract_strided_slice %get3A_7 {offsets = [4, 0, 0], sizes = [1, 512, 256], strides = [1, 1, 1]} : vector<8x512x256xf32> to vector<1x512x256xf32>
    %squeeze3A_377 = vector.shape_cast %slice3A_376 : vector<1x512x256xf32> to vector<512x256xf32>
    %sub3A_378 = arith.subf %reduce_sum3A_8, %squeeze3A_377 : vector<512x256xf32>
    %sub3A_379 = arith.subf %get3A_3, %sub3A_378 : vector<512x256xf32>
    %get3A_380 = arith.constant 4 : index
    %get3A_381 = arith.constant 0 : index
    %get3A_382 = arith.constant 0 : index
    %get3A_383 = vector.load %arg3[%get3A_380, %get3A_381, %get3A_382] : memref<8x512x256xf32, #tpu.memory_space<vmem>>, vector<1x512x256xf32>
    %get3A_384 = vector.shape_cast %get3A_383 : vector<1x512x256xf32> to vector<512x256xf32>
    %dot_general3A_385 = arith.constant dense<0.000000e+00> : vector<512x512xf32>
    %dot_general3A_386 = tpu.matmul %get3A_384, %sub3A_379, %dot_general3A_385 {dimension_numbers = #tpu.dot_dimension_numbers<[1], [1], [0], [0], [0, 0, 1, 0], [], []>, transpose_lhs_hint = false} : vector<512x256xf32>, vector<512x256xf32>, vector<512x512xf32> -> vector<512x512xf32>
    %get3A_387 = arith.constant 0 : index
    %get3A_388 = arith.constant 4 : index
    %get3A_389 = vector.load %arg5[%get3A_387, %get3A_388] : memref<512x8xf32, #tpu.memory_space<vmem>>, vector<512x1xf32>
    %sub3A_390 = vector.broadcast %get3A_389 : vector<512x1xf32> to vector<512x512xf32>
    %sub3A_391 = arith.subf %dot_general3A_386, %sub3A_390 : vector<512x512xf32>
    %iota3A_392 = tpu.iota {dimensions = array<i32: 0>} : vector<512x512xi32>
    %reduce_max3A_393 = arith.constant dense<0xFF800000> : vector<512xf32>
    %reduce_max3A_394 = vector.multi_reduction <maximumf>, %sub3A_391, %reduce_max3A_393 [0] : vector<512x512xf32> to vector<512xf32>
    %broadcast_in_dim3A_395 = vector.shape_cast %reduce_max3A_394 : vector<512xf32> to vector<1x512xf32>
    %eq3A_396 = vector.broadcast %broadcast_in_dim3A_395 : vector<1x512xf32> to vector<512x512xf32>
    %eq3A_397 = arith.cmpf oeq, %sub3A_391, %eq3A_396 : vector<512x512xf32>
    %jit3A_398 = arith.constant 512 : i32
    %broadcast_in_dim3A_399 = vector.broadcast %jit3A_398 : i32 to vector<512x512xi32>
    %select_n3A_400 = arith.select %eq3A_397, %iota3A_392, %broadcast_in_dim3A_399 : vector<512x512xi1>, vector<512x512xi32>
    %reduce_min3A_401 = arith.constant dense<2147483647> : vector<512xi32>
    %reduce_min3A_402 = vector.multi_reduction <minsi>, %select_n3A_400, %reduce_min3A_401 [0] : vector<512x512xi32> to vector<512xi32>
    %swap3A_403 = arith.constant 4 : index
    %swap3A_404 = arith.constant 0 : index
    %swap3A_405 = vector.load %arg7[%swap3A_403, %swap3A_404] : memref<8x512xi32, #tpu.memory_space<vmem>>, vector<1x512xi32>
    %swap3A_406 = vector.shape_cast %swap3A_405 : vector<1x512xi32> to vector<512xi32>
    %swap3A_407 = vector.shape_cast %reduce_min3A_402 : vector<512xi32> to vector<1x512xi32>
    tpu.vector_store %arg7[%swap3A_403, %swap3A_404], %swap3A_407 {strides = array<i32>} : memref<8x512xi32, #tpu.memory_space<vmem>>, vector<1x512xi32>,
    %mul3A_408 = vector.broadcast %exp3A : f32 to vector<512x512xf32>
    %mul3A_409 = arith.mulf %sub3A_391, %mul3A_408 : vector<512x512xf32>
    %reduce_max3A_410 = arith.constant dense<0xFF800000> : vector<512xf32>
    %reduce_max3A_411 = vector.multi_reduction <maximumf>, %mul3A_409, %reduce_max3A_410 [0] : vector<512x512xf32> to vector<512xf32>
    %broadcast_in_dim3A_412 = vector.shape_cast %reduce_max3A_411 : vector<512xf32> to vector<1x512xf32>
    %sub3A_413 = vector.broadcast %broadcast_in_dim3A_412 : vector<1x512xf32> to vector<512x512xf32>
    %sub3A_414 = arith.subf %mul3A_409, %sub3A_413 : vector<512x512xf32>
    %exp3A_415 = math.exp %sub3A_414 : vector<512x512xf32>
    %reduce_sum3A_416 = arith.constant dense<0.000000e+00> : vector<512xf32>
    %reduce_sum3A_417 = vector.multi_reduction <add>, %exp3A_415, %reduce_sum3A_416 [0] : vector<512x512xf32> to vector<512xf32>
    %broadcast_in_dim3A_418 = vector.shape_cast %reduce_sum3A_417 : vector<512xf32> to vector<1x512xf32>
    %div3A_419 = arith.constant 1.000000e+00 : f32
    %div3A_420 = vector.broadcast %div3A_419 : f32 to vector<1x512xf32>
    %div3A_421 = arith.divf %div3A_420, %broadcast_in_dim3A_418 : vector<1x512xf32>
    %mul3A_422 = vector.broadcast %div3A_421 : vector<1x512xf32> to vector<512x512xf32>
    %mul3A_423 = arith.mulf %exp3A_415, %mul3A_422 : vector<512x512xf32>
    %log3A_424 = math.log %broadcast_in_dim3A_418 : vector<1x512xf32>
    %mul3A_425 = arith.mulf %exp3A_415, %sub3A_414 : vector<512x512xf32>
    %reduce_sum3A_426 = arith.constant dense<0.000000e+00> : vector<512xf32>
    %reduce_sum3A_427 = vector.multi_reduction <add>, %mul3A_425, %reduce_sum3A_426 [0] : vector<512x512xf32> to vector<512xf32>
    %broadcast_in_dim3A_428 = vector.shape_cast %reduce_sum3A_427 : vector<512xf32> to vector<1x512xf32>
    %mul3A_429 = arith.mulf %broadcast_in_dim3A_428, %div3A_421 : vector<1x512xf32>
    %sub3A_430 = arith.subf %log3A_424, %mul3A_429 : vector<1x512xf32>
    %reduce_sum3A_431 = vector.shape_cast %sub3A_430 : vector<1x512xf32> to vector<1x1x512xf32>
    %reduce_sum3A_432 = arith.constant dense<0.000000e+00> : vector<1xf32>
    %reduce_sum3A_433 = vector.multi_reduction <add>, %reduce_sum3A_431, %reduce_sum3A_432 [1, 2] : vector<1x1x512xf32> to vector<1xf32>
    %reduce_sum3A_434 = vector.shape_cast %reduce_sum3A_433 : vector<1xf32> to vector<1x1x1xf32>
    %reduce_sum3A_435 = vector.extract %reduce_sum3A_434[0, 0, 0] : f32 from vector<1x1x1xf32>
    %add3A_436 = arith.addf %add3A_342, %reduce_sum3A_435 : f32
    %get3A_437 = arith.constant 0 : index
    %get3A_438 = arith.constant 4 : index
    %get3A_439 = vector.load %arg8[%get3A_437, %get3A_438] : memref<512x8xf32, #tpu.memory_space<vmem>>, vector<512x1xf32>
    %reduce_sum3A_440 = arith.constant dense<0.000000e+00> : vector<512xf32>
    %reduce_sum3A_441 = vector.multi_reduction <add>, %mul3A_423, %reduce_sum3A_440 [1] : vector<512x512xf32> to vector<512xf32>
    %broadcast_in_dim3A_442 = vector.shape_cast %reduce_sum3A_441 : vector<512xf32> to vector<512x1xf32>
    %add3A_443 = arith.addf %get3A_439, %broadcast_in_dim3A_442 : vector<512x1xf32>
    %swap3A_444 = arith.constant 0 : index
    %swap3A_445 = arith.constant 4 : index
    %swap3A_446 = vector.load %arg8[%swap3A_444, %swap3A_445] : memref<512x8xf32, #tpu.memory_space<vmem>>, vector<512x1xf32>
    tpu.vector_store %arg8[%swap3A_444, %swap3A_445], %add3A_443 {strides = array<i32>} : memref<512x8xf32, #tpu.memory_space<vmem>>, vector<512x1xf32>,
    %get3A_447 = arith.constant 4 : index
    %get3A_448 = arith.constant 0 : index
    %get3A_449 = arith.constant 0 : index
    %get3A_450 = vector.load %arg3[%get3A_447, %get3A_448, %get3A_449] : memref<8x512x256xf32, #tpu.memory_space<vmem>>, vector<1x512x256xf32>
    %get3A_451 = vector.shape_cast %get3A_450 : vector<1x512x256xf32> to vector<512x256xf32>
    %dot_general3A_452 = arith.constant dense<0.000000e+00> : vector<512x256xf32>
    %dot_general3A_453 = tpu.matmul %mul3A_423, %get3A_451, %dot_general3A_452 {dimension_numbers = #tpu.dot_dimension_numbers<[0], [0], [1], [1], [0, 1, 1, 1], [], []>, transpose_lhs_hint = false} : vector<512x512xf32>, vector<512x256xf32>, vector<512x256xf32> -> vector<512x256xf32>
    %add3A_454 = arith.addf %add3A_360, %dot_general3A_453 : vector<512x256xf32>
    %get3A_455 = arith.constant 4 : index
    %get3A_456 = arith.constant 0 : index
    %get3A_457 = arith.constant 0 : index
    %get3A_458 = vector.load %arg4[%get3A_455, %get3A_456, %get3A_457] : memref<8x512x256xf32, #tpu.memory_space<vmem>>, vector<1x512x256xf32>
    %get3A_459 = vector.shape_cast %get3A_458 : vector<1x512x256xf32> to vector<512x256xf32>
    %dot_general3A_460 = arith.constant dense<0.000000e+00> : vector<512x256xf32>
    %dot_general3A_461 = tpu.matmul %mul3A_423, %get3A_459, %dot_general3A_460 {dimension_numbers = #tpu.dot_dimension_numbers<[0], [0], [1], [1], [0, 1, 1, 1], [], []>, transpose_lhs_hint = false} : vector<512x512xf32>, vector<512x256xf32>, vector<512x256xf32> -> vector<512x256xf32>
    %mul3A_462 = arith.mulf %dot_general3A_453, %dot_general3A_453 : vector<512x256xf32>
    %sub3A_463 = arith.subf %dot_general3A_461, %mul3A_462 : vector<512x256xf32>
    %reduce_sum3A_464 = vector.shape_cast %sub3A_463 : vector<512x256xf32> to vector<1x512x256xf32>
    %reduce_sum3A_465 = arith.constant dense<0.000000e+00> : vector<1xf32>
    %reduce_sum3A_466 = vector.multi_reduction <add>, %reduce_sum3A_464, %reduce_sum3A_465 [1, 2] : vector<1x512x256xf32> to vector<1xf32>
    %reduce_sum3A_467 = vector.shape_cast %reduce_sum3A_466 : vector<1xf32> to vector<1x1x1xf32>
    %reduce_sum3A_468 = vector.extract %reduce_sum3A_467[0, 0, 0] : f32 from vector<1x1x1xf32>
    %add3A_469 = arith.addf %add3A_375, %reduce_sum3A_468 : f32
    %slice3A_470 = vector.extract_strided_slice %get3A_7 {offsets = [5, 0, 0], sizes = [1, 512, 256], strides = [1, 1, 1]} : vector<8x512x256xf32> to vector<1x512x256xf32>
    %squeeze3A_471 = vector.shape_cast %slice3A_470 : vector<1x512x256xf32> to vector<512x256xf32>
    %sub3A_472 = arith.subf %reduce_sum3A_8, %squeeze3A_471 : vector<512x256xf32>
    %sub3A_473 = arith.subf %get3A_3, %sub3A_472 : vector<512x256xf32>
    %get3A_474 = arith.constant 5 : index
    %get3A_475 = arith.constant 0 : index
    %get3A_476 = arith.constant 0 : index
    %get3A_477 = vector.load %arg3[%get3A_474, %get3A_475, %get3A_476] : memref<8x512x256xf32, #tpu.memory_space<vmem>>, vector<1x512x256xf32>
    %get3A_478 = vector.shape_cast %get3A_477 : vector<1x512x256xf32> to vector<512x256xf32>
    %dot_general3A_479 = arith.constant dense<0.000000e+00> : vector<512x512xf32>
    %dot_general3A_480 = tpu.matmul %get3A_478, %sub3A_473, %dot_general3A_479 {dimension_numbers = #tpu.dot_dimension_numbers<[1], [1], [0], [0], [0, 0, 1, 0], [], []>, transpose_lhs_hint = false} : vector<512x256xf32>, vector<512x256xf32>, vector<512x512xf32> -> vector<512x512xf32>
    %get3A_481 = arith.constant 0 : index
    %get3A_482 = arith.constant 5 : index
    %get3A_483 = vector.load %arg5[%get3A_481, %get3A_482] : memref<512x8xf32, #tpu.memory_space<vmem>>, vector<512x1xf32>
    %sub3A_484 = vector.broadcast %get3A_483 : vector<512x1xf32> to vector<512x512xf32>
    %sub3A_485 = arith.subf %dot_general3A_480, %sub3A_484 : vector<512x512xf32>
    %iota3A_486 = tpu.iota {dimensions = array<i32: 0>} : vector<512x512xi32>
    %reduce_max3A_487 = arith.constant dense<0xFF800000> : vector<512xf32>
    %reduce_max3A_488 = vector.multi_reduction <maximumf>, %sub3A_485, %reduce_max3A_487 [0] : vector<512x512xf32> to vector<512xf32>
    %broadcast_in_dim3A_489 = vector.shape_cast %reduce_max3A_488 : vector<512xf32> to vector<1x512xf32>
    %eq3A_490 = vector.broadcast %broadcast_in_dim3A_489 : vector<1x512xf32> to vector<512x512xf32>
    %eq3A_491 = arith.cmpf oeq, %sub3A_485, %eq3A_490 : vector<512x512xf32>
    %jit3A_492 = arith.constant 512 : i32
    %broadcast_in_dim3A_493 = vector.broadcast %jit3A_492 : i32 to vector<512x512xi32>
    %select_n3A_494 = arith.select %eq3A_491, %iota3A_486, %broadcast_in_dim3A_493 : vector<512x512xi1>, vector<512x512xi32>
    %reduce_min3A_495 = arith.constant dense<2147483647> : vector<512xi32>
    %reduce_min3A_496 = vector.multi_reduction <minsi>, %select_n3A_494, %reduce_min3A_495 [0] : vector<512x512xi32> to vector<512xi32>
    %swap3A_497 = arith.constant 5 : index
    %swap3A_498 = arith.constant 0 : index
    %swap3A_499 = vector.load %arg7[%swap3A_497, %swap3A_498] : memref<8x512xi32, #tpu.memory_space<vmem>>, vector<1x512xi32>
    %swap3A_500 = vector.shape_cast %swap3A_499 : vector<1x512xi32> to vector<512xi32>
    %swap3A_501 = vector.shape_cast %reduce_min3A_496 : vector<512xi32> to vector<1x512xi32>
    tpu.vector_store %arg7[%swap3A_497, %swap3A_498], %swap3A_501 {strides = array<i32>} : memref<8x512xi32, #tpu.memory_space<vmem>>, vector<1x512xi32>,
    %mul3A_502 = vector.broadcast %exp3A : f32 to vector<512x512xf32>
    %mul3A_503 = arith.mulf %sub3A_485, %mul3A_502 : vector<512x512xf32>
    %reduce_max3A_504 = arith.constant dense<0xFF800000> : vector<512xf32>
    %reduce_max3A_505 = vector.multi_reduction <maximumf>, %mul3A_503, %reduce_max3A_504 [0] : vector<512x512xf32> to vector<512xf32>
    %broadcast_in_dim3A_506 = vector.shape_cast %reduce_max3A_505 : vector<512xf32> to vector<1x512xf32>
    %sub3A_507 = vector.broadcast %broadcast_in_dim3A_506 : vector<1x512xf32> to vector<512x512xf32>
    %sub3A_508 = arith.subf %mul3A_503, %sub3A_507 : vector<512x512xf32>
    %exp3A_509 = math.exp %sub3A_508 : vector<512x512xf32>
    %reduce_sum3A_510 = arith.constant dense<0.000000e+00> : vector<512xf32>
    %reduce_sum3A_511 = vector.multi_reduction <add>, %exp3A_509, %reduce_sum3A_510 [0] : vector<512x512xf32> to vector<512xf32>
    %broadcast_in_dim3A_512 = vector.shape_cast %reduce_sum3A_511 : vector<512xf32> to vector<1x512xf32>
    %div3A_513 = arith.constant 1.000000e+00 : f32
    %div3A_514 = vector.broadcast %div3A_513 : f32 to vector<1x512xf32>
    %div3A_515 = arith.divf %div3A_514, %broadcast_in_dim3A_512 : vector<1x512xf32>
    %mul3A_516 = vector.broadcast %div3A_515 : vector<1x512xf32> to vector<512x512xf32>
    %mul3A_517 = arith.mulf %exp3A_509, %mul3A_516 : vector<512x512xf32>
    %log3A_518 = math.log %broadcast_in_dim3A_512 : vector<1x512xf32>
    %mul3A_519 = arith.mulf %exp3A_509, %sub3A_508 : vector<512x512xf32>
    %reduce_sum3A_520 = arith.constant dense<0.000000e+00> : vector<512xf32>
    %reduce_sum3A_521 = vector.multi_reduction <add>, %mul3A_519, %reduce_sum3A_520 [0] : vector<512x512xf32> to vector<512xf32>
    %broadcast_in_dim3A_522 = vector.shape_cast %reduce_sum3A_521 : vector<512xf32> to vector<1x512xf32>
    %mul3A_523 = arith.mulf %broadcast_in_dim3A_522, %div3A_515 : vector<1x512xf32>
    %sub3A_524 = arith.subf %log3A_518, %mul3A_523 : vector<1x512xf32>
    %reduce_sum3A_525 = vector.shape_cast %sub3A_524 : vector<1x512xf32> to vector<1x1x512xf32>
    %reduce_sum3A_526 = arith.constant dense<0.000000e+00> : vector<1xf32>
    %reduce_sum3A_527 = vector.multi_reduction <add>, %reduce_sum3A_525, %reduce_sum3A_526 [1, 2] : vector<1x1x512xf32> to vector<1xf32>
    %reduce_sum3A_528 = vector.shape_cast %reduce_sum3A_527 : vector<1xf32> to vector<1x1x1xf32>
    %reduce_sum3A_529 = vector.extract %reduce_sum3A_528[0, 0, 0] : f32 from vector<1x1x1xf32>
    %add3A_530 = arith.addf %add3A_436, %reduce_sum3A_529 : f32
    %get3A_531 = arith.constant 0 : index
    %get3A_532 = arith.constant 5 : index
    %get3A_533 = vector.load %arg8[%get3A_531, %get3A_532] : memref<512x8xf32, #tpu.memory_space<vmem>>, vector<512x1xf32>
    %reduce_sum3A_534 = arith.constant dense<0.000000e+00> : vector<512xf32>
    %reduce_sum3A_535 = vector.multi_reduction <add>, %mul3A_517, %reduce_sum3A_534 [1] : vector<512x512xf32> to vector<512xf32>
    %broadcast_in_dim3A_536 = vector.shape_cast %reduce_sum3A_535 : vector<512xf32> to vector<512x1xf32>
    %add3A_537 = arith.addf %get3A_533, %broadcast_in_dim3A_536 : vector<512x1xf32>
    %swap3A_538 = arith.constant 0 : index
    %swap3A_539 = arith.constant 5 : index
    %swap3A_540 = vector.load %arg8[%swap3A_538, %swap3A_539] : memref<512x8xf32, #tpu.memory_space<vmem>>, vector<512x1xf32>
    tpu.vector_store %arg8[%swap3A_538, %swap3A_539], %add3A_537 {strides = array<i32>} : memref<512x8xf32, #tpu.memory_space<vmem>>, vector<512x1xf32>,
    %get3A_541 = arith.constant 5 : index
    %get3A_542 = arith.constant 0 : index
    %get3A_543 = arith.constant 0 : index
    %get3A_544 = vector.load %arg3[%get3A_541, %get3A_542, %get3A_543] : memref<8x512x256xf32, #tpu.memory_space<vmem>>, vector<1x512x256xf32>
    %get3A_545 = vector.shape_cast %get3A_544 : vector<1x512x256xf32> to vector<512x256xf32>
    %dot_general3A_546 = arith.constant dense<0.000000e+00> : vector<512x256xf32>
    %dot_general3A_547 = tpu.matmul %mul3A_517, %get3A_545, %dot_general3A_546 {dimension_numbers = #tpu.dot_dimension_numbers<[0], [0], [1], [1], [0, 1, 1, 1], [], []>, transpose_lhs_hint = false} : vector<512x512xf32>, vector<512x256xf32>, vector<512x256xf32> -> vector<512x256xf32>
    %add3A_548 = arith.addf %add3A_454, %dot_general3A_547 : vector<512x256xf32>
    %get3A_549 = arith.constant 5 : index
    %get3A_550 = arith.constant 0 : index
    %get3A_551 = arith.constant 0 : index
    %get3A_552 = vector.load %arg4[%get3A_549, %get3A_550, %get3A_551] : memref<8x512x256xf32, #tpu.memory_space<vmem>>, vector<1x512x256xf32>
    %get3A_553 = vector.shape_cast %get3A_552 : vector<1x512x256xf32> to vector<512x256xf32>
    %dot_general3A_554 = arith.constant dense<0.000000e+00> : vector<512x256xf32>
    %dot_general3A_555 = tpu.matmul %mul3A_517, %get3A_553, %dot_general3A_554 {dimension_numbers = #tpu.dot_dimension_numbers<[0], [0], [1], [1], [0, 1, 1, 1], [], []>, transpose_lhs_hint = false} : vector<512x512xf32>, vector<512x256xf32>, vector<512x256xf32> -> vector<512x256xf32>
    %mul3A_556 = arith.mulf %dot_general3A_547, %dot_general3A_547 : vector<512x256xf32>
    %sub3A_557 = arith.subf %dot_general3A_555, %mul3A_556 : vector<512x256xf32>
    %reduce_sum3A_558 = vector.shape_cast %sub3A_557 : vector<512x256xf32> to vector<1x512x256xf32>
    %reduce_sum3A_559 = arith.constant dense<0.000000e+00> : vector<1xf32>
    %reduce_sum3A_560 = vector.multi_reduction <add>, %reduce_sum3A_558, %reduce_sum3A_559 [1, 2] : vector<1x512x256xf32> to vector<1xf32>
    %reduce_sum3A_561 = vector.shape_cast %reduce_sum3A_560 : vector<1xf32> to vector<1x1x1xf32>
    %reduce_sum3A_562 = vector.extract %reduce_sum3A_561[0, 0, 0] : f32 from vector<1x1x1xf32>
    %add3A_563 = arith.addf %add3A_469, %reduce_sum3A_562 : f32
    %slice3A_564 = vector.extract_strided_slice %get3A_7 {offsets = [6, 0, 0], sizes = [1, 512, 256], strides = [1, 1, 1]} : vector<8x512x256xf32> to vector<1x512x256xf32>
    %squeeze3A_565 = vector.shape_cast %slice3A_564 : vector<1x512x256xf32> to vector<512x256xf32>
    %sub3A_566 = arith.subf %reduce_sum3A_8, %squeeze3A_565 : vector<512x256xf32>
    %sub3A_567 = arith.subf %get3A_3, %sub3A_566 : vector<512x256xf32>
    %get3A_568 = arith.constant 6 : index
    %get3A_569 = arith.constant 0 : index
    %get3A_570 = arith.constant 0 : index
    %get3A_571 = vector.load %arg3[%get3A_568, %get3A_569, %get3A_570] : memref<8x512x256xf32, #tpu.memory_space<vmem>>, vector<1x512x256xf32>
    %get3A_572 = vector.shape_cast %get3A_571 : vector<1x512x256xf32> to vector<512x256xf32>
    %dot_general3A_573 = arith.constant dense<0.000000e+00> : vector<512x512xf32>
    %dot_general3A_574 = tpu.matmul %get3A_572, %sub3A_567, %dot_general3A_573 {dimension_numbers = #tpu.dot_dimension_numbers<[1], [1], [0], [0], [0, 0, 1, 0], [], []>, transpose_lhs_hint = false} : vector<512x256xf32>, vector<512x256xf32>, vector<512x512xf32> -> vector<512x512xf32>
    %get3A_575 = arith.constant 0 : index
    %get3A_576 = arith.constant 6 : index
    %get3A_577 = vector.load %arg5[%get3A_575, %get3A_576] : memref<512x8xf32, #tpu.memory_space<vmem>>, vector<512x1xf32>
    %sub3A_578 = vector.broadcast %get3A_577 : vector<512x1xf32> to vector<512x512xf32>
    %sub3A_579 = arith.subf %dot_general3A_574, %sub3A_578 : vector<512x512xf32>
    %iota3A_580 = tpu.iota {dimensions = array<i32: 0>} : vector<512x512xi32>
    %reduce_max3A_581 = arith.constant dense<0xFF800000> : vector<512xf32>
    %reduce_max3A_582 = vector.multi_reduction <maximumf>, %sub3A_579, %reduce_max3A_581 [0] : vector<512x512xf32> to vector<512xf32>
    %broadcast_in_dim3A_583 = vector.shape_cast %reduce_max3A_582 : vector<512xf32> to vector<1x512xf32>
    %eq3A_584 = vector.broadcast %broadcast_in_dim3A_583 : vector<1x512xf32> to vector<512x512xf32>
    %eq3A_585 = arith.cmpf oeq, %sub3A_579, %eq3A_584 : vector<512x512xf32>
    %jit3A_586 = arith.constant 512 : i32
    %broadcast_in_dim3A_587 = vector.broadcast %jit3A_586 : i32 to vector<512x512xi32>
    %select_n3A_588 = arith.select %eq3A_585, %iota3A_580, %broadcast_in_dim3A_587 : vector<512x512xi1>, vector<512x512xi32>
    %reduce_min3A_589 = arith.constant dense<2147483647> : vector<512xi32>
    %reduce_min3A_590 = vector.multi_reduction <minsi>, %select_n3A_588, %reduce_min3A_589 [0] : vector<512x512xi32> to vector<512xi32>
    %swap3A_591 = arith.constant 6 : index
    %swap3A_592 = arith.constant 0 : index
    %swap3A_593 = vector.load %arg7[%swap3A_591, %swap3A_592] : memref<8x512xi32, #tpu.memory_space<vmem>>, vector<1x512xi32>
    %swap3A_594 = vector.shape_cast %swap3A_593 : vector<1x512xi32> to vector<512xi32>
    %swap3A_595 = vector.shape_cast %reduce_min3A_590 : vector<512xi32> to vector<1x512xi32>
    tpu.vector_store %arg7[%swap3A_591, %swap3A_592], %swap3A_595 {strides = array<i32>} : memref<8x512xi32, #tpu.memory_space<vmem>>, vector<1x512xi32>,
    %mul3A_596 = vector.broadcast %exp3A : f32 to vector<512x512xf32>
    %mul3A_597 = arith.mulf %sub3A_579, %mul3A_596 : vector<512x512xf32>
    %reduce_max3A_598 = arith.constant dense<0xFF800000> : vector<512xf32>
    %reduce_max3A_599 = vector.multi_reduction <maximumf>, %mul3A_597, %reduce_max3A_598 [0] : vector<512x512xf32> to vector<512xf32>
    %broadcast_in_dim3A_600 = vector.shape_cast %reduce_max3A_599 : vector<512xf32> to vector<1x512xf32>
    %sub3A_601 = vector.broadcast %broadcast_in_dim3A_600 : vector<1x512xf32> to vector<512x512xf32>
    %sub3A_602 = arith.subf %mul3A_597, %sub3A_601 : vector<512x512xf32>
    %exp3A_603 = math.exp %sub3A_602 : vector<512x512xf32>
    %reduce_sum3A_604 = arith.constant dense<0.000000e+00> : vector<512xf32>
    %reduce_sum3A_605 = vector.multi_reduction <add>, %exp3A_603, %reduce_sum3A_604 [0] : vector<512x512xf32> to vector<512xf32>
    %broadcast_in_dim3A_606 = vector.shape_cast %reduce_sum3A_605 : vector<512xf32> to vector<1x512xf32>
    %div3A_607 = arith.constant 1.000000e+00 : f32
    %div3A_608 = vector.broadcast %div3A_607 : f32 to vector<1x512xf32>
    %div3A_609 = arith.divf %div3A_608, %broadcast_in_dim3A_606 : vector<1x512xf32>
    %mul3A_610 = vector.broadcast %div3A_609 : vector<1x512xf32> to vector<512x512xf32>
    %mul3A_611 = arith.mulf %exp3A_603, %mul3A_610 : vector<512x512xf32>
    %log3A_612 = math.log %broadcast_in_dim3A_606 : vector<1x512xf32>
    %mul3A_613 = arith.mulf %exp3A_603, %sub3A_602 : vector<512x512xf32>
    %reduce_sum3A_614 = arith.constant dense<0.000000e+00> : vector<512xf32>
    %reduce_sum3A_615 = vector.multi_reduction <add>, %mul3A_613, %reduce_sum3A_614 [0] : vector<512x512xf32> to vector<512xf32>
    %broadcast_in_dim3A_616 = vector.shape_cast %reduce_sum3A_615 : vector<512xf32> to vector<1x512xf32>
    %mul3A_617 = arith.mulf %broadcast_in_dim3A_616, %div3A_609 : vector<1x512xf32>
    %sub3A_618 = arith.subf %log3A_612, %mul3A_617 : vector<1x512xf32>
    %reduce_sum3A_619 = vector.shape_cast %sub3A_618 : vector<1x512xf32> to vector<1x1x512xf32>
    %reduce_sum3A_620 = arith.constant dense<0.000000e+00> : vector<1xf32>
    %reduce_sum3A_621 = vector.multi_reduction <add>, %reduce_sum3A_619, %reduce_sum3A_620 [1, 2] : vector<1x1x512xf32> to vector<1xf32>
    %reduce_sum3A_622 = vector.shape_cast %reduce_sum3A_621 : vector<1xf32> to vector<1x1x1xf32>
    %reduce_sum3A_623 = vector.extract %reduce_sum3A_622[0, 0, 0] : f32 from vector<1x1x1xf32>
    %add3A_624 = arith.addf %add3A_530, %reduce_sum3A_623 : f32
    %get3A_625 = arith.constant 0 : index
    %get3A_626 = arith.constant 6 : index
    %get3A_627 = vector.load %arg8[%get3A_625, %get3A_626] : memref<512x8xf32, #tpu.memory_space<vmem>>, vector<512x1xf32>
    %reduce_sum3A_628 = arith.constant dense<0.000000e+00> : vector<512xf32>
    %reduce_sum3A_629 = vector.multi_reduction <add>, %mul3A_611, %reduce_sum3A_628 [1] : vector<512x512xf32> to vector<512xf32>
    %broadcast_in_dim3A_630 = vector.shape_cast %reduce_sum3A_629 : vector<512xf32> to vector<512x1xf32>
    %add3A_631 = arith.addf %get3A_627, %broadcast_in_dim3A_630 : vector<512x1xf32>
    %swap3A_632 = arith.constant 0 : index
    %swap3A_633 = arith.constant 6 : index
    %swap3A_634 = vector.load %arg8[%swap3A_632, %swap3A_633] : memref<512x8xf32, #tpu.memory_space<vmem>>, vector<512x1xf32>
    tpu.vector_store %arg8[%swap3A_632, %swap3A_633], %add3A_631 {strides = array<i32>} : memref<512x8xf32, #tpu.memory_space<vmem>>, vector<512x1xf32>,
    %get3A_635 = arith.constant 6 : index
    %get3A_636 = arith.constant 0 : index
    %get3A_637 = arith.constant 0 : index
    %get3A_638 = vector.load %arg3[%get3A_635, %get3A_636, %get3A_637] : memref<8x512x256xf32, #tpu.memory_space<vmem>>, vector<1x512x256xf32>
    %get3A_639 = vector.shape_cast %get3A_638 : vector<1x512x256xf32> to vector<512x256xf32>
    %dot_general3A_640 = arith.constant dense<0.000000e+00> : vector<512x256xf32>
    %dot_general3A_641 = tpu.matmul %mul3A_611, %get3A_639, %dot_general3A_640 {dimension_numbers = #tpu.dot_dimension_numbers<[0], [0], [1], [1], [0, 1, 1, 1], [], []>, transpose_lhs_hint = false} : vector<512x512xf32>, vector<512x256xf32>, vector<512x256xf32> -> vector<512x256xf32>
    %add3A_642 = arith.addf %add3A_548, %dot_general3A_641 : vector<512x256xf32>
    %get3A_643 = arith.constant 6 : index
    %get3A_644 = arith.constant 0 : index
    %get3A_645 = arith.constant 0 : index
    %get3A_646 = vector.load %arg4[%get3A_643, %get3A_644, %get3A_645] : memref<8x512x256xf32, #tpu.memory_space<vmem>>, vector<1x512x256xf32>
    %get3A_647 = vector.shape_cast %get3A_646 : vector<1x512x256xf32> to vector<512x256xf32>
    %dot_general3A_648 = arith.constant dense<0.000000e+00> : vector<512x256xf32>
    %dot_general3A_649 = tpu.matmul %mul3A_611, %get3A_647, %dot_general3A_648 {dimension_numbers = #tpu.dot_dimension_numbers<[0], [0], [1], [1], [0, 1, 1, 1], [], []>, transpose_lhs_hint = false} : vector<512x512xf32>, vector<512x256xf32>, vector<512x256xf32> -> vector<512x256xf32>
    %mul3A_650 = arith.mulf %dot_general3A_641, %dot_general3A_641 : vector<512x256xf32>
    %sub3A_651 = arith.subf %dot_general3A_649, %mul3A_650 : vector<512x256xf32>
    %reduce_sum3A_652 = vector.shape_cast %sub3A_651 : vector<512x256xf32> to vector<1x512x256xf32>
    %reduce_sum3A_653 = arith.constant dense<0.000000e+00> : vector<1xf32>
    %reduce_sum3A_654 = vector.multi_reduction <add>, %reduce_sum3A_652, %reduce_sum3A_653 [1, 2] : vector<1x512x256xf32> to vector<1xf32>
    %reduce_sum3A_655 = vector.shape_cast %reduce_sum3A_654 : vector<1xf32> to vector<1x1x1xf32>
    %reduce_sum3A_656 = vector.extract %reduce_sum3A_655[0, 0, 0] : f32 from vector<1x1x1xf32>
    %add3A_657 = arith.addf %add3A_563, %reduce_sum3A_656 : f32
    %slice3A_658 = vector.extract_strided_slice %get3A_7 {offsets = [7, 0, 0], sizes = [1, 512, 256], strides = [1, 1, 1]} : vector<8x512x256xf32> to vector<1x512x256xf32>
    %squeeze3A_659 = vector.shape_cast %slice3A_658 : vector<1x512x256xf32> to vector<512x256xf32>
    %sub3A_660 = arith.subf %reduce_sum3A_8, %squeeze3A_659 : vector<512x256xf32>
    %sub3A_661 = arith.subf %get3A_3, %sub3A_660 : vector<512x256xf32>
    %get3A_662 = arith.constant 7 : index
    %get3A_663 = arith.constant 0 : index
    %get3A_664 = arith.constant 0 : index
    %get3A_665 = vector.load %arg3[%get3A_662, %get3A_663, %get3A_664] : memref<8x512x256xf32, #tpu.memory_space<vmem>>, vector<1x512x256xf32>
    %get3A_666 = vector.shape_cast %get3A_665 : vector<1x512x256xf32> to vector<512x256xf32>
    %dot_general3A_667 = arith.constant dense<0.000000e+00> : vector<512x512xf32>
    %dot_general3A_668 = tpu.matmul %get3A_666, %sub3A_661, %dot_general3A_667 {dimension_numbers = #tpu.dot_dimension_numbers<[1], [1], [0], [0], [0, 0, 1, 0], [], []>, transpose_lhs_hint = false} : vector<512x256xf32>, vector<512x256xf32>, vector<512x512xf32> -> vector<512x512xf32>
    %get3A_669 = arith.constant 0 : index
    %get3A_670 = arith.constant 7 : index
    %get3A_671 = vector.load %arg5[%get3A_669, %get3A_670] : memref<512x8xf32, #tpu.memory_space<vmem>>, vector<512x1xf32>
    %sub3A_672 = vector.broadcast %get3A_671 : vector<512x1xf32> to vector<512x512xf32>
    %sub3A_673 = arith.subf %dot_general3A_668, %sub3A_672 : vector<512x512xf32>
    %iota3A_674 = tpu.iota {dimensions = array<i32: 0>} : vector<512x512xi32>
    %reduce_max3A_675 = arith.constant dense<0xFF800000> : vector<512xf32>
    %reduce_max3A_676 = vector.multi_reduction <maximumf>, %sub3A_673, %reduce_max3A_675 [0] : vector<512x512xf32> to vector<512xf32>
    %broadcast_in_dim3A_677 = vector.shape_cast %reduce_max3A_676 : vector<512xf32> to vector<1x512xf32>
    %eq3A_678 = vector.broadcast %broadcast_in_dim3A_677 : vector<1x512xf32> to vector<512x512xf32>
    %eq3A_679 = arith.cmpf oeq, %sub3A_673, %eq3A_678 : vector<512x512xf32>
    %jit3A_680 = arith.constant 512 : i32
    %broadcast_in_dim3A_681 = vector.broadcast %jit3A_680 : i32 to vector<512x512xi32>
    %select_n3A_682 = arith.select %eq3A_679, %iota3A_674, %broadcast_in_dim3A_681 : vector<512x512xi1>, vector<512x512xi32>
    %reduce_min3A_683 = arith.constant dense<2147483647> : vector<512xi32>
    %reduce_min3A_684 = vector.multi_reduction <minsi>, %select_n3A_682, %reduce_min3A_683 [0] : vector<512x512xi32> to vector<512xi32>
    %swap3A_685 = arith.constant 7 : index
    %swap3A_686 = arith.constant 0 : index
    %swap3A_687 = vector.load %arg7[%swap3A_685, %swap3A_686] : memref<8x512xi32, #tpu.memory_space<vmem>>, vector<1x512xi32>
    %swap3A_688 = vector.shape_cast %swap3A_687 : vector<1x512xi32> to vector<512xi32>
    %swap3A_689 = vector.shape_cast %reduce_min3A_684 : vector<512xi32> to vector<1x512xi32>
    tpu.vector_store %arg7[%swap3A_685, %swap3A_686], %swap3A_689 {strides = array<i32>} : memref<8x512xi32, #tpu.memory_space<vmem>>, vector<1x512xi32>,
    %mul3A_690 = vector.broadcast %exp3A : f32 to vector<512x512xf32>
    %mul3A_691 = arith.mulf %sub3A_673, %mul3A_690 : vector<512x512xf32>
    %reduce_max3A_692 = arith.constant dense<0xFF800000> : vector<512xf32>
    %reduce_max3A_693 = vector.multi_reduction <maximumf>, %mul3A_691, %reduce_max3A_692 [0] : vector<512x512xf32> to vector<512xf32>
    %broadcast_in_dim3A_694 = vector.shape_cast %reduce_max3A_693 : vector<512xf32> to vector<1x512xf32>
    %sub3A_695 = vector.broadcast %broadcast_in_dim3A_694 : vector<1x512xf32> to vector<512x512xf32>
    %sub3A_696 = arith.subf %mul3A_691, %sub3A_695 : vector<512x512xf32>
    %exp3A_697 = math.exp %sub3A_696 : vector<512x512xf32>
    %reduce_sum3A_698 = arith.constant dense<0.000000e+00> : vector<512xf32>
    %reduce_sum3A_699 = vector.multi_reduction <add>, %exp3A_697, %reduce_sum3A_698 [0] : vector<512x512xf32> to vector<512xf32>
    %broadcast_in_dim3A_700 = vector.shape_cast %reduce_sum3A_699 : vector<512xf32> to vector<1x512xf32>
    %div3A_701 = arith.constant 1.000000e+00 : f32
    %div3A_702 = vector.broadcast %div3A_701 : f32 to vector<1x512xf32>
    %div3A_703 = arith.divf %div3A_702, %broadcast_in_dim3A_700 : vector<1x512xf32>
    %mul3A_704 = vector.broadcast %div3A_703 : vector<1x512xf32> to vector<512x512xf32>
    %mul3A_705 = arith.mulf %exp3A_697, %mul3A_704 : vector<512x512xf32>
    %log3A_706 = math.log %broadcast_in_dim3A_700 : vector<1x512xf32>
    %mul3A_707 = arith.mulf %exp3A_697, %sub3A_696 : vector<512x512xf32>
    %reduce_sum3A_708 = arith.constant dense<0.000000e+00> : vector<512xf32>
    %reduce_sum3A_709 = vector.multi_reduction <add>, %mul3A_707, %reduce_sum3A_708 [0] : vector<512x512xf32> to vector<512xf32>
    %broadcast_in_dim3A_710 = vector.shape_cast %reduce_sum3A_709 : vector<512xf32> to vector<1x512xf32>
    %mul3A_711 = arith.mulf %broadcast_in_dim3A_710, %div3A_703 : vector<1x512xf32>
    %sub3A_712 = arith.subf %log3A_706, %mul3A_711 : vector<1x512xf32>
    %reduce_sum3A_713 = vector.shape_cast %sub3A_712 : vector<1x512xf32> to vector<1x1x512xf32>
    %reduce_sum3A_714 = arith.constant dense<0.000000e+00> : vector<1xf32>
    %reduce_sum3A_715 = vector.multi_reduction <add>, %reduce_sum3A_713, %reduce_sum3A_714 [1, 2] : vector<1x1x512xf32> to vector<1xf32>
    %reduce_sum3A_716 = vector.shape_cast %reduce_sum3A_715 : vector<1xf32> to vector<1x1x1xf32>
    %reduce_sum3A_717 = vector.extract %reduce_sum3A_716[0, 0, 0] : f32 from vector<1x1x1xf32>
    %add3A_718 = arith.addf %add3A_624, %reduce_sum3A_717 : f32
    %get3A_719 = arith.constant 0 : index
    %get3A_720 = arith.constant 7 : index
    %get3A_721 = vector.load %arg8[%get3A_719, %get3A_720] : memref<512x8xf32, #tpu.memory_space<vmem>>, vector<512x1xf32>
    %reduce_sum3A_722 = arith.constant dense<0.000000e+00> : vector<512xf32>
    %reduce_sum3A_723 = vector.multi_reduction <add>, %mul3A_705, %reduce_sum3A_722 [1] : vector<512x512xf32> to vector<512xf32>
    %broadcast_in_dim3A_724 = vector.shape_cast %reduce_sum3A_723 : vector<512xf32> to vector<512x1xf32>
    %add3A_725 = arith.addf %get3A_721, %broadcast_in_dim3A_724 : vector<512x1xf32>
    %swap3A_726 = arith.constant 0 : index
    %swap3A_727 = arith.constant 7 : index
    %swap3A_728 = vector.load %arg8[%swap3A_726, %swap3A_727] : memref<512x8xf32, #tpu.memory_space<vmem>>, vector<512x1xf32>
    tpu.vector_store %arg8[%swap3A_726, %swap3A_727], %add3A_725 {strides = array<i32>} : memref<512x8xf32, #tpu.memory_space<vmem>>, vector<512x1xf32>,
    %get3A_729 = arith.constant 7 : index
    %get3A_730 = arith.constant 0 : index
    %get3A_731 = arith.constant 0 : index
    %get3A_732 = vector.load %arg3[%get3A_729, %get3A_730, %get3A_731] : memref<8x512x256xf32, #tpu.memory_space<vmem>>, vector<1x512x256xf32>
    %get3A_733 = vector.shape_cast %get3A_732 : vector<1x512x256xf32> to vector<512x256xf32>
    %dot_general3A_734 = arith.constant dense<0.000000e+00> : vector<512x256xf32>
    %dot_general3A_735 = tpu.matmul %mul3A_705, %get3A_733, %dot_general3A_734 {dimension_numbers = #tpu.dot_dimension_numbers<[0], [0], [1], [1], [0, 1, 1, 1], [], []>, transpose_lhs_hint = false} : vector<512x512xf32>, vector<512x256xf32>, vector<512x256xf32> -> vector<512x256xf32>
    %add3A_736 = arith.addf %add3A_642, %dot_general3A_735 : vector<512x256xf32>
    %get3A_737 = arith.constant 7 : index
    %get3A_738 = arith.constant 0 : index
    %get3A_739 = arith.constant 0 : index
    %get3A_740 = vector.load %arg4[%get3A_737, %get3A_738, %get3A_739] : memref<8x512x256xf32, #tpu.memory_space<vmem>>, vector<1x512x256xf32>
    %get3A_741 = vector.shape_cast %get3A_740 : vector<1x512x256xf32> to vector<512x256xf32>
    %dot_general3A_742 = arith.constant dense<0.000000e+00> : vector<512x256xf32>
    %dot_general3A_743 = tpu.matmul %mul3A_705, %get3A_741, %dot_general3A_742 {dimension_numbers = #tpu.dot_dimension_numbers<[0], [0], [1], [1], [0, 1, 1, 1], [], []>, transpose_lhs_hint = false} : vector<512x512xf32>, vector<512x256xf32>, vector<512x256xf32> -> vector<512x256xf32>
    %mul3A_744 = arith.mulf %dot_general3A_735, %dot_general3A_735 : vector<512x256xf32>
    %sub3A_745 = arith.subf %dot_general3A_743, %mul3A_744 : vector<512x256xf32>
    %reduce_sum3A_746 = vector.shape_cast %sub3A_745 : vector<512x256xf32> to vector<1x512x256xf32>
    %reduce_sum3A_747 = arith.constant dense<0.000000e+00> : vector<1xf32>
    %reduce_sum3A_748 = vector.multi_reduction <add>, %reduce_sum3A_746, %reduce_sum3A_747 [1, 2] : vector<1x512x256xf32> to vector<1xf32>
    %reduce_sum3A_749 = vector.shape_cast %reduce_sum3A_748 : vector<1xf32> to vector<1x1x1xf32>
    %reduce_sum3A_750 = vector.extract %reduce_sum3A_749[0, 0, 0] : f32 from vector<1x1x1xf32>
    %add3A_751 = arith.addf %add3A_657, %reduce_sum3A_750 : f32
    %sub3A_752 = arith.subf %get3A_3, %add3A_736 : vector<512x256xf32>
    %integer_pow3A = arith.mulf %sub3A_752, %sub3A_752 : vector<512x256xf32>
    %reduce_sum3A_753 = vector.shape_cast %integer_pow3A : vector<512x256xf32> to vector<1x512x256xf32>
    %reduce_sum3A_754 = arith.constant dense<0.000000e+00> : vector<1xf32>
    %reduce_sum3A_755 = vector.multi_reduction <add>, %reduce_sum3A_753, %reduce_sum3A_754 [1, 2] : vector<1x512x256xf32> to vector<1xf32>
    %reduce_sum3A_756 = vector.shape_cast %reduce_sum3A_755 : vector<1xf32> to vector<1x1x1xf32>
    %reduce_sum3A_757 = vector.extract %reduce_sum3A_756[0, 0, 0] : f32 from vector<1x1x1xf32>
    %mul3A_758 = arith.mulf %get3A_3, %get3A_3 : vector<512x256xf32>
    %reduce_sum3A_759 = vector.shape_cast %mul3A_758 : vector<512x256xf32> to vector<1x512x256xf32>
    %reduce_sum3A_760 = arith.constant dense<0.000000e+00> : vector<1xf32>
    %reduce_sum3A_761 = vector.multi_reduction <add>, %reduce_sum3A_759, %reduce_sum3A_760 [1, 2] : vector<1x512x256xf32> to vector<1xf32>
    %reduce_sum3A_762 = vector.shape_cast %reduce_sum3A_761 : vector<1xf32> to vector<1x1x1xf32>
    %reduce_sum3A_763 = vector.extract %reduce_sum3A_762[0, 0, 0] : f32 from vector<1x1x1xf32>
    %get3A_764 = arith.constant 0 : index
    %get3A_765 = memref.load %arg9[%get3A_764] : memref<3xf32, #tpu.memory_space<smem>>
    %add3A_766 = arith.addf %get3A_765, %add3A_718 : f32
    %swap3A_767 = arith.constant 0 : index
    %swap3A_768 = memref.load %arg9[%swap3A_767] : memref<3xf32, #tpu.memory_space<smem>>
    memref.store %add3A_766, %arg9[%swap3A_767] : memref<3xf32, #tpu.memory_space<smem>>
    %get3A_769 = arith.constant 1 : index
    %get3A_770 = memref.load %arg9[%get3A_769] : memref<3xf32, #tpu.memory_space<smem>>
    %add3A_771 = arith.addf %reduce_sum3A_757, %add3A_751 : f32
    %add3A_772 = arith.addf %get3A_770, %add3A_771 : f32
    %swap3A_773 = arith.constant 1 : index
    %swap3A_774 = memref.load %arg9[%swap3A_773] : memref<3xf32, #tpu.memory_space<smem>>
    memref.store %add3A_772, %arg9[%swap3A_773] : memref<3xf32, #tpu.memory_space<smem>>
    %get3A_775 = arith.constant 2 : index
    %get3A_776 = memref.load %arg9[%get3A_775] : memref<3xf32, #tpu.memory_space<smem>>
    %add3A_777 = arith.addf %get3A_776, %reduce_sum3A_763 : f32
    %swap3A_778 = arith.constant 2 : index
    %swap3A_779 = memref.load %arg9[%swap3A_778] : memref<3xf32, #tpu.memory_space<smem>>
    memref.store %add3A_777, %arg9[%swap3A_778] : memref<3xf32, #tpu.memory_space<smem>>
    return
  }
  func.func @transform_0(%arg0: i32) -> (i32, i32) {
    %add3A = arith.constant 0 : i32
    %add3A_0 = arith.addi %arg0, %add3A : i32
    %c0_i32 = arith.constant 0 : i32
    %c0_i32_1 = arith.constant 0 : i32
    return %add3A_0, %c0_i32 : i32, i32
  }
  func.func @transform_1(%arg0: i32) -> (i32, i32, i32) {
    %c0_i32 = arith.constant 0 : i32
    %c0_i32_0 = arith.constant 0 : i32
    %c0_i32_1 = arith.constant 0 : i32
    return %c0_i32, %arg0, %c0_i32_0 : i32, i32, i32
  }
  func.func @transform_2(%arg0: i32) -> (i32, i32, i32) {
    %c0_i32 = arith.constant 0 : i32
    %c0_i32_0 = arith.constant 0 : i32
    %c0_i32_1 = arith.constant 0 : i32
    %c0_i32_2 = arith.constant 0 : i32
    return %c0_i32, %c0_i32_0, %c0_i32_1 : i32, i32, i32
  }
  func.func @transform_3(%arg0: i32) -> (i32, i32, i32) {
    %c0_i32 = arith.constant 0 : i32
    %c0_i32_0 = arith.constant 0 : i32
    %c0_i32_1 = arith.constant 0 : i32
    %c0_i32_2 = arith.constant 0 : i32
    return %c0_i32, %c0_i32_0, %c0_i32_1 : i32, i32, i32
  }
  func.func @transform_4(%arg0: i32) -> (i32, i32) {
    %c0_i32 = arith.constant 0 : i32
    %c0_i32_0 = arith.constant 0 : i32
    %c0_i32_1 = arith.constant 0 : i32
    return %c0_i32, %c0_i32_0 : i32, i32
  }
  func.func @transform_5(%arg0: i32) -> i32 {
    %c0_i32 = arith.constant 0 : i32
    %c0_i32_0 = arith.constant 0 : i32
    return %c0_i32 : i32
  }
  func.func @transform_6(%arg0: i32) -> (i32, i32) {
    %c0_i32 = arith.constant 0 : i32
    %c0_i32_0 = arith.constant 0 : i32
    return %c0_i32, %arg0 : i32, i32
  }
  func.func @transform_7(%arg0: i32) -> (i32, i32) {
    %c0_i32 = arith.constant 0 : i32
    %c0_i32_0 = arith.constant 0 : i32
    %c0_i32_1 = arith.constant 0 : i32
    return %c0_i32, %c0_i32_0 : i32, i32
  }
  func.func @transform_8(%arg0: i32) -> i32 {
    %c0_i32 = arith.constant 0 : i32
    %c0_i32_0 = arith.constant 0 : i32
    return %c0_i32 : i32
  }
}

module attributes {stable_mosaic.version = 14 : i64} {
  func.func @body(%arg0: i32, %arg1: memref<512x256xf32, #tpu.memory_space<vmem>>, %arg2: memref<8x512x256xf32, #tpu.memory_space<vmem>>, %arg3: memref<8x512x256xf32, #tpu.memory_space<vmem>>, %arg4: memref<8x512x256xf32, #tpu.memory_space<vmem>>, %arg5: memref<512x8xf32, #tpu.memory_space<vmem>>, %arg6: memref<1xf32, #tpu.memory_space<smem>>, %arg7: memref<8x512xi32, #tpu.memory_space<vmem>>, %arg8: memref<512x8xf32, #tpu.memory_space<vmem>>, %arg9: memref<3xf32, #tpu.memory_space<smem>>) attributes {dimension_semantics = [#tpu.dimension_semantics<arbitrary>], iteration_bounds = array<i64: 5>, scalar_prefetch = 0 : i64, scratch_operands = 0 : i64, tpu.core_type = #tpu.core_type<tc>, window_params = [{transform_indices = @transform_0, window_bounds = array<i64: 512, 256>}, {transform_indices = @transform_1, window_bounds = array<i64: 8, 512, 256>}, {pipeline_mode = #tpu.pipeline_mode<synchronous>, transform_indices = @transform_2, window_bounds = array<i64: 8, 512, 256>}, {pipeline_mode = #tpu.pipeline_mode<synchronous>, transform_indices = @transform_3, window_bounds = array<i64: 8, 512, 256>}, {pipeline_mode = #tpu.pipeline_mode<synchronous>, transform_indices = @transform_4, window_bounds = array<i64: 512, 8>}, {transform_indices = @transform_5, window_bounds = array<i64: 1>}, {transform_indices = @transform_6, window_bounds = array<i64: 8, 512>}, {pipeline_mode = #tpu.pipeline_mode<synchronous>, transform_indices = @transform_7, window_bounds = array<i64: 512, 8>}, {transform_indices = @transform_8, window_bounds = array<i64: 3>}]} {
    %eq3A = arith.constant 0 : i32
    %eq3A_0 = arith.cmpi eq, %arg0, %eq3A : i32
    %convert_element_type3A = arith.extui %eq3A_0 : i1 to i32
    %cond3A = arith.constant 0 : i32
    %cond3A_1 = arith.cmpi ne, %convert_element_type3A, %cond3A : i32
    scf.if %cond3A_1 {
      %broadcast_in_dim3A_780 = arith.constant 0.000000e+00 : f32
      %broadcast_in_dim3A_781 = vector.broadcast %broadcast_in_dim3A_780 : f32 to vector<512x8xf32>
      %swap3A_782 = arith.constant 0 : index
      %swap3A_783 = arith.constant 0 : index
      %swap3A_784 = vector.load %arg8[%swap3A_782, %swap3A_783] : memref<512x8xf32, #tpu.memory_space<vmem>>, vector<512x8xf32>
      tpu.vector_store %arg8[%swap3A_782, %swap3A_783], %broadcast_in_dim3A_781 {strides = array<i32>} : memref<512x8xf32, #tpu.memory_space<vmem>>, vector<512x8xf32>,
      %swap3A_785 = arith.constant 0.000000e+00 : f32
      %swap3A_786 = arith.constant 0 : index
      %swap3A_787 = memref.load %arg9[%swap3A_786] : memref<3xf32, #tpu.memory_space<smem>>
      memref.store %swap3A_785, %arg9[%swap3A_786] : memref<3xf32, #tpu.memory_space<smem>>
      %swap3A_788 = arith.constant 0.000000e+00 : f32
      %swap3A_789 = arith.constant 1 : index
      %swap3A_790 = memref.load %arg9[%swap3A_789] : memref<3xf32, #tpu.memory_space<smem>>
      memref.store %swap3A_788, %arg9[%swap3A_789] : memref<3xf32, #tpu.memory_space<smem>>
      %swap3A_791 = arith.constant 0.000000e+00 : f32
      %swap3A_792 = arith.constant 2 : index
      %swap3A_793 = memref.load %arg9[%swap3A_792] : memref<3xf32, #tpu.memory_space<smem>>
      memref.store %swap3A_791, %arg9[%swap3A_792] : memref<3xf32, #tpu.memory_space<smem>>
    } else {
    }
    %get3A = arith.constant 0 : index
    %get3A_2 = arith.constant 0 : index
    %get3A_3 = vector.load %arg1[%get3A, %get3A_2] : memref<512x256xf32, #tpu.memory_space<vmem>>, vector<512x256xf32>
    %get3A_4 = arith.constant 0 : index
    %get3A_5 = arith.constant 0 : index
    %get3A_6 = arith.constant 0 : index
    %get3A_7 = vector.load %arg2[%get3A_4, %get3A_5, %get3A_6] : memref<8x512x256xf32, #tpu.memory_space<vmem>>, vector<8x512x256xf32>
    %reduce_sum3A = arith.constant dense<0.000000e+00> : vector<512x256xf32>
    %reduce_sum3A_8 = vector.multi_reduction <add>, %get3A_7, %reduce_sum3A [0] : vector<8x512x256xf32> to vector<512x256xf32>
    %get3A_9 = arith.constant 0 : index
    %get3A_10 = memref.load %arg6[%get3A_9] : memref<1xf32, #tpu.memory_space<smem>>
    %exp3A = math.exp %get3A_10 : f32
    %broadcast_in_dim3A = arith.constant 0.000000e+00 : f32
    %broadcast_in_dim3A_11 = vector.broadcast %broadcast_in_dim3A : f32 to vector<512x256xf32>
    %slice3A = vector.extract_strided_slice %get3A_7 {offsets = [0, 0, 0], sizes = [1, 512, 256], strides = [1, 1, 1]} : vector<8x512x256xf32> to vector<1x512x256xf32>
    %squeeze3A = vector.shape_cast %slice3A : vector<1x512x256xf32> to vector<512x256xf32>
    %sub3A = arith.subf %reduce_sum3A_8, %squeeze3A : vector<512x256xf32>
    %sub3A_12 = arith.subf %get3A_3, %sub3A : vector<512x256xf32>
    %get3A_13 = arith.constant 0 : index
    %get3A_14 = arith.constant 0 : index
    %get3A_15 = arith.constant 0 : index
    %get3A_16 = vector.load %arg3[%get3A_13, %get3A_14, %get3A_15] : memref<8x512x256xf32, #tpu.memory_space<vmem>>, vector<1x512x256xf32>
    %get3A_17 = vector.shape_cast %get3A_16 : vector<1x512x256xf32> to vector<512x256xf32>
    %dot_general3A = arith.constant dense<0.000000e+00> : vector<512x512xf32>
    %dot_general3A_18 = tpu.matmul %get3A_17, %sub3A_12, %dot_general3A {dimension_numbers = #tpu.dot_dimension_numbers<[1], [1], [0], [0], [0, 0, 1, 0], [], []>, transpose_lhs_hint = false} : vector<512x256xf32>, vector<512x256xf32>, vector<512x512xf32> -> vector<512x512xf32>
    %get3A_19 = arith.constant 0 : index
    %get3A_20 = arith.constant 0 : index
    %get3A_21 = vector.load %arg5[%get3A_19, %get3A_20] : memref<512x8xf32, #tpu.memory_space<vmem>>, vector<512x1xf32>
    %sub3A_22 = vector.broadcast %get3A_21 : vector<512x1xf32> to vector<512x512xf32>
    %sub3A_23 = arith.subf %dot_general3A_18, %sub3A_22 : vector<512x512xf32>
    %iota3A = tpu.iota {dimensions = array<i32: 0>} : vector<512x512xi32>
    %reduce_max3A = arith.constant dense<0xFF800000> : vector<512xf32>
    %reduce_max3A_24 = vector.multi_reduction <maximumf>, %sub3A_23, %reduce_max3A [0] : vector<512x512xf32> to vector<512xf32>
    %broadcast_in_dim3A_25 = vector.shape_cast %reduce_max3A_24 : vector<512xf32> to vector<1x512xf32>
    %eq3A_26 = vector.broadcast %broadcast_in_dim3A_25 : vector<1x512xf32> to vector<512x512xf32>
    %eq3A_27 = arith.cmpf oeq, %sub3A_23, %eq3A_26 : vector<512x512xf32>
    %jit3A = arith.constant 512 : i32
    %broadcast_in_dim3A_28 = vector.broadcast %jit3A : i32 to vector<512x512xi32>
    %select_n3A = arith.select %eq3A_27, %iota3A, %broadcast_in_dim3A_28 : vector<512x512xi1>, vector<512x512xi32>
    %reduce_min3A = arith.constant dense<2147483647> : vector<512xi32>
    %reduce_min3A_29 = vector.multi_reduction <minsi>, %select_n3A, %reduce_min3A [0] : vector<512x512xi32> to vector<512xi32>
    %swap3A = arith.constant 0 : index
    %swap3A_30 = arith.constant 0 : index
    %swap3A_31 = vector.load %arg7[%swap3A, %swap3A_30] : memref<8x512xi32, #tpu.memory_space<vmem>>, vector<1x512xi32>
    %swap3A_32 = vector.shape_cast %swap3A_31 : vector<1x512xi32> to vector<512xi32>
    %swap3A_33 = vector.shape_cast %reduce_min3A_29 : vector<512xi32> to vector<1x512xi32>
    tpu.vector_store %arg7[%swap3A, %swap3A_30], %swap3A_33 {strides = array<i32>} : memref<8x512xi32, #tpu.memory_space<vmem>>, vector<1x512xi32>,
    %mul3A = vector.broadcast %exp3A : f32 to vector<512x512xf32>
    %mul3A_34 = arith.mulf %sub3A_23, %mul3A : vector<512x512xf32>
    %reduce_max3A_35 = arith.constant dense<0xFF800000> : vector<512xf32>
    %reduce_max3A_36 = vector.multi_reduction <maximumf>, %mul3A_34, %reduce_max3A_35 [0] : vector<512x512xf32> to vector<512xf32>
    %broadcast_in_dim3A_37 = vector.shape_cast %reduce_max3A_36 : vector<512xf32> to vector<1x512xf32>
    %sub3A_38 = vector.broadcast %broadcast_in_dim3A_37 : vector<1x512xf32> to vector<512x512xf32>
    %sub3A_39 = arith.subf %mul3A_34, %sub3A_38 : vector<512x512xf32>
    %exp3A_40 = math.exp %sub3A_39 : vector<512x512xf32>
    %reduce_sum3A_41 = arith.constant dense<0.000000e+00> : vector<512xf32>
    %reduce_sum3A_42 = vector.multi_reduction <add>, %exp3A_40, %reduce_sum3A_41 [0] : vector<512x512xf32> to vector<512xf32>
    %broadcast_in_dim3A_43 = vector.shape_cast %reduce_sum3A_42 : vector<512xf32> to vector<1x512xf32>
    %div3A = arith.constant 1.000000e+00 : f32
    %div3A_44 = vector.broadcast %div3A : f32 to vector<1x512xf32>
    %div3A_45 = arith.divf %div3A_44, %broadcast_in_dim3A_43 : vector<1x512xf32>
    %mul3A_46 = vector.broadcast %div3A_45 : vector<1x512xf32> to vector<512x512xf32>
    %mul3A_47 = arith.mulf %exp3A_40, %mul3A_46 : vector<512x512xf32>
    %log3A = math.log %broadcast_in_dim3A_43 : vector<1x512xf32>
    %mul3A_48 = arith.mulf %exp3A_40, %sub3A_39 : vector<512x512xf32>
    %reduce_sum3A_49 = arith.constant dense<0.000000e+00> : vector<512xf32>
    %reduce_sum3A_50 = vector.multi_reduction <add>, %mul3A_48, %reduce_sum3A_49 [0] : vector<512x512xf32> to vector<512xf32>
    %broadcast_in_dim3A_51 = vector.shape_cast %reduce_sum3A_50 : vector<512xf32> to vector<1x512xf32>
    %mul3A_52 = arith.mulf %broadcast_in_dim3A_51, %div3A_45 : vector<1x512xf32>
    %sub3A_53 = arith.subf %log3A, %mul3A_52 : vector<1x512xf32>
    %reduce_sum3A_54 = vector.shape_cast %sub3A_53 : vector<1x512xf32> to vector<1x1x512xf32>
    %reduce_sum3A_55 = arith.constant dense<0.000000e+00> : vector<1xf32>
    %reduce_sum3A_56 = vector.multi_reduction <add>, %reduce_sum3A_54, %reduce_sum3A_55 [1, 2] : vector<1x1x512xf32> to vector<1xf32>
    %reduce_sum3A_57 = vector.shape_cast %reduce_sum3A_56 : vector<1xf32> to vector<1x1x1xf32>
    %reduce_sum3A_58 = vector.extract %reduce_sum3A_57[0, 0, 0] : f32 from vector<1x1x1xf32>
    %add3A = arith.constant 0.000000e+00 : f32
    %add3A_59 = arith.addf %add3A, %reduce_sum3A_58 : f32
    %get3A_60 = arith.constant 0 : index
    %get3A_61 = arith.constant 0 : index
    %get3A_62 = vector.load %arg8[%get3A_60, %get3A_61] : memref<512x8xf32, #tpu.memory_space<vmem>>, vector<512x1xf32>
    %reduce_sum3A_63 = arith.constant dense<0.000000e+00> : vector<512xf32>
    %reduce_sum3A_64 = vector.multi_reduction <add>, %mul3A_47, %reduce_sum3A_63 [1] : vector<512x512xf32> to vector<512xf32>
    %broadcast_in_dim3A_65 = vector.shape_cast %reduce_sum3A_64 : vector<512xf32> to vector<512x1xf32>
    %add3A_66 = arith.addf %get3A_62, %broadcast_in_dim3A_65 : vector<512x1xf32>
    %swap3A_67 = arith.constant 0 : index
    %swap3A_68 = arith.constant 0 : index
    %swap3A_69 = vector.load %arg8[%swap3A_67, %swap3A_68] : memref<512x8xf32, #tpu.memory_space<vmem>>, vector<512x1xf32>
    tpu.vector_store %arg8[%swap3A_67, %swap3A_68], %add3A_66 {strides = array<i32>} : memref<512x8xf32, #tpu.memory_space<vmem>>, vector<512x1xf32>,
    %get3A_70 = arith.constant 0 : index
    %get3A_71 = arith.constant 0 : index
    %get3A_72 = arith.constant 0 : index
    %get3A_73 = vector.load %arg3[%get3A_70, %get3A_71, %get3A_72] : memref<8x512x256xf32, #tpu.memory_space<vmem>>, vector<1x512x256xf32>
    %get3A_74 = vector.shape_cast %get3A_73 : vector<1x512x256xf32> to vector<512x256xf32>
    %dot_general3A_75 = arith.constant dense<0.000000e+00> : vector<512x256xf32>
    %dot_general3A_76 = tpu.matmul %mul3A_47, %get3A_74, %dot_general3A_75 {dimension_numbers = #tpu.dot_dimension_numbers<[0], [0], [1], [1], [0, 1, 1, 1], [], []>, transpose_lhs_hint = false} : vector<512x512xf32>, vector<512x256xf32>, vector<512x256xf32> -> vector<512x256xf32>
    %add3A_77 = arith.addf %broadcast_in_dim3A_11, %dot_general3A_76 : vector<512x256xf32>
    %get3A_78 = arith.constant 0 : index
    %get3A_79 = arith.constant 0 : index
    %get3A_80 = arith.constant 0 : index
    %get3A_81 = vector.load %arg4[%get3A_78, %get3A_79, %get3A_80] : memref<8x512x256xf32, #tpu.memory_space<vmem>>, vector<1x512x256xf32>
    %get3A_82 = vector.shape_cast %get3A_81 : vector<1x512x256xf32> to vector<512x256xf32>
    %dot_general3A_83 = arith.constant dense<0.000000e+00> : vector<512x256xf32>
    %dot_general3A_84 = tpu.matmul %mul3A_47, %get3A_82, %dot_general3A_83 {dimension_numbers = #tpu.dot_dimension_numbers<[0], [0], [1], [1], [0, 1, 1, 1], [], []>, transpose_lhs_hint = false} : vector<512x512xf32>, vector<512x256xf32>, vector<512x256xf32> -> vector<512x256xf32>
    %mul3A_85 = arith.mulf %dot_general3A_76, %dot_general3A_76 : vector<512x256xf32>
    %sub3A_86 = arith.subf %dot_general3A_84, %mul3A_85 : vector<512x256xf32>
    %reduce_sum3A_87 = vector.shape_cast %sub3A_86 : vector<512x256xf32> to vector<1x512x256xf32>
    %reduce_sum3A_88 = arith.constant dense<0.000000e+00> : vector<1xf32>
    %reduce_sum3A_89 = vector.multi_reduction <add>, %reduce_sum3A_87, %reduce_sum3A_88 [1, 2] : vector<1x512x256xf32> to vector<1xf32>
    %reduce_sum3A_90 = vector.shape_cast %reduce_sum3A_89 : vector<1xf32> to vector<1x1x1xf32>
    %reduce_sum3A_91 = vector.extract %reduce_sum3A_90[0, 0, 0] : f32 from vector<1x1x1xf32>
    %add3A_92 = arith.constant 0.000000e+00 : f32
    %add3A_93 = arith.addf %add3A_92, %reduce_sum3A_91 : f32
    %slice3A_94 = vector.extract_strided_slice %get3A_7 {offsets = [1, 0, 0], sizes = [1, 512, 256], strides = [1, 1, 1]} : vector<8x512x256xf32> to vector<1x512x256xf32>
    %squeeze3A_95 = vector.shape_cast %slice3A_94 : vector<1x512x256xf32> to vector<512x256xf32>
    %sub3A_96 = arith.subf %reduce_sum3A_8, %squeeze3A_95 : vector<512x256xf32>
    %sub3A_97 = arith.subf %get3A_3, %sub3A_96 : vector<512x256xf32>
    %get3A_98 = arith.constant 1 : index
    %get3A_99 = arith.constant 0 : index
    %get3A_100 = arith.constant 0 : index
    %get3A_101 = vector.load %arg3[%get3A_98, %get3A_99, %get3A_100] : memref<8x512x256xf32, #tpu.memory_space<vmem>>, vector<1x512x256xf32>
    %get3A_102 = vector.shape_cast %get3A_101 : vector<1x512x256xf32> to vector<512x256xf32>
    %dot_general3A_103 = arith.constant dense<0.000000e+00> : vector<512x512xf32>
    %dot_general3A_104 = tpu.matmul %get3A_102, %sub3A_97, %dot_general3A_103 {dimension_numbers = #tpu.dot_dimension_numbers<[1], [1], [0], [0], [0, 0, 1, 0], [], []>, transpose_lhs_hint = false} : vector<512x256xf32>, vector<512x256xf32>, vector<512x512xf32> -> vector<512x512xf32>
    %get3A_105 = arith.constant 0 : index
    %get3A_106 = arith.constant 1 : index
    %get3A_107 = vector.load %arg5[%get3A_105, %get3A_106] : memref<512x8xf32, #tpu.memory_space<vmem>>, vector<512x1xf32>
    %sub3A_108 = vector.broadcast %get3A_107 : vector<512x1xf32> to vector<512x512xf32>
    %sub3A_109 = arith.subf %dot_general3A_104, %sub3A_108 : vector<512x512xf32>
    %iota3A_110 = tpu.iota {dimensions = array<i32: 0>} : vector<512x512xi32>
    %reduce_max3A_111 = arith.constant dense<0xFF800000> : vector<512xf32>
    %reduce_max3A_112 = vector.multi_reduction <maximumf>, %sub3A_109, %reduce_max3A_111 [0] : vector<512x512xf32> to vector<512xf32>
    %broadcast_in_dim3A_113 = vector.shape_cast %reduce_max3A_112 : vector<512xf32> to vector<1x512xf32>
    %eq3A_114 = vector.broadcast %broadcast_in_dim3A_113 : vector<1x512xf32> to vector<512x512xf32>
    %eq3A_115 = arith.cmpf oeq, %sub3A_109, %eq3A_114 : vector<512x512xf32>
    %jit3A_116 = arith.constant 512 : i32
    %broadcast_in_dim3A_117 = vector.broadcast %jit3A_116 : i32 to vector<512x512xi32>
    %select_n3A_118 = arith.select %eq3A_115, %iota3A_110, %broadcast_in_dim3A_117 : vector<512x512xi1>, vector<512x512xi32>
    %reduce_min3A_119 = arith.constant dense<2147483647> : vector<512xi32>
    %reduce_min3A_120 = vector.multi_reduction <minsi>, %select_n3A_118, %reduce_min3A_119 [0] : vector<512x512xi32> to vector<512xi32>
    %swap3A_121 = arith.constant 1 : index
    %swap3A_122 = arith.constant 0 : index
    %swap3A_123 = vector.load %arg7[%swap3A_121, %swap3A_122] : memref<8x512xi32, #tpu.memory_space<vmem>>, vector<1x512xi32>
    %swap3A_124 = vector.shape_cast %swap3A_123 : vector<1x512xi32> to vector<512xi32>
    %swap3A_125 = vector.shape_cast %reduce_min3A_120 : vector<512xi32> to vector<1x512xi32>
    tpu.vector_store %arg7[%swap3A_121, %swap3A_122], %swap3A_125 {strides = array<i32>} : memref<8x512xi32, #tpu.memory_space<vmem>>, vector<1x512xi32>,
    %mul3A_126 = vector.broadcast %exp3A : f32 to vector<512x512xf32>
    %mul3A_127 = arith.mulf %sub3A_109, %mul3A_126 : vector<512x512xf32>
    %reduce_max3A_128 = arith.constant dense<0xFF800000> : vector<512xf32>
    %reduce_max3A_129 = vector.multi_reduction <maximumf>, %mul3A_127, %reduce_max3A_128 [0] : vector<512x512xf32> to vector<512xf32>
    %broadcast_in_dim3A_130 = vector.shape_cast %reduce_max3A_129 : vector<512xf32> to vector<1x512xf32>
    %sub3A_131 = vector.broadcast %broadcast_in_dim3A_130 : vector<1x512xf32> to vector<512x512xf32>
    %sub3A_132 = arith.subf %mul3A_127, %sub3A_131 : vector<512x512xf32>
    %exp3A_133 = math.exp %sub3A_132 : vector<512x512xf32>
    %reduce_sum3A_134 = arith.constant dense<0.000000e+00> : vector<512xf32>
    %reduce_sum3A_135 = vector.multi_reduction <add>, %exp3A_133, %reduce_sum3A_134 [0] : vector<512x512xf32> to vector<512xf32>
    %broadcast_in_dim3A_136 = vector.shape_cast %reduce_sum3A_135 : vector<512xf32> to vector<1x512xf32>
    %div3A_137 = arith.constant 1.000000e+00 : f32
    %div3A_138 = vector.broadcast %div3A_137 : f32 to vector<1x512xf32>
    %div3A_139 = arith.divf %div3A_138, %broadcast_in_dim3A_136 : vector<1x512xf32>
    %mul3A_140 = vector.broadcast %div3A_139 : vector<1x512xf32> to vector<512x512xf32>
    %mul3A_141 = arith.mulf %exp3A_133, %mul3A_140 : vector<512x512xf32>
    %log3A_142 = math.log %broadcast_in_dim3A_136 : vector<1x512xf32>
    %mul3A_143 = arith.mulf %exp3A_133, %sub3A_132 : vector<512x512xf32>
    %reduce_sum3A_144 = arith.constant dense<0.000000e+00> : vector<512xf32>
    %reduce_sum3A_145 = vector.multi_reduction <add>, %mul3A_143, %reduce_sum3A_144 [0] : vector<512x512xf32> to vector<512xf32>
    %broadcast_in_dim3A_146 = vector.shape_cast %reduce_sum3A_145 : vector<512xf32> to vector<1x512xf32>
    %mul3A_147 = arith.mulf %broadcast_in_dim3A_146, %div3A_139 : vector<1x512xf32>
    %sub3A_148 = arith.subf %log3A_142, %mul3A_147 : vector<1x512xf32>
    %reduce_sum3A_149 = vector.shape_cast %sub3A_148 : vector<1x512xf32> to vector<1x1x512xf32>
    %reduce_sum3A_150 = arith.constant dense<0.000000e+00> : vector<1xf32>
    %reduce_sum3A_151 = vector.multi_reduction <add>, %reduce_sum3A_149, %reduce_sum3A_150 [1, 2] : vector<1x1x512xf32> to vector<1xf32>
    %reduce_sum3A_152 = vector.shape_cast %reduce_sum3A_151 : vector<1xf32> to vector<1x1x1xf32>
    %reduce_sum3A_153 = vector.extract %reduce_sum3A_152[0, 0, 0] : f32 from vector<1x1x1xf32>
    %add3A_154 = arith.addf %add3A_59, %reduce_sum3A_153 : f32
    %get3A_155 = arith.constant 0 : index
    %get3A_156 = arith.constant 1 : index
    %get3A_157 = vector.load %arg8[%get3A_155, %get3A_156] : memref<512x8xf32, #tpu.memory_space<vmem>>, vector<512x1xf32>
    %reduce_sum3A_158 = arith.constant dense<0.000000e+00> : vector<512xf32>
    %reduce_sum3A_159 = vector.multi_reduction <add>, %mul3A_141, %reduce_sum3A_158 [1] : vector<512x512xf32> to vector<512xf32>
    %broadcast_in_dim3A_160 = vector.shape_cast %reduce_sum3A_159 : vector<512xf32> to vector<512x1xf32>
    %add3A_161 = arith.addf %get3A_157, %broadcast_in_dim3A_160 : vector<512x1xf32>
    %swap3A_162 = arith.constant 0 : index
    %swap3A_163 = arith.constant 1 : index
    %swap3A_164 = vector.load %arg8[%swap3A_162, %swap3A_163] : memref<512x8xf32, #tpu.memory_space<vmem>>, vector<512x1xf32>
    tpu.vector_store %arg8[%swap3A_162, %swap3A_163], %add3A_161 {strides = array<i32>} : memref<512x8xf32, #tpu.memory_space<vmem>>, vector<512x1xf32>,
    %get3A_165 = arith.constant 1 : index
    %get3A_166 = arith.constant 0 : index
    %get3A_167 = arith.constant 0 : index
    %get3A_168 = vector.load %arg3[%get3A_165, %get3A_166, %get3A_167] : memref<8x512x256xf32, #tpu.memory_space<vmem>>, vector<1x512x256xf32>
    %get3A_169 = vector.shape_cast %get3A_168 : vector<1x512x256xf32> to vector<512x256xf32>
    %dot_general3A_170 = arith.constant dense<0.000000e+00> : vector<512x256xf32>
    %dot_general3A_171 = tpu.matmul %mul3A_141, %get3A_169, %dot_general3A_170 {dimension_numbers = #tpu.dot_dimension_numbers<[0], [0], [1], [1], [0, 1, 1, 1], [], []>, transpose_lhs_hint = false} : vector<512x512xf32>, vector<512x256xf32>, vector<512x256xf32> -> vector<512x256xf32>
    %add3A_172 = arith.addf %add3A_77, %dot_general3A_171 : vector<512x256xf32>
    %get3A_173 = arith.constant 1 : index
    %get3A_174 = arith.constant 0 : index
    %get3A_175 = arith.constant 0 : index
    %get3A_176 = vector.load %arg4[%get3A_173, %get3A_174, %get3A_175] : memref<8x512x256xf32, #tpu.memory_space<vmem>>, vector<1x512x256xf32>
    %get3A_177 = vector.shape_cast %get3A_176 : vector<1x512x256xf32> to vector<512x256xf32>
    %dot_general3A_178 = arith.constant dense<0.000000e+00> : vector<512x256xf32>
    %dot_general3A_179 = tpu.matmul %mul3A_141, %get3A_177, %dot_general3A_178 {dimension_numbers = #tpu.dot_dimension_numbers<[0], [0], [1], [1], [0, 1, 1, 1], [], []>, transpose_lhs_hint = false} : vector<512x512xf32>, vector<512x256xf32>, vector<512x256xf32> -> vector<512x256xf32>
    %mul3A_180 = arith.mulf %dot_general3A_171, %dot_general3A_171 : vector<512x256xf32>
    %sub3A_181 = arith.subf %dot_general3A_179, %mul3A_180 : vector<512x256xf32>
    %reduce_sum3A_182 = vector.shape_cast %sub3A_181 : vector<512x256xf32> to vector<1x512x256xf32>
    %reduce_sum3A_183 = arith.constant dense<0.000000e+00> : vector<1xf32>
    %reduce_sum3A_184 = vector.multi_reduction <add>, %reduce_sum3A_182, %reduce_sum3A_183 [1, 2] : vector<1x512x256xf32> to vector<1xf32>
    %reduce_sum3A_185 = vector.shape_cast %reduce_sum3A_184 : vector<1xf32> to vector<1x1x1xf32>
    %reduce_sum3A_186 = vector.extract %reduce_sum3A_185[0, 0, 0] : f32 from vector<1x1x1xf32>
    %add3A_187 = arith.addf %add3A_93, %reduce_sum3A_186 : f32
    %slice3A_188 = vector.extract_strided_slice %get3A_7 {offsets = [2, 0, 0], sizes = [1, 512, 256], strides = [1, 1, 1]} : vector<8x512x256xf32> to vector<1x512x256xf32>
    %squeeze3A_189 = vector.shape_cast %slice3A_188 : vector<1x512x256xf32> to vector<512x256xf32>
    %sub3A_190 = arith.subf %reduce_sum3A_8, %squeeze3A_189 : vector<512x256xf32>
    %sub3A_191 = arith.subf %get3A_3, %sub3A_190 : vector<512x256xf32>
    %get3A_192 = arith.constant 2 : index
    %get3A_193 = arith.constant 0 : index
    %get3A_194 = arith.constant 0 : index
    %get3A_195 = vector.load %arg3[%get3A_192, %get3A_193, %get3A_194] : memref<8x512x256xf32, #tpu.memory_space<vmem>>, vector<1x512x256xf32>
    %get3A_196 = vector.shape_cast %get3A_195 : vector<1x512x256xf32> to vector<512x256xf32>
    %dot_general3A_197 = arith.constant dense<0.000000e+00> : vector<512x512xf32>
    %dot_general3A_198 = tpu.matmul %get3A_196, %sub3A_191, %dot_general3A_197 {dimension_numbers = #tpu.dot_dimension_numbers<[1], [1], [0], [0], [0, 0, 1, 0], [], []>, transpose_lhs_hint = false} : vector<512x256xf32>, vector<512x256xf32>, vector<512x512xf32> -> vector<512x512xf32>
    %get3A_199 = arith.constant 0 : index
    %get3A_200 = arith.constant 2 : index
    %get3A_201 = vector.load %arg5[%get3A_199, %get3A_200] : memref<512x8xf32, #tpu.memory_space<vmem>>, vector<512x1xf32>
    %sub3A_202 = vector.broadcast %get3A_201 : vector<512x1xf32> to vector<512x512xf32>
    %sub3A_203 = arith.subf %dot_general3A_198, %sub3A_202 : vector<512x512xf32>
    %iota3A_204 = tpu.iota {dimensions = array<i32: 0>} : vector<512x512xi32>
    %reduce_max3A_205 = arith.constant dense<0xFF800000> : vector<512xf32>
    %reduce_max3A_206 = vector.multi_reduction <maximumf>, %sub3A_203, %reduce_max3A_205 [0] : vector<512x512xf32> to vector<512xf32>
    %broadcast_in_dim3A_207 = vector.shape_cast %reduce_max3A_206 : vector<512xf32> to vector<1x512xf32>
    %eq3A_208 = vector.broadcast %broadcast_in_dim3A_207 : vector<1x512xf32> to vector<512x512xf32>
    %eq3A_209 = arith.cmpf oeq, %sub3A_203, %eq3A_208 : vector<512x512xf32>
    %jit3A_210 = arith.constant 512 : i32
    %broadcast_in_dim3A_211 = vector.broadcast %jit3A_210 : i32 to vector<512x512xi32>
    %select_n3A_212 = arith.select %eq3A_209, %iota3A_204, %broadcast_in_dim3A_211 : vector<512x512xi1>, vector<512x512xi32>
    %reduce_min3A_213 = arith.constant dense<2147483647> : vector<512xi32>
    %reduce_min3A_214 = vector.multi_reduction <minsi>, %select_n3A_212, %reduce_min3A_213 [0] : vector<512x512xi32> to vector<512xi32>
    %swap3A_215 = arith.constant 2 : index
    %swap3A_216 = arith.constant 0 : index
    %swap3A_217 = vector.load %arg7[%swap3A_215, %swap3A_216] : memref<8x512xi32, #tpu.memory_space<vmem>>, vector<1x512xi32>
    %swap3A_218 = vector.shape_cast %swap3A_217 : vector<1x512xi32> to vector<512xi32>
    %swap3A_219 = vector.shape_cast %reduce_min3A_214 : vector<512xi32> to vector<1x512xi32>
    tpu.vector_store %arg7[%swap3A_215, %swap3A_216], %swap3A_219 {strides = array<i32>} : memref<8x512xi32, #tpu.memory_space<vmem>>, vector<1x512xi32>,
    %mul3A_220 = vector.broadcast %exp3A : f32 to vector<512x512xf32>
    %mul3A_221 = arith.mulf %sub3A_203, %mul3A_220 : vector<512x512xf32>
    %reduce_max3A_222 = arith.constant dense<0xFF800000> : vector<512xf32>
    %reduce_max3A_223 = vector.multi_reduction <maximumf>, %mul3A_221, %reduce_max3A_222 [0] : vector<512x512xf32> to vector<512xf32>
    %broadcast_in_dim3A_224 = vector.shape_cast %reduce_max3A_223 : vector<512xf32> to vector<1x512xf32>
    %sub3A_225 = vector.broadcast %broadcast_in_dim3A_224 : vector<1x512xf32> to vector<512x512xf32>
    %sub3A_226 = arith.subf %mul3A_221, %sub3A_225 : vector<512x512xf32>
    %exp3A_227 = math.exp %sub3A_226 : vector<512x512xf32>
    %reduce_sum3A_228 = arith.constant dense<0.000000e+00> : vector<512xf32>
    %reduce_sum3A_229 = vector.multi_reduction <add>, %exp3A_227, %reduce_sum3A_228 [0] : vector<512x512xf32> to vector<512xf32>
    %broadcast_in_dim3A_230 = vector.shape_cast %reduce_sum3A_229 : vector<512xf32> to vector<1x512xf32>
    %div3A_231 = arith.constant 1.000000e+00 : f32
    %div3A_232 = vector.broadcast %div3A_231 : f32 to vector<1x512xf32>
    %div3A_233 = arith.divf %div3A_232, %broadcast_in_dim3A_230 : vector<1x512xf32>
    %mul3A_234 = vector.broadcast %div3A_233 : vector<1x512xf32> to vector<512x512xf32>
    %mul3A_235 = arith.mulf %exp3A_227, %mul3A_234 : vector<512x512xf32>
    %log3A_236 = math.log %broadcast_in_dim3A_230 : vector<1x512xf32>
    %mul3A_237 = arith.mulf %exp3A_227, %sub3A_226 : vector<512x512xf32>
    %reduce_sum3A_238 = arith.constant dense<0.000000e+00> : vector<512xf32>
    %reduce_sum3A_239 = vector.multi_reduction <add>, %mul3A_237, %reduce_sum3A_238 [0] : vector<512x512xf32> to vector<512xf32>
    %broadcast_in_dim3A_240 = vector.shape_cast %reduce_sum3A_239 : vector<512xf32> to vector<1x512xf32>
    %mul3A_241 = arith.mulf %broadcast_in_dim3A_240, %div3A_233 : vector<1x512xf32>
    %sub3A_242 = arith.subf %log3A_236, %mul3A_241 : vector<1x512xf32>
    %reduce_sum3A_243 = vector.shape_cast %sub3A_242 : vector<1x512xf32> to vector<1x1x512xf32>
    %reduce_sum3A_244 = arith.constant dense<0.000000e+00> : vector<1xf32>
    %reduce_sum3A_245 = vector.multi_reduction <add>, %reduce_sum3A_243, %reduce_sum3A_244 [1, 2] : vector<1x1x512xf32> to vector<1xf32>
    %reduce_sum3A_246 = vector.shape_cast %reduce_sum3A_245 : vector<1xf32> to vector<1x1x1xf32>
    %reduce_sum3A_247 = vector.extract %reduce_sum3A_246[0, 0, 0] : f32 from vector<1x1x1xf32>
    %add3A_248 = arith.addf %add3A_154, %reduce_sum3A_247 : f32
    %get3A_249 = arith.constant 0 : index
    %get3A_250 = arith.constant 2 : index
    %get3A_251 = vector.load %arg8[%get3A_249, %get3A_250] : memref<512x8xf32, #tpu.memory_space<vmem>>, vector<512x1xf32>
    %reduce_sum3A_252 = arith.constant dense<0.000000e+00> : vector<512xf32>
    %reduce_sum3A_253 = vector.multi_reduction <add>, %mul3A_235, %reduce_sum3A_252 [1] : vector<512x512xf32> to vector<512xf32>
    %broadcast_in_dim3A_254 = vector.shape_cast %reduce_sum3A_253 : vector<512xf32> to vector<512x1xf32>
    %add3A_255 = arith.addf %get3A_251, %broadcast_in_dim3A_254 : vector<512x1xf32>
    %swap3A_256 = arith.constant 0 : index
    %swap3A_257 = arith.constant 2 : index
    %swap3A_258 = vector.load %arg8[%swap3A_256, %swap3A_257] : memref<512x8xf32, #tpu.memory_space<vmem>>, vector<512x1xf32>
    tpu.vector_store %arg8[%swap3A_256, %swap3A_257], %add3A_255 {strides = array<i32>} : memref<512x8xf32, #tpu.memory_space<vmem>>, vector<512x1xf32>,
    %get3A_259 = arith.constant 2 : index
    %get3A_260 = arith.constant 0 : index
    %get3A_261 = arith.constant 0 : index
    %get3A_262 = vector.load %arg3[%get3A_259, %get3A_260, %get3A_261] : memref<8x512x256xf32, #tpu.memory_space<vmem>>, vector<1x512x256xf32>
    %get3A_263 = vector.shape_cast %get3A_262 : vector<1x512x256xf32> to vector<512x256xf32>
    %dot_general3A_264 = arith.constant dense<0.000000e+00> : vector<512x256xf32>
    %dot_general3A_265 = tpu.matmul %mul3A_235, %get3A_263, %dot_general3A_264 {dimension_numbers = #tpu.dot_dimension_numbers<[0], [0], [1], [1], [0, 1, 1, 1], [], []>, transpose_lhs_hint = false} : vector<512x512xf32>, vector<512x256xf32>, vector<512x256xf32> -> vector<512x256xf32>
    %add3A_266 = arith.addf %add3A_172, %dot_general3A_265 : vector<512x256xf32>
    %get3A_267 = arith.constant 2 : index
    %get3A_268 = arith.constant 0 : index
    %get3A_269 = arith.constant 0 : index
    %get3A_270 = vector.load %arg4[%get3A_267, %get3A_268, %get3A_269] : memref<8x512x256xf32, #tpu.memory_space<vmem>>, vector<1x512x256xf32>
    %get3A_271 = vector.shape_cast %get3A_270 : vector<1x512x256xf32> to vector<512x256xf32>
    %dot_general3A_272 = arith.constant dense<0.000000e+00> : vector<512x256xf32>
    %dot_general3A_273 = tpu.matmul %mul3A_235, %get3A_271, %dot_general3A_272 {dimension_numbers = #tpu.dot_dimension_numbers<[0], [0], [1], [1], [0, 1, 1, 1], [], []>, transpose_lhs_hint = false} : vector<512x512xf32>, vector<512x256xf32>, vector<512x256xf32> -> vector<512x256xf32>
    %mul3A_274 = arith.mulf %dot_general3A_265, %dot_general3A_265 : vector<512x256xf32>
    %sub3A_275 = arith.subf %dot_general3A_273, %mul3A_274 : vector<512x256xf32>
    %reduce_sum3A_276 = vector.shape_cast %sub3A_275 : vector<512x256xf32> to vector<1x512x256xf32>
    %reduce_sum3A_277 = arith.constant dense<0.000000e+00> : vector<1xf32>
    %reduce_sum3A_278 = vector.multi_reduction <add>, %reduce_sum3A_276, %reduce_sum3A_277 [1, 2] : vector<1x512x256xf32> to vector<1xf32>
    %reduce_sum3A_279 = vector.shape_cast %reduce_sum3A_278 : vector<1xf32> to vector<1x1x1xf32>
    %reduce_sum3A_280 = vector.extract %reduce_sum3A_279[0, 0, 0] : f32 from vector<1x1x1xf32>
    %add3A_281 = arith.addf %add3A_187, %reduce_sum3A_280 : f32
    %slice3A_282 = vector.extract_strided_slice %get3A_7 {offsets = [3, 0, 0], sizes = [1, 512, 256], strides = [1, 1, 1]} : vector<8x512x256xf32> to vector<1x512x256xf32>
    %squeeze3A_283 = vector.shape_cast %slice3A_282 : vector<1x512x256xf32> to vector<512x256xf32>
    %sub3A_284 = arith.subf %reduce_sum3A_8, %squeeze3A_283 : vector<512x256xf32>
    %sub3A_285 = arith.subf %get3A_3, %sub3A_284 : vector<512x256xf32>
    %get3A_286 = arith.constant 3 : index
    %get3A_287 = arith.constant 0 : index
    %get3A_288 = arith.constant 0 : index
    %get3A_289 = vector.load %arg3[%get3A_286, %get3A_287, %get3A_288] : memref<8x512x256xf32, #tpu.memory_space<vmem>>, vector<1x512x256xf32>
    %get3A_290 = vector.shape_cast %get3A_289 : vector<1x512x256xf32> to vector<512x256xf32>
    %dot_general3A_291 = arith.constant dense<0.000000e+00> : vector<512x512xf32>
    %dot_general3A_292 = tpu.matmul %get3A_290, %sub3A_285, %dot_general3A_291 {dimension_numbers = #tpu.dot_dimension_numbers<[1], [1], [0], [0], [0, 0, 1, 0], [], []>, transpose_lhs_hint = false} : vector<512x256xf32>, vector<512x256xf32>, vector<512x512xf32> -> vector<512x512xf32>
    %get3A_293 = arith.constant 0 : index
    %get3A_294 = arith.constant 3 : index
    %get3A_295 = vector.load %arg5[%get3A_293, %get3A_294] : memref<512x8xf32, #tpu.memory_space<vmem>>, vector<512x1xf32>
    %sub3A_296 = vector.broadcast %get3A_295 : vector<512x1xf32> to vector<512x512xf32>
    %sub3A_297 = arith.subf %dot_general3A_292, %sub3A_296 : vector<512x512xf32>
    %iota3A_298 = tpu.iota {dimensions = array<i32: 0>} : vector<512x512xi32>
    %reduce_max3A_299 = arith.constant dense<0xFF800000> : vector<512xf32>
    %reduce_max3A_300 = vector.multi_reduction <maximumf>, %sub3A_297, %reduce_max3A_299 [0] : vector<512x512xf32> to vector<512xf32>
    %broadcast_in_dim3A_301 = vector.shape_cast %reduce_max3A_300 : vector<512xf32> to vector<1x512xf32>
    %eq3A_302 = vector.broadcast %broadcast_in_dim3A_301 : vector<1x512xf32> to vector<512x512xf32>
    %eq3A_303 = arith.cmpf oeq, %sub3A_297, %eq3A_302 : vector<512x512xf32>
    %jit3A_304 = arith.constant 512 : i32
    %broadcast_in_dim3A_305 = vector.broadcast %jit3A_304 : i32 to vector<512x512xi32>
    %select_n3A_306 = arith.select %eq3A_303, %iota3A_298, %broadcast_in_dim3A_305 : vector<512x512xi1>, vector<512x512xi32>
    %reduce_min3A_307 = arith.constant dense<2147483647> : vector<512xi32>
    %reduce_min3A_308 = vector.multi_reduction <minsi>, %select_n3A_306, %reduce_min3A_307 [0] : vector<512x512xi32> to vector<512xi32>
    %swap3A_309 = arith.constant 3 : index
    %swap3A_310 = arith.constant 0 : index
    %swap3A_311 = vector.load %arg7[%swap3A_309, %swap3A_310] : memref<8x512xi32, #tpu.memory_space<vmem>>, vector<1x512xi32>
    %swap3A_312 = vector.shape_cast %swap3A_311 : vector<1x512xi32> to vector<512xi32>
    %swap3A_313 = vector.shape_cast %reduce_min3A_308 : vector<512xi32> to vector<1x512xi32>
    tpu.vector_store %arg7[%swap3A_309, %swap3A_310], %swap3A_313 {strides = array<i32>} : memref<8x512xi32, #tpu.memory_space<vmem>>, vector<1x512xi32>,
    %mul3A_314 = vector.broadcast %exp3A : f32 to vector<512x512xf32>
    %mul3A_315 = arith.mulf %sub3A_297, %mul3A_314 : vector<512x512xf32>
    %reduce_max3A_316 = arith.constant dense<0xFF800000> : vector<512xf32>
    %reduce_max3A_317 = vector.multi_reduction <maximumf>, %mul3A_315, %reduce_max3A_316 [0] : vector<512x512xf32> to vector<512xf32>
    %broadcast_in_dim3A_318 = vector.shape_cast %reduce_max3A_317 : vector<512xf32> to vector<1x512xf32>
    %sub3A_319 = vector.broadcast %broadcast_in_dim3A_318 : vector<1x512xf32> to vector<512x512xf32>
    %sub3A_320 = arith.subf %mul3A_315, %sub3A_319 : vector<512x512xf32>
    %exp3A_321 = math.exp %sub3A_320 : vector<512x512xf32>
    %reduce_sum3A_322 = arith.constant dense<0.000000e+00> : vector<512xf32>
    %reduce_sum3A_323 = vector.multi_reduction <add>, %exp3A_321, %reduce_sum3A_322 [0] : vector<512x512xf32> to vector<512xf32>
    %broadcast_in_dim3A_324 = vector.shape_cast %reduce_sum3A_323 : vector<512xf32> to vector<1x512xf32>
    %div3A_325 = arith.constant 1.000000e+00 : f32
    %div3A_326 = vector.broadcast %div3A_325 : f32 to vector<1x512xf32>
    %div3A_327 = arith.divf %div3A_326, %broadcast_in_dim3A_324 : vector<1x512xf32>
    %mul3A_328 = vector.broadcast %div3A_327 : vector<1x512xf32> to vector<512x512xf32>
    %mul3A_329 = arith.mulf %exp3A_321, %mul3A_328 : vector<512x512xf32>
    %log3A_330 = math.log %broadcast_in_dim3A_324 : vector<1x512xf32>
    %mul3A_331 = arith.mulf %exp3A_321, %sub3A_320 : vector<512x512xf32>
    %reduce_sum3A_332 = arith.constant dense<0.000000e+00> : vector<512xf32>
    %reduce_sum3A_333 = vector.multi_reduction <add>, %mul3A_331, %reduce_sum3A_332 [0] : vector<512x512xf32> to vector<512xf32>
    %broadcast_in_dim3A_334 = vector.shape_cast %reduce_sum3A_333 : vector<512xf32> to vector<1x512xf32>
    %mul3A_335 = arith.mulf %broadcast_in_dim3A_334, %div3A_327 : vector<1x512xf32>
    %sub3A_336 = arith.subf %log3A_330, %mul3A_335 : vector<1x512xf32>
    %reduce_sum3A_337 = vector.shape_cast %sub3A_336 : vector<1x512xf32> to vector<1x1x512xf32>
    %reduce_sum3A_338 = arith.constant dense<0.000000e+00> : vector<1xf32>
    %reduce_sum3A_339 = vector.multi_reduction <add>, %reduce_sum3A_337, %reduce_sum3A_338 [1, 2] : vector<1x1x512xf32> to vector<1xf32>
    %reduce_sum3A_340 = vector.shape_cast %reduce_sum3A_339 : vector<1xf32> to vector<1x1x1xf32>
    %reduce_sum3A_341 = vector.extract %reduce_sum3A_340[0, 0, 0] : f32 from vector<1x1x1xf32>
    %add3A_342 = arith.addf %add3A_248, %reduce_sum3A_341 : f32
    %get3A_343 = arith.constant 0 : index
    %get3A_344 = arith.constant 3 : index
    %get3A_345 = vector.load %arg8[%get3A_343, %get3A_344] : memref<512x8xf32, #tpu.memory_space<vmem>>, vector<512x1xf32>
    %reduce_sum3A_346 = arith.constant dense<0.000000e+00> : vector<512xf32>
    %reduce_sum3A_347 = vector.multi_reduction <add>, %mul3A_329, %reduce_sum3A_346 [1] : vector<512x512xf32> to vector<512xf32>
    %broadcast_in_dim3A_348 = vector.shape_cast %reduce_sum3A_347 : vector<512xf32> to vector<512x1xf32>
    %add3A_349 = arith.addf %get3A_345, %broadcast_in_dim3A_348 : vector<512x1xf32>
    %swap3A_350 = arith.constant 0 : index
    %swap3A_351 = arith.constant 3 : index
    %swap3A_352 = vector.load %arg8[%swap3A_350, %swap3A_351] : memref<512x8xf32, #tpu.memory_space<vmem>>, vector<512x1xf32>
    tpu.vector_store %arg8[%swap3A_350, %swap3A_351], %add3A_349 {strides = array<i32>} : memref<512x8xf32, #tpu.memory_space<vmem>>, vector<512x1xf32>,
    %get3A_353 = arith.constant 3 : index
    %get3A_354 = arith.constant 0 : index
    %get3A_355 = arith.constant 0 : index
    %get3A_356 = vector.load %arg3[%get3A_353, %get3A_354, %get3A_355] : memref<8x512x256xf32, #tpu.memory_space<vmem>>, vector<1x512x256xf32>
    %get3A_357 = vector.shape_cast %get3A_356 : vector<1x512x256xf32> to vector<512x256xf32>
    %dot_general3A_358 = arith.constant dense<0.000000e+00> : vector<512x256xf32>
    %dot_general3A_359 = tpu.matmul %mul3A_329, %get3A_357, %dot_general3A_358 {dimension_numbers = #tpu.dot_dimension_numbers<[0], [0], [1], [1], [0, 1, 1, 1], [], []>, transpose_lhs_hint = false} : vector<512x512xf32>, vector<512x256xf32>, vector<512x256xf32> -> vector<512x256xf32>
    %add3A_360 = arith.addf %add3A_266, %dot_general3A_359 : vector<512x256xf32>
    %get3A_361 = arith.constant 3 : index
    %get3A_362 = arith.constant 0 : index
    %get3A_363 = arith.constant 0 : index
    %get3A_364 = vector.load %arg4[%get3A_361, %get3A_362, %get3A_363] : memref<8x512x256xf32, #tpu.memory_space<vmem>>, vector<1x512x256xf32>
    %get3A_365 = vector.shape_cast %get3A_364 : vector<1x512x256xf32> to vector<512x256xf32>
    %dot_general3A_366 = arith.constant dense<0.000000e+00> : vector<512x256xf32>
    %dot_general3A_367 = tpu.matmul %mul3A_329, %get3A_365, %dot_general3A_366 {dimension_numbers = #tpu.dot_dimension_numbers<[0], [0], [1], [1], [0, 1, 1, 1], [], []>, transpose_lhs_hint = false} : vector<512x512xf32>, vector<512x256xf32>, vector<512x256xf32> -> vector<512x256xf32>
    %mul3A_368 = arith.mulf %dot_general3A_359, %dot_general3A_359 : vector<512x256xf32>
    %sub3A_369 = arith.subf %dot_general3A_367, %mul3A_368 : vector<512x256xf32>
    %reduce_sum3A_370 = vector.shape_cast %sub3A_369 : vector<512x256xf32> to vector<1x512x256xf32>
    %reduce_sum3A_371 = arith.constant dense<0.000000e+00> : vector<1xf32>
    %reduce_sum3A_372 = vector.multi_reduction <add>, %reduce_sum3A_370, %reduce_sum3A_371 [1, 2] : vector<1x512x256xf32> to vector<1xf32>
    %reduce_sum3A_373 = vector.shape_cast %reduce_sum3A_372 : vector<1xf32> to vector<1x1x1xf32>
    %reduce_sum3A_374 = vector.extract %reduce_sum3A_373[0, 0, 0] : f32 from vector<1x1x1xf32>
    %add3A_375 = arith.addf %add3A_281, %reduce_sum3A_374 : f32
    %slice3A_376 = vector.extract_strided_slice %get3A_7 {offsets = [4, 0, 0], sizes = [1, 512, 256], strides = [1, 1, 1]} : vector<8x512x256xf32> to vector<1x512x256xf32>
    %squeeze3A_377 = vector.shape_cast %slice3A_376 : vector<1x512x256xf32> to vector<512x256xf32>
    %sub3A_378 = arith.subf %reduce_sum3A_8, %squeeze3A_377 : vector<512x256xf32>
    %sub3A_379 = arith.subf %get3A_3, %sub3A_378 : vector<512x256xf32>
    %get3A_380 = arith.constant 4 : index
    %get3A_381 = arith.constant 0 : index
    %get3A_382 = arith.constant 0 : index
    %get3A_383 = vector.load %arg3[%get3A_380, %get3A_381, %get3A_382] : memref<8x512x256xf32, #tpu.memory_space<vmem>>, vector<1x512x256xf32>
    %get3A_384 = vector.shape_cast %get3A_383 : vector<1x512x256xf32> to vector<512x256xf32>
    %dot_general3A_385 = arith.constant dense<0.000000e+00> : vector<512x512xf32>
    %dot_general3A_386 = tpu.matmul %get3A_384, %sub3A_379, %dot_general3A_385 {dimension_numbers = #tpu.dot_dimension_numbers<[1], [1], [0], [0], [0, 0, 1, 0], [], []>, transpose_lhs_hint = false} : vector<512x256xf32>, vector<512x256xf32>, vector<512x512xf32> -> vector<512x512xf32>
    %get3A_387 = arith.constant 0 : index
    %get3A_388 = arith.constant 4 : index
    %get3A_389 = vector.load %arg5[%get3A_387, %get3A_388] : memref<512x8xf32, #tpu.memory_space<vmem>>, vector<512x1xf32>
    %sub3A_390 = vector.broadcast %get3A_389 : vector<512x1xf32> to vector<512x512xf32>
    %sub3A_391 = arith.subf %dot_general3A_386, %sub3A_390 : vector<512x512xf32>
    %iota3A_392 = tpu.iota {dimensions = array<i32: 0>} : vector<512x512xi32>
    %reduce_max3A_393 = arith.constant dense<0xFF800000> : vector<512xf32>
    %reduce_max3A_394 = vector.multi_reduction <maximumf>, %sub3A_391, %reduce_max3A_393 [0] : vector<512x512xf32> to vector<512xf32>
    %broadcast_in_dim3A_395 = vector.shape_cast %reduce_max3A_394 : vector<512xf32> to vector<1x512xf32>
    %eq3A_396 = vector.broadcast %broadcast_in_dim3A_395 : vector<1x512xf32> to vector<512x512xf32>
    %eq3A_397 = arith.cmpf oeq, %sub3A_391, %eq3A_396 : vector<512x512xf32>
    %jit3A_398 = arith.constant 512 : i32
    %broadcast_in_dim3A_399 = vector.broadcast %jit3A_398 : i32 to vector<512x512xi32>
    %select_n3A_400 = arith.select %eq3A_397, %iota3A_392, %broadcast_in_dim3A_399 : vector<512x512xi1>, vector<512x512xi32>
    %reduce_min3A_401 = arith.constant dense<2147483647> : vector<512xi32>
    %reduce_min3A_402 = vector.multi_reduction <minsi>, %select_n3A_400, %reduce_min3A_401 [0] : vector<512x512xi32> to vector<512xi32>
    %swap3A_403 = arith.constant 4 : index
    %swap3A_404 = arith.constant 0 : index
    %swap3A_405 = vector.load %arg7[%swap3A_403, %swap3A_404] : memref<8x512xi32, #tpu.memory_space<vmem>>, vector<1x512xi32>
    %swap3A_406 = vector.shape_cast %swap3A_405 : vector<1x512xi32> to vector<512xi32>
    %swap3A_407 = vector.shape_cast %reduce_min3A_402 : vector<512xi32> to vector<1x512xi32>
    tpu.vector_store %arg7[%swap3A_403, %swap3A_404], %swap3A_407 {strides = array<i32>} : memref<8x512xi32, #tpu.memory_space<vmem>>, vector<1x512xi32>,
    %mul3A_408 = vector.broadcast %exp3A : f32 to vector<512x512xf32>
    %mul3A_409 = arith.mulf %sub3A_391, %mul3A_408 : vector<512x512xf32>
    %reduce_max3A_410 = arith.constant dense<0xFF800000> : vector<512xf32>
    %reduce_max3A_411 = vector.multi_reduction <maximumf>, %mul3A_409, %reduce_max3A_410 [0] : vector<512x512xf32> to vector<512xf32>
    %broadcast_in_dim3A_412 = vector.shape_cast %reduce_max3A_411 : vector<512xf32> to vector<1x512xf32>
    %sub3A_413 = vector.broadcast %broadcast_in_dim3A_412 : vector<1x512xf32> to vector<512x512xf32>
    %sub3A_414 = arith.subf %mul3A_409, %sub3A_413 : vector<512x512xf32>
    %exp3A_415 = math.exp %sub3A_414 : vector<512x512xf32>
    %reduce_sum3A_416 = arith.constant dense<0.000000e+00> : vector<512xf32>
    %reduce_sum3A_417 = vector.multi_reduction <add>, %exp3A_415, %reduce_sum3A_416 [0] : vector<512x512xf32> to vector<512xf32>
    %broadcast_in_dim3A_418 = vector.shape_cast %reduce_sum3A_417 : vector<512xf32> to vector<1x512xf32>
    %div3A_419 = arith.constant 1.000000e+00 : f32
    %div3A_420 = vector.broadcast %div3A_419 : f32 to vector<1x512xf32>
    %div3A_421 = arith.divf %div3A_420, %broadcast_in_dim3A_418 : vector<1x512xf32>
    %mul3A_422 = vector.broadcast %div3A_421 : vector<1x512xf32> to vector<512x512xf32>
    %mul3A_423 = arith.mulf %exp3A_415, %mul3A_422 : vector<512x512xf32>
    %log3A_424 = math.log %broadcast_in_dim3A_418 : vector<1x512xf32>
    %mul3A_425 = arith.mulf %exp3A_415, %sub3A_414 : vector<512x512xf32>
    %reduce_sum3A_426 = arith.constant dense<0.000000e+00> : vector<512xf32>
    %reduce_sum3A_427 = vector.multi_reduction <add>, %mul3A_425, %reduce_sum3A_426 [0] : vector<512x512xf32> to vector<512xf32>
    %broadcast_in_dim3A_428 = vector.shape_cast %reduce_sum3A_427 : vector<512xf32> to vector<1x512xf32>
    %mul3A_429 = arith.mulf %broadcast_in_dim3A_428, %div3A_421 : vector<1x512xf32>
    %sub3A_430 = arith.subf %log3A_424, %mul3A_429 : vector<1x512xf32>
    %reduce_sum3A_431 = vector.shape_cast %sub3A_430 : vector<1x512xf32> to vector<1x1x512xf32>
    %reduce_sum3A_432 = arith.constant dense<0.000000e+00> : vector<1xf32>
    %reduce_sum3A_433 = vector.multi_reduction <add>, %reduce_sum3A_431, %reduce_sum3A_432 [1, 2] : vector<1x1x512xf32> to vector<1xf32>
    %reduce_sum3A_434 = vector.shape_cast %reduce_sum3A_433 : vector<1xf32> to vector<1x1x1xf32>
    %reduce_sum3A_435 = vector.extract %reduce_sum3A_434[0, 0, 0] : f32 from vector<1x1x1xf32>
    %add3A_436 = arith.addf %add3A_342, %reduce_sum3A_435 : f32
    %get3A_437 = arith.constant 0 : index
    %get3A_438 = arith.constant 4 : index
    %get3A_439 = vector.load %arg8[%get3A_437, %get3A_438] : memref<512x8xf32, #tpu.memory_space<vmem>>, vector<512x1xf32>
    %reduce_sum3A_440 = arith.constant dense<0.000000e+00> : vector<512xf32>
    %reduce_sum3A_441 = vector.multi_reduction <add>, %mul3A_423, %reduce_sum3A_440 [1] : vector<512x512xf32> to vector<512xf32>
    %broadcast_in_dim3A_442 = vector.shape_cast %reduce_sum3A_441 : vector<512xf32> to vector<512x1xf32>
    %add3A_443 = arith.addf %get3A_439, %broadcast_in_dim3A_442 : vector<512x1xf32>
    %swap3A_444 = arith.constant 0 : index
    %swap3A_445 = arith.constant 4 : index
    %swap3A_446 = vector.load %arg8[%swap3A_444, %swap3A_445] : memref<512x8xf32, #tpu.memory_space<vmem>>, vector<512x1xf32>
    tpu.vector_store %arg8[%swap3A_444, %swap3A_445], %add3A_443 {strides = array<i32>} : memref<512x8xf32, #tpu.memory_space<vmem>>, vector<512x1xf32>,
    %get3A_447 = arith.constant 4 : index
    %get3A_448 = arith.constant 0 : index
    %get3A_449 = arith.constant 0 : index
    %get3A_450 = vector.load %arg3[%get3A_447, %get3A_448, %get3A_449] : memref<8x512x256xf32, #tpu.memory_space<vmem>>, vector<1x512x256xf32>
    %get3A_451 = vector.shape_cast %get3A_450 : vector<1x512x256xf32> to vector<512x256xf32>
    %dot_general3A_452 = arith.constant dense<0.000000e+00> : vector<512x256xf32>
    %dot_general3A_453 = tpu.matmul %mul3A_423, %get3A_451, %dot_general3A_452 {dimension_numbers = #tpu.dot_dimension_numbers<[0], [0], [1], [1], [0, 1, 1, 1], [], []>, transpose_lhs_hint = false} : vector<512x512xf32>, vector<512x256xf32>, vector<512x256xf32> -> vector<512x256xf32>
    %add3A_454 = arith.addf %add3A_360, %dot_general3A_453 : vector<512x256xf32>
    %get3A_455 = arith.constant 4 : index
    %get3A_456 = arith.constant 0 : index
    %get3A_457 = arith.constant 0 : index
    %get3A_458 = vector.load %arg4[%get3A_455, %get3A_456, %get3A_457] : memref<8x512x256xf32, #tpu.memory_space<vmem>>, vector<1x512x256xf32>
    %get3A_459 = vector.shape_cast %get3A_458 : vector<1x512x256xf32> to vector<512x256xf32>
    %dot_general3A_460 = arith.constant dense<0.000000e+00> : vector<512x256xf32>
    %dot_general3A_461 = tpu.matmul %mul3A_423, %get3A_459, %dot_general3A_460 {dimension_numbers = #tpu.dot_dimension_numbers<[0], [0], [1], [1], [0, 1, 1, 1], [], []>, transpose_lhs_hint = false} : vector<512x512xf32>, vector<512x256xf32>, vector<512x256xf32> -> vector<512x256xf32>
    %mul3A_462 = arith.mulf %dot_general3A_453, %dot_general3A_453 : vector<512x256xf32>
    %sub3A_463 = arith.subf %dot_general3A_461, %mul3A_462 : vector<512x256xf32>
    %reduce_sum3A_464 = vector.shape_cast %sub3A_463 : vector<512x256xf32> to vector<1x512x256xf32>
    %reduce_sum3A_465 = arith.constant dense<0.000000e+00> : vector<1xf32>
    %reduce_sum3A_466 = vector.multi_reduction <add>, %reduce_sum3A_464, %reduce_sum3A_465 [1, 2] : vector<1x512x256xf32> to vector<1xf32>
    %reduce_sum3A_467 = vector.shape_cast %reduce_sum3A_466 : vector<1xf32> to vector<1x1x1xf32>
    %reduce_sum3A_468 = vector.extract %reduce_sum3A_467[0, 0, 0] : f32 from vector<1x1x1xf32>
    %add3A_469 = arith.addf %add3A_375, %reduce_sum3A_468 : f32
    %slice3A_470 = vector.extract_strided_slice %get3A_7 {offsets = [5, 0, 0], sizes = [1, 512, 256], strides = [1, 1, 1]} : vector<8x512x256xf32> to vector<1x512x256xf32>
    %squeeze3A_471 = vector.shape_cast %slice3A_470 : vector<1x512x256xf32> to vector<512x256xf32>
    %sub3A_472 = arith.subf %reduce_sum3A_8, %squeeze3A_471 : vector<512x256xf32>
    %sub3A_473 = arith.subf %get3A_3, %sub3A_472 : vector<512x256xf32>
    %get3A_474 = arith.constant 5 : index
    %get3A_475 = arith.constant 0 : index
    %get3A_476 = arith.constant 0 : index
    %get3A_477 = vector.load %arg3[%get3A_474, %get3A_475, %get3A_476] : memref<8x512x256xf32, #tpu.memory_space<vmem>>, vector<1x512x256xf32>
    %get3A_478 = vector.shape_cast %get3A_477 : vector<1x512x256xf32> to vector<512x256xf32>
    %dot_general3A_479 = arith.constant dense<0.000000e+00> : vector<512x512xf32>
    %dot_general3A_480 = tpu.matmul %get3A_478, %sub3A_473, %dot_general3A_479 {dimension_numbers = #tpu.dot_dimension_numbers<[1], [1], [0], [0], [0, 0, 1, 0], [], []>, transpose_lhs_hint = false} : vector<512x256xf32>, vector<512x256xf32>, vector<512x512xf32> -> vector<512x512xf32>
    %get3A_481 = arith.constant 0 : index
    %get3A_482 = arith.constant 5 : index
    %get3A_483 = vector.load %arg5[%get3A_481, %get3A_482] : memref<512x8xf32, #tpu.memory_space<vmem>>, vector<512x1xf32>
    %sub3A_484 = vector.broadcast %get3A_483 : vector<512x1xf32> to vector<512x512xf32>
    %sub3A_485 = arith.subf %dot_general3A_480, %sub3A_484 : vector<512x512xf32>
    %iota3A_486 = tpu.iota {dimensions = array<i32: 0>} : vector<512x512xi32>
    %reduce_max3A_487 = arith.constant dense<0xFF800000> : vector<512xf32>
    %reduce_max3A_488 = vector.multi_reduction <maximumf>, %sub3A_485, %reduce_max3A_487 [0] : vector<512x512xf32> to vector<512xf32>
    %broadcast_in_dim3A_489 = vector.shape_cast %reduce_max3A_488 : vector<512xf32> to vector<1x512xf32>
    %eq3A_490 = vector.broadcast %broadcast_in_dim3A_489 : vector<1x512xf32> to vector<512x512xf32>
    %eq3A_491 = arith.cmpf oeq, %sub3A_485, %eq3A_490 : vector<512x512xf32>
    %jit3A_492 = arith.constant 512 : i32
    %broadcast_in_dim3A_493 = vector.broadcast %jit3A_492 : i32 to vector<512x512xi32>
    %select_n3A_494 = arith.select %eq3A_491, %iota3A_486, %broadcast_in_dim3A_493 : vector<512x512xi1>, vector<512x512xi32>
    %reduce_min3A_495 = arith.constant dense<2147483647> : vector<512xi32>
    %reduce_min3A_496 = vector.multi_reduction <minsi>, %select_n3A_494, %reduce_min3A_495 [0] : vector<512x512xi32> to vector<512xi32>
    %swap3A_497 = arith.constant 5 : index
    %swap3A_498 = arith.constant 0 : index
    %swap3A_499 = vector.load %arg7[%swap3A_497, %swap3A_498] : memref<8x512xi32, #tpu.memory_space<vmem>>, vector<1x512xi32>
    %swap3A_500 = vector.shape_cast %swap3A_499 : vector<1x512xi32> to vector<512xi32>
    %swap3A_501 = vector.shape_cast %reduce_min3A_496 : vector<512xi32> to vector<1x512xi32>
    tpu.vector_store %arg7[%swap3A_497, %swap3A_498], %swap3A_501 {strides = array<i32>} : memref<8x512xi32, #tpu.memory_space<vmem>>, vector<1x512xi32>,
    %mul3A_502 = vector.broadcast %exp3A : f32 to vector<512x512xf32>
    %mul3A_503 = arith.mulf %sub3A_485, %mul3A_502 : vector<512x512xf32>
    %reduce_max3A_504 = arith.constant dense<0xFF800000> : vector<512xf32>
    %reduce_max3A_505 = vector.multi_reduction <maximumf>, %mul3A_503, %reduce_max3A_504 [0] : vector<512x512xf32> to vector<512xf32>
    %broadcast_in_dim3A_506 = vector.shape_cast %reduce_max3A_505 : vector<512xf32> to vector<1x512xf32>
    %sub3A_507 = vector.broadcast %broadcast_in_dim3A_506 : vector<1x512xf32> to vector<512x512xf32>
    %sub3A_508 = arith.subf %mul3A_503, %sub3A_507 : vector<512x512xf32>
    %exp3A_509 = math.exp %sub3A_508 : vector<512x512xf32>
    %reduce_sum3A_510 = arith.constant dense<0.000000e+00> : vector<512xf32>
    %reduce_sum3A_511 = vector.multi_reduction <add>, %exp3A_509, %reduce_sum3A_510 [0] : vector<512x512xf32> to vector<512xf32>
    %broadcast_in_dim3A_512 = vector.shape_cast %reduce_sum3A_511 : vector<512xf32> to vector<1x512xf32>
    %div3A_513 = arith.constant 1.000000e+00 : f32
    %div3A_514 = vector.broadcast %div3A_513 : f32 to vector<1x512xf32>
    %div3A_515 = arith.divf %div3A_514, %broadcast_in_dim3A_512 : vector<1x512xf32>
    %mul3A_516 = vector.broadcast %div3A_515 : vector<1x512xf32> to vector<512x512xf32>
    %mul3A_517 = arith.mulf %exp3A_509, %mul3A_516 : vector<512x512xf32>
    %log3A_518 = math.log %broadcast_in_dim3A_512 : vector<1x512xf32>
    %mul3A_519 = arith.mulf %exp3A_509, %sub3A_508 : vector<512x512xf32>
    %reduce_sum3A_520 = arith.constant dense<0.000000e+00> : vector<512xf32>
    %reduce_sum3A_521 = vector.multi_reduction <add>, %mul3A_519, %reduce_sum3A_520 [0] : vector<512x512xf32> to vector<512xf32>
    %broadcast_in_dim3A_522 = vector.shape_cast %reduce_sum3A_521 : vector<512xf32> to vector<1x512xf32>
    %mul3A_523 = arith.mulf %broadcast_in_dim3A_522, %div3A_515 : vector<1x512xf32>
    %sub3A_524 = arith.subf %log3A_518, %mul3A_523 : vector<1x512xf32>
    %reduce_sum3A_525 = vector.shape_cast %sub3A_524 : vector<1x512xf32> to vector<1x1x512xf32>
    %reduce_sum3A_526 = arith.constant dense<0.000000e+00> : vector<1xf32>
    %reduce_sum3A_527 = vector.multi_reduction <add>, %reduce_sum3A_525, %reduce_sum3A_526 [1, 2] : vector<1x1x512xf32> to vector<1xf32>
    %reduce_sum3A_528 = vector.shape_cast %reduce_sum3A_527 : vector<1xf32> to vector<1x1x1xf32>
    %reduce_sum3A_529 = vector.extract %reduce_sum3A_528[0, 0, 0] : f32 from vector<1x1x1xf32>
    %add3A_530 = arith.addf %add3A_436, %reduce_sum3A_529 : f32
    %get3A_531 = arith.constant 0 : index
    %get3A_532 = arith.constant 5 : index
    %get3A_533 = vector.load %arg8[%get3A_531, %get3A_532] : memref<512x8xf32, #tpu.memory_space<vmem>>, vector<512x1xf32>
    %reduce_sum3A_534 = arith.constant dense<0.000000e+00> : vector<512xf32>
    %reduce_sum3A_535 = vector.multi_reduction <add>, %mul3A_517, %reduce_sum3A_534 [1] : vector<512x512xf32> to vector<512xf32>
    %broadcast_in_dim3A_536 = vector.shape_cast %reduce_sum3A_535 : vector<512xf32> to vector<512x1xf32>
    %add3A_537 = arith.addf %get3A_533, %broadcast_in_dim3A_536 : vector<512x1xf32>
    %swap3A_538 = arith.constant 0 : index
    %swap3A_539 = arith.constant 5 : index
    %swap3A_540 = vector.load %arg8[%swap3A_538, %swap3A_539] : memref<512x8xf32, #tpu.memory_space<vmem>>, vector<512x1xf32>
    tpu.vector_store %arg8[%swap3A_538, %swap3A_539], %add3A_537 {strides = array<i32>} : memref<512x8xf32, #tpu.memory_space<vmem>>, vector<512x1xf32>,
    %get3A_541 = arith.constant 5 : index
    %get3A_542 = arith.constant 0 : index
    %get3A_543 = arith.constant 0 : index
    %get3A_544 = vector.load %arg3[%get3A_541, %get3A_542, %get3A_543] : memref<8x512x256xf32, #tpu.memory_space<vmem>>, vector<1x512x256xf32>
    %get3A_545 = vector.shape_cast %get3A_544 : vector<1x512x256xf32> to vector<512x256xf32>
    %dot_general3A_546 = arith.constant dense<0.000000e+00> : vector<512x256xf32>
    %dot_general3A_547 = tpu.matmul %mul3A_517, %get3A_545, %dot_general3A_546 {dimension_numbers = #tpu.dot_dimension_numbers<[0], [0], [1], [1], [0, 1, 1, 1], [], []>, transpose_lhs_hint = false} : vector<512x512xf32>, vector<512x256xf32>, vector<512x256xf32> -> vector<512x256xf32>
    %add3A_548 = arith.addf %add3A_454, %dot_general3A_547 : vector<512x256xf32>
    %get3A_549 = arith.constant 5 : index
    %get3A_550 = arith.constant 0 : index
    %get3A_551 = arith.constant 0 : index
    %get3A_552 = vector.load %arg4[%get3A_549, %get3A_550, %get3A_551] : memref<8x512x256xf32, #tpu.memory_space<vmem>>, vector<1x512x256xf32>
    %get3A_553 = vector.shape_cast %get3A_552 : vector<1x512x256xf32> to vector<512x256xf32>
    %dot_general3A_554 = arith.constant dense<0.000000e+00> : vector<512x256xf32>
    %dot_general3A_555 = tpu.matmul %mul3A_517, %get3A_553, %dot_general3A_554 {dimension_numbers = #tpu.dot_dimension_numbers<[0], [0], [1], [1], [0, 1, 1, 1], [], []>, transpose_lhs_hint = false} : vector<512x512xf32>, vector<512x256xf32>, vector<512x256xf32> -> vector<512x256xf32>
    %mul3A_556 = arith.mulf %dot_general3A_547, %dot_general3A_547 : vector<512x256xf32>
    %sub3A_557 = arith.subf %dot_general3A_555, %mul3A_556 : vector<512x256xf32>
    %reduce_sum3A_558 = vector.shape_cast %sub3A_557 : vector<512x256xf32> to vector<1x512x256xf32>
    %reduce_sum3A_559 = arith.constant dense<0.000000e+00> : vector<1xf32>
    %reduce_sum3A_560 = vector.multi_reduction <add>, %reduce_sum3A_558, %reduce_sum3A_559 [1, 2] : vector<1x512x256xf32> to vector<1xf32>
    %reduce_sum3A_561 = vector.shape_cast %reduce_sum3A_560 : vector<1xf32> to vector<1x1x1xf32>
    %reduce_sum3A_562 = vector.extract %reduce_sum3A_561[0, 0, 0] : f32 from vector<1x1x1xf32>
    %add3A_563 = arith.addf %add3A_469, %reduce_sum3A_562 : f32
    %slice3A_564 = vector.extract_strided_slice %get3A_7 {offsets = [6, 0, 0], sizes = [1, 512, 256], strides = [1, 1, 1]} : vector<8x512x256xf32> to vector<1x512x256xf32>
    %squeeze3A_565 = vector.shape_cast %slice3A_564 : vector<1x512x256xf32> to vector<512x256xf32>
    %sub3A_566 = arith.subf %reduce_sum3A_8, %squeeze3A_565 : vector<512x256xf32>
    %sub3A_567 = arith.subf %get3A_3, %sub3A_566 : vector<512x256xf32>
    %get3A_568 = arith.constant 6 : index
    %get3A_569 = arith.constant 0 : index
    %get3A_570 = arith.constant 0 : index
    %get3A_571 = vector.load %arg3[%get3A_568, %get3A_569, %get3A_570] : memref<8x512x256xf32, #tpu.memory_space<vmem>>, vector<1x512x256xf32>
    %get3A_572 = vector.shape_cast %get3A_571 : vector<1x512x256xf32> to vector<512x256xf32>
    %dot_general3A_573 = arith.constant dense<0.000000e+00> : vector<512x512xf32>
    %dot_general3A_574 = tpu.matmul %get3A_572, %sub3A_567, %dot_general3A_573 {dimension_numbers = #tpu.dot_dimension_numbers<[1], [1], [0], [0], [0, 0, 1, 0], [], []>, transpose_lhs_hint = false} : vector<512x256xf32>, vector<512x256xf32>, vector<512x512xf32> -> vector<512x512xf32>
    %get3A_575 = arith.constant 0 : index
    %get3A_576 = arith.constant 6 : index
    %get3A_577 = vector.load %arg5[%get3A_575, %get3A_576] : memref<512x8xf32, #tpu.memory_space<vmem>>, vector<512x1xf32>
    %sub3A_578 = vector.broadcast %get3A_577 : vector<512x1xf32> to vector<512x512xf32>
    %sub3A_579 = arith.subf %dot_general3A_574, %sub3A_578 : vector<512x512xf32>
    %iota3A_580 = tpu.iota {dimensions = array<i32: 0>} : vector<512x512xi32>
    %reduce_max3A_581 = arith.constant dense<0xFF800000> : vector<512xf32>
    %reduce_max3A_582 = vector.multi_reduction <maximumf>, %sub3A_579, %reduce_max3A_581 [0] : vector<512x512xf32> to vector<512xf32>
    %broadcast_in_dim3A_583 = vector.shape_cast %reduce_max3A_582 : vector<512xf32> to vector<1x512xf32>
    %eq3A_584 = vector.broadcast %broadcast_in_dim3A_583 : vector<1x512xf32> to vector<512x512xf32>
    %eq3A_585 = arith.cmpf oeq, %sub3A_579, %eq3A_584 : vector<512x512xf32>
    %jit3A_586 = arith.constant 512 : i32
    %broadcast_in_dim3A_587 = vector.broadcast %jit3A_586 : i32 to vector<512x512xi32>
    %select_n3A_588 = arith.select %eq3A_585, %iota3A_580, %broadcast_in_dim3A_587 : vector<512x512xi1>, vector<512x512xi32>
    %reduce_min3A_589 = arith.constant dense<2147483647> : vector<512xi32>
    %reduce_min3A_590 = vector.multi_reduction <minsi>, %select_n3A_588, %reduce_min3A_589 [0] : vector<512x512xi32> to vector<512xi32>
    %swap3A_591 = arith.constant 6 : index
    %swap3A_592 = arith.constant 0 : index
    %swap3A_593 = vector.load %arg7[%swap3A_591, %swap3A_592] : memref<8x512xi32, #tpu.memory_space<vmem>>, vector<1x512xi32>
    %swap3A_594 = vector.shape_cast %swap3A_593 : vector<1x512xi32> to vector<512xi32>
    %swap3A_595 = vector.shape_cast %reduce_min3A_590 : vector<512xi32> to vector<1x512xi32>
    tpu.vector_store %arg7[%swap3A_591, %swap3A_592], %swap3A_595 {strides = array<i32>} : memref<8x512xi32, #tpu.memory_space<vmem>>, vector<1x512xi32>,
    %mul3A_596 = vector.broadcast %exp3A : f32 to vector<512x512xf32>
    %mul3A_597 = arith.mulf %sub3A_579, %mul3A_596 : vector<512x512xf32>
    %reduce_max3A_598 = arith.constant dense<0xFF800000> : vector<512xf32>
    %reduce_max3A_599 = vector.multi_reduction <maximumf>, %mul3A_597, %reduce_max3A_598 [0] : vector<512x512xf32> to vector<512xf32>
    %broadcast_in_dim3A_600 = vector.shape_cast %reduce_max3A_599 : vector<512xf32> to vector<1x512xf32>
    %sub3A_601 = vector.broadcast %broadcast_in_dim3A_600 : vector<1x512xf32> to vector<512x512xf32>
    %sub3A_602 = arith.subf %mul3A_597, %sub3A_601 : vector<512x512xf32>
    %exp3A_603 = math.exp %sub3A_602 : vector<512x512xf32>
    %reduce_sum3A_604 = arith.constant dense<0.000000e+00> : vector<512xf32>
    %reduce_sum3A_605 = vector.multi_reduction <add>, %exp3A_603, %reduce_sum3A_604 [0] : vector<512x512xf32> to vector<512xf32>
    %broadcast_in_dim3A_606 = vector.shape_cast %reduce_sum3A_605 : vector<512xf32> to vector<1x512xf32>
    %div3A_607 = arith.constant 1.000000e+00 : f32
    %div3A_608 = vector.broadcast %div3A_607 : f32 to vector<1x512xf32>
    %div3A_609 = arith.divf %div3A_608, %broadcast_in_dim3A_606 : vector<1x512xf32>
    %mul3A_610 = vector.broadcast %div3A_609 : vector<1x512xf32> to vector<512x512xf32>
    %mul3A_611 = arith.mulf %exp3A_603, %mul3A_610 : vector<512x512xf32>
    %log3A_612 = math.log %broadcast_in_dim3A_606 : vector<1x512xf32>
    %mul3A_613 = arith.mulf %exp3A_603, %sub3A_602 : vector<512x512xf32>
    %reduce_sum3A_614 = arith.constant dense<0.000000e+00> : vector<512xf32>
    %reduce_sum3A_615 = vector.multi_reduction <add>, %mul3A_613, %reduce_sum3A_614 [0] : vector<512x512xf32> to vector<512xf32>
    %broadcast_in_dim3A_616 = vector.shape_cast %reduce_sum3A_615 : vector<512xf32> to vector<1x512xf32>
    %mul3A_617 = arith.mulf %broadcast_in_dim3A_616, %div3A_609 : vector<1x512xf32>
    %sub3A_618 = arith.subf %log3A_612, %mul3A_617 : vector<1x512xf32>
    %reduce_sum3A_619 = vector.shape_cast %sub3A_618 : vector<1x512xf32> to vector<1x1x512xf32>
    %reduce_sum3A_620 = arith.constant dense<0.000000e+00> : vector<1xf32>
    %reduce_sum3A_621 = vector.multi_reduction <add>, %reduce_sum3A_619, %reduce_sum3A_620 [1, 2] : vector<1x1x512xf32> to vector<1xf32>
    %reduce_sum3A_622 = vector.shape_cast %reduce_sum3A_621 : vector<1xf32> to vector<1x1x1xf32>
    %reduce_sum3A_623 = vector.extract %reduce_sum3A_622[0, 0, 0] : f32 from vector<1x1x1xf32>
    %add3A_624 = arith.addf %add3A_530, %reduce_sum3A_623 : f32
    %get3A_625 = arith.constant 0 : index
    %get3A_626 = arith.constant 6 : index
    %get3A_627 = vector.load %arg8[%get3A_625, %get3A_626] : memref<512x8xf32, #tpu.memory_space<vmem>>, vector<512x1xf32>
    %reduce_sum3A_628 = arith.constant dense<0.000000e+00> : vector<512xf32>
    %reduce_sum3A_629 = vector.multi_reduction <add>, %mul3A_611, %reduce_sum3A_628 [1] : vector<512x512xf32> to vector<512xf32>
    %broadcast_in_dim3A_630 = vector.shape_cast %reduce_sum3A_629 : vector<512xf32> to vector<512x1xf32>
    %add3A_631 = arith.addf %get3A_627, %broadcast_in_dim3A_630 : vector<512x1xf32>
    %swap3A_632 = arith.constant 0 : index
    %swap3A_633 = arith.constant 6 : index
    %swap3A_634 = vector.load %arg8[%swap3A_632, %swap3A_633] : memref<512x8xf32, #tpu.memory_space<vmem>>, vector<512x1xf32>
    tpu.vector_store %arg8[%swap3A_632, %swap3A_633], %add3A_631 {strides = array<i32>} : memref<512x8xf32, #tpu.memory_space<vmem>>, vector<512x1xf32>,
    %get3A_635 = arith.constant 6 : index
    %get3A_636 = arith.constant 0 : index
    %get3A_637 = arith.constant 0 : index
    %get3A_638 = vector.load %arg3[%get3A_635, %get3A_636, %get3A_637] : memref<8x512x256xf32, #tpu.memory_space<vmem>>, vector<1x512x256xf32>
    %get3A_639 = vector.shape_cast %get3A_638 : vector<1x512x256xf32> to vector<512x256xf32>
    %dot_general3A_640 = arith.constant dense<0.000000e+00> : vector<512x256xf32>
    %dot_general3A_641 = tpu.matmul %mul3A_611, %get3A_639, %dot_general3A_640 {dimension_numbers = #tpu.dot_dimension_numbers<[0], [0], [1], [1], [0, 1, 1, 1], [], []>, transpose_lhs_hint = false} : vector<512x512xf32>, vector<512x256xf32>, vector<512x256xf32> -> vector<512x256xf32>
    %add3A_642 = arith.addf %add3A_548, %dot_general3A_641 : vector<512x256xf32>
    %get3A_643 = arith.constant 6 : index
    %get3A_644 = arith.constant 0 : index
    %get3A_645 = arith.constant 0 : index
    %get3A_646 = vector.load %arg4[%get3A_643, %get3A_644, %get3A_645] : memref<8x512x256xf32, #tpu.memory_space<vmem>>, vector<1x512x256xf32>
    %get3A_647 = vector.shape_cast %get3A_646 : vector<1x512x256xf32> to vector<512x256xf32>
    %dot_general3A_648 = arith.constant dense<0.000000e+00> : vector<512x256xf32>
    %dot_general3A_649 = tpu.matmul %mul3A_611, %get3A_647, %dot_general3A_648 {dimension_numbers = #tpu.dot_dimension_numbers<[0], [0], [1], [1], [0, 1, 1, 1], [], []>, transpose_lhs_hint = false} : vector<512x512xf32>, vector<512x256xf32>, vector<512x256xf32> -> vector<512x256xf32>
    %mul3A_650 = arith.mulf %dot_general3A_641, %dot_general3A_641 : vector<512x256xf32>
    %sub3A_651 = arith.subf %dot_general3A_649, %mul3A_650 : vector<512x256xf32>
    %reduce_sum3A_652 = vector.shape_cast %sub3A_651 : vector<512x256xf32> to vector<1x512x256xf32>
    %reduce_sum3A_653 = arith.constant dense<0.000000e+00> : vector<1xf32>
    %reduce_sum3A_654 = vector.multi_reduction <add>, %reduce_sum3A_652, %reduce_sum3A_653 [1, 2] : vector<1x512x256xf32> to vector<1xf32>
    %reduce_sum3A_655 = vector.shape_cast %reduce_sum3A_654 : vector<1xf32> to vector<1x1x1xf32>
    %reduce_sum3A_656 = vector.extract %reduce_sum3A_655[0, 0, 0] : f32 from vector<1x1x1xf32>
    %add3A_657 = arith.addf %add3A_563, %reduce_sum3A_656 : f32
    %slice3A_658 = vector.extract_strided_slice %get3A_7 {offsets = [7, 0, 0], sizes = [1, 512, 256], strides = [1, 1, 1]} : vector<8x512x256xf32> to vector<1x512x256xf32>
    %squeeze3A_659 = vector.shape_cast %slice3A_658 : vector<1x512x256xf32> to vector<512x256xf32>
    %sub3A_660 = arith.subf %reduce_sum3A_8, %squeeze3A_659 : vector<512x256xf32>
    %sub3A_661 = arith.subf %get3A_3, %sub3A_660 : vector<512x256xf32>
    %get3A_662 = arith.constant 7 : index
    %get3A_663 = arith.constant 0 : index
    %get3A_664 = arith.constant 0 : index
    %get3A_665 = vector.load %arg3[%get3A_662, %get3A_663, %get3A_664] : memref<8x512x256xf32, #tpu.memory_space<vmem>>, vector<1x512x256xf32>
    %get3A_666 = vector.shape_cast %get3A_665 : vector<1x512x256xf32> to vector<512x256xf32>
    %dot_general3A_667 = arith.constant dense<0.000000e+00> : vector<512x512xf32>
    %dot_general3A_668 = tpu.matmul %get3A_666, %sub3A_661, %dot_general3A_667 {dimension_numbers = #tpu.dot_dimension_numbers<[1], [1], [0], [0], [0, 0, 1, 0], [], []>, transpose_lhs_hint = false} : vector<512x256xf32>, vector<512x256xf32>, vector<512x512xf32> -> vector<512x512xf32>
    %get3A_669 = arith.constant 0 : index
    %get3A_670 = arith.constant 7 : index
    %get3A_671 = vector.load %arg5[%get3A_669, %get3A_670] : memref<512x8xf32, #tpu.memory_space<vmem>>, vector<512x1xf32>
    %sub3A_672 = vector.broadcast %get3A_671 : vector<512x1xf32> to vector<512x512xf32>
    %sub3A_673 = arith.subf %dot_general3A_668, %sub3A_672 : vector<512x512xf32>
    %iota3A_674 = tpu.iota {dimensions = array<i32: 0>} : vector<512x512xi32>
    %reduce_max3A_675 = arith.constant dense<0xFF800000> : vector<512xf32>
    %reduce_max3A_676 = vector.multi_reduction <maximumf>, %sub3A_673, %reduce_max3A_675 [0] : vector<512x512xf32> to vector<512xf32>
    %broadcast_in_dim3A_677 = vector.shape_cast %reduce_max3A_676 : vector<512xf32> to vector<1x512xf32>
    %eq3A_678 = vector.broadcast %broadcast_in_dim3A_677 : vector<1x512xf32> to vector<512x512xf32>
    %eq3A_679 = arith.cmpf oeq, %sub3A_673, %eq3A_678 : vector<512x512xf32>
    %jit3A_680 = arith.constant 512 : i32
    %broadcast_in_dim3A_681 = vector.broadcast %jit3A_680 : i32 to vector<512x512xi32>
    %select_n3A_682 = arith.select %eq3A_679, %iota3A_674, %broadcast_in_dim3A_681 : vector<512x512xi1>, vector<512x512xi32>
    %reduce_min3A_683 = arith.constant dense<2147483647> : vector<512xi32>
    %reduce_min3A_684 = vector.multi_reduction <minsi>, %select_n3A_682, %reduce_min3A_683 [0] : vector<512x512xi32> to vector<512xi32>
    %swap3A_685 = arith.constant 7 : index
    %swap3A_686 = arith.constant 0 : index
    %swap3A_687 = vector.load %arg7[%swap3A_685, %swap3A_686] : memref<8x512xi32, #tpu.memory_space<vmem>>, vector<1x512xi32>
    %swap3A_688 = vector.shape_cast %swap3A_687 : vector<1x512xi32> to vector<512xi32>
    %swap3A_689 = vector.shape_cast %reduce_min3A_684 : vector<512xi32> to vector<1x512xi32>
    tpu.vector_store %arg7[%swap3A_685, %swap3A_686], %swap3A_689 {strides = array<i32>} : memref<8x512xi32, #tpu.memory_space<vmem>>, vector<1x512xi32>,
    %mul3A_690 = vector.broadcast %exp3A : f32 to vector<512x512xf32>
    %mul3A_691 = arith.mulf %sub3A_673, %mul3A_690 : vector<512x512xf32>
    %reduce_max3A_692 = arith.constant dense<0xFF800000> : vector<512xf32>
    %reduce_max3A_693 = vector.multi_reduction <maximumf>, %mul3A_691, %reduce_max3A_692 [0] : vector<512x512xf32> to vector<512xf32>
    %broadcast_in_dim3A_694 = vector.shape_cast %reduce_max3A_693 : vector<512xf32> to vector<1x512xf32>
    %sub3A_695 = vector.broadcast %broadcast_in_dim3A_694 : vector<1x512xf32> to vector<512x512xf32>
    %sub3A_696 = arith.subf %mul3A_691, %sub3A_695 : vector<512x512xf32>
    %exp3A_697 = math.exp %sub3A_696 : vector<512x512xf32>
    %reduce_sum3A_698 = arith.constant dense<0.000000e+00> : vector<512xf32>
    %reduce_sum3A_699 = vector.multi_reduction <add>, %exp3A_697, %reduce_sum3A_698 [0] : vector<512x512xf32> to vector<512xf32>
    %broadcast_in_dim3A_700 = vector.shape_cast %reduce_sum3A_699 : vector<512xf32> to vector<1x512xf32>
    %div3A_701 = arith.constant 1.000000e+00 : f32
    %div3A_702 = vector.broadcast %div3A_701 : f32 to vector<1x512xf32>
    %div3A_703 = arith.divf %div3A_702, %broadcast_in_dim3A_700 : vector<1x512xf32>
    %mul3A_704 = vector.broadcast %div3A_703 : vector<1x512xf32> to vector<512x512xf32>
    %mul3A_705 = arith.mulf %exp3A_697, %mul3A_704 : vector<512x512xf32>
    %log3A_706 = math.log %broadcast_in_dim3A_700 : vector<1x512xf32>
    %mul3A_707 = arith.mulf %exp3A_697, %sub3A_696 : vector<512x512xf32>
    %reduce_sum3A_708 = arith.constant dense<0.000000e+00> : vector<512xf32>
    %reduce_sum3A_709 = vector.multi_reduction <add>, %mul3A_707, %reduce_sum3A_708 [0] : vector<512x512xf32> to vector<512xf32>
    %broadcast_in_dim3A_710 = vector.shape_cast %reduce_sum3A_709 : vector<512xf32> to vector<1x512xf32>
    %mul3A_711 = arith.mulf %broadcast_in_dim3A_710, %div3A_703 : vector<1x512xf32>
    %sub3A_712 = arith.subf %log3A_706, %mul3A_711 : vector<1x512xf32>
    %reduce_sum3A_713 = vector.shape_cast %sub3A_712 : vector<1x512xf32> to vector<1x1x512xf32>
    %reduce_sum3A_714 = arith.constant dense<0.000000e+00> : vector<1xf32>
    %reduce_sum3A_715 = vector.multi_reduction <add>, %reduce_sum3A_713, %reduce_sum3A_714 [1, 2] : vector<1x1x512xf32> to vector<1xf32>
    %reduce_sum3A_716 = vector.shape_cast %reduce_sum3A_715 : vector<1xf32> to vector<1x1x1xf32>
    %reduce_sum3A_717 = vector.extract %reduce_sum3A_716[0, 0, 0] : f32 from vector<1x1x1xf32>
    %add3A_718 = arith.addf %add3A_624, %reduce_sum3A_717 : f32
    %get3A_719 = arith.constant 0 : index
    %get3A_720 = arith.constant 7 : index
    %get3A_721 = vector.load %arg8[%get3A_719, %get3A_720] : memref<512x8xf32, #tpu.memory_space<vmem>>, vector<512x1xf32>
    %reduce_sum3A_722 = arith.constant dense<0.000000e+00> : vector<512xf32>
    %reduce_sum3A_723 = vector.multi_reduction <add>, %mul3A_705, %reduce_sum3A_722 [1] : vector<512x512xf32> to vector<512xf32>
    %broadcast_in_dim3A_724 = vector.shape_cast %reduce_sum3A_723 : vector<512xf32> to vector<512x1xf32>
    %add3A_725 = arith.addf %get3A_721, %broadcast_in_dim3A_724 : vector<512x1xf32>
    %swap3A_726 = arith.constant 0 : index
    %swap3A_727 = arith.constant 7 : index
    %swap3A_728 = vector.load %arg8[%swap3A_726, %swap3A_727] : memref<512x8xf32, #tpu.memory_space<vmem>>, vector<512x1xf32>
    tpu.vector_store %arg8[%swap3A_726, %swap3A_727], %add3A_725 {strides = array<i32>} : memref<512x8xf32, #tpu.memory_space<vmem>>, vector<512x1xf32>,
    %get3A_729 = arith.constant 7 : index
    %get3A_730 = arith.constant 0 : index
    %get3A_731 = arith.constant 0 : index
    %get3A_732 = vector.load %arg3[%get3A_729, %get3A_730, %get3A_731] : memref<8x512x256xf32, #tpu.memory_space<vmem>>, vector<1x512x256xf32>
    %get3A_733 = vector.shape_cast %get3A_732 : vector<1x512x256xf32> to vector<512x256xf32>
    %dot_general3A_734 = arith.constant dense<0.000000e+00> : vector<512x256xf32>
    %dot_general3A_735 = tpu.matmul %mul3A_705, %get3A_733, %dot_general3A_734 {dimension_numbers = #tpu.dot_dimension_numbers<[0], [0], [1], [1], [0, 1, 1, 1], [], []>, transpose_lhs_hint = false} : vector<512x512xf32>, vector<512x256xf32>, vector<512x256xf32> -> vector<512x256xf32>
    %add3A_736 = arith.addf %add3A_642, %dot_general3A_735 : vector<512x256xf32>
    %get3A_737 = arith.constant 7 : index
    %get3A_738 = arith.constant 0 : index
    %get3A_739 = arith.constant 0 : index
    %get3A_740 = vector.load %arg4[%get3A_737, %get3A_738, %get3A_739] : memref<8x512x256xf32, #tpu.memory_space<vmem>>, vector<1x512x256xf32>
    %get3A_741 = vector.shape_cast %get3A_740 : vector<1x512x256xf32> to vector<512x256xf32>
    %dot_general3A_742 = arith.constant dense<0.000000e+00> : vector<512x256xf32>
    %dot_general3A_743 = tpu.matmul %mul3A_705, %get3A_741, %dot_general3A_742 {dimension_numbers = #tpu.dot_dimension_numbers<[0], [0], [1], [1], [0, 1, 1, 1], [], []>, transpose_lhs_hint = false} : vector<512x512xf32>, vector<512x256xf32>, vector<512x256xf32> -> vector<512x256xf32>
    %mul3A_744 = arith.mulf %dot_general3A_735, %dot_general3A_735 : vector<512x256xf32>
    %sub3A_745 = arith.subf %dot_general3A_743, %mul3A_744 : vector<512x256xf32>
    %reduce_sum3A_746 = vector.shape_cast %sub3A_745 : vector<512x256xf32> to vector<1x512x256xf32>
    %reduce_sum3A_747 = arith.constant dense<0.000000e+00> : vector<1xf32>
    %reduce_sum3A_748 = vector.multi_reduction <add>, %reduce_sum3A_746, %reduce_sum3A_747 [1, 2] : vector<1x512x256xf32> to vector<1xf32>
    %reduce_sum3A_749 = vector.shape_cast %reduce_sum3A_748 : vector<1xf32> to vector<1x1x1xf32>
    %reduce_sum3A_750 = vector.extract %reduce_sum3A_749[0, 0, 0] : f32 from vector<1x1x1xf32>
    %add3A_751 = arith.addf %add3A_657, %reduce_sum3A_750 : f32
    %sub3A_752 = arith.subf %get3A_3, %add3A_736 : vector<512x256xf32>
    %integer_pow3A = arith.mulf %sub3A_752, %sub3A_752 : vector<512x256xf32>
    %reduce_sum3A_753 = vector.shape_cast %integer_pow3A : vector<512x256xf32> to vector<1x512x256xf32>
    %reduce_sum3A_754 = arith.constant dense<0.000000e+00> : vector<1xf32>
    %reduce_sum3A_755 = vector.multi_reduction <add>, %reduce_sum3A_753, %reduce_sum3A_754 [1, 2] : vector<1x512x256xf32> to vector<1xf32>
    %reduce_sum3A_756 = vector.shape_cast %reduce_sum3A_755 : vector<1xf32> to vector<1x1x1xf32>
    %reduce_sum3A_757 = vector.extract %reduce_sum3A_756[0, 0, 0] : f32 from vector<1x1x1xf32>
    %mul3A_758 = arith.mulf %get3A_3, %get3A_3 : vector<512x256xf32>
    %reduce_sum3A_759 = vector.shape_cast %mul3A_758 : vector<512x256xf32> to vector<1x512x256xf32>
    %reduce_sum3A_760 = arith.constant dense<0.000000e+00> : vector<1xf32>
    %reduce_sum3A_761 = vector.multi_reduction <add>, %reduce_sum3A_759, %reduce_sum3A_760 [1, 2] : vector<1x512x256xf32> to vector<1xf32>
    %reduce_sum3A_762 = vector.shape_cast %reduce_sum3A_761 : vector<1xf32> to vector<1x1x1xf32>
    %reduce_sum3A_763 = vector.extract %reduce_sum3A_762[0, 0, 0] : f32 from vector<1x1x1xf32>
    %get3A_764 = arith.constant 0 : index
    %get3A_765 = memref.load %arg9[%get3A_764] : memref<3xf32, #tpu.memory_space<smem>>
    %add3A_766 = arith.addf %get3A_765, %add3A_718 : f32
    %swap3A_767 = arith.constant 0 : index
    %swap3A_768 = memref.load %arg9[%swap3A_767] : memref<3xf32, #tpu.memory_space<smem>>
    memref.store %add3A_766, %arg9[%swap3A_767] : memref<3xf32, #tpu.memory_space<smem>>
    %get3A_769 = arith.constant 1 : index
    %get3A_770 = memref.load %arg9[%get3A_769] : memref<3xf32, #tpu.memory_space<smem>>
    %add3A_771 = arith.addf %reduce_sum3A_757, %add3A_751 : f32
    %add3A_772 = arith.addf %get3A_770, %add3A_771 : f32
    %swap3A_773 = arith.constant 1 : index
    %swap3A_774 = memref.load %arg9[%swap3A_773] : memref<3xf32, #tpu.memory_space<smem>>
    memref.store %add3A_772, %arg9[%swap3A_773] : memref<3xf32, #tpu.memory_space<smem>>
    %get3A_775 = arith.constant 2 : index
    %get3A_776 = memref.load %arg9[%get3A_775] : memref<3xf32, #tpu.memory_space<smem>>
    %add3A_777 = arith.addf %get3A_776, %reduce_sum3A_763 : f32
    %swap3A_778 = arith.constant 2 : index
    %swap3A_779 = memref.load %arg9[%swap3A_778] : memref<3xf32, #tpu.memory_space<smem>>
    memref.store %add3A_777, %arg9[%swap3A_778] : memref<3xf32, #tpu.memory_space<smem>>
    return
  }
  func.func @transform_0(%arg0: i32) -> (i32, i32) {
    %add3A = arith.constant 4 : i32
    %add3A_0 = arith.addi %arg0, %add3A : i32
    %c0_i32 = arith.constant 0 : i32
    %c0_i32_1 = arith.constant 0 : i32
    return %add3A_0, %c0_i32 : i32, i32
  }
  func.func @transform_1(%arg0: i32) -> (i32, i32, i32) {
    %c0_i32 = arith.constant 0 : i32
    %c0_i32_0 = arith.constant 0 : i32
    %c0_i32_1 = arith.constant 0 : i32
    return %c0_i32, %arg0, %c0_i32_0 : i32, i32, i32
  }
  func.func @transform_2(%arg0: i32) -> (i32, i32, i32) {
    %c0_i32 = arith.constant 0 : i32
    %c0_i32_0 = arith.constant 0 : i32
    %c0_i32_1 = arith.constant 0 : i32
    %c0_i32_2 = arith.constant 0 : i32
    return %c0_i32, %c0_i32_0, %c0_i32_1 : i32, i32, i32
  }
  func.func @transform_3(%arg0: i32) -> (i32, i32, i32) {
    %c0_i32 = arith.constant 0 : i32
    %c0_i32_0 = arith.constant 0 : i32
    %c0_i32_1 = arith.constant 0 : i32
    %c0_i32_2 = arith.constant 0 : i32
    return %c0_i32, %c0_i32_0, %c0_i32_1 : i32, i32, i32
  }
  func.func @transform_4(%arg0: i32) -> (i32, i32) {
    %c0_i32 = arith.constant 0 : i32
    %c0_i32_0 = arith.constant 0 : i32
    %c0_i32_1 = arith.constant 0 : i32
    return %c0_i32, %c0_i32_0 : i32, i32
  }
  func.func @transform_5(%arg0: i32) -> i32 {
    %c0_i32 = arith.constant 0 : i32
    %c0_i32_0 = arith.constant 0 : i32
    return %c0_i32 : i32
  }
  func.func @transform_6(%arg0: i32) -> (i32, i32) {
    %c0_i32 = arith.constant 0 : i32
    %c0_i32_0 = arith.constant 0 : i32
    return %c0_i32, %arg0 : i32, i32
  }
  func.func @transform_7(%arg0: i32) -> (i32, i32) {
    %c0_i32 = arith.constant 0 : i32
    %c0_i32_0 = arith.constant 0 : i32
    %c0_i32_1 = arith.constant 0 : i32
    return %c0_i32, %c0_i32_0 : i32, i32
  }
  func.func @transform_8(%arg0: i32) -> i32 {
    %c0_i32 = arith.constant 0 : i32
    %c0_i32_0 = arith.constant 0 : i32
    return %c0_i32 : i32
  }
}

module attributes {stable_mosaic.version = 14 : i64} {
  func.func @body(%arg0: memref<512x8xf32, #tpu.memory_space<vmem>>, %arg1: memref<512x8xf32, #tpu.memory_space<vmem>>, %arg2: memref<3xf32, #tpu.memory_space<smem>>, %arg3: memref<3xf32, #tpu.memory_space<smem>>, %arg4: memref<1xf32, #tpu.memory_space<smem>>, %arg5: memref<1xf32, #tpu.memory_space<smem>>, %arg6: memref<1xf32, #tpu.memory_space<smem>>) attributes {dimension_semantics = [], scalar_prefetch = 0 : i64, scratch_operands = 0 : i64, tpu.core_type = #tpu.core_type<tc>} {
    %get3A = arith.constant 0 : index
    %get3A_0 = arith.constant 0 : index
    %get3A_1 = vector.load %arg0[%get3A, %get3A_0] : memref<512x8xf32, #tpu.memory_space<vmem>>, vector<512x8xf32>
    %get3A_2 = arith.constant 0 : index
    %get3A_3 = arith.constant 0 : index
    %get3A_4 = vector.load %arg1[%get3A_2, %get3A_3] : memref<512x8xf32, #tpu.memory_space<vmem>>, vector<512x8xf32>
    %add3A = arith.addf %get3A_1, %get3A_4 : vector<512x8xf32>
    %mul3A = arith.constant 2.17013891E-4 : f32
    %mul3A_5 = vector.broadcast %mul3A : f32 to vector<512x8xf32>
    %mul3A_6 = arith.mulf %add3A, %mul3A_5 : vector<512x8xf32>
    %add3A_7 = arith.constant 9.99999968E-21 : f32
    %add3A_8 = vector.broadcast %add3A_7 : f32 to vector<512x8xf32>
    %add3A_9 = arith.addf %mul3A_6, %add3A_8 : vector<512x8xf32>
    %log3A = math.log %add3A_9 : vector<512x8xf32>
    %mul3A_10 = arith.mulf %mul3A_6, %log3A : vector<512x8xf32>
    %reduce_sum3A = vector.shape_cast %mul3A_10 : vector<512x8xf32> to vector<1x512x8xf32>
    %reduce_sum3A_11 = arith.constant dense<0.000000e+00> : vector<1xf32>
    %reduce_sum3A_12 = vector.multi_reduction <add>, %reduce_sum3A, %reduce_sum3A_11 [1, 2] : vector<1x512x8xf32> to vector<1xf32>
    %reduce_sum3A_13 = vector.shape_cast %reduce_sum3A_12 : vector<1xf32> to vector<1x1x1xf32>
    %reduce_sum3A_14 = vector.extract %reduce_sum3A_13[0, 0, 0] : f32 from vector<1x1x1xf32>
    %neg3A = arith.constant 0.000000e+00 : f32
    %neg3A_15 = arith.subf %neg3A, %reduce_sum3A_14 : f32
    %mul3A_16 = arith.constant 1.250000e-01 : f32
    %mul3A_17 = arith.mulf %neg3A_15, %mul3A_16 : f32
    %sub3A = arith.constant 6.23832464 : f32
    %sub3A_18 = arith.subf %sub3A, %mul3A_17 : f32
    %swap3A = arith.constant 0 : index
    %swap3A_19 = memref.load %arg4[%swap3A] : memref<1xf32, #tpu.memory_space<smem>>
    memref.store %sub3A_18, %arg4[%swap3A] : memref<1xf32, #tpu.memory_space<smem>>
    %get3A_20 = arith.constant 0 : index
    %get3A_21 = memref.load %arg2[%get3A_20] : memref<3xf32, #tpu.memory_space<smem>>
    %get3A_22 = arith.constant 0 : index
    %get3A_23 = memref.load %arg3[%get3A_22] : memref<3xf32, #tpu.memory_space<smem>>
    %add3A_24 = arith.addf %get3A_21, %get3A_23 : f32
    %mul3A_25 = arith.constant 2.71267363E-5 : f32
    %mul3A_26 = arith.mulf %add3A_24, %mul3A_25 : f32
    %swap3A_27 = arith.constant 0 : index
    %swap3A_28 = memref.load %arg5[%swap3A_27] : memref<1xf32, #tpu.memory_space<smem>>
    memref.store %mul3A_26, %arg5[%swap3A_27] : memref<1xf32, #tpu.memory_space<smem>>
    %get3A_29 = arith.constant 1 : index
    %get3A_30 = memref.load %arg2[%get3A_29] : memref<3xf32, #tpu.memory_space<smem>>
    %get3A_31 = arith.constant 1 : index
    %get3A_32 = memref.load %arg3[%get3A_31] : memref<3xf32, #tpu.memory_space<smem>>
    %add3A_33 = arith.addf %get3A_30, %get3A_32 : f32
    %get3A_34 = arith.constant 2 : index
    %get3A_35 = memref.load %arg2[%get3A_34] : memref<3xf32, #tpu.memory_space<smem>>
    %get3A_36 = arith.constant 2 : index
    %get3A_37 = memref.load %arg3[%get3A_36] : memref<3xf32, #tpu.memory_space<smem>>
    %add3A_38 = arith.addf %get3A_35, %get3A_37 : f32
    %add3A_39 = arith.constant 9.99999968E-21 : f32
    %add3A_40 = arith.addf %add3A_38, %add3A_39 : f32
    %div3A = arith.divf %add3A_33, %add3A_40 : f32
    %swap3A_41 = arith.constant 0 : index
    %swap3A_42 = memref.load %arg6[%swap3A_41] : memref<1xf32, #tpu.memory_space<smem>>
    memref.store %div3A, %arg6[%swap3A_41] : memref<1xf32, #tpu.memory_space<smem>>
    return
  }
}

</mosaic_0001>

<sc_bundles>
// kernel: body.14.cloned.1.call-start
scs
__scs_entry_jumppad:
0x0: {  	(pc) =	sbr.rel $0x88, $3  }
0x1: {  	(tag) =	ssettag $0x0;
	lr =	simm.s32 $0x1  }
0x2: {  	[smem:$0x3F9D] =	sst lr;
	_ =	strace $0xD0000000  }
0x3: {  	_ = 	snop  }
0x4: {  	_ = 	snop  }
0x5: {  	_ = 	snop  }
0x6: {  	_ = 	snop  }
0x7: {  	_ = 	snop  }
__scs_overlays_trampoline_lowered:
0x8: {  	[smem:$0x3FAC] =	sst s0  }
0x9: {  	[smem:$0x3FAD] =	sst s1  }
0xa: {  	[smem:$0x3FAE] =	sst s2  }
0xb: {  	[smem:$0x3FAF] =	sst s3  }
0xc: {  	[smem:$0x3FB0] =	sst s4  }
0xd: {  	[smem:$0x3FB1] =	sst s5  }
0xe: {  	[smem:$0x3FB2] =	sst s6  }
0xf: {  	[smem:$0x3FB3] =	sst s7  }
0x10: {  	[smem:$0x3FB4] =	sst s8  }
0x11: {  	[smem:$0x3FB5] =	sst s9;
	s0 =	simm.s32 @!p0 $0x0  }
0x12: {  	s1 =	sld [smem:$0x3F9B];
	s0 =	simm.s32 @p0 $0x1  }
0x13: {  	[smem:$0x3FB6] =	sst s0;
	s0 =	simm.s32 @!p1 $0x0  }
0x14: {  	s2 =	sld [smem:$0x3F9A];
	s0 =	simm.s32 @p1 $0x1  }
0x15: {  	[smem:$0x3FB7] =	sst s0;
	s0 =	simm.s32 @!p2 $0x0  }
0x16: {  	s3 =	sld [smem:$0x3FDB];
	s0 =	simm.s32 @p2 $0x1  }
0x17: {  	s4 =	simm.s32 $0x1BF5;
	[smem:$0x3FB9] =	sst s0  }
0x18: {  	s0 =	sld [smem:$0x3F9C];
	_ =	swait.ge [sflag:s4], $0x0  }
0x19: {  	s7 =	sld [smem:$0x3F9D]  }
0x1a: {  	s8 =	sadd.s32 $0xFFFFE003, lr  }
0x1b: {  	s9 =	sadd.s32 $0xFFFFFEF7, lr;
	s5 =	simm.s32 $0xFFFFFFFF;
	p2 =	slt.u32 s8, $0xFFFFF086  }
0x1c: {  	p1 =	slt.u32 s9, $0xF7A;
	s5 =	simm.s32 @!p2 $0x0  }
0x1d: {  	s5 =	simm.s32 @p1 $0x1;
	p0 =	seq.s32 s7, s2  }
0x1e: {  	s7 =	smul.u32 @!p0 $0xF7A, s2;
	p2 =	seq.s32 @!p0 s5, $0x0  }
0x1f: {  	s9 =	smul.u32 $0xF7A, s1;
	s8 =	simm.s32 @!p0 $0x1BF5;
	p2 =	por !p2, p0  }
0x20: {  	[sflag:s8] =	ssyncset.s32 @!p0 $0xFFFFF086;
	s6 =	sadd.s32 @!p0 s3, s7;
	s7 =	simm.s32 @!p0 $0x108  }
0x21: {  	s3 =	sadd.s32 s3, s9;
	s6 =	sadd.s32 @!p0 $0x88, s6;
	s7 =	simm.s32 @p2 $0x1082  }
0x22: {  	[simem:s7], [sflag:s8] =	dma.local @!p0 [hbm:s6], $0xF7A  }
0x23: {  	s9 =	sor.u32 $0xD0000000, s2;
	s6 =	simm.s32 $0x108;
	_ =	swait.ge @!p0 [sflag:s8], $0x0  }
0x24: {  	s3 =	sadd.s32 $0x88, s3;
	s6 =	simm.s32 @!p1 $0x1082;
	[sflag:s4] =	ssyncset.s32 $0xFFFFF086  }
0x25: {  	[simem:s6], [sflag:s4] =	dma.local [hbm:s3], $0xF7A  }
0x26: {  	[smem:$0x3F9D] =	sst s1;
	(tag) =	ssettag s2;
	_ =	strace s9  }
0x27: {  	s1 =	sld [smem:$0x3FAD]  }
0x28: {  	s2 =	sld [smem:$0x3FAE]  }
0x29: {  	s4 =	sld [smem:$0x3FB0]  }
0x2a: {  	p0 =	seq.s32 s5, $0x0;
	s5 =	sld [smem:$0x3FB1]  }
0x2b: {  	s6 =	sld [smem:$0x3FB2]  }
0x2c: {  	s7 =	sld [smem:$0x3FB3]  }
0x2d: {  	s3 =	simm.s32 $0x108;
	s8 =	sld [smem:$0x3FB4]  }
0x2e: {  	s3 =	simm.s32 @!p0 $0x1082;
	s9 =	sld [smem:$0x3FB5]  }
0x2f: {  	lr =	sadd.s32 s0, s3;
	s0 =	sld [smem:$0x3FAC]  }
0x30: {  	s3 =	sld [smem:$0x3FAF]  }
0x31: {  	[smem:$0x3FB8] =	sst s10  }
0x32: {  	s10 =	sld [smem:$0x3FB6];
	_ =	sdelay $0x3  }
0x33: {  	p0 =	seq.s32 s10, $0x1;
	s10 =	sld [smem:$0x3FB8];
	_ =	sdelay $0x3  }
0x34: {  	[smem:$0x3FB8] =	sst s10  }
0x35: {  	s10 =	sld [smem:$0x3FB7];
	_ =	sdelay $0x3  }
0x36: {  	p1 =	seq.s32 s10, $0x1;
	s10 =	sld [smem:$0x3FB8];
	_ =	sdelay $0x3  }
0x37: {  	[smem:$0x3FB8] =	sst s10  }
0x38: {  	s10 =	sld [smem:$0x3FB9]  }
0x39: {  	_ = 	snop;
	(pc) =	sbr.ind lr, $3  }
0x3a: {  	_ = 	snop  }
0x3b: {  	_ = 	snop  }
0x3c: {  	p2 =	seq.s32 s10, $0x1;
	s10 =	sld [smem:$0x3FB8]  }
0x3d: {  	_ =	shalt  }
0x3e: {  	_ =	shalt  }
0x3f: {  	_ =	shalt  }
0x40: {  	_ =	shalt  }
0x41: {  	_ =	shalt  }
0x42: {  	_ =	shalt  }
0x43: {  	_ =	shalt  }
0x44: {  	_ =	shalt  }
0x45: {  	_ =	shalt  }
0x46: {  	_ =	shalt  }
0x47: {  	_ =	shalt  }
0x48: {  	_ =	shalt  }
0x49: {  	_ =	shalt  }
0x4a: {  	_ =	shalt  }
0x4b: {  	_ =	shalt  }
0x4c: {  	_ =	shalt  }
0x4d: {  	_ =	shalt  }
0x4e: {  	_ =	shalt  }
0x4f: {  	_ =	shalt  }
0x50: {  	_ =	shalt  }
0x51: {  	_ =	shalt  }
0x52: {  	_ =	shalt  }
0x53: {  	_ =	shalt  }
0x54: {  	_ =	shalt  }
0x55: {  	_ =	shalt  }
0x56: {  	_ =	shalt  }
0x57: {  	_ =	shalt  }
0x58: {  	_ =	shalt  }
0x59: {  	_ =	shalt  }
0x5a: {  	_ =	shalt  }
0x5b: {  	_ =	shalt  }
0x5c: {  	_ =	shalt  }
0x5d: {  	_ =	shalt  }
0x5e: {  	_ =	shalt  }
0x5f: {  	_ =	shalt  }
0x60: {  	_ =	shalt  }
0x61: {  	_ =	shalt  }
0x62: {  	_ =	shalt  }
0x63: {  	_ =	shalt  }
0x64: {  	_ =	shalt  }
0x65: {  	_ =	shalt  }
0x66: {  	_ =	shalt  }
0x67: {  	_ =	shalt  }
0x68: {  	_ =	shalt  }
0x69: {  	_ =	shalt  }
0x6a: {  	_ =	shalt  }
0x6b: {  	_ =	shalt  }
0x6c: {  	_ =	shalt  }
0x6d: {  	_ =	shalt  }
0x6e: {  	_ =	shalt  }
0x6f: {  	_ =	shalt  }
0x70: {  	_ =	shalt  }
0x71: {  	_ =	shalt  }
0x72: {  	_ =	shalt  }
0x73: {  	_ =	shalt  }
0x74: {  	_ =	shalt  }
0x75: {  	_ =	shalt  }
0x76: {  	_ =	shalt  }
0x77: {  	_ =	shalt  }
0x78: {  	_ =	shalt  }
0x79: {  	_ =	shalt  }
0x7a: {  	_ =	shalt  }
0x7b: {  	_ =	shalt  }
0x7c: {  	_ =	shalt  }
0x7d: {  	_ =	shalt  }
0x7e: {  	_ =	shalt  }
0x7f: {  	_ =	shalt  }
0x80: {  	_ =	shalt  }
0x81: {  	_ =	shalt  }
0x82: {  	_ =	shalt  }
0x83: {  	_ =	shalt  }
0x84: {  	_ =	shalt  }
0x85: {  	_ =	shalt  }
0x86: {  	_ =	shalt  }
0x87: {  	_ =	shalt  }
.Lfunc_end0:
.L_simem_size_0:
called_computation_lowered:
.L_overlay_start_0:
0x88: {  	s2 =	sld [smem:$0x3FD9]  }
0x89: {  	s3 =	sld [smem:$0x3FFE];
	_ =	sdelay $0x1  }
0x8a: {  	s1 =	srdreg.scid  }
0x8b: {  	s0 =	sand.u32 $0x1, s1  }
0x8c: {  	s17 =	sshll.u32 s0, $0xA;
	s2 =	sadd.s32 s3, s2  }
0x8d: {  	s2 =	sadd.s32 s2, s17  }
0x8e: {  	[smem:$0x3FC4] =	sst s2  }
0x8f: {  	_ = 	snop  }
0x90: {  	(tm) =	ssettm $0x1  }
0x91: {  	s18 =	sld [smem:$0x3FFB];
	_ =	sdelay $0x3  }
0x92: {  	_ =	strace s18  }
0x93: {  	s2 =	sld [smem:$0x3FFC];
	_ =	sdelay $0x3  }
0x94: {  	_ =	strace s2  }
0x95: {  	s2 =	sld [smem:$0x3FFD];
	_ =	sdelay $0x3  }
0x96: {  	_ =	strace s2  }
0x97: {  	_ =	strace $0x8FFFFFFF  }
0x98: {  	s19 =	sld [smem:$0x3FDB];
	_ =	sdelay $0x1  }
0x99: {  	s20 =	simm.s32 $_scs_section_size  }
0x9a: {  	s4 =	simm.s32 $_size__tile_overlayer_lowered;
	s5 =	simm.s32 $_tile_overlayer_lowered  }
0x9b: {  	s6 =	simm.s32 $0x1BFF;
	s21 =	sshll.u32 s5, $0x1;
	s3 =	sadd.s32 s20, s19  }
0x9c: {  	s22 =	simm.s32 $0x0;
	s4 =	sshll.u32 s4, $0x1;
	s5 =	sadd.s32 s21, s3  }
0x9d: {  	[timem:s22], [sflag:s6] =	dma.local [hbm:s5], s4  }
0x9e: {  	_ =	swait.ge [sflag:s6], s4  }
0x9f: {  	s4 =	ssub.s32 $0x0, s4;
	[sflag:s6] =	ssyncset.done $0x0  }
0xa0: {  	[sflag:s6] =	ssyncadd.s32 s4;
	_ =	sdelay $0x1  }
0xa1: {  	s23 =	simm.s32 $0x1B8B  }
0xa2: {  	_ =	swait.ge [sflag:s23], $0x1  }
0xa3: {  	[sflag:s23] =	ssyncset.done $0x0  }
0xa4: {  	[sflag:s23] =	ssyncadd.s32 $0xFFFFFFFF  }
0xa5: {  	s4 =	sld [smem:$0x0]  }
0xa6: {  	s5 =	sand.u32 $0xFFFFFFFE, s1  }
0xa7: {  	p0 =	sne.s32 s1, s5  }
0xa8: {  	s5 =	sshll.u32 @p0 s5, $0xE  }
0xa9: {  	s5 =	sadd.s32 @p0 $0x11B8D, s5;
	s6 =	sshll.u32 @p0 s4, $0x11  }
0xaa: {  	s5 =	sor.u32 @p0 s6, s5  }
0xab: {  	[sflag:s5] =	ssyncadd.remote.s32 @p0 $0x1;
	_ =	sdelay $0x1  }
0xac: {  	s5 =	simm.s32 @p0 $0x1B8D  }
0xad: {  	_ =	swait.eq @p0 [sflag:s5], $0x1  }
0xae: {  	[sflag:s5] =	ssyncadd.s32 @p0 $0xFFFFFFFF  }
0xaf: {  	s6 =	sshll.u32 @!p0 s1, $0xE  }
0xb0: {  	s6 =	sor.u32 @!p0 $0x4000, s6;
	s5 =	simm.s32 @!p0 $0x1B8D  }
0xb1: {  	s4 =	sshll.u32 @!p0 s4, $0x11;
	s6 =	sadd.s32 @!p0 $0x11B8D, s6;
	_ =	swait.eq @!p0 [sflag:s5], $0x1  }
0xb2: {  	s4 =	sor.u32 @!p0 s4, s6;
	[sflag:s5] =	ssyncadd.s32 @!p0 $0xFFFFFFFF  }
0xb3: {  	s25 =	simm.s32 $0x1B8E;
	s24 =	sld [smem:$0x3FFE];
	[sflag:s4] =	ssyncadd.remote.s32 @!p0 $0x1  }
0xb4: {  	s26 =	simm.s32 $execute0_lowered;
	[smem:$0x3FD2] =	sst s25  }
0xb5: {  	s5 =	sshll.u32 s26, $0x1;
	_ =	strace $0x8000004F;
	[dreg:$0x1] =	wrdreg $0xFFFFFFFF  }
0xb6: {  	s28 =	simm.s32 $_size_execute0_lowered;
	s3 =	sadd.s32 s3, s5;
	[dreg:$0x0] =	wrdreg $0x0  }
0xb7: {  	s5 =	sshll.u32 s28, $0x1;
	[dreg:$0x2] =	wrdreg s3  }
0xb8: {  	[dreg:$0x3] =	wrdreg s5  }
0xb9: {  	[dreg:$0x4] =	wrdreg $0xC0  }
0xba: {  	_ =	task [dreg:s22], $0x5FFFF  }
0xbb: {  	[dreg:$0x1] =	wrdreg $0xFFFFFFFF  }
0xbc: {  	[dreg:$0x0] =	wrdreg $0x60  }
0xbd: {  	[dreg:$0x2] =	wrdreg s24  }
0xbe: {  	[dreg:$0x3] =	wrdreg $0x9  }
0xbf: {  	_ =	task.clear_ibuf [dreg:s22], $0x4FFFF;
	_ =	strace $0x9000004F  }
0xc0: {  	s29 =	simm.s32 $0x9;
	_ =	strace $0x80000051  }
0xc1: {  	_ =	swait.ge [sflag:s29], $0x1  }
0xc2: {  	[sflag:s29] =	ssyncadd.s32 $0xFFFFFFFF  }
0xc3: {  	_ =	strace $0x90000051  }
0xc4: {  	_ =	sfence  }
0xc5: {  	s30 =	sld [smem:$0x0];
	_ =	sdelay $0x2  }
0xc6: {  	s31 =	sshll.u32 s1, $0xD;
	s1 =	sshrl.u32 s1, $0x2  }
0xc7: {  	s4 =	sand.u32 $0x4000, s31;
	s1 =	sadd.s32 s1, s30  }
0xc8: {  	s0 =	sor.u32 s4, s0;
	s1 =	sshll.u32 s1, $0x11  }
0xc9: {  	s0 =	sor.u32 s1, s0  }
0xca: {  	s0 =	sadd.s32 $0x8F2B, s0  }
0xcb: {  	[sflag:s0] =	ssyncadd.remote.s32 $0x1  }
0xcc: {  	_ =	sfence.sel $0xFFFF  }
0xcd: {  	[dreg:$0x0] =	wrdreg $0xFFFFFFFF;
	(pc) =	sbr.abs _section_cstart, $3  }
0xce: {  	[dreg:$0x1] =	wrdreg $0xFFFFFFFF  }
0xcf: {  	_ =	task.clear_ibuf [dreg:s22], $0x2FFFF;
	_ =	strace $0x9FFFFFFF  }
0xd0: {  	(tm) =	ssettm $0x7FFFFFFF  }
0xd1: {  	_ =	shalt  }
tec
execute0_lowered:
.L_overlay_start_1:
0x0: {  	(tag) =	ssettag $0x1  }
0x1: {  	s0 =	srdreg.scid  }
0x2: {  	s1 =	stileid.u32;
	s3 =	rddreg [dreg:$0x0]  }
0x3: {  	s13 =	simm.s32 $0x2;
	s14 =	simm.s32 $0x3;
	s15 =	simm.s32 $0x4  }
0x4: {  	s23 =	simm.s32 $0x200;
	s17 =	simm.s32 $0xA00;
	s18 =	simm.s32 $0x1200  }
0x5: {  	s19 =	simm.s32 $0x1A00;
	s20 =	simm.s32 $0x2200;
	s21 =	simm.s32 $0x2A00  }
0x6: {  	s28 =	simm.s32 $0x4A00;
	s29 =	simm.s32 $0x5200;
	s30 =	simm.s32 $0x5A00  }
0x7: {  	s31 =	simm.s32 $0x6200;
	s7 =	simm.s32 $0x7A00;
	s22 =	simm.s32 $0x8200  }
0x8: {  	s8 =	simm.s32 $0x8A00;
	s9 =	simm.s32 $0x9200;
	s0 =	sand.u32 $0x1, s0  }
0x9: {  	s10 =	simm.s32 $0x9A00;
	s1 =	sshll.u32 s1, $0xA;
	s2 =	sshll.u32 s0, $0x9  }
0xa: {  	s11 =	simm.s32 $0xA200;
	s12 =	simm.s32 $0xAA00;
	s1 =	sor.u32 s2, s1  }
0xb: {  	s0 =	ssub.s32 $0x2, s0;
	s2 =	simm.s32 $0x0;
	s4 =	sshrl.u32 s1, $0x3  }
0xc: {  	s5 =	sshrl.u32 s0, $0x1;
	s1 =	sshll.u32 s1, $0x5;
	s4 =	sadd.s32 s4, s3  }
0xd: {  	[smem:$0x7FF] =	sst s2;
	s1 =	sadd.s32 s1, s3;
	s4 =	sadd.s32 $0x163A00, s4  }
0xe: {  	_ =	strace $0x80000050;
	s24 =	sadd.s32 $0x3A00, s1;
	[dreg:$0x2] =	wrdreg s4  }
0xf: {  	s0 =	ssub.s32 s0, s5;
	s25 =	sadd.s32 $0x4A00, s1;
	[dreg:$0x3] =	wrdreg s24  }
0x10: {  	s5 =	simm.s32 $0x7200;
	s26 =	sadd.s32 $0x5A00, s1;
	[dreg:$0x4] =	wrdreg s25  }
0x11: {  	v2 =	vlaneseq.u32;
	s3 =	sadd.s32 $0xA3A00, s3;
	s1 =	sadd.s32 $0x6A00, s1;
	[dreg:$0x5] =	wrdreg s26  }
0x12: {  	vm0 =	vmmov $0xffff;
	v1 =	vshrl.u32 v2, $0x3;
	[dreg:$0x6] =	wrdreg s1;
	s4 =	smax.u32 s0, $0x1;
	s24 =	simm.s32 $0x3200  }
0x13: {  	v0 =	vand.u32 $0x7, v2;
	v2 =	vor.u32 $0x8, v2;
	v1 =	vmul.u32 $0x8, v1;
	s25 =	simm.s32 $0x3A00;
	s26 =	simm.s32 $0x4200;
	s1 =	simm.s32 $0x6A00  }
.LBB2_1:
0x14: {  	s16 =	rddreg [dreg:$0x2];
	s0 =	simm.s32 $0x5  }
0x15: {  	[tilespmem:s2], [sflag:$0x5] =	stream.linear.gather [hbm4b:s16+s2], $0x200, $0x38;
	[tilespmem:$0x10200] =	vst v63  }
0x16: {  	_ =	swait.ge [sflag:s0], $0x200  }
0x17: {  	[sflag:s0] =	ssyncset.done $0x0  }
0x18: {  	[sflag:s0] =	ssyncadd.s32 $0xFFFFFE00  }
0x19: {  	v3 =	vld [tilespmem:$0x0];
	_ =	sdelay $0x4  }
0x1a: {  	v4 =	vshll.u32 v3, $0x1  }
0x1b: {  	v3 =	vand.u32 $0x7, v3;
	v4 =	vand.u32 $0xFFFFFFF0, v4  }
0x1c: {  	v3 =	vor.u32 v3, v4  }
0x1d: {  	v4 =	vperm.xlane v3, v0;
	_ =	sdelay $0x1  }
0x1e: {  	v3 =	vperm.xlane v3, v2;
	v4 =	vadd.s32 v1, v4;
	_ =	sdelay $0x1  }
0x1f: {  	v3 =	vadd.s32 v1, v3;
	_ =	sdelay $0x2  }
0x20: {  	[tilespmem:s23], [sflag:$0x1] =	stream.indirect_vreg.gather [hbm4b:s3+s2], $0x80, v4, vm0, $0xb8;
	[tilespmem:$0x10200] =	vst v63  }
0x21: {  	_ = 	snop  }
0x22: {  	[tilespmem:s17], [sflag:$0x1] =	stream.indirect_vreg.gather [hbm4b:s3+s2], $0x80, v3, vm0, $0xb8;
	[tilespmem:$0x10200] =	vst v63  }
0x23: {  	v3 =	vld [tilespmem:$0x10];
	_ =	sdelay $0x4  }
0x24: {  	v33 =	vshll.u32 v3, $0x1  }
0x25: {  	v3 =	vand.u32 $0x7, v3;
	v4 =	vand.u32 $0xFFFFFFF0, v33  }
0x26: {  	v3 =	vor.u32 v3, v4  }
0x27: {  	v4 =	vperm.xlane v3, v0;
	_ =	sdelay $0x1  }
0x28: {  	v3 =	vperm.xlane v3, v2;
	v4 =	vadd.s32 v1, v4;
	_ =	sdelay $0x1  }
0x29: {  	v3 =	vadd.s32 v1, v3;
	_ =	sdelay $0x2  }
0x2a: {  	[tilespmem:s18], [sflag:$0x1] =	stream.indirect_vreg.gather [hbm4b:s3+s2], $0x80, v4, vm0, $0xb8;
	[tilespmem:$0x10200] =	vst v63  }
0x2b: {  	_ = 	snop  }
0x2c: {  	[tilespmem:s19], [sflag:$0x1] =	stream.indirect_vreg.gather [hbm4b:s3+s2], $0x80, v3, vm0, $0xb8;
	[tilespmem:$0x10200] =	vst v63  }
0x2d: {  	v3 =	vld [tilespmem:$0x20];
	_ =	sdelay $0x4  }
0x2e: {  	v34 =	vshll.u32 v3, $0x1  }
0x2f: {  	v3 =	vand.u32 $0x7, v3;
	v4 =	vand.u32 $0xFFFFFFF0, v34  }
0x30: {  	v3 =	vor.u32 v3, v4  }
0x31: {  	v4 =	vperm.xlane v3, v0;
	_ =	sdelay $0x1  }
0x32: {  	v3 =	vperm.xlane v3, v2;
	v4 =	vadd.s32 v1, v4;
	_ =	sdelay $0x1  }
0x33: {  	v3 =	vadd.s32 v1, v3;
	_ =	sdelay $0x2  }
0x34: {  	[tilespmem:s20], [sflag:$0x1] =	stream.indirect_vreg.gather [hbm4b:s3+s2], $0x80, v4, vm0, $0xb8;
	[tilespmem:$0x10200] =	vst v63  }
0x35: {  	_ = 	snop  }
0x36: {  	[tilespmem:s21], [sflag:$0x1] =	stream.indirect_vreg.gather [hbm4b:s3+s2], $0x80, v3, vm0, $0xb8;
	[tilespmem:$0x10200] =	vst v63  }
0x37: {  	v3 =	vld [tilespmem:$0x30];
	_ =	sdelay $0x4  }
0x38: {  	v35 =	vshll.u32 v3, $0x1  }
0x39: {  	v3 =	vand.u32 $0x7, v3;
	v4 =	vand.u32 $0xFFFFFFF0, v35  }
0x3a: {  	v3 =	vor.u32 v3, v4  }
0x3b: {  	v4 =	vperm.xlane v3, v0;
	_ =	sdelay $0x1  }
0x3c: {  	v3 =	vperm.xlane v3, v2;
	v4 =	vadd.s32 v1, v4;
	_ =	sdelay $0x1  }
0x3d: {  	v3 =	vadd.s32 v1, v3;
	_ =	sdelay $0x2  }
0x3e: {  	[tilespmem:s24], [sflag:$0x1] =	stream.indirect_vreg.gather [hbm4b:s3+s2], $0x80, v4, vm0, $0xb8;
	[tilespmem:$0x10200] =	vst v63  }
0x3f: {  	_ = 	snop  }
0x40: {  	[tilespmem:s25], [sflag:$0x1] =	stream.indirect_vreg.gather [hbm4b:s3+s2], $0x80, v3, vm0, $0xb8;
	[tilespmem:$0x10200] =	vst v63  }
0x41: {  	v3 =	vld [tilespmem:$0x40];
	_ =	sdelay $0x4  }
0x42: {  	v36 =	vshll.u32 v3, $0x1  }
0x43: {  	v3 =	vand.u32 $0x7, v3;
	v4 =	vand.u32 $0xFFFFFFF0, v36  }
0x44: {  	v3 =	vor.u32 v3, v4  }
0x45: {  	v4 =	vperm.xlane v3, v0;
	_ =	sdelay $0x1  }
0x46: {  	v3 =	vperm.xlane v3, v2;
	v4 =	vadd.s32 v1, v4;
	_ =	sdelay $0x1  }
0x47: {  	v3 =	vadd.s32 v1, v3;
	_ =	sdelay $0x2  }
0x48: {  	[tilespmem:s26], [sflag:$0x1] =	stream.indirect_vreg.gather [hbm4b:s3+s2], $0x80, v4, vm0, $0xb8;
	[tilespmem:$0x10200] =	vst v63  }
0x49: {  	_ = 	snop  }
0x4a: {  	[tilespmem:s28], [sflag:$0x1] =	stream.indirect_vreg.gather [hbm4b:s3+s2], $0x80, v3, vm0, $0xb8;
	[tilespmem:$0x10200] =	vst v63  }
0x4b: {  	v3 =	vld [tilespmem:$0x50];
	_ =	sdelay $0x4  }
0x4c: {  	v37 =	vshll.u32 v3, $0x1  }
0x4d: {  	v3 =	vand.u32 $0x7, v3;
	v4 =	vand.u32 $0xFFFFFFF0, v37  }
0x4e: {  	v3 =	vor.u32 v3, v4  }
0x4f: {  	v4 =	vperm.xlane v3, v0;
	_ =	sdelay $0x1  }
0x50: {  	v3 =	vperm.xlane v3, v2;
	v4 =	vadd.s32 v1, v4;
	_ =	sdelay $0x1  }
0x51: {  	v3 =	vadd.s32 v1, v3;
	_ =	sdelay $0x2  }
0x52: {  	[tilespmem:s29], [sflag:$0x1] =	stream.indirect_vreg.gather [hbm4b:s3+s2], $0x80, v4, vm0, $0xb8;
	[tilespmem:$0x10200] =	vst v63  }
0x53: {  	_ = 	snop  }
0x54: {  	[tilespmem:s30], [sflag:$0x1] =	stream.indirect_vreg.gather [hbm4b:s3+s2], $0x80, v3, vm0, $0xb8;
	[tilespmem:$0x10200] =	vst v63  }
0x55: {  	v3 =	vld [tilespmem:$0x60];
	_ =	sdelay $0x4  }
0x56: {  	v38 =	vshll.u32 v3, $0x1  }
0x57: {  	v3 =	vand.u32 $0x7, v3;
	v4 =	vand.u32 $0xFFFFFFF0, v38  }
0x58: {  	v3 =	vor.u32 v3, v4  }
0x59: {  	v4 =	vperm.xlane v3, v0;
	_ =	sdelay $0x1  }
0x5a: {  	v3 =	vperm.xlane v3, v2;
	v4 =	vadd.s32 v1, v4;
	_ =	sdelay $0x1  }
0x5b: {  	v3 =	vadd.s32 v1, v3;
	_ =	sdelay $0x2  }
0x5c: {  	[tilespmem:s31], [sflag:$0x1] =	stream.indirect_vreg.gather [hbm4b:s3+s2], $0x80, v4, vm0, $0xb8;
	[tilespmem:$0x10200] =	vst v63  }
0x5d: {  	_ = 	snop  }
0x5e: {  	[tilespmem:s1], [sflag:$0x1] =	stream.indirect_vreg.gather [hbm4b:s3+s2], $0x80, v3, vm0, $0xb8;
	[tilespmem:$0x10200] =	vst v63  }
0x5f: {  	v3 =	vld [tilespmem:$0x70];
	_ =	sdelay $0x4  }
0x60: {  	v39 =	vshll.u32 v3, $0x1  }
0x61: {  	v3 =	vand.u32 $0x7, v3;
	v4 =	vand.u32 $0xFFFFFFF0, v39  }
0x62: {  	v3 =	vor.u32 v3, v4  }
0x63: {  	v4 =	vperm.xlane v3, v0;
	_ =	sdelay $0x1  }
0x64: {  	v3 =	vperm.xlane v3, v2;
	v4 =	vadd.s32 v1, v4;
	_ =	sdelay $0x1  }
0x65: {  	v3 =	vadd.s32 v1, v3;
	_ =	sdelay $0x2  }
0x66: {  	[tilespmem:s5], [sflag:$0x1] =	stream.indirect_vreg.gather [hbm4b:s3+s2], $0x80, v4, vm0, $0xb8;
	[tilespmem:$0x10200] =	vst v63  }
0x67: {  	s0 =	simm.s32 $0x1  }
0x68: {  	[tilespmem:s7], [sflag:$0x1] =	stream.indirect_vreg.gather [hbm4b:s3+s2], $0x80, v3, vm0, $0xb8;
	[tilespmem:$0x10200] =	vst v63  }
0x69: {  	_ =	swait.ge [sflag:s0], $0x8000  }
0x6a: {  	[sflag:s0] =	ssyncset.done $0x0  }
0x6b: {  	s6 =	rddreg [dreg:$0x3];
	[sflag:s0] =	ssyncadd.s32 $0xFFFF8000  }
0x6c: {  	[hbm4b:s6+s2] =	stream.linear.scatter [tilespmem:s23], [sflag:$0x3], $0x8000, $0x38;
	[tilespmem:$0x10200] =	vst v63  }
0x6d: {  	v3 =	vld [tilespmem:$0x80];
	_ =	sdelay $0x4  }
0x6e: {  	v40 =	vshll.u32 v3, $0x1  }
0x6f: {  	v3 =	vand.u32 $0x7, v3;
	v4 =	vand.u32 $0xFFFFFFF0, v40  }
0x70: {  	v3 =	vor.u32 v3, v4  }
0x71: {  	v4 =	vperm.xlane v3, v0;
	_ =	sdelay $0x1  }
0x72: {  	v3 =	vperm.xlane v3, v2;
	v4 =	vadd.s32 v1, v4;
	_ =	sdelay $0x1  }
0x73: {  	v3 =	vadd.s32 v1, v3;
	_ =	sdelay $0x2  }
0x74: {  	[tilespmem:s22], [sflag:$0x2] =	stream.indirect_vreg.gather [hbm4b:s3+s2], $0x80, v4, vm0, $0xb8;
	[tilespmem:$0x10200] =	vst v63  }
0x75: {  	_ = 	snop  }
0x76: {  	[tilespmem:s8], [sflag:$0x2] =	stream.indirect_vreg.gather [hbm4b:s3+s2], $0x80, v3, vm0, $0xb8;
	[tilespmem:$0x10200] =	vst v63  }
0x77: {  	v3 =	vld [tilespmem:$0x90];
	_ =	sdelay $0x4  }
0x78: {  	v41 =	vshll.u32 v3, $0x1  }
0x79: {  	v3 =	vand.u32 $0x7, v3;
	v4 =	vand.u32 $0xFFFFFFF0, v41  }
0x7a: {  	v3 =	vor.u32 v3, v4  }
0x7b: {  	v4 =	vperm.xlane v3, v0;
	_ =	sdelay $0x1  }
0x7c: {  	v3 =	vperm.xlane v3, v2;
	v4 =	vadd.s32 v1, v4;
	_ =	sdelay $0x1  }
0x7d: {  	v3 =	vadd.s32 v1, v3;
	_ =	sdelay $0x2  }
0x7e: {  	[tilespmem:s9], [sflag:$0x2] =	stream.indirect_vreg.gather [hbm4b:s3+s2], $0x80, v4, vm0, $0xb8;
	[tilespmem:$0x10200] =	vst v63  }
0x7f: {  	_ = 	snop  }
0x80: {  	[tilespmem:s10], [sflag:$0x2] =	stream.indirect_vreg.gather [hbm4b:s3+s2], $0x80, v3, vm0, $0xb8;
	[tilespmem:$0x10200] =	vst v63  }
0x81: {  	v3 =	vld [tilespmem:$0xA0];
	_ =	sdelay $0x4  }
0x82: {  	v42 =	vshll.u32 v3, $0x1  }
0x83: {  	v3 =	vand.u32 $0x7, v3;
	v4 =	vand.u32 $0xFFFFFFF0, v42  }
0x84: {  	v3 =	vor.u32 v3, v4  }
0x85: {  	v4 =	vperm.xlane v3, v0;
	_ =	sdelay $0x1  }
0x86: {  	v3 =	vperm.xlane v3, v2;
	v4 =	vadd.s32 v1, v4;
	_ =	sdelay $0x1  }
0x87: {  	v3 =	vadd.s32 v1, v3;
	_ =	sdelay $0x2  }
0x88: {  	[tilespmem:s11], [sflag:$0x2] =	stream.indirect_vreg.gather [hbm4b:s3+s2], $0x80, v4, vm0, $0xb8;
	[tilespmem:$0x10200] =	vst v63  }
0x89: {  	_ = 	snop  }
0x8a: {  	[tilespmem:s12], [sflag:$0x2] =	stream.indirect_vreg.gather [hbm4b:s3+s2], $0x80, v3, vm0, $0xb8;
	[tilespmem:$0x10200] =	vst v63  }
0x8b: {  	v3 =	vld [tilespmem:$0xB0];
	_ =	sdelay $0x4  }
0x8c: {  	v43 =	vshll.u32 v3, $0x1  }
0x8d: {  	v3 =	vand.u32 $0x7, v3;
	v4 =	vand.u32 $0xFFFFFFF0, v43  }
0x8e: {  	v3 =	vor.u32 v3, v4  }
0x8f: {  	v4 =	vperm.xlane v3, v0;
	_ =	sdelay $0x1  }
0x90: {  	v3 =	vperm.xlane v3, v2;
	v4 =	vadd.s32 v1, v4;
	_ =	sdelay $0x1  }
0x91: {  	v3 =	vadd.s32 v1, v3;
	_ =	sdelay $0x1  }
0x92: {  	s6 =	simm.s32 $0xB200  }
0x93: {  	[tilespmem:s6], [sflag:$0x2] =	stream.indirect_vreg.gather [hbm4b:s3+s2], $0x80, v4, vm0, $0xb8;
	[tilespmem:$0x10200] =	vst v63  }
0x94: {  	s6 =	simm.s32 $0xBA00  }
0x95: {  	[tilespmem:s6], [sflag:$0x2] =	stream.indirect_vreg.gather [hbm4b:s3+s2], $0x80, v3, vm0, $0xb8;
	[tilespmem:$0x10200] =	vst v63  }
0x96: {  	v3 =	vld [tilespmem:$0xC0];
	_ =	sdelay $0x4  }
0x97: {  	v44 =	vshll.u32 v3, $0x1  }
0x98: {  	v3 =	vand.u32 $0x7, v3;
	v4 =	vand.u32 $0xFFFFFFF0, v44  }
0x99: {  	v3 =	vor.u32 v3, v4  }
0x9a: {  	v4 =	vperm.xlane v3, v0;
	_ =	sdelay $0x1  }
0x9b: {  	v3 =	vperm.xlane v3, v2;
	v4 =	vadd.s32 v1, v4;
	_ =	sdelay $0x1  }
0x9c: {  	v3 =	vadd.s32 v1, v3;
	_ =	sdelay $0x1  }
0x9d: {  	s16 =	simm.s32 $0xC200  }
0x9e: {  	[tilespmem:s16], [sflag:$0x2] =	stream.indirect_vreg.gather [hbm4b:s3+s2], $0x80, v4, vm0, $0xb8;
	[tilespmem:$0x10200] =	vst v63  }
0x9f: {  	s16 =	simm.s32 $0xCA00  }
0xa0: {  	[tilespmem:s16], [sflag:$0x2] =	stream.indirect_vreg.gather [hbm4b:s3+s2], $0x80, v3, vm0, $0xb8;
	[tilespmem:$0x10200] =	vst v63  }
0xa1: {  	v3 =	vld [tilespmem:$0xD0];
	_ =	sdelay $0x4  }
0xa2: {  	v45 =	vshll.u32 v3, $0x1  }
0xa3: {  	v3 =	vand.u32 $0x7, v3;
	v4 =	vand.u32 $0xFFFFFFF0, v45  }
0xa4: {  	v3 =	vor.u32 v3, v4  }
0xa5: {  	v4 =	vperm.xlane v3, v0;
	_ =	sdelay $0x1  }
0xa6: {  	v3 =	vperm.xlane v3, v2;
	v4 =	vadd.s32 v1, v4;
	_ =	sdelay $0x1  }
0xa7: {  	v3 =	vadd.s32 v1, v3;
	_ =	sdelay $0x1  }
0xa8: {  	s16 =	simm.s32 $0xD200  }
0xa9: {  	[tilespmem:s16], [sflag:$0x2] =	stream.indirect_vreg.gather [hbm4b:s3+s2], $0x80, v4, vm0, $0xb8;
	[tilespmem:$0x10200] =	vst v63  }
0xaa: {  	s16 =	simm.s32 $0xDA00  }
0xab: {  	[tilespmem:s16], [sflag:$0x2] =	stream.indirect_vreg.gather [hbm4b:s3+s2], $0x80, v3, vm0, $0xb8;
	[tilespmem:$0x10200] =	vst v63  }
0xac: {  	v3 =	vld [tilespmem:$0xE0];
	_ =	sdelay $0x4  }
0xad: {  	v46 =	vshll.u32 v3, $0x1  }
0xae: {  	v3 =	vand.u32 $0x7, v3;
	v4 =	vand.u32 $0xFFFFFFF0, v46  }
0xaf: {  	v3 =	vor.u32 v3, v4  }
0xb0: {  	v4 =	vperm.xlane v3, v0;
	_ =	sdelay $0x1  }
0xb1: {  	v3 =	vperm.xlane v3, v2;
	v4 =	vadd.s32 v1, v4;
	_ =	sdelay $0x1  }
0xb2: {  	v3 =	vadd.s32 v1, v3;
	_ =	sdelay $0x1  }
0xb3: {  	s16 =	simm.s32 $0xE200  }
0xb4: {  	[tilespmem:s16], [sflag:$0x2] =	stream.indirect_vreg.gather [hbm4b:s3+s2], $0x80, v4, vm0, $0xb8;
	[tilespmem:$0x10200] =	vst v63  }
0xb5: {  	s16 =	simm.s32 $0xEA00  }
0xb6: {  	[tilespmem:s16], [sflag:$0x2] =	stream.indirect_vreg.gather [hbm4b:s3+s2], $0x80, v3, vm0, $0xb8;
	[tilespmem:$0x10200] =	vst v63  }
0xb7: {  	v3 =	vld [tilespmem:$0xF0];
	_ =	sdelay $0x4  }
0xb8: {  	v47 =	vshll.u32 v3, $0x1  }
0xb9: {  	v3 =	vand.u32 $0x7, v3;
	v4 =	vand.u32 $0xFFFFFFF0, v47  }
0xba: {  	v3 =	vor.u32 v3, v4  }
0xbb: {  	v4 =	vperm.xlane v3, v0;
	_ =	sdelay $0x1  }
0xbc: {  	v3 =	vperm.xlane v3, v2;
	v4 =	vadd.s32 v1, v4;
	_ =	sdelay $0x1  }
0xbd: {  	v3 =	vadd.s32 v1, v3;
	_ =	sdelay $0x1  }
0xbe: {  	s16 =	simm.s32 $0xF200  }
0xbf: {  	[tilespmem:s16], [sflag:$0x2] =	stream.indirect_vreg.gather [hbm4b:s3+s2], $0x80, v4, vm0, $0xb8;
	[tilespmem:$0x10200] =	vst v63  }
0xc0: {  	s16 =	simm.s32 $0xFA00  }
0xc1: {  	[tilespmem:s16], [sflag:$0x2] =	stream.indirect_vreg.gather [hbm4b:s3+s2], $0x80, v3, vm0, $0xb8;
	[tilespmem:$0x10200] =	vst v63  }
0xc2: {  	_ =	swait.ge [sflag:s13], $0x8000  }
0xc3: {  	[sflag:s13] =	ssyncset.done $0x0  }
0xc4: {  	s16 =	rddreg [dreg:$0x4];
	[sflag:s13] =	ssyncadd.s32 $0xFFFF8000  }
0xc5: {  	[hbm4b:s16+s2] =	stream.linear.scatter [tilespmem:s22], [sflag:$0x4], $0x8000, $0x38;
	[tilespmem:$0x10200] =	vst v63  }
0xc6: {  	_ =	swait.ge [sflag:s14], $0x8000  }
0xc7: {  	[sflag:s14] =	ssyncset.done $0x0  }
0xc8: {  	[sflag:s14] =	ssyncadd.s32 $0xFFFF8000  }
0xc9: {  	v3 =	vld [tilespmem:$0x100];
	_ =	sdelay $0x4  }
0xca: {  	v48 =	vshll.u32 v3, $0x1  }
0xcb: {  	v3 =	vand.u32 $0x7, v3;
	v4 =	vand.u32 $0xFFFFFFF0, v48  }
0xcc: {  	v3 =	vor.u32 v3, v4  }
0xcd: {  	v4 =	vperm.xlane v3, v0;
	_ =	sdelay $0x1  }
0xce: {  	v3 =	vperm.xlane v3, v2;
	v4 =	vadd.s32 v1, v4;
	_ =	sdelay $0x1  }
0xcf: {  	v3 =	vadd.s32 v1, v3;
	_ =	sdelay $0x2  }
0xd0: {  	[tilespmem:s23], [sflag:$0x1] =	stream.indirect_vreg.gather [hbm4b:s3+s2], $0x80, v4, vm0, $0xb8;
	[tilespmem:$0x10200] =	vst v63  }
0xd1: {  	_ = 	snop  }
0xd2: {  	[tilespmem:s17], [sflag:$0x1] =	stream.indirect_vreg.gather [hbm4b:s3+s2], $0x80, v3, vm0, $0xb8;
	[tilespmem:$0x10200] =	vst v63  }
0xd3: {  	v3 =	vld [tilespmem:$0x110];
	_ =	sdelay $0x4  }
0xd4: {  	v49 =	vshll.u32 v3, $0x1  }
0xd5: {  	v3 =	vand.u32 $0x7, v3;
	v4 =	vand.u32 $0xFFFFFFF0, v49  }
0xd6: {  	v3 =	vor.u32 v3, v4  }
0xd7: {  	v4 =	vperm.xlane v3, v0;
	_ =	sdelay $0x1  }
0xd8: {  	v3 =	vperm.xlane v3, v2;
	v4 =	vadd.s32 v1, v4;
	_ =	sdelay $0x1  }
0xd9: {  	v3 =	vadd.s32 v1, v3;
	_ =	sdelay $0x2  }
0xda: {  	[tilespmem:s18], [sflag:$0x1] =	stream.indirect_vreg.gather [hbm4b:s3+s2], $0x80, v4, vm0, $0xb8;
	[tilespmem:$0x10200] =	vst v63  }
0xdb: {  	_ = 	snop  }
0xdc: {  	[tilespmem:s19], [sflag:$0x1] =	stream.indirect_vreg.gather [hbm4b:s3+s2], $0x80, v3, vm0, $0xb8;
	[tilespmem:$0x10200] =	vst v63  }
0xdd: {  	v3 =	vld [tilespmem:$0x120];
	_ =	sdelay $0x4  }
0xde: {  	v50 =	vshll.u32 v3, $0x1  }
0xdf: {  	v3 =	vand.u32 $0x7, v3;
	v4 =	vand.u32 $0xFFFFFFF0, v50  }
0xe0: {  	v3 =	vor.u32 v3, v4  }
0xe1: {  	v4 =	vperm.xlane v3, v0;
	_ =	sdelay $0x1  }
0xe2: {  	v3 =	vperm.xlane v3, v2;
	v4 =	vadd.s32 v1, v4;
	_ =	sdelay $0x1  }
0xe3: {  	v3 =	vadd.s32 v1, v3;
	_ =	sdelay $0x2  }
0xe4: {  	[tilespmem:s20], [sflag:$0x1] =	stream.indirect_vreg.gather [hbm4b:s3+s2], $0x80, v4, vm0, $0xb8;
	[tilespmem:$0x10200] =	vst v63  }
0xe5: {  	_ = 	snop  }
0xe6: {  	[tilespmem:s21], [sflag:$0x1] =	stream.indirect_vreg.gather [hbm4b:s3+s2], $0x80, v3, vm0, $0xb8;
	[tilespmem:$0x10200] =	vst v63  }
0xe7: {  	v3 =	vld [tilespmem:$0x130];
	_ =	sdelay $0x4  }
0xe8: {  	v51 =	vshll.u32 v3, $0x1  }
0xe9: {  	v3 =	vand.u32 $0x7, v3;
	v4 =	vand.u32 $0xFFFFFFF0, v51  }
0xea: {  	v3 =	vor.u32 v3, v4  }
0xeb: {  	v4 =	vperm.xlane v3, v0;
	_ =	sdelay $0x1  }
0xec: {  	v3 =	vperm.xlane v3, v2;
	v4 =	vadd.s32 v1, v4;
	_ =	sdelay $0x1  }
0xed: {  	v3 =	vadd.s32 v1, v3;
	_ =	sdelay $0x2  }
0xee: {  	[tilespmem:s24], [sflag:$0x1] =	stream.indirect_vreg.gather [hbm4b:s3+s2], $0x80, v4, vm0, $0xb8;
	[tilespmem:$0x10200] =	vst v63  }
0xef: {  	_ = 	snop  }
0xf0: {  	[tilespmem:s25], [sflag:$0x1] =	stream.indirect_vreg.gather [hbm4b:s3+s2], $0x80, v3, vm0, $0xb8;
	[tilespmem:$0x10200] =	vst v63  }
0xf1: {  	v3 =	vld [tilespmem:$0x140];
	_ =	sdelay $0x4  }
0xf2: {  	v52 =	vshll.u32 v3, $0x1  }
0xf3: {  	v3 =	vand.u32 $0x7, v3;
	v4 =	vand.u32 $0xFFFFFFF0, v52  }
0xf4: {  	v3 =	vor.u32 v3, v4  }
0xf5: {  	v4 =	vperm.xlane v3, v0;
	_ =	sdelay $0x1  }
0xf6: {  	v3 =	vperm.xlane v3, v2;
	v4 =	vadd.s32 v1, v4;
	_ =	sdelay $0x1  }
0xf7: {  	v3 =	vadd.s32 v1, v3;
	_ =	sdelay $0x2  }
0xf8: {  	[tilespmem:s26], [sflag:$0x1] =	stream.indirect_vreg.gather [hbm4b:s3+s2], $0x80, v4, vm0, $0xb8;
	[tilespmem:$0x10200] =	vst v63  }
0xf9: {  	_ = 	snop  }
0xfa: {  	[tilespmem:s28], [sflag:$0x1] =	stream.indirect_vreg.gather [hbm4b:s3+s2], $0x80, v3, vm0, $0xb8;
	[tilespmem:$0x10200] =	vst v63  }
0xfb: {  	v3 =	vld [tilespmem:$0x150];
	_ =	sdelay $0x4  }
0xfc: {  	v53 =	vshll.u32 v3, $0x1  }
0xfd: {  	v3 =	vand.u32 $0x7, v3;
	v4 =	vand.u32 $0xFFFFFFF0, v53  }
0xfe: {  	v3 =	vor.u32 v3, v4  }
0xff: {  	v4 =	vperm.xlane v3, v0;
	_ =	sdelay $0x1  }
0x100: {  	v3 =	vperm.xlane v3, v2;
	v4 =	vadd.s32 v1, v4;
	_ =	sdelay $0x1  }
0x101: {  	v3 =	vadd.s32 v1, v3;
	_ =	sdelay $0x2  }
0x102: {  	[tilespmem:s29], [sflag:$0x1] =	stream.indirect_vreg.gather [hbm4b:s3+s2], $0x80, v4, vm0, $0xb8;
	[tilespmem:$0x10200] =	vst v63  }
0x103: {  	_ = 	snop  }
0x104: {  	[tilespmem:s30], [sflag:$0x1] =	stream.indirect_vreg.gather [hbm4b:s3+s2], $0x80, v3, vm0, $0xb8;
	[tilespmem:$0x10200] =	vst v63  }
0x105: {  	v3 =	vld [tilespmem:$0x160];
	_ =	sdelay $0x4  }
0x106: {  	v54 =	vshll.u32 v3, $0x1  }
0x107: {  	v3 =	vand.u32 $0x7, v3;
	v4 =	vand.u32 $0xFFFFFFF0, v54  }
0x108: {  	v3 =	vor.u32 v3, v4  }
0x109: {  	v4 =	vperm.xlane v3, v0;
	_ =	sdelay $0x1  }
0x10a: {  	v3 =	vperm.xlane v3, v2;
	v4 =	vadd.s32 v1, v4;
	_ =	sdelay $0x1  }
0x10b: {  	v3 =	vadd.s32 v1, v3;
	_ =	sdelay $0x2  }
0x10c: {  	[tilespmem:s31], [sflag:$0x1] =	stream.indirect_vreg.gather [hbm4b:s3+s2], $0x80, v4, vm0, $0xb8;
	[tilespmem:$0x10200] =	vst v63  }
0x10d: {  	_ = 	snop  }
0x10e: {  	[tilespmem:s1], [sflag:$0x1] =	stream.indirect_vreg.gather [hbm4b:s3+s2], $0x80, v3, vm0, $0xb8;
	[tilespmem:$0x10200] =	vst v63  }
0x10f: {  	v3 =	vld [tilespmem:$0x170];
	_ =	sdelay $0x4  }
0x110: {  	v55 =	vshll.u32 v3, $0x1  }
0x111: {  	v3 =	vand.u32 $0x7, v3;
	v4 =	vand.u32 $0xFFFFFFF0, v55  }
0x112: {  	v3 =	vor.u32 v3, v4  }
0x113: {  	v4 =	vperm.xlane v3, v0;
	_ =	sdelay $0x1  }
0x114: {  	v3 =	vperm.xlane v3, v2;
	v4 =	vadd.s32 v1, v4;
	_ =	sdelay $0x1  }
0x115: {  	v3 =	vadd.s32 v1, v3;
	_ =	sdelay $0x2  }
0x116: {  	[tilespmem:s5], [sflag:$0x1] =	stream.indirect_vreg.gather [hbm4b:s3+s2], $0x80, v4, vm0, $0xb8;
	[tilespmem:$0x10200] =	vst v63  }
0x117: {  	_ = 	snop  }
0x118: {  	[tilespmem:s7], [sflag:$0x1] =	stream.indirect_vreg.gather [hbm4b:s3+s2], $0x80, v3, vm0, $0xb8;
	[tilespmem:$0x10200] =	vst v63  }
0x119: {  	_ =	swait.ge [sflag:s0], $0x8000  }
0x11a: {  	[sflag:s0] =	ssyncset.done $0x0  }
0x11b: {  	s16 =	rddreg [dreg:$0x5];
	[sflag:s0] =	ssyncadd.s32 $0xFFFF8000  }
0x11c: {  	[hbm4b:s16+s2] =	stream.linear.scatter [tilespmem:s23], [sflag:$0x3], $0x8000, $0x38;
	[tilespmem:$0x10200] =	vst v63  }
0x11d: {  	_ =	swait.ge [sflag:s15], $0x8000  }
0x11e: {  	[sflag:s15] =	ssyncset.done $0x0  }
0x11f: {  	[sflag:s15] =	ssyncadd.s32 $0xFFFF8000  }
0x120: {  	v3 =	vld [tilespmem:$0x180];
	_ =	sdelay $0x4  }
0x121: {  	v56 =	vshll.u32 v3, $0x1  }
0x122: {  	v3 =	vand.u32 $0x7, v3;
	v4 =	vand.u32 $0xFFFFFFF0, v56  }
0x123: {  	v3 =	vor.u32 v3, v4  }
0x124: {  	v4 =	vperm.xlane v3, v0;
	_ =	sdelay $0x1  }
0x125: {  	v3 =	vperm.xlane v3, v2;
	v4 =	vadd.s32 v1, v4;
	_ =	sdelay $0x1  }
0x126: {  	v3 =	vadd.s32 v1, v3;
	_ =	sdelay $0x2  }
0x127: {  	[tilespmem:s22], [sflag:$0x2] =	stream.indirect_vreg.gather [hbm4b:s3+s2], $0x80, v4, vm0, $0xb8;
	[tilespmem:$0x10200] =	vst v63  }
0x128: {  	_ = 	snop  }
0x129: {  	[tilespmem:s8], [sflag:$0x2] =	stream.indirect_vreg.gather [hbm4b:s3+s2], $0x80, v3, vm0, $0xb8;
	[tilespmem:$0x10200] =	vst v63  }
0x12a: {  	v3 =	vld [tilespmem:$0x190];
	_ =	sdelay $0x4  }
0x12b: {  	v57 =	vshll.u32 v3, $0x1  }
0x12c: {  	v3 =	vand.u32 $0x7, v3;
	v4 =	vand.u32 $0xFFFFFFF0, v57  }
0x12d: {  	v3 =	vor.u32 v3, v4  }
0x12e: {  	v4 =	vperm.xlane v3, v0;
	_ =	sdelay $0x1  }
0x12f: {  	v3 =	vperm.xlane v3, v2;
	v4 =	vadd.s32 v1, v4;
	_ =	sdelay $0x1  }
0x130: {  	v3 =	vadd.s32 v1, v3;
	_ =	sdelay $0x2  }
0x131: {  	[tilespmem:s9], [sflag:$0x2] =	stream.indirect_vreg.gather [hbm4b:s3+s2], $0x80, v4, vm0, $0xb8;
	[tilespmem:$0x10200] =	vst v63  }
0x132: {  	_ = 	snop  }
0x133: {  	[tilespmem:s10], [sflag:$0x2] =	stream.indirect_vreg.gather [hbm4b:s3+s2], $0x80, v3, vm0, $0xb8;
	[tilespmem:$0x10200] =	vst v63  }
0x134: {  	v3 =	vld [tilespmem:$0x1A0];
	_ =	sdelay $0x4  }
0x135: {  	v58 =	vshll.u32 v3, $0x1  }
0x136: {  	v3 =	vand.u32 $0x7, v3;
	v4 =	vand.u32 $0xFFFFFFF0, v58  }
0x137: {  	v3 =	vor.u32 v3, v4  }
0x138: {  	v4 =	vperm.xlane v3, v0;
	_ =	sdelay $0x1  }
0x139: {  	v3 =	vperm.xlane v3, v2;
	v4 =	vadd.s32 v1, v4;
	_ =	sdelay $0x1  }
0x13a: {  	v3 =	vadd.s32 v1, v3;
	_ =	sdelay $0x2  }
0x13b: {  	[tilespmem:s11], [sflag:$0x2] =	stream.indirect_vreg.gather [hbm4b:s3+s2], $0x80, v4, vm0, $0xb8;
	[tilespmem:$0x10200] =	vst v63  }
0x13c: {  	_ = 	snop  }
0x13d: {  	[tilespmem:s12], [sflag:$0x2] =	stream.indirect_vreg.gather [hbm4b:s3+s2], $0x80, v3, vm0, $0xb8;
	[tilespmem:$0x10200] =	vst v63  }
0x13e: {  	v3 =	vld [tilespmem:$0x1B0];
	_ =	sdelay $0x4  }
0x13f: {  	v59 =	vshll.u32 v3, $0x1  }
0x140: {  	v3 =	vand.u32 $0x7, v3;
	v4 =	vand.u32 $0xFFFFFFF0, v59  }
0x141: {  	v3 =	vor.u32 v3, v4  }
0x142: {  	v4 =	vperm.xlane v3, v0;
	_ =	sdelay $0x1  }
0x143: {  	v3 =	vperm.xlane v3, v2;
	v4 =	vadd.s32 v1, v4;
	_ =	sdelay $0x1  }
0x144: {  	v3 =	vadd.s32 v1, v3;
	_ =	sdelay $0x1  }
0x145: {  	s16 =	simm.s32 $0xB200  }
0x146: {  	[tilespmem:s16], [sflag:$0x2] =	stream.indirect_vreg.gather [hbm4b:s3+s2], $0x80, v4, vm0, $0xb8;
	[tilespmem:$0x10200] =	vst v63  }
0x147: {  	_ = 	snop  }
0x148: {  	[tilespmem:s6], [sflag:$0x2] =	stream.indirect_vreg.gather [hbm4b:s3+s2], $0x80, v3, vm0, $0xb8;
	[tilespmem:$0x10200] =	vst v63  }
0x149: {  	v3 =	vld [tilespmem:$0x1C0];
	_ =	sdelay $0x4  }
0x14a: {  	v60 =	vshll.u32 v3, $0x1  }
0x14b: {  	v3 =	vand.u32 $0x7, v3;
	v4 =	vand.u32 $0xFFFFFFF0, v60  }
0x14c: {  	v3 =	vor.u32 v3, v4  }
0x14d: {  	v4 =	vperm.xlane v3, v0;
	_ =	sdelay $0x1  }
0x14e: {  	v3 =	vperm.xlane v3, v2;
	v4 =	vadd.s32 v1, v4;
	_ =	sdelay $0x1  }
0x14f: {  	v3 =	vadd.s32 v1, v3;
	_ =	sdelay $0x1  }
0x150: {  	s6 =	simm.s32 $0xC200  }
0x151: {  	[tilespmem:s6], [sflag:$0x2] =	stream.indirect_vreg.gather [hbm4b:s3+s2], $0x80, v4, vm0, $0xb8;
	[tilespmem:$0x10200] =	vst v63  }
0x152: {  	s16 =	simm.s32 $0xCA00  }
0x153: {  	[tilespmem:s16], [sflag:$0x2] =	stream.indirect_vreg.gather [hbm4b:s3+s2], $0x80, v3, vm0, $0xb8;
	[tilespmem:$0x10200] =	vst v63  }
0x154: {  	v3 =	vld [tilespmem:$0x1D0];
	_ =	sdelay $0x4  }
0x155: {  	v61 =	vshll.u32 v3, $0x1  }
0x156: {  	v3 =	vand.u32 $0x7, v3;
	v4 =	vand.u32 $0xFFFFFFF0, v61  }
0x157: {  	v3 =	vor.u32 v3, v4  }
0x158: {  	v4 =	vperm.xlane v3, v0;
	_ =	sdelay $0x1  }
0x159: {  	v3 =	vperm.xlane v3, v2;
	v4 =	vadd.s32 v1, v4;
	_ =	sdelay $0x1  }
0x15a: {  	v3 =	vadd.s32 v1, v3;
	_ =	sdelay $0x1  }
0x15b: {  	s6 =	simm.s32 $0xD200  }
0x15c: {  	[tilespmem:s6], [sflag:$0x2] =	stream.indirect_vreg.gather [hbm4b:s3+s2], $0x80, v4, vm0, $0xb8;
	[tilespmem:$0x10200] =	vst v63  }
0x15d: {  	s16 =	simm.s32 $0xDA00  }
0x15e: {  	[tilespmem:s16], [sflag:$0x2] =	stream.indirect_vreg.gather [hbm4b:s3+s2], $0x80, v3, vm0, $0xb8;
	[tilespmem:$0x10200] =	vst v63  }
0x15f: {  	v3 =	vld [tilespmem:$0x1E0];
	_ =	sdelay $0x4  }
0x160: {  	v62 =	vshll.u32 v3, $0x1  }
0x161: {  	v3 =	vand.u32 $0x7, v3;
	v4 =	vand.u32 $0xFFFFFFF0, v62  }
0x162: {  	v3 =	vor.u32 v3, v4  }
0x163: {  	v4 =	vperm.xlane v3, v0;
	_ =	sdelay $0x1  }
0x164: {  	v3 =	vperm.xlane v3, v2;
	v4 =	vadd.s32 v1, v4;
	_ =	sdelay $0x1  }
0x165: {  	v3 =	vadd.s32 v1, v3;
	_ =	sdelay $0x1  }
0x166: {  	s6 =	simm.s32 $0xE200  }
0x167: {  	[tilespmem:s6], [sflag:$0x2] =	stream.indirect_vreg.gather [hbm4b:s3+s2], $0x80, v4, vm0, $0xb8;
	[tilespmem:$0x10200] =	vst v63  }
0x168: {  	s16 =	simm.s32 $0xEA00  }
0x169: {  	[tilespmem:s16], [sflag:$0x2] =	stream.indirect_vreg.gather [hbm4b:s3+s2], $0x80, v3, vm0, $0xb8;
	[tilespmem:$0x10200] =	vst v63  }
0x16a: {  	v3 =	vld [tilespmem:$0x1F0];
	_ =	sdelay $0x4  }
0x16b: {  	v63 =	vshll.u32 v3, $0x1  }
0x16c: {  	v3 =	vand.u32 $0x7, v3;
	v4 =	vand.u32 $0xFFFFFFF0, v63  }
0x16d: {  	v3 =	vor.u32 v3, v4  }
0x16e: {  	v4 =	vperm.xlane v3, v0;
	_ =	sdelay $0x1  }
0x16f: {  	v3 =	vperm.xlane v3, v2;
	v4 =	vadd.s32 v1, v4;
	_ =	sdelay $0x1  }
0x170: {  	v3 =	vadd.s32 v1, v3;
	_ =	sdelay $0x1  }
0x171: {  	s6 =	simm.s32 $0xF200  }
0x172: {  	[tilespmem:s6], [sflag:$0x2] =	stream.indirect_vreg.gather [hbm4b:s3+s2], $0x80, v4, vm0, $0xb8;
	[tilespmem:$0x10200] =	vst v63  }
0x173: {  	s16 =	simm.s32 $0xFA00  }
0x174: {  	[tilespmem:s16], [sflag:$0x2] =	stream.indirect_vreg.gather [hbm4b:s3+s2], $0x80, v3, vm0, $0xb8;
	[tilespmem:$0x10200] =	vst v63  }
0x175: {  	_ =	swait.ge [sflag:s13], $0x8000  }
0x176: {  	[sflag:s13] =	ssyncset.done $0x0  }
0x177: {  	s6 =	rddreg [dreg:$0x6];
	[sflag:s13] =	ssyncadd.s32 $0xFFFF8000  }
0x178: {  	[hbm4b:s6+s2] =	stream.linear.scatter [tilespmem:s22], [sflag:$0x4], $0x8000, $0x38;
	[tilespmem:$0x10200] =	vst v63  }
0x179: {  	p0 =	sne.s32 s4, $0x1;
	_ =	swait.ge [sflag:s14], $0x8000  }
.Ltmp0:
0x17a: {  	[sflag:s14] =	ssyncset.done $0x0;
	(pc) =	sbr.rel @p0 .LBB2_1-.Ltmp0, $4  }
0x17b: {  	[sflag:s14] =	ssyncadd.s32 $0xFFFF8000  }
0x17c: {  	_ =	swait.ge [sflag:s15], $0x8000  }
0x17d: {  	[sflag:s15] =	ssyncset.done $0x0  }
0x17e: {  	s4 =	sadd.s32 $0xFFFFFFFF, s4;
	[sflag:s15] =	ssyncadd.s32 $0xFFFF8000  }
0x17f: {  	_ =	sfence.sel $0x180000  }
0x180: {  	[bflag:$0x0] =	sbarrier.arrive $0xFFFF  }
0x181: {  	_ =	strace $0x90000050  }
0x182: {  	s0 =	stileid.u32;
	[bflag:$0x2] =	sbarrier.arrive $0xFFFF  }
0x183: {  	p0 =	sne.s32 s0, $0x0;
	s0 =	rddreg [dreg:$0x1]  }
0x184: {  	s0 =	sadd.s32 @!p0 $0x100000, s0  }
0x185: {  	[sflag:s0] =	ssyncadd.tile.s32 @!p0 $0x1;
	_ =	shalt  }
.Lfunc_end2:
_tile_overlayer_lowered:
.L_overlay_start_2:
0x186: {  	(tag) =	ssettag $0x2  }
0x187: {  	s0 =	rddreg [dreg:$0x0];
	s2 =	stileid.u32  }
0x188: {  	s1 =	rddreg [dreg:$0x1];
	p0 =	sne.s32 s2, $0x0  }
0x189: {  	s3 =	rddreg [dreg:$0x2];
	[bflag:$0x3] =	sbarrier.arrive $0xFFFF;
	s2 =	simm.s32 @!p0 $0x1C05  }
0x18a: {  	[timem:s3], [sflag:s2] =	dma.local @!p0 [hbm:s0], s1  }
0x18b: {  	s0 =	simm.s32 @!p0 $0x5  }
0x18c: {  	_ =	swait.ge @!p0 [sflag:s0], s1  }
0x18d: {  	s1 =	ssub.s32 @!p0 $0x0, s1;
	[sflag:s0] =	ssyncset.done @!p0 $0x0  }
0x18e: {  	[sflag:s0] =	ssyncadd.s32 @!p0 s1  }
0x18f: {  	[bflag:$0x3] =	sbarrier.arrive $0xFFFF  }
0x190: {  	_ =	shalt  }

// kernel: body.17.cloned.1.call-start
scs
__scs_entry_jumppad:
0x0: {  	(pc) =	sbr.rel $0x88, $3  }
0x1: {  	(tag) =	ssettag $0x0;
	lr =	simm.s32 $0x1  }
0x2: {  	[smem:$0x3F9D] =	sst lr;
	_ =	strace $0xD0000000  }
0x3: {  	_ = 	snop  }
0x4: {  	_ = 	snop  }
0x5: {  	_ = 	snop  }
0x6: {  	_ = 	snop  }
0x7: {  	_ = 	snop  }
__scs_overlays_trampoline_lowered:
0x8: {  	[smem:$0x3FAC] =	sst s0  }
0x9: {  	[smem:$0x3FAD] =	sst s1  }
0xa: {  	[smem:$0x3FAE] =	sst s2  }
0xb: {  	[smem:$0x3FAF] =	sst s3  }
0xc: {  	[smem:$0x3FB0] =	sst s4  }
0xd: {  	[smem:$0x3FB1] =	sst s5  }
0xe: {  	[smem:$0x3FB2] =	sst s6  }
0xf: {  	[smem:$0x3FB3] =	sst s7  }
0x10: {  	[smem:$0x3FB4] =	sst s8  }
0x11: {  	[smem:$0x3FB5] =	sst s9;
	s0 =	simm.s32 @!p0 $0x0  }
0x12: {  	s1 =	sld [smem:$0x3F9B];
	s0 =	simm.s32 @p0 $0x1  }
0x13: {  	[smem:$0x3FB6] =	sst s0;
	s0 =	simm.s32 @!p1 $0x0  }
0x14: {  	s2 =	sld [smem:$0x3F9A];
	s0 =	simm.s32 @p1 $0x1  }
0x15: {  	[smem:$0x3FB7] =	sst s0;
	s0 =	simm.s32 @!p2 $0x0  }
0x16: {  	s3 =	sld [smem:$0x3FDB];
	s0 =	simm.s32 @p2 $0x1  }
0x17: {  	s4 =	simm.s32 $0x1BF5;
	[smem:$0x3FB9] =	sst s0  }
0x18: {  	s0 =	sld [smem:$0x3F9C];
	_ =	swait.ge [sflag:s4], $0x0  }
0x19: {  	s7 =	sld [smem:$0x3F9D]  }
0x1a: {  	s8 =	sadd.s32 $0xFFFFE003, lr  }
0x1b: {  	s9 =	sadd.s32 $0xFFFFFEF7, lr;
	s5 =	simm.s32 $0xFFFFFFFF;
	p2 =	slt.u32 s8, $0xFFFFF086  }
0x1c: {  	p1 =	slt.u32 s9, $0xF7A;
	s5 =	simm.s32 @!p2 $0x0  }
0x1d: {  	s5 =	simm.s32 @p1 $0x1;
	p0 =	seq.s32 s7, s2  }
0x1e: {  	s7 =	smul.u32 @!p0 $0xF7A, s2;
	p2 =	seq.s32 @!p0 s5, $0x0  }
0x1f: {  	s9 =	smul.u32 $0xF7A, s1;
	s8 =	simm.s32 @!p0 $0x1BF5;
	p2 =	por !p2, p0  }
0x20: {  	[sflag:s8] =	ssyncset.s32 @!p0 $0xFFFFF086;
	s6 =	sadd.s32 @!p0 s3, s7;
	s7 =	simm.s32 @!p0 $0x108  }
0x21: {  	s3 =	sadd.s32 s3, s9;
	s6 =	sadd.s32 @!p0 $0x88, s6;
	s7 =	simm.s32 @p2 $0x1082  }
0x22: {  	[simem:s7], [sflag:s8] =	dma.local @!p0 [hbm:s6], $0xF7A  }
0x23: {  	s9 =	sor.u32 $0xD0000000, s2;
	s6 =	simm.s32 $0x108;
	_ =	swait.ge @!p0 [sflag:s8], $0x0  }
0x24: {  	s3 =	sadd.s32 $0x88, s3;
	s6 =	simm.s32 @!p1 $0x1082;
	[sflag:s4] =	ssyncset.s32 $0xFFFFF086  }
0x25: {  	[simem:s6], [sflag:s4] =	dma.local [hbm:s3], $0xF7A  }
0x26: {  	[smem:$0x3F9D] =	sst s1;
	(tag) =	ssettag s2;
	_ =	strace s9  }
0x27: {  	s1 =	sld [smem:$0x3FAD]  }
0x28: {  	s2 =	sld [smem:$0x3FAE]  }
0x29: {  	s4 =	sld [smem:$0x3FB0]  }
0x2a: {  	p0 =	seq.s32 s5, $0x0;
	s5 =	sld [smem:$0x3FB1]  }
0x2b: {  	s6 =	sld [smem:$0x3FB2]  }
0x2c: {  	s7 =	sld [smem:$0x3FB3]  }
0x2d: {  	s3 =	simm.s32 $0x108;
	s8 =	sld [smem:$0x3FB4]  }
0x2e: {  	s3 =	simm.s32 @!p0 $0x1082;
	s9 =	sld [smem:$0x3FB5]  }
0x2f: {  	lr =	sadd.s32 s0, s3;
	s0 =	sld [smem:$0x3FAC]  }
0x30: {  	s3 =	sld [smem:$0x3FAF]  }
0x31: {  	[smem:$0x3FB8] =	sst s10  }
0x32: {  	s10 =	sld [smem:$0x3FB6];
	_ =	sdelay $0x3  }
0x33: {  	p0 =	seq.s32 s10, $0x1;
	s10 =	sld [smem:$0x3FB8];
	_ =	sdelay $0x3  }
0x34: {  	[smem:$0x3FB8] =	sst s10  }
0x35: {  	s10 =	sld [smem:$0x3FB7];
	_ =	sdelay $0x3  }
0x36: {  	p1 =	seq.s32 s10, $0x1;
	s10 =	sld [smem:$0x3FB8];
	_ =	sdelay $0x3  }
0x37: {  	[smem:$0x3FB8] =	sst s10  }
0x38: {  	s10 =	sld [smem:$0x3FB9]  }
0x39: {  	_ = 	snop;
	(pc) =	sbr.ind lr, $3  }
0x3a: {  	_ = 	snop  }
0x3b: {  	_ = 	snop  }
0x3c: {  	p2 =	seq.s32 s10, $0x1;
	s10 =	sld [smem:$0x3FB8]  }
0x3d: {  	_ =	shalt  }
0x3e: {  	_ =	shalt  }
0x3f: {  	_ =	shalt  }
0x40: {  	_ =	shalt  }
0x41: {  	_ =	shalt  }
0x42: {  	_ =	shalt  }
0x43: {  	_ =	shalt  }
0x44: {  	_ =	shalt  }
0x45: {  	_ =	shalt  }
0x46: {  	_ =	shalt  }
0x47: {  	_ =	shalt  }
0x48: {  	_ =	shalt  }
0x49: {  	_ =	shalt  }
0x4a: {  	_ =	shalt  }
0x4b: {  	_ =	shalt  }
0x4c: {  	_ =	shalt  }
0x4d: {  	_ =	shalt  }
0x4e: {  	_ =	shalt  }
0x4f: {  	_ =	shalt  }
0x50: {  	_ =	shalt  }
0x51: {  	_ =	shalt  }
0x52: {  	_ =	shalt  }
0x53: {  	_ =	shalt  }
0x54: {  	_ =	shalt  }
0x55: {  	_ =	shalt  }
0x56: {  	_ =	shalt  }
0x57: {  	_ =	shalt  }
0x58: {  	_ =	shalt  }
0x59: {  	_ =	shalt  }
0x5a: {  	_ =	shalt  }
0x5b: {  	_ =	shalt  }
0x5c: {  	_ =	shalt  }
0x5d: {  	_ =	shalt  }
0x5e: {  	_ =	shalt  }
0x5f: {  	_ =	shalt  }
0x60: {  	_ =	shalt  }
0x61: {  	_ =	shalt  }
0x62: {  	_ =	shalt  }
0x63: {  	_ =	shalt  }
0x64: {  	_ =	shalt  }
0x65: {  	_ =	shalt  }
0x66: {  	_ =	shalt  }
0x67: {  	_ =	shalt  }
0x68: {  	_ =	shalt  }
0x69: {  	_ =	shalt  }
0x6a: {  	_ =	shalt  }
0x6b: {  	_ =	shalt  }
0x6c: {  	_ =	shalt  }
0x6d: {  	_ =	shalt  }
0x6e: {  	_ =	shalt  }
0x6f: {  	_ =	shalt  }
0x70: {  	_ =	shalt  }
0x71: {  	_ =	shalt  }
0x72: {  	_ =	shalt  }
0x73: {  	_ =	shalt  }
0x74: {  	_ =	shalt  }
0x75: {  	_ =	shalt  }
0x76: {  	_ =	shalt  }
0x77: {  	_ =	shalt  }
0x78: {  	_ =	shalt  }
0x79: {  	_ =	shalt  }
0x7a: {  	_ =	shalt  }
0x7b: {  	_ =	shalt  }
0x7c: {  	_ =	shalt  }
0x7d: {  	_ =	shalt  }
0x7e: {  	_ =	shalt  }
0x7f: {  	_ =	shalt  }
0x80: {  	_ =	shalt  }
0x81: {  	_ =	shalt  }
0x82: {  	_ =	shalt  }
0x83: {  	_ =	shalt  }
0x84: {  	_ =	shalt  }
0x85: {  	_ =	shalt  }
0x86: {  	_ =	shalt  }
0x87: {  	_ =	shalt  }
.Lfunc_end0:
.L_simem_size_0:
called_computation.1_lowered:
.L_overlay_start_0:
0x88: {  	s2 =	sld [smem:$0x3FD9]  }
0x89: {  	s3 =	sld [smem:$0x3FFE];
	_ =	sdelay $0x1  }
0x8a: {  	s1 =	srdreg.scid  }
0x8b: {  	s0 =	sand.u32 $0x1, s1  }
0x8c: {  	s14 =	sshll.u32 s0, $0xA;
	s2 =	sadd.s32 s3, s2  }
0x8d: {  	s2 =	sadd.s32 s2, s14  }
0x8e: {  	[smem:$0x3FC4] =	sst s2  }
0x8f: {  	_ = 	snop  }
0x90: {  	s2 =	sld [smem:$0x3FD0];
	_ =	sdelay $0x2  }
0x91: {  	s15 =	simm.s32 $0xB;
	s4 =	simm.s32 $0x10  }
0x92: {  	[smem:s4], [sflag:s15] =	dma.local [hbm:s2], $0x1  }
0x93: {  	_ =	swait.eq [sflag:s15], $0x1  }
0x94: {  	[sflag:s15] =	ssyncset.done $0x0  }
0x95: {  	[sflag:s15] =	ssyncadd.s32 $0xFFFFFFFF  }
0x96: {  	s16 =	sld [smem:$0x10];
	(tm) =	ssettm $0x1  }
0x97: {  	s17 =	sld [smem:$0x3FFB];
	_ =	sdelay $0x3  }
0x98: {  	_ =	strace s17  }
0x99: {  	s3 =	sld [smem:$0x3FFC];
	_ =	sdelay $0x3  }
0x9a: {  	_ =	strace s3  }
0x9b: {  	s3 =	sld [smem:$0x3FFD];
	_ =	sdelay $0x3  }
0x9c: {  	_ =	strace s3  }
0x9d: {  	_ =	strace $0x8FFFFFFF  }
0x9e: {  	s18 =	sld [smem:$0x3FDB];
	_ =	sdelay $0x1  }
0x9f: {  	s19 =	simm.s32 $_scs_section_size  }
0xa0: {  	s5 =	simm.s32 $_size__tile_overlayer_lowered;
	s6 =	simm.s32 $_tile_overlayer_lowered  }
0xa1: {  	s22 =	simm.s32 $0x1BFF;
	s21 =	sshll.u32 s6, $0x1;
	s3 =	sadd.s32 s19, s18  }
0xa2: {  	s7 =	simm.s32 $0x0;
	s20 =	sshll.u32 s5, $0x1;
	s5 =	sadd.s32 s21, s3  }
0xa3: {  	[timem:s7], [sflag:s22] =	dma.local [hbm:s5], s20  }
0xa4: {  	_ =	swait.ge [sflag:s22], s20  }
0xa5: {  	s4 =	ssub.s32 $0x0, s20;
	[sflag:s22] =	ssyncset.done $0x0  }
0xa6: {  	[sflag:s22] =	ssyncadd.s32 s4;
	_ =	sdelay $0x1  }
0xa7: {  	s23 =	simm.s32 $0x1B8B  }
0xa8: {  	_ =	swait.ge [sflag:s23], $0x1  }
0xa9: {  	[sflag:s23] =	ssyncset.done $0x0  }
0xaa: {  	s25 =	simm.s32 $0x1B8E;
	s24 =	sld [smem:$0x3FFE];
	[sflag:s23] =	ssyncadd.s32 $0xFFFFFFFF  }
0xab: {  	s26 =	simm.s32 $execute0_lowered;
	[smem:$0x3FD2] =	sst s25  }
0xac: {  	s5 =	sshll.u32 s26, $0x1;
	_ =	strace $0x8000004C;
	[dreg:$0x1] =	wrdreg $0xFFFFFFFF  }
0xad: {  	s28 =	simm.s32 $_size_execute0_lowered;
	s3 =	sadd.s32 s3, s5;
	[dreg:$0x0] =	wrdreg $0x0  }
0xae: {  	s5 =	sshll.u32 s28, $0x1;
	[dreg:$0x2] =	wrdreg s3  }
0xaf: {  	[dreg:$0x3] =	wrdreg s5  }
0xb0: {  	[dreg:$0x4] =	wrdreg $0xC0  }
0xb1: {  	_ =	task [dreg:s7], $0x5FFFF  }
0xb2: {  	[dreg:$0x1] =	wrdreg $0xFFFFFFFF  }
0xb3: {  	[dreg:$0x0] =	wrdreg $0x60  }
0xb4: {  	[dreg:$0x2] =	wrdreg s16  }
0xb5: {  	[dreg:$0x3] =	wrdreg s24  }
0xb6: {  	[dreg:$0x4] =	wrdreg $0xA  }
0xb7: {  	_ =	task.clear_ibuf [dreg:s7], $0x5FFFF;
	_ =	strace $0x9000004C  }
0xb8: {  	s29 =	simm.s32 $0xA;
	_ =	strace $0x8000004E  }
0xb9: {  	_ =	swait.ge [sflag:s29], $0x1  }
0xba: {  	[sflag:s29] =	ssyncadd.s32 $0xFFFFFFFF  }
0xbb: {  	_ =	strace $0x9000004E  }
0xbc: {  	_ =	sfence  }
0xbd: {  	s30 =	sld [smem:$0x0];
	_ =	sdelay $0x2  }
0xbe: {  	s31 =	sshll.u32 s1, $0xD;
	s1 =	sshrl.u32 s1, $0x2  }
0xbf: {  	s3 =	sand.u32 $0x4000, s31;
	s1 =	sadd.s32 s1, s30  }
0xc0: {  	s0 =	sor.u32 s3, s0;
	s1 =	sshll.u32 s1, $0x11  }
0xc1: {  	s0 =	sor.u32 s1, s0  }
0xc2: {  	s0 =	sadd.s32 $0x8F2B, s0  }
0xc3: {  	[sflag:s0] =	ssyncadd.remote.s32 $0x1  }
0xc4: {  	_ =	sfence.sel $0xFFFF  }
0xc5: {  	[dreg:$0x0] =	wrdreg $0xFFFFFFFF;
	(pc) =	sbr.abs _section_cstart, $3  }
0xc6: {  	[dreg:$0x1] =	wrdreg $0xFFFFFFFF  }
0xc7: {  	_ =	task.clear_ibuf [dreg:s7], $0x2FFFF;
	_ =	strace $0x9FFFFFFF  }
0xc8: {  	(tm) =	ssettm $0x7FFFFFFF  }
0xc9: {  	_ =	shalt  }
tec
execute0_lowered:
.L_overlay_start_1:
0x0: {  	(tag) =	ssettag $0x1  }
0x1: {  	s0 =	rddreg [dreg:$0x0];
	s1 =	srdreg.scid  }
0x2: {  	s2 =	stileid.u32;
	s3 =	rddreg [dreg:$0x1];
	s16 =	simm.s32 $0x400  }
0x3: {  	s31 =	simm.s32 $0x2;
	s17 =	simm.s32 $0x5400;
	s18 =	simm.s32 $0x5C00  }
0x4: {  	s19 =	simm.s32 $0x6400;
	s28 =	simm.s32 $0x9C00;
	s29 =	simm.s32 $0xA400  }
0x5: {  	s30 =	simm.s32 $0xAC00;
	s8 =	simm.s32 $0xC400;
	s9 =	simm.s32 $0xCC00  }
0x6: {  	s10 =	simm.s32 $0xD400;
	s11 =	simm.s32 $0xDC00;
	s12 =	simm.s32 $0xE400  }
0x7: {  	s13 =	simm.s32 $0xEC00;
	s14 =	simm.s32 $0xF400;
	s15 =	simm.s32 $0xFC00  }
0x8: {  	s1 =	sand.u32 $0x1, s1;
	s4 =	sshll.u32 s2, $0x1;
	s2 =	simm.s32 $0x0  }
0x9: {  	s7 =	sadd.s32 $0xC3A00, s3;
	s3 =	sadd.s32 $0xA3A00, s3;
	s4 =	sor.u32 s1, s4  }
0xa: {  	[smem:$0x7FF] =	sst s2;
	s1 =	ssub.s32 $0x2, s1;
	s5 =	smul.u32 $0x28000, s4  }
0xb: {  	_ =	strace $0x8000004D;
	s6 =	sshll.u32 s4, $0x7;
	s24 =	sshrl.u32 s1, $0x1  }
0xc: {  	s4 =	smul.u32 $0x5000, s4;
	s0 =	sadd.s32 s0, s6;
	s1 =	ssub.s32 s1, s24  }
0xd: {  	s6 =	simm.s32 $0x8400;
	s5 =	sshrl.u32 s5, $0x3;
	[dreg:$0x3] =	wrdreg s0  }
0xe: {  	s20 =	sadd.s32 s7, s4;
	s4 =	smax.u32 s1, $0x1;
	s21 =	sadd.s32 s7, s5  }
0xf: {  	s1 =	simm.s32 $0x3;
	[dreg:$0x4] =	wrdreg s20;
	s22 =	sadd.s32 $0x1000, s21  }
0x10: {  	s0 =	simm.s32 $0x4;
	s23 =	sadd.s32 $0x2000, s21;
	[dreg:$0x5] =	wrdreg s22  }
0x11: {  	s20 =	simm.s32 $0x6C00;
	s25 =	sadd.s32 $0x3000, s21;
	[dreg:$0x6] =	wrdreg s23  }
0x12: {  	v2 =	vlaneseq.u32;
	s7 =	simm.s32 $0xBC00;
	s26 =	sadd.s32 $0x4000, s21;
	[dreg:$0x7] =	wrdreg s25  }
0x13: {  	vm0 =	vmmov $0xffff;
	v1 =	vshrl.u32 v2, $0x3;
	s21 =	simm.s32 $0x7400;
	[dreg:$0x8] =	wrdreg s26;
	s22 =	simm.s32 $0x1  }
0x14: {  	v0 =	vand.u32 $0x7, v2;
	v2 =	vor.u32 $0x8, v2;
	v1 =	vmul.u32 $0x8, v1;
	s23 =	simm.s32 $0x7C00;
	s25 =	simm.s32 $0x8C00;
	s26 =	simm.s32 $0x9400  }
.LBB2_1:
0x15: {  	s24 =	rddreg [dreg:$0x3];
	s5 =	simm.s32 $0x5  }
0x16: {  	[tilespmem:s2], [sflag:$0x5] =	stream.linear.gather [hbm4b:s24+s2], $0x280, $0x38;
	[tilespmem:$0x10400] =	vst v63  }
0x17: {  	_ =	swait.ge [sflag:s5], $0x280  }
0x18: {  	[sflag:s5] =	ssyncset.done $0x0  }
0x19: {  	[sflag:s5] =	ssyncadd.s32 $0xFFFFFD80  }
0x1a: {  	v3 =	vld [tilespmem:$0x0];
	_ =	sdelay $0x4  }
0x1b: {  	v4 =	vshll.u32 v3, $0x1  }
0x1c: {  	v3 =	vand.u32 $0x7, v3;
	v4 =	vand.u32 $0xFFFFFFF0, v4  }
0x1d: {  	v3 =	vor.u32 v3, v4  }
0x1e: {  	v4 =	vperm.xlane v3, v0;
	_ =	sdelay $0x1  }
0x1f: {  	v3 =	vperm.xlane v3, v2;
	v4 =	vadd.s32 v1, v4;
	_ =	sdelay $0x1  }
0x20: {  	v3 =	vadd.s32 v1, v3;
	_ =	sdelay $0x2  }
0x21: {  	[tilespmem:s16], [sflag:$0x1] =	stream.indirect_vreg.gather [hbm4b:s3+s2], $0x80, v4, vm0, $0xb8;
	[tilespmem:$0x10400] =	vst v63  }
0x22: {  	s24 =	simm.s32 $0xC00  }
0x23: {  	[tilespmem:s24], [sflag:$0x1] =	stream.indirect_vreg.gather [hbm4b:s3+s2], $0x80, v3, vm0, $0xb8;
	[tilespmem:$0x10400] =	vst v63  }
0x24: {  	v3 =	vld [tilespmem:$0x10];
	_ =	sdelay $0x4  }
0x25: {  	v25 =	vshll.u32 v3, $0x1  }
0x26: {  	v3 =	vand.u32 $0x7, v3;
	v4 =	vand.u32 $0xFFFFFFF0, v25  }
0x27: {  	v3 =	vor.u32 v3, v4  }
0x28: {  	v4 =	vperm.xlane v3, v0;
	_ =	sdelay $0x1  }
0x29: {  	v3 =	vperm.xlane v3, v2;
	v4 =	vadd.s32 v1, v4;
	_ =	sdelay $0x1  }
0x2a: {  	v3 =	vadd.s32 v1, v3;
	_ =	sdelay $0x1  }
0x2b: {  	s24 =	simm.s32 $0x1400  }
0x2c: {  	[tilespmem:s24], [sflag:$0x1] =	stream.indirect_vreg.gather [hbm4b:s3+s2], $0x80, v4, vm0, $0xb8;
	[tilespmem:$0x10400] =	vst v63  }
0x2d: {  	s24 =	simm.s32 $0x1C00  }
0x2e: {  	[tilespmem:s24], [sflag:$0x1] =	stream.indirect_vreg.gather [hbm4b:s3+s2], $0x80, v3, vm0, $0xb8;
	[tilespmem:$0x10400] =	vst v63  }
0x2f: {  	v3 =	vld [tilespmem:$0x20];
	_ =	sdelay $0x4  }
0x30: {  	v26 =	vshll.u32 v3, $0x1  }
0x31: {  	v3 =	vand.u32 $0x7, v3;
	v4 =	vand.u32 $0xFFFFFFF0, v26  }
0x32: {  	v3 =	vor.u32 v3, v4  }
0x33: {  	v4 =	vperm.xlane v3, v0;
	_ =	sdelay $0x1  }
0x34: {  	v3 =	vperm.xlane v3, v2;
	v4 =	vadd.s32 v1, v4;
	_ =	sdelay $0x1  }
0x35: {  	v3 =	vadd.s32 v1, v3;
	_ =	sdelay $0x1  }
0x36: {  	s24 =	simm.s32 $0x2400  }
0x37: {  	[tilespmem:s24], [sflag:$0x1] =	stream.indirect_vreg.gather [hbm4b:s3+s2], $0x80, v4, vm0, $0xb8;
	[tilespmem:$0x10400] =	vst v63  }
0x38: {  	s24 =	simm.s32 $0x2C00  }
0x39: {  	[tilespmem:s24], [sflag:$0x1] =	stream.indirect_vreg.gather [hbm4b:s3+s2], $0x80, v3, vm0, $0xb8;
	[tilespmem:$0x10400] =	vst v63  }
0x3a: {  	v3 =	vld [tilespmem:$0x30];
	_ =	sdelay $0x4  }
0x3b: {  	v27 =	vshll.u32 v3, $0x1  }
0x3c: {  	v3 =	vand.u32 $0x7, v3;
	v4 =	vand.u32 $0xFFFFFFF0, v27  }
0x3d: {  	v3 =	vor.u32 v3, v4  }
0x3e: {  	v4 =	vperm.xlane v3, v0;
	_ =	sdelay $0x1  }
0x3f: {  	v3 =	vperm.xlane v3, v2;
	v4 =	vadd.s32 v1, v4;
	_ =	sdelay $0x1  }
0x40: {  	v3 =	vadd.s32 v1, v3;
	_ =	sdelay $0x1  }
0x41: {  	s24 =	simm.s32 $0x3400  }
0x42: {  	[tilespmem:s24], [sflag:$0x1] =	stream.indirect_vreg.gather [hbm4b:s3+s2], $0x80, v4, vm0, $0xb8;
	[tilespmem:$0x10400] =	vst v63  }
0x43: {  	s24 =	simm.s32 $0x3C00  }
0x44: {  	[tilespmem:s24], [sflag:$0x1] =	stream.indirect_vreg.gather [hbm4b:s3+s2], $0x80, v3, vm0, $0xb8;
	[tilespmem:$0x10400] =	vst v63  }
0x45: {  	v3 =	vld [tilespmem:$0x40];
	_ =	sdelay $0x4  }
0x46: {  	v28 =	vshll.u32 v3, $0x1  }
0x47: {  	v3 =	vand.u32 $0x7, v3;
	v4 =	vand.u32 $0xFFFFFFF0, v28  }
0x48: {  	v3 =	vor.u32 v3, v4  }
0x49: {  	v4 =	vperm.xlane v3, v0;
	_ =	sdelay $0x1  }
0x4a: {  	v3 =	vperm.xlane v3, v2;
	v4 =	vadd.s32 v1, v4;
	_ =	sdelay $0x1  }
0x4b: {  	v3 =	vadd.s32 v1, v3;
	_ =	sdelay $0x1  }
0x4c: {  	s24 =	simm.s32 $0x4400  }
0x4d: {  	[tilespmem:s24], [sflag:$0x1] =	stream.indirect_vreg.gather [hbm4b:s3+s2], $0x80, v4, vm0, $0xb8;
	[tilespmem:$0x10400] =	vst v63  }
0x4e: {  	s24 =	simm.s32 $0x4C00  }
0x4f: {  	[tilespmem:s24], [sflag:$0x1] =	stream.indirect_vreg.gather [hbm4b:s3+s2], $0x80, v3, vm0, $0xb8;
	[tilespmem:$0x10400] =	vst v63  }
0x50: {  	v3 =	vld [tilespmem:$0x50];
	_ =	sdelay $0x4  }
0x51: {  	v29 =	vshll.u32 v3, $0x1  }
0x52: {  	v3 =	vand.u32 $0x7, v3;
	v4 =	vand.u32 $0xFFFFFFF0, v29  }
0x53: {  	v3 =	vor.u32 v3, v4  }
0x54: {  	v4 =	vperm.xlane v3, v0;
	_ =	sdelay $0x1  }
0x55: {  	v3 =	vperm.xlane v3, v2;
	v4 =	vadd.s32 v1, v4;
	_ =	sdelay $0x1  }
0x56: {  	v3 =	vadd.s32 v1, v3;
	_ =	sdelay $0x2  }
0x57: {  	[tilespmem:s17], [sflag:$0x1] =	stream.indirect_vreg.gather [hbm4b:s3+s2], $0x80, v4, vm0, $0xb8;
	[tilespmem:$0x10400] =	vst v63  }
0x58: {  	_ = 	snop  }
0x59: {  	[tilespmem:s18], [sflag:$0x1] =	stream.indirect_vreg.gather [hbm4b:s3+s2], $0x80, v3, vm0, $0xb8;
	[tilespmem:$0x10400] =	vst v63  }
0x5a: {  	v3 =	vld [tilespmem:$0x60];
	_ =	sdelay $0x4  }
0x5b: {  	v30 =	vshll.u32 v3, $0x1  }
0x5c: {  	v3 =	vand.u32 $0x7, v3;
	v4 =	vand.u32 $0xFFFFFFF0, v30  }
0x5d: {  	v3 =	vor.u32 v3, v4  }
0x5e: {  	v4 =	vperm.xlane v3, v0;
	_ =	sdelay $0x1  }
0x5f: {  	v3 =	vperm.xlane v3, v2;
	v4 =	vadd.s32 v1, v4;
	_ =	sdelay $0x1  }
0x60: {  	v3 =	vadd.s32 v1, v3;
	_ =	sdelay $0x2  }
0x61: {  	[tilespmem:s19], [sflag:$0x1] =	stream.indirect_vreg.gather [hbm4b:s3+s2], $0x80, v4, vm0, $0xb8;
	[tilespmem:$0x10400] =	vst v63  }
0x62: {  	_ = 	snop  }
0x63: {  	[tilespmem:s20], [sflag:$0x1] =	stream.indirect_vreg.gather [hbm4b:s3+s2], $0x80, v3, vm0, $0xb8;
	[tilespmem:$0x10400] =	vst v63  }
0x64: {  	v3 =	vld [tilespmem:$0x70];
	_ =	sdelay $0x4  }
0x65: {  	v31 =	vshll.u32 v3, $0x1  }
0x66: {  	v3 =	vand.u32 $0x7, v3;
	v4 =	vand.u32 $0xFFFFFFF0, v31  }
0x67: {  	v3 =	vor.u32 v3, v4  }
0x68: {  	v4 =	vperm.xlane v3, v0;
	_ =	sdelay $0x1  }
0x69: {  	v3 =	vperm.xlane v3, v2;
	v4 =	vadd.s32 v1, v4;
	_ =	sdelay $0x1  }
0x6a: {  	v3 =	vadd.s32 v1, v3;
	_ =	sdelay $0x2  }
0x6b: {  	[tilespmem:s21], [sflag:$0x1] =	stream.indirect_vreg.gather [hbm4b:s3+s2], $0x80, v4, vm0, $0xb8;
	[tilespmem:$0x10400] =	vst v63  }
0x6c: {  	_ = 	snop  }
0x6d: {  	[tilespmem:s23], [sflag:$0x1] =	stream.indirect_vreg.gather [hbm4b:s3+s2], $0x80, v3, vm0, $0xb8;
	[tilespmem:$0x10400] =	vst v63  }
0x6e: {  	_ =	swait.ge [sflag:s22], $0x8000  }
0x6f: {  	[sflag:s22] =	ssyncset.done $0x0  }
0x70: {  	s5 =	rddreg [dreg:$0x4];
	[sflag:s22] =	ssyncadd.s32 $0xFFFF8000  }
0x71: {  	[hbm4b:s5+s2] =	stream.linear.scatter [tilespmem:s16], [sflag:$0x3], $0x8000, $0x38;
	[tilespmem:$0x10400] =	vst v63  }
0x72: {  	v3 =	vld [tilespmem:$0x80];
	_ =	sdelay $0x4  }
0x73: {  	v32 =	vshll.u32 v3, $0x1  }
0x74: {  	v3 =	vand.u32 $0x7, v3;
	v4 =	vand.u32 $0xFFFFFFF0, v32  }
0x75: {  	v3 =	vor.u32 v3, v4  }
0x76: {  	v4 =	vperm.xlane v3, v0;
	_ =	sdelay $0x1  }
0x77: {  	v3 =	vperm.xlane v3, v2;
	v4 =	vadd.s32 v1, v4;
	_ =	sdelay $0x1  }
0x78: {  	v3 =	vadd.s32 v1, v3;
	_ =	sdelay $0x2  }
0x79: {  	[tilespmem:s6], [sflag:$0x2] =	stream.indirect_vreg.gather [hbm4b:s3+s2], $0x80, v4, vm0, $0xb8;
	[tilespmem:$0x10400] =	vst v63  }
0x7a: {  	_ = 	snop  }
0x7b: {  	[tilespmem:s25], [sflag:$0x2] =	stream.indirect_vreg.gather [hbm4b:s3+s2], $0x80, v3, vm0, $0xb8;
	[tilespmem:$0x10400] =	vst v63  }
0x7c: {  	v3 =	vld [tilespmem:$0x90];
	_ =	sdelay $0x4  }
0x7d: {  	v33 =	vshll.u32 v3, $0x1  }
0x7e: {  	v3 =	vand.u32 $0x7, v3;
	v4 =	vand.u32 $0xFFFFFFF0, v33  }
0x7f: {  	v3 =	vor.u32 v3, v4  }
0x80: {  	v4 =	vperm.xlane v3, v0;
	_ =	sdelay $0x1  }
0x81: {  	v3 =	vperm.xlane v3, v2;
	v4 =	vadd.s32 v1, v4;
	_ =	sdelay $0x1  }
0x82: {  	v3 =	vadd.s32 v1, v3;
	_ =	sdelay $0x2  }
0x83: {  	[tilespmem:s26], [sflag:$0x2] =	stream.indirect_vreg.gather [hbm4b:s3+s2], $0x80, v4, vm0, $0xb8;
	[tilespmem:$0x10400] =	vst v63  }
0x84: {  	_ = 	snop  }
0x85: {  	[tilespmem:s28], [sflag:$0x2] =	stream.indirect_vreg.gather [hbm4b:s3+s2], $0x80, v3, vm0, $0xb8;
	[tilespmem:$0x10400] =	vst v63  }
0x86: {  	v3 =	vld [tilespmem:$0xA0];
	_ =	sdelay $0x4  }
0x87: {  	v34 =	vshll.u32 v3, $0x1  }
0x88: {  	v3 =	vand.u32 $0x7, v3;
	v4 =	vand.u32 $0xFFFFFFF0, v34  }
0x89: {  	v3 =	vor.u32 v3, v4  }
0x8a: {  	v4 =	vperm.xlane v3, v0;
	_ =	sdelay $0x1  }
0x8b: {  	v3 =	vperm.xlane v3, v2;
	v4 =	vadd.s32 v1, v4;
	_ =	sdelay $0x1  }
0x8c: {  	v3 =	vadd.s32 v1, v3;
	_ =	sdelay $0x2  }
0x8d: {  	[tilespmem:s29], [sflag:$0x2] =	stream.indirect_vreg.gather [hbm4b:s3+s2], $0x80, v4, vm0, $0xb8;
	[tilespmem:$0x10400] =	vst v63  }
0x8e: {  	_ = 	snop  }
0x8f: {  	[tilespmem:s30], [sflag:$0x2] =	stream.indirect_vreg.gather [hbm4b:s3+s2], $0x80, v3, vm0, $0xb8;
	[tilespmem:$0x10400] =	vst v63  }
0x90: {  	v3 =	vld [tilespmem:$0xB0];
	_ =	sdelay $0x4  }
0x91: {  	v35 =	vshll.u32 v3, $0x1  }
0x92: {  	v3 =	vand.u32 $0x7, v3;
	v4 =	vand.u32 $0xFFFFFFF0, v35  }
0x93: {  	v3 =	vor.u32 v3, v4  }
0x94: {  	v4 =	vperm.xlane v3, v0;
	_ =	sdelay $0x1  }
0x95: {  	v3 =	vperm.xlane v3, v2;
	v4 =	vadd.s32 v1, v4;
	_ =	sdelay $0x1  }
0x96: {  	v3 =	vadd.s32 v1, v3;
	_ =	sdelay $0x1  }
0x97: {  	s5 =	simm.s32 $0xB400  }
0x98: {  	[tilespmem:s5], [sflag:$0x2] =	stream.indirect_vreg.gather [hbm4b:s3+s2], $0x80, v4, vm0, $0xb8;
	[tilespmem:$0x10400] =	vst v63  }
0x99: {  	_ = 	snop  }
0x9a: {  	[tilespmem:s7], [sflag:$0x2] =	stream.indirect_vreg.gather [hbm4b:s3+s2], $0x80, v3, vm0, $0xb8;
	[tilespmem:$0x10400] =	vst v63  }
0x9b: {  	v3 =	vld [tilespmem:$0xC0];
	_ =	sdelay $0x4  }
0x9c: {  	v36 =	vshll.u32 v3, $0x1  }
0x9d: {  	v3 =	vand.u32 $0x7, v3;
	v4 =	vand.u32 $0xFFFFFFF0, v36  }
0x9e: {  	v3 =	vor.u32 v3, v4  }
0x9f: {  	v4 =	vperm.xlane v3, v0;
	_ =	sdelay $0x1  }
0xa0: {  	v3 =	vperm.xlane v3, v2;
	v4 =	vadd.s32 v1, v4;
	_ =	sdelay $0x1  }
0xa1: {  	v3 =	vadd.s32 v1, v3;
	_ =	sdelay $0x2  }
0xa2: {  	[tilespmem:s8], [sflag:$0x2] =	stream.indirect_vreg.gather [hbm4b:s3+s2], $0x80, v4, vm0, $0xb8;
	[tilespmem:$0x10400] =	vst v63  }
0xa3: {  	_ = 	snop  }
0xa4: {  	[tilespmem:s9], [sflag:$0x2] =	stream.indirect_vreg.gather [hbm4b:s3+s2], $0x80, v3, vm0, $0xb8;
	[tilespmem:$0x10400] =	vst v63  }
0xa5: {  	v3 =	vld [tilespmem:$0xD0];
	_ =	sdelay $0x4  }
0xa6: {  	v37 =	vshll.u32 v3, $0x1  }
0xa7: {  	v3 =	vand.u32 $0x7, v3;
	v4 =	vand.u32 $0xFFFFFFF0, v37  }
0xa8: {  	v3 =	vor.u32 v3, v4  }
0xa9: {  	v4 =	vperm.xlane v3, v0;
	_ =	sdelay $0x1  }
0xaa: {  	v3 =	vperm.xlane v3, v2;
	v4 =	vadd.s32 v1, v4;
	_ =	sdelay $0x1  }
0xab: {  	v3 =	vadd.s32 v1, v3;
	_ =	sdelay $0x2  }
0xac: {  	[tilespmem:s10], [sflag:$0x2] =	stream.indirect_vreg.gather [hbm4b:s3+s2], $0x80, v4, vm0, $0xb8;
	[tilespmem:$0x10400] =	vst v63  }
0xad: {  	_ = 	snop  }
0xae: {  	[tilespmem:s11], [sflag:$0x2] =	stream.indirect_vreg.gather [hbm4b:s3+s2], $0x80, v3, vm0, $0xb8;
	[tilespmem:$0x10400] =	vst v63  }
0xaf: {  	v3 =	vld [tilespmem:$0xE0];
	_ =	sdelay $0x4  }
0xb0: {  	v38 =	vshll.u32 v3, $0x1  }
0xb1: {  	v3 =	vand.u32 $0x7, v3;
	v4 =	vand.u32 $0xFFFFFFF0, v38  }
0xb2: {  	v3 =	vor.u32 v3, v4  }
0xb3: {  	v4 =	vperm.xlane v3, v0;
	_ =	sdelay $0x1  }
0xb4: {  	v3 =	vperm.xlane v3, v2;
	v4 =	vadd.s32 v1, v4;
	_ =	sdelay $0x1  }
0xb5: {  	v3 =	vadd.s32 v1, v3;
	_ =	sdelay $0x2  }
0xb6: {  	[tilespmem:s12], [sflag:$0x2] =	stream.indirect_vreg.gather [hbm4b:s3+s2], $0x80, v4, vm0, $0xb8;
	[tilespmem:$0x10400] =	vst v63  }
0xb7: {  	_ = 	snop  }
0xb8: {  	[tilespmem:s13], [sflag:$0x2] =	stream.indirect_vreg.gather [hbm4b:s3+s2], $0x80, v3, vm0, $0xb8;
	[tilespmem:$0x10400] =	vst v63  }
0xb9: {  	v3 =	vld [tilespmem:$0xF0];
	_ =	sdelay $0x4  }
0xba: {  	v39 =	vshll.u32 v3, $0x1  }
0xbb: {  	v3 =	vand.u32 $0x7, v3;
	v4 =	vand.u32 $0xFFFFFFF0, v39  }
0xbc: {  	v3 =	vor.u32 v3, v4  }
0xbd: {  	v4 =	vperm.xlane v3, v0;
	_ =	sdelay $0x1  }
0xbe: {  	v3 =	vperm.xlane v3, v2;
	v4 =	vadd.s32 v1, v4;
	_ =	sdelay $0x1  }
0xbf: {  	v3 =	vadd.s32 v1, v3;
	_ =	sdelay $0x2  }
0xc0: {  	[tilespmem:s14], [sflag:$0x2] =	stream.indirect_vreg.gather [hbm4b:s3+s2], $0x80, v4, vm0, $0xb8;
	[tilespmem:$0x10400] =	vst v63  }
0xc1: {  	_ = 	snop  }
0xc2: {  	[tilespmem:s15], [sflag:$0x2] =	stream.indirect_vreg.gather [hbm4b:s3+s2], $0x80, v3, vm0, $0xb8;
	[tilespmem:$0x10400] =	vst v63  }
0xc3: {  	_ =	swait.ge [sflag:s31], $0x8000  }
0xc4: {  	[sflag:s31] =	ssyncset.done $0x0  }
0xc5: {  	s24 =	rddreg [dreg:$0x5];
	[sflag:s31] =	ssyncadd.s32 $0xFFFF8000  }
0xc6: {  	[hbm4b:s24+s2] =	stream.linear.scatter [tilespmem:s6], [sflag:$0x4], $0x8000, $0x38;
	[tilespmem:$0x10400] =	vst v63  }
0xc7: {  	_ =	swait.ge [sflag:s1], $0x8000  }
0xc8: {  	[sflag:s1] =	ssyncset.done $0x0  }
0xc9: {  	[sflag:s1] =	ssyncadd.s32 $0xFFFF8000  }
0xca: {  	v3 =	vld [tilespmem:$0x100];
	_ =	sdelay $0x4  }
0xcb: {  	v40 =	vshll.u32 v3, $0x1  }
0xcc: {  	v3 =	vand.u32 $0x7, v3;
	v4 =	vand.u32 $0xFFFFFFF0, v40  }
0xcd: {  	v3 =	vor.u32 v3, v4  }
0xce: {  	v4 =	vperm.xlane v3, v0;
	_ =	sdelay $0x1  }
0xcf: {  	v3 =	vperm.xlane v3, v2;
	v4 =	vadd.s32 v1, v4;
	_ =	sdelay $0x1  }
0xd0: {  	v3 =	vadd.s32 v1, v3;
	_ =	sdelay $0x2  }
0xd1: {  	[tilespmem:s16], [sflag:$0x1] =	stream.indirect_vreg.gather [hbm4b:s3+s2], $0x80, v4, vm0, $0xb8;
	[tilespmem:$0x10400] =	vst v63  }
0xd2: {  	s24 =	simm.s32 $0xC00  }
0xd3: {  	[tilespmem:s24], [sflag:$0x1] =	stream.indirect_vreg.gather [hbm4b:s3+s2], $0x80, v3, vm0, $0xb8;
	[tilespmem:$0x10400] =	vst v63  }
0xd4: {  	v3 =	vld [tilespmem:$0x110];
	_ =	sdelay $0x4  }
0xd5: {  	v41 =	vshll.u32 v3, $0x1  }
0xd6: {  	v3 =	vand.u32 $0x7, v3;
	v4 =	vand.u32 $0xFFFFFFF0, v41  }
0xd7: {  	v3 =	vor.u32 v3, v4  }
0xd8: {  	v4 =	vperm.xlane v3, v0;
	_ =	sdelay $0x1  }
0xd9: {  	v3 =	vperm.xlane v3, v2;
	v4 =	vadd.s32 v1, v4;
	_ =	sdelay $0x1  }
0xda: {  	v3 =	vadd.s32 v1, v3;
	_ =	sdelay $0x1  }
0xdb: {  	s24 =	simm.s32 $0x1400  }
0xdc: {  	[tilespmem:s24], [sflag:$0x1] =	stream.indirect_vreg.gather [hbm4b:s3+s2], $0x80, v4, vm0, $0xb8;
	[tilespmem:$0x10400] =	vst v63  }
0xdd: {  	s24 =	simm.s32 $0x1C00  }
0xde: {  	[tilespmem:s24], [sflag:$0x1] =	stream.indirect_vreg.gather [hbm4b:s3+s2], $0x80, v3, vm0, $0xb8;
	[tilespmem:$0x10400] =	vst v63  }
0xdf: {  	v3 =	vld [tilespmem:$0x120];
	_ =	sdelay $0x4  }
0xe0: {  	v42 =	vshll.u32 v3, $0x1  }
0xe1: {  	v3 =	vand.u32 $0x7, v3;
	v4 =	vand.u32 $0xFFFFFFF0, v42  }
0xe2: {  	v3 =	vor.u32 v3, v4  }
0xe3: {  	v4 =	vperm.xlane v3, v0;
	_ =	sdelay $0x1  }
0xe4: {  	v3 =	vperm.xlane v3, v2;
	v4 =	vadd.s32 v1, v4;
	_ =	sdelay $0x1  }
0xe5: {  	v3 =	vadd.s32 v1, v3;
	_ =	sdelay $0x1  }
0xe6: {  	s24 =	simm.s32 $0x2400  }
0xe7: {  	[tilespmem:s24], [sflag:$0x1] =	stream.indirect_vreg.gather [hbm4b:s3+s2], $0x80, v4, vm0, $0xb8;
	[tilespmem:$0x10400] =	vst v63  }
0xe8: {  	s24 =	simm.s32 $0x2C00  }
0xe9: {  	[tilespmem:s24], [sflag:$0x1] =	stream.indirect_vreg.gather [hbm4b:s3+s2], $0x80, v3, vm0, $0xb8;
	[tilespmem:$0x10400] =	vst v63  }
0xea: {  	v3 =	vld [tilespmem:$0x130];
	_ =	sdelay $0x4  }
0xeb: {  	v43 =	vshll.u32 v3, $0x1  }
0xec: {  	v3 =	vand.u32 $0x7, v3;
	v4 =	vand.u32 $0xFFFFFFF0, v43  }
0xed: {  	v3 =	vor.u32 v3, v4  }
0xee: {  	v4 =	vperm.xlane v3, v0;
	_ =	sdelay $0x1  }
0xef: {  	v3 =	vperm.xlane v3, v2;
	v4 =	vadd.s32 v1, v4;
	_ =	sdelay $0x1  }
0xf0: {  	v3 =	vadd.s32 v1, v3;
	_ =	sdelay $0x1  }
0xf1: {  	s24 =	simm.s32 $0x3400  }
0xf2: {  	[tilespmem:s24], [sflag:$0x1] =	stream.indirect_vreg.gather [hbm4b:s3+s2], $0x80, v4, vm0, $0xb8;
	[tilespmem:$0x10400] =	vst v63  }
0xf3: {  	s24 =	simm.s32 $0x3C00  }
0xf4: {  	[tilespmem:s24], [sflag:$0x1] =	stream.indirect_vreg.gather [hbm4b:s3+s2], $0x80, v3, vm0, $0xb8;
	[tilespmem:$0x10400] =	vst v63  }
0xf5: {  	v3 =	vld [tilespmem:$0x140];
	_ =	sdelay $0x4  }
0xf6: {  	v44 =	vshll.u32 v3, $0x1  }
0xf7: {  	v3 =	vand.u32 $0x7, v3;
	v4 =	vand.u32 $0xFFFFFFF0, v44  }
0xf8: {  	v3 =	vor.u32 v3, v4  }
0xf9: {  	v4 =	vperm.xlane v3, v0;
	_ =	sdelay $0x1  }
0xfa: {  	v3 =	vperm.xlane v3, v2;
	v4 =	vadd.s32 v1, v4;
	_ =	sdelay $0x1  }
0xfb: {  	v3 =	vadd.s32 v1, v3;
	_ =	sdelay $0x1  }
0xfc: {  	s24 =	simm.s32 $0x4400  }
0xfd: {  	[tilespmem:s24], [sflag:$0x1] =	stream.indirect_vreg.gather [hbm4b:s3+s2], $0x80, v4, vm0, $0xb8;
	[tilespmem:$0x10400] =	vst v63  }
0xfe: {  	s24 =	simm.s32 $0x4C00  }
0xff: {  	[tilespmem:s24], [sflag:$0x1] =	stream.indirect_vreg.gather [hbm4b:s3+s2], $0x80, v3, vm0, $0xb8;
	[tilespmem:$0x10400] =	vst v63  }
0x100: {  	v3 =	vld [tilespmem:$0x150];
	_ =	sdelay $0x4  }
0x101: {  	v45 =	vshll.u32 v3, $0x1  }
0x102: {  	v3 =	vand.u32 $0x7, v3;
	v4 =	vand.u32 $0xFFFFFFF0, v45  }
0x103: {  	v3 =	vor.u32 v3, v4  }
0x104: {  	v4 =	vperm.xlane v3, v0;
	_ =	sdelay $0x1  }
0x105: {  	v3 =	vperm.xlane v3, v2;
	v4 =	vadd.s32 v1, v4;
	_ =	sdelay $0x1  }
0x106: {  	v3 =	vadd.s32 v1, v3;
	_ =	sdelay $0x2  }
0x107: {  	[tilespmem:s17], [sflag:$0x1] =	stream.indirect_vreg.gather [hbm4b:s3+s2], $0x80, v4, vm0, $0xb8;
	[tilespmem:$0x10400] =	vst v63  }
0x108: {  	_ = 	snop  }
0x109: {  	[tilespmem:s18], [sflag:$0x1] =	stream.indirect_vreg.gather [hbm4b:s3+s2], $0x80, v3, vm0, $0xb8;
	[tilespmem:$0x10400] =	vst v63  }
0x10a: {  	v3 =	vld [tilespmem:$0x160];
	_ =	sdelay $0x4  }
0x10b: {  	v46 =	vshll.u32 v3, $0x1  }
0x10c: {  	v3 =	vand.u32 $0x7, v3;
	v4 =	vand.u32 $0xFFFFFFF0, v46  }
0x10d: {  	v3 =	vor.u32 v3, v4  }
0x10e: {  	v4 =	vperm.xlane v3, v0;
	_ =	sdelay $0x1  }
0x10f: {  	v3 =	vperm.xlane v3, v2;
	v4 =	vadd.s32 v1, v4;
	_ =	sdelay $0x1  }
0x110: {  	v3 =	vadd.s32 v1, v3;
	_ =	sdelay $0x2  }
0x111: {  	[tilespmem:s19], [sflag:$0x1] =	stream.indirect_vreg.gather [hbm4b:s3+s2], $0x80, v4, vm0, $0xb8;
	[tilespmem:$0x10400] =	vst v63  }
0x112: {  	_ = 	snop  }
0x113: {  	[tilespmem:s20], [sflag:$0x1] =	stream.indirect_vreg.gather [hbm4b:s3+s2], $0x80, v3, vm0, $0xb8;
	[tilespmem:$0x10400] =	vst v63  }
0x114: {  	v3 =	vld [tilespmem:$0x170];
	_ =	sdelay $0x4  }
0x115: {  	v47 =	vshll.u32 v3, $0x1  }
0x116: {  	v3 =	vand.u32 $0x7, v3;
	v4 =	vand.u32 $0xFFFFFFF0, v47  }
0x117: {  	v3 =	vor.u32 v3, v4  }
0x118: {  	v4 =	vperm.xlane v3, v0;
	_ =	sdelay $0x1  }
0x119: {  	v3 =	vperm.xlane v3, v2;
	v4 =	vadd.s32 v1, v4;
	_ =	sdelay $0x1  }
0x11a: {  	v3 =	vadd.s32 v1, v3;
	_ =	sdelay $0x2  }
0x11b: {  	[tilespmem:s21], [sflag:$0x1] =	stream.indirect_vreg.gather [hbm4b:s3+s2], $0x80, v4, vm0, $0xb8;
	[tilespmem:$0x10400] =	vst v63  }
0x11c: {  	_ = 	snop  }
0x11d: {  	[tilespmem:s23], [sflag:$0x1] =	stream.indirect_vreg.gather [hbm4b:s3+s2], $0x80, v3, vm0, $0xb8;
	[tilespmem:$0x10400] =	vst v63  }
0x11e: {  	_ =	swait.ge [sflag:s22], $0x8000  }
0x11f: {  	[sflag:s22] =	ssyncset.done $0x0  }
0x120: {  	s24 =	rddreg [dreg:$0x6];
	[sflag:s22] =	ssyncadd.s32 $0xFFFF8000  }
0x121: {  	[hbm4b:s24+s2] =	stream.linear.scatter [tilespmem:s16], [sflag:$0x3], $0x8000, $0x38;
	[tilespmem:$0x10400] =	vst v63  }
0x122: {  	_ =	swait.ge [sflag:s0], $0x8000  }
0x123: {  	[sflag:s0] =	ssyncset.done $0x0  }
0x124: {  	[sflag:s0] =	ssyncadd.s32 $0xFFFF8000  }
0x125: {  	v3 =	vld [tilespmem:$0x180];
	_ =	sdelay $0x4  }
0x126: {  	v48 =	vshll.u32 v3, $0x1  }
0x127: {  	v3 =	vand.u32 $0x7, v3;
	v4 =	vand.u32 $0xFFFFFFF0, v48  }
0x128: {  	v3 =	vor.u32 v3, v4  }
0x129: {  	v4 =	vperm.xlane v3, v0;
	_ =	sdelay $0x1  }
0x12a: {  	v3 =	vperm.xlane v3, v2;
	v4 =	vadd.s32 v1, v4;
	_ =	sdelay $0x1  }
0x12b: {  	v3 =	vadd.s32 v1, v3;
	_ =	sdelay $0x2  }
0x12c: {  	[tilespmem:s6], [sflag:$0x2] =	stream.indirect_vreg.gather [hbm4b:s3+s2], $0x80, v4, vm0, $0xb8;
	[tilespmem:$0x10400] =	vst v63  }
0x12d: {  	_ = 	snop  }
0x12e: {  	[tilespmem:s25], [sflag:$0x2] =	stream.indirect_vreg.gather [hbm4b:s3+s2], $0x80, v3, vm0, $0xb8;
	[tilespmem:$0x10400] =	vst v63  }
0x12f: {  	v3 =	vld [tilespmem:$0x190];
	_ =	sdelay $0x4  }
0x130: {  	v49 =	vshll.u32 v3, $0x1  }
0x131: {  	v3 =	vand.u32 $0x7, v3;
	v4 =	vand.u32 $0xFFFFFFF0, v49  }
0x132: {  	v3 =	vor.u32 v3, v4  }
0x133: {  	v4 =	vperm.xlane v3, v0;
	_ =	sdelay $0x1  }
0x134: {  	v3 =	vperm.xlane v3, v2;
	v4 =	vadd.s32 v1, v4;
	_ =	sdelay $0x1  }
0x135: {  	v3 =	vadd.s32 v1, v3;
	_ =	sdelay $0x2  }
0x136: {  	[tilespmem:s26], [sflag:$0x2] =	stream.indirect_vreg.gather [hbm4b:s3+s2], $0x80, v4, vm0, $0xb8;
	[tilespmem:$0x10400] =	vst v63  }
0x137: {  	_ = 	snop  }
0x138: {  	[tilespmem:s28], [sflag:$0x2] =	stream.indirect_vreg.gather [hbm4b:s3+s2], $0x80, v3, vm0, $0xb8;
	[tilespmem:$0x10400] =	vst v63  }
0x139: {  	v3 =	vld [tilespmem:$0x1A0];
	_ =	sdelay $0x4  }
0x13a: {  	v50 =	vshll.u32 v3, $0x1  }
0x13b: {  	v3 =	vand.u32 $0x7, v3;
	v4 =	vand.u32 $0xFFFFFFF0, v50  }
0x13c: {  	v3 =	vor.u32 v3, v4  }
0x13d: {  	v4 =	vperm.xlane v3, v0;
	_ =	sdelay $0x1  }
0x13e: {  	v3 =	vperm.xlane v3, v2;
	v4 =	vadd.s32 v1, v4;
	_ =	sdelay $0x1  }
0x13f: {  	v3 =	vadd.s32 v1, v3;
	_ =	sdelay $0x2  }
0x140: {  	[tilespmem:s29], [sflag:$0x2] =	stream.indirect_vreg.gather [hbm4b:s3+s2], $0x80, v4, vm0, $0xb8;
	[tilespmem:$0x10400] =	vst v63  }
0x141: {  	_ = 	snop  }
0x142: {  	[tilespmem:s30], [sflag:$0x2] =	stream.indirect_vreg.gather [hbm4b:s3+s2], $0x80, v3, vm0, $0xb8;
	[tilespmem:$0x10400] =	vst v63  }
0x143: {  	v3 =	vld [tilespmem:$0x1B0];
	_ =	sdelay $0x4  }
0x144: {  	v51 =	vshll.u32 v3, $0x1  }
0x145: {  	v3 =	vand.u32 $0x7, v3;
	v4 =	vand.u32 $0xFFFFFFF0, v51  }
0x146: {  	v3 =	vor.u32 v3, v4  }
0x147: {  	v4 =	vperm.xlane v3, v0;
	_ =	sdelay $0x1  }
0x148: {  	v3 =	vperm.xlane v3, v2;
	v4 =	vadd.s32 v1, v4;
	_ =	sdelay $0x1  }
0x149: {  	v3 =	vadd.s32 v1, v3;
	_ =	sdelay $0x2  }
0x14a: {  	[tilespmem:s5], [sflag:$0x2] =	stream.indirect_vreg.gather [hbm4b:s3+s2], $0x80, v4, vm0, $0xb8;
	[tilespmem:$0x10400] =	vst v63  }
0x14b: {  	_ = 	snop  }
0x14c: {  	[tilespmem:s7], [sflag:$0x2] =	stream.indirect_vreg.gather [hbm4b:s3+s2], $0x80, v3, vm0, $0xb8;
	[tilespmem:$0x10400] =	vst v63  }
0x14d: {  	v3 =	vld [tilespmem:$0x1C0];
	_ =	sdelay $0x4  }
0x14e: {  	v52 =	vshll.u32 v3, $0x1  }
0x14f: {  	v3 =	vand.u32 $0x7, v3;
	v4 =	vand.u32 $0xFFFFFFF0, v52  }
0x150: {  	v3 =	vor.u32 v3, v4  }
0x151: {  	v4 =	vperm.xlane v3, v0;
	_ =	sdelay $0x1  }
0x152: {  	v3 =	vperm.xlane v3, v2;
	v4 =	vadd.s32 v1, v4;
	_ =	sdelay $0x1  }
0x153: {  	v3 =	vadd.s32 v1, v3;
	_ =	sdelay $0x2  }
0x154: {  	[tilespmem:s8], [sflag:$0x2] =	stream.indirect_vreg.gather [hbm4b:s3+s2], $0x80, v4, vm0, $0xb8;
	[tilespmem:$0x10400] =	vst v63  }
0x155: {  	_ = 	snop  }
0x156: {  	[tilespmem:s9], [sflag:$0x2] =	stream.indirect_vreg.gather [hbm4b:s3+s2], $0x80, v3, vm0, $0xb8;
	[tilespmem:$0x10400] =	vst v63  }
0x157: {  	v3 =	vld [tilespmem:$0x1D0];
	_ =	sdelay $0x4  }
0x158: {  	v53 =	vshll.u32 v3, $0x1  }
0x159: {  	v3 =	vand.u32 $0x7, v3;
	v4 =	vand.u32 $0xFFFFFFF0, v53  }
0x15a: {  	v3 =	vor.u32 v3, v4  }
0x15b: {  	v4 =	vperm.xlane v3, v0;
	_ =	sdelay $0x1  }
0x15c: {  	v3 =	vperm.xlane v3, v2;
	v4 =	vadd.s32 v1, v4;
	_ =	sdelay $0x1  }
0x15d: {  	v3 =	vadd.s32 v1, v3;
	_ =	sdelay $0x2  }
0x15e: {  	[tilespmem:s10], [sflag:$0x2] =	stream.indirect_vreg.gather [hbm4b:s3+s2], $0x80, v4, vm0, $0xb8;
	[tilespmem:$0x10400] =	vst v63  }
0x15f: {  	_ = 	snop  }
0x160: {  	[tilespmem:s11], [sflag:$0x2] =	stream.indirect_vreg.gather [hbm4b:s3+s2], $0x80, v3, vm0, $0xb8;
	[tilespmem:$0x10400] =	vst v63  }
0x161: {  	v3 =	vld [tilespmem:$0x1E0];
	_ =	sdelay $0x4  }
0x162: {  	v54 =	vshll.u32 v3, $0x1  }
0x163: {  	v3 =	vand.u32 $0x7, v3;
	v4 =	vand.u32 $0xFFFFFFF0, v54  }
0x164: {  	v3 =	vor.u32 v3, v4  }
0x165: {  	v4 =	vperm.xlane v3, v0;
	_ =	sdelay $0x1  }
0x166: {  	v3 =	vperm.xlane v3, v2;
	v4 =	vadd.s32 v1, v4;
	_ =	sdelay $0x1  }
0x167: {  	v3 =	vadd.s32 v1, v3;
	_ =	sdelay $0x2  }
0x168: {  	[tilespmem:s12], [sflag:$0x2] =	stream.indirect_vreg.gather [hbm4b:s3+s2], $0x80, v4, vm0, $0xb8;
	[tilespmem:$0x10400] =	vst v63  }
0x169: {  	_ = 	snop  }
0x16a: {  	[tilespmem:s13], [sflag:$0x2] =	stream.indirect_vreg.gather [hbm4b:s3+s2], $0x80, v3, vm0, $0xb8;
	[tilespmem:$0x10400] =	vst v63  }
0x16b: {  	v3 =	vld [tilespmem:$0x1F0];
	_ =	sdelay $0x4  }
0x16c: {  	v55 =	vshll.u32 v3, $0x1  }
0x16d: {  	v3 =	vand.u32 $0x7, v3;
	v4 =	vand.u32 $0xFFFFFFF0, v55  }
0x16e: {  	v3 =	vor.u32 v3, v4  }
0x16f: {  	v4 =	vperm.xlane v3, v0;
	_ =	sdelay $0x1  }
0x170: {  	v3 =	vperm.xlane v3, v2;
	v4 =	vadd.s32 v1, v4;
	_ =	sdelay $0x1  }
0x171: {  	v3 =	vadd.s32 v1, v3;
	_ =	sdelay $0x2  }
0x172: {  	[tilespmem:s14], [sflag:$0x2] =	stream.indirect_vreg.gather [hbm4b:s3+s2], $0x80, v4, vm0, $0xb8;
	[tilespmem:$0x10400] =	vst v63  }
0x173: {  	_ = 	snop  }
0x174: {  	[tilespmem:s15], [sflag:$0x2] =	stream.indirect_vreg.gather [hbm4b:s3+s2], $0x80, v3, vm0, $0xb8;
	[tilespmem:$0x10400] =	vst v63  }
0x175: {  	_ =	swait.ge [sflag:s31], $0x8000  }
0x176: {  	[sflag:s31] =	ssyncset.done $0x0  }
0x177: {  	s5 =	rddreg [dreg:$0x7];
	[sflag:s31] =	ssyncadd.s32 $0xFFFF8000  }
0x178: {  	[hbm4b:s5+s2] =	stream.linear.scatter [tilespmem:s6], [sflag:$0x4], $0x8000, $0x38;
	[tilespmem:$0x10400] =	vst v63  }
0x179: {  	_ =	swait.ge [sflag:s1], $0x8000  }
0x17a: {  	[sflag:s1] =	ssyncset.done $0x0  }
0x17b: {  	[sflag:s1] =	ssyncadd.s32 $0xFFFF8000  }
0x17c: {  	v3 =	vld [tilespmem:$0x200];
	_ =	sdelay $0x4  }
0x17d: {  	v56 =	vshll.u32 v3, $0x1  }
0x17e: {  	v3 =	vand.u32 $0x7, v3;
	v4 =	vand.u32 $0xFFFFFFF0, v56  }
0x17f: {  	v3 =	vor.u32 v3, v4  }
0x180: {  	v4 =	vperm.xlane v3, v0;
	_ =	sdelay $0x1  }
0x181: {  	v3 =	vperm.xlane v3, v2;
	v4 =	vadd.s32 v1, v4;
	_ =	sdelay $0x1  }
0x182: {  	v3 =	vadd.s32 v1, v3;
	_ =	sdelay $0x2  }
0x183: {  	[tilespmem:s16], [sflag:$0x1] =	stream.indirect_vreg.gather [hbm4b:s3+s2], $0x80, v4, vm0, $0xb8;
	[tilespmem:$0x10400] =	vst v63  }
0x184: {  	s24 =	simm.s32 $0xC00  }
0x185: {  	[tilespmem:s24], [sflag:$0x1] =	stream.indirect_vreg.gather [hbm4b:s3+s2], $0x80, v3, vm0, $0xb8;
	[tilespmem:$0x10400] =	vst v63  }
0x186: {  	v3 =	vld [tilespmem:$0x210];
	_ =	sdelay $0x4  }
0x187: {  	v57 =	vshll.u32 v3, $0x1  }
0x188: {  	v3 =	vand.u32 $0x7, v3;
	v4 =	vand.u32 $0xFFFFFFF0, v57  }
0x189: {  	v3 =	vor.u32 v3, v4  }
0x18a: {  	v4 =	vperm.xlane v3, v0;
	_ =	sdelay $0x1  }
0x18b: {  	v3 =	vperm.xlane v3, v2;
	v4 =	vadd.s32 v1, v4;
	_ =	sdelay $0x1  }
0x18c: {  	v3 =	vadd.s32 v1, v3;
	_ =	sdelay $0x1  }
0x18d: {  	s24 =	simm.s32 $0x1400  }
0x18e: {  	[tilespmem:s24], [sflag:$0x1] =	stream.indirect_vreg.gather [hbm4b:s3+s2], $0x80, v4, vm0, $0xb8;
	[tilespmem:$0x10400] =	vst v63  }
0x18f: {  	s24 =	simm.s32 $0x1C00  }
0x190: {  	[tilespmem:s24], [sflag:$0x1] =	stream.indirect_vreg.gather [hbm4b:s3+s2], $0x80, v3, vm0, $0xb8;
	[tilespmem:$0x10400] =	vst v63  }
0x191: {  	v3 =	vld [tilespmem:$0x220];
	_ =	sdelay $0x4  }
0x192: {  	v58 =	vshll.u32 v3, $0x1  }
0x193: {  	v3 =	vand.u32 $0x7, v3;
	v4 =	vand.u32 $0xFFFFFFF0, v58  }
0x194: {  	v3 =	vor.u32 v3, v4  }
0x195: {  	v4 =	vperm.xlane v3, v0;
	_ =	sdelay $0x1  }
0x196: {  	v3 =	vperm.xlane v3, v2;
	v4 =	vadd.s32 v1, v4;
	_ =	sdelay $0x1  }
0x197: {  	v3 =	vadd.s32 v1, v3;
	_ =	sdelay $0x1  }
0x198: {  	s24 =	simm.s32 $0x2400  }
0x199: {  	[tilespmem:s24], [sflag:$0x1] =	stream.indirect_vreg.gather [hbm4b:s3+s2], $0x80, v4, vm0, $0xb8;
	[tilespmem:$0x10400] =	vst v63  }
0x19a: {  	s24 =	simm.s32 $0x2C00  }
0x19b: {  	[tilespmem:s24], [sflag:$0x1] =	stream.indirect_vreg.gather [hbm4b:s3+s2], $0x80, v3, vm0, $0xb8;
	[tilespmem:$0x10400] =	vst v63  }
0x19c: {  	v3 =	vld [tilespmem:$0x230];
	_ =	sdelay $0x4  }
0x19d: {  	v59 =	vshll.u32 v3, $0x1  }
0x19e: {  	v3 =	vand.u32 $0x7, v3;
	v4 =	vand.u32 $0xFFFFFFF0, v59  }
0x19f: {  	v3 =	vor.u32 v3, v4  }
0x1a0: {  	v4 =	vperm.xlane v3, v0;
	_ =	sdelay $0x1  }
0x1a1: {  	v3 =	vperm.xlane v3, v2;
	v4 =	vadd.s32 v1, v4;
	_ =	sdelay $0x1  }
0x1a2: {  	v3 =	vadd.s32 v1, v3;
	_ =	sdelay $0x1  }
0x1a3: {  	s24 =	simm.s32 $0x3400  }
0x1a4: {  	[tilespmem:s24], [sflag:$0x1] =	stream.indirect_vreg.gather [hbm4b:s3+s2], $0x80, v4, vm0, $0xb8;
	[tilespmem:$0x10400] =	vst v63  }
0x1a5: {  	s24 =	simm.s32 $0x3C00  }
0x1a6: {  	[tilespmem:s24], [sflag:$0x1] =	stream.indirect_vreg.gather [hbm4b:s3+s2], $0x80, v3, vm0, $0xb8;
	[tilespmem:$0x10400] =	vst v63  }
0x1a7: {  	v3 =	vld [tilespmem:$0x240];
	_ =	sdelay $0x4  }
0x1a8: {  	v60 =	vshll.u32 v3, $0x1  }
0x1a9: {  	v3 =	vand.u32 $0x7, v3;
	v4 =	vand.u32 $0xFFFFFFF0, v60  }
0x1aa: {  	v3 =	vor.u32 v3, v4  }
0x1ab: {  	v4 =	vperm.xlane v3, v0;
	_ =	sdelay $0x1  }
0x1ac: {  	v3 =	vperm.xlane v3, v2;
	v4 =	vadd.s32 v1, v4;
	_ =	sdelay $0x1  }
0x1ad: {  	v3 =	vadd.s32 v1, v3;
	_ =	sdelay $0x1  }
0x1ae: {  	s24 =	simm.s32 $0x4400  }
0x1af: {  	[tilespmem:s24], [sflag:$0x1] =	stream.indirect_vreg.gather [hbm4b:s3+s2], $0x80, v4, vm0, $0xb8;
	[tilespmem:$0x10400] =	vst v63  }
0x1b0: {  	s24 =	simm.s32 $0x4C00  }
0x1b1: {  	[tilespmem:s24], [sflag:$0x1] =	stream.indirect_vreg.gather [hbm4b:s3+s2], $0x80, v3, vm0, $0xb8;
	[tilespmem:$0x10400] =	vst v63  }
0x1b2: {  	v3 =	vld [tilespmem:$0x250];
	_ =	sdelay $0x4  }
0x1b3: {  	v61 =	vshll.u32 v3, $0x1  }
0x1b4: {  	v3 =	vand.u32 $0x7, v3;
	v4 =	vand.u32 $0xFFFFFFF0, v61  }
0x1b5: {  	v3 =	vor.u32 v3, v4  }
0x1b6: {  	v4 =	vperm.xlane v3, v0;
	_ =	sdelay $0x1  }
0x1b7: {  	v3 =	vperm.xlane v3, v2;
	v4 =	vadd.s32 v1, v4;
	_ =	sdelay $0x1  }
0x1b8: {  	v3 =	vadd.s32 v1, v3;
	_ =	sdelay $0x2  }
0x1b9: {  	[tilespmem:s17], [sflag:$0x1] =	stream.indirect_vreg.gather [hbm4b:s3+s2], $0x80, v4, vm0, $0xb8;
	[tilespmem:$0x10400] =	vst v63  }
0x1ba: {  	_ = 	snop  }
0x1bb: {  	[tilespmem:s18], [sflag:$0x1] =	stream.indirect_vreg.gather [hbm4b:s3+s2], $0x80, v3, vm0, $0xb8;
	[tilespmem:$0x10400] =	vst v63  }
0x1bc: {  	v3 =	vld [tilespmem:$0x260];
	_ =	sdelay $0x4  }
0x1bd: {  	v62 =	vshll.u32 v3, $0x1  }
0x1be: {  	v3 =	vand.u32 $0x7, v3;
	v4 =	vand.u32 $0xFFFFFFF0, v62  }
0x1bf: {  	v3 =	vor.u32 v3, v4  }
0x1c0: {  	v4 =	vperm.xlane v3, v0;
	_ =	sdelay $0x1  }
0x1c1: {  	v3 =	vperm.xlane v3, v2;
	v4 =	vadd.s32 v1, v4;
	_ =	sdelay $0x1  }
0x1c2: {  	v3 =	vadd.s32 v1, v3;
	_ =	sdelay $0x2  }
0x1c3: {  	[tilespmem:s19], [sflag:$0x1] =	stream.indirect_vreg.gather [hbm4b:s3+s2], $0x80, v4, vm0, $0xb8;
	[tilespmem:$0x10400] =	vst v63  }
0x1c4: {  	_ = 	snop  }
0x1c5: {  	[tilespmem:s20], [sflag:$0x1] =	stream.indirect_vreg.gather [hbm4b:s3+s2], $0x80, v3, vm0, $0xb8;
	[tilespmem:$0x10400] =	vst v63  }
0x1c6: {  	v3 =	vld [tilespmem:$0x270];
	_ =	sdelay $0x4  }
0x1c7: {  	v63 =	vshll.u32 v3, $0x1  }
0x1c8: {  	v3 =	vand.u32 $0x7, v3;
	v4 =	vand.u32 $0xFFFFFFF0, v63  }
0x1c9: {  	v3 =	vor.u32 v3, v4  }
0x1ca: {  	v4 =	vperm.xlane v3, v0;
	_ =	sdelay $0x1  }
0x1cb: {  	v3 =	vperm.xlane v3, v2;
	v4 =	vadd.s32 v1, v4;
	_ =	sdelay $0x1  }
0x1cc: {  	v3 =	vadd.s32 v1, v3;
	_ =	sdelay $0x2  }
0x1cd: {  	[tilespmem:s21], [sflag:$0x1] =	stream.indirect_vreg.gather [hbm4b:s3+s2], $0x80, v4, vm0, $0xb8;
	[tilespmem:$0x10400] =	vst v63  }
0x1ce: {  	_ = 	snop  }
0x1cf: {  	[tilespmem:s23], [sflag:$0x1] =	stream.indirect_vreg.gather [hbm4b:s3+s2], $0x80, v3, vm0, $0xb8;
	[tilespmem:$0x10400] =	vst v63  }
0x1d0: {  	_ =	swait.ge [sflag:s22], $0x8000  }
0x1d1: {  	[sflag:s22] =	ssyncset.done $0x0  }
0x1d2: {  	s5 =	rddreg [dreg:$0x8];
	[sflag:s22] =	ssyncadd.s32 $0xFFFF8000  }
0x1d3: {  	[hbm4b:s5+s2] =	stream.linear.scatter [tilespmem:s16], [sflag:$0x3], $0x8000, $0x38;
	[tilespmem:$0x10400] =	vst v63  }
0x1d4: {  	p0 =	sne.s32 s4, $0x1;
	_ =	swait.ge [sflag:s1], $0x8000  }
.Ltmp0:
0x1d5: {  	[sflag:s1] =	ssyncset.done $0x0;
	(pc) =	sbr.rel @p0 .LBB2_1-.Ltmp0, $4  }
0x1d6: {  	[sflag:s1] =	ssyncadd.s32 $0xFFFF8000  }
0x1d7: {  	_ =	swait.ge [sflag:s0], $0x8000  }
0x1d8: {  	[sflag:s0] =	ssyncset.done $0x0  }
0x1d9: {  	s4 =	sadd.s32 $0xFFFFFFFF, s4;
	[sflag:s0] =	ssyncadd.s32 $0xFFFF8000  }
0x1da: {  	_ =	sfence.sel $0x180000  }
0x1db: {  	[bflag:$0x0] =	sbarrier.arrive $0xFFFF  }
0x1dc: {  	_ =	strace $0x9000004D  }
0x1dd: {  	s0 =	stileid.u32;
	[bflag:$0x2] =	sbarrier.arrive $0xFFFF  }
0x1de: {  	p0 =	sne.s32 s0, $0x0;
	s0 =	rddreg [dreg:$0x2]  }
0x1df: {  	s0 =	sadd.s32 @!p0 $0x100000, s0  }
0x1e0: {  	[sflag:s0] =	ssyncadd.tile.s32 @!p0 $0x1;
	_ =	shalt  }
.Lfunc_end2:
_tile_overlayer_lowered:
.L_overlay_start_2:
0x1e1: {  	(tag) =	ssettag $0x2  }
0x1e2: {  	s0 =	rddreg [dreg:$0x0];
	s2 =	stileid.u32  }
0x1e3: {  	s1 =	rddreg [dreg:$0x1];
	p0 =	sne.s32 s2, $0x0  }
0x1e4: {  	s3 =	rddreg [dreg:$0x2];
	[bflag:$0x3] =	sbarrier.arrive $0xFFFF;
	s2 =	simm.s32 @!p0 $0x1C05  }
0x1e5: {  	[timem:s3], [sflag:s2] =	dma.local @!p0 [hbm:s0], s1  }
0x1e6: {  	s0 =	simm.s32 @!p0 $0x5  }
0x1e7: {  	_ =	swait.ge @!p0 [sflag:s0], s1  }
0x1e8: {  	s1 =	ssub.s32 @!p0 $0x0, s1;
	[sflag:s0] =	ssyncset.done @!p0 $0x0  }
0x1e9: {  	[sflag:s0] =	ssyncadd.s32 @!p0 s1  }
0x1ea: {  	[bflag:$0x3] =	sbarrier.arrive $0xFFFF  }
0x1eb: {  	_ =	shalt  }

// kernel: kernel.11.cloned.1.call-start
scs
__scs_entry_jumppad:
0x0: {  	(pc) =	sbr.rel $0x88, $3  }
0x1: {  	(tag) =	ssettag $0x0;
	lr =	simm.s32 $0x1  }
0x2: {  	[smem:$0x3F9D] =	sst lr;
	_ =	strace $0xD0000000  }
0x3: {  	_ = 	snop  }
0x4: {  	_ = 	snop  }
0x5: {  	_ = 	snop  }
0x6: {  	_ = 	snop  }
0x7: {  	_ = 	snop  }
__scs_overlays_trampoline_lowered:
0x8: {  	[smem:$0x3FAC] =	sst s0  }
0x9: {  	[smem:$0x3FAD] =	sst s1  }
0xa: {  	[smem:$0x3FAE] =	sst s2  }
0xb: {  	[smem:$0x3FAF] =	sst s3  }
0xc: {  	[smem:$0x3FB0] =	sst s4  }
0xd: {  	[smem:$0x3FB1] =	sst s5  }
0xe: {  	[smem:$0x3FB2] =	sst s6  }
0xf: {  	[smem:$0x3FB3] =	sst s7  }
0x10: {  	[smem:$0x3FB4] =	sst s8  }
0x11: {  	[smem:$0x3FB5] =	sst s9;
	s0 =	simm.s32 @!p0 $0x0  }
0x12: {  	s1 =	sld [smem:$0x3F9B];
	s0 =	simm.s32 @p0 $0x1  }
0x13: {  	[smem:$0x3FB6] =	sst s0;
	s0 =	simm.s32 @!p1 $0x0  }
0x14: {  	s2 =	sld [smem:$0x3F9A];
	s0 =	simm.s32 @p1 $0x1  }
0x15: {  	[smem:$0x3FB7] =	sst s0;
	s0 =	simm.s32 @!p2 $0x0  }
0x16: {  	s3 =	sld [smem:$0x3FDB];
	s0 =	simm.s32 @p2 $0x1  }
0x17: {  	s4 =	simm.s32 $0x1BF5;
	[smem:$0x3FB9] =	sst s0  }
0x18: {  	s0 =	sld [smem:$0x3F9C];
	_ =	swait.ge [sflag:s4], $0x0  }
0x19: {  	s7 =	sld [smem:$0x3F9D]  }
0x1a: {  	s8 =	sadd.s32 $0xFFFFE003, lr  }
0x1b: {  	s9 =	sadd.s32 $0xFFFFFEF7, lr;
	s5 =	simm.s32 $0xFFFFFFFF;
	p2 =	slt.u32 s8, $0xFFFFF086  }
0x1c: {  	p1 =	slt.u32 s9, $0xF7A;
	s5 =	simm.s32 @!p2 $0x0  }
0x1d: {  	s5 =	simm.s32 @p1 $0x1;
	p0 =	seq.s32 s7, s2  }
0x1e: {  	s7 =	smul.u32 @!p0 $0xF7A, s2;
	p2 =	seq.s32 @!p0 s5, $0x0  }
0x1f: {  	s9 =	smul.u32 $0xF7A, s1;
	s8 =	simm.s32 @!p0 $0x1BF5;
	p2 =	por !p2, p0  }
0x20: {  	[sflag:s8] =	ssyncset.s32 @!p0 $0xFFFFF086;
	s6 =	sadd.s32 @!p0 s3, s7;
	s7 =	simm.s32 @!p0 $0x108  }
0x21: {  	s3 =	sadd.s32 s3, s9;
	s6 =	sadd.s32 @!p0 $0x88, s6;
	s7 =	simm.s32 @p2 $0x1082  }
0x22: {  	[simem:s7], [sflag:s8] =	dma.local @!p0 [hbm:s6], $0xF7A  }
0x23: {  	s9 =	sor.u32 $0xD0000000, s2;
	s6 =	simm.s32 $0x108;
	_ =	swait.ge @!p0 [sflag:s8], $0x0  }
0x24: {  	s3 =	sadd.s32 $0x88, s3;
	s6 =	simm.s32 @!p1 $0x1082;
	[sflag:s4] =	ssyncset.s32 $0xFFFFF086  }
0x25: {  	[simem:s6], [sflag:s4] =	dma.local [hbm:s3], $0xF7A  }
0x26: {  	[smem:$0x3F9D] =	sst s1;
	(tag) =	ssettag s2;
	_ =	strace s9  }
0x27: {  	s1 =	sld [smem:$0x3FAD]  }
0x28: {  	s2 =	sld [smem:$0x3FAE]  }
0x29: {  	s4 =	sld [smem:$0x3FB0]  }
0x2a: {  	p0 =	seq.s32 s5, $0x0;
	s5 =	sld [smem:$0x3FB1]  }
0x2b: {  	s6 =	sld [smem:$0x3FB2]  }
0x2c: {  	s7 =	sld [smem:$0x3FB3]  }
0x2d: {  	s3 =	simm.s32 $0x108;
	s8 =	sld [smem:$0x3FB4]  }
0x2e: {  	s3 =	simm.s32 @!p0 $0x1082;
	s9 =	sld [smem:$0x3FB5]  }
0x2f: {  	lr =	sadd.s32 s0, s3;
	s0 =	sld [smem:$0x3FAC]  }
0x30: {  	s3 =	sld [smem:$0x3FAF]  }
0x31: {  	[smem:$0x3FB8] =	sst s10  }
0x32: {  	s10 =	sld [smem:$0x3FB6];
	_ =	sdelay $0x3  }
0x33: {  	p0 =	seq.s32 s10, $0x1;
	s10 =	sld [smem:$0x3FB8];
	_ =	sdelay $0x3  }
0x34: {  	[smem:$0x3FB8] =	sst s10  }
0x35: {  	s10 =	sld [smem:$0x3FB7];
	_ =	sdelay $0x3  }
0x36: {  	p1 =	seq.s32 s10, $0x1;
	s10 =	sld [smem:$0x3FB8];
	_ =	sdelay $0x3  }
0x37: {  	[smem:$0x3FB8] =	sst s10  }
0x38: {  	s10 =	sld [smem:$0x3FB9]  }
0x39: {  	_ = 	snop;
	(pc) =	sbr.ind lr, $3  }
0x3a: {  	_ = 	snop  }
0x3b: {  	_ = 	snop  }
0x3c: {  	p2 =	seq.s32 s10, $0x1;
	s10 =	sld [smem:$0x3FB8]  }
0x3d: {  	_ =	shalt  }
0x3e: {  	_ =	shalt  }
0x3f: {  	_ =	shalt  }
0x40: {  	_ =	shalt  }
0x41: {  	_ =	shalt  }
0x42: {  	_ =	shalt  }
0x43: {  	_ =	shalt  }
0x44: {  	_ =	shalt  }
0x45: {  	_ =	shalt  }
0x46: {  	_ =	shalt  }
0x47: {  	_ =	shalt  }
0x48: {  	_ =	shalt  }
0x49: {  	_ =	shalt  }
0x4a: {  	_ =	shalt  }
0x4b: {  	_ =	shalt  }
0x4c: {  	_ =	shalt  }
0x4d: {  	_ =	shalt  }
0x4e: {  	_ =	shalt  }
0x4f: {  	_ =	shalt  }
0x50: {  	_ =	shalt  }
0x51: {  	_ =	shalt  }
0x52: {  	_ =	shalt  }
0x53: {  	_ =	shalt  }
0x54: {  	_ =	shalt  }
0x55: {  	_ =	shalt  }
0x56: {  	_ =	shalt  }
0x57: {  	_ =	shalt  }
0x58: {  	_ =	shalt  }
0x59: {  	_ =	shalt  }
0x5a: {  	_ =	shalt  }
0x5b: {  	_ =	shalt  }
0x5c: {  	_ =	shalt  }
0x5d: {  	_ =	shalt  }
0x5e: {  	_ =	shalt  }
0x5f: {  	_ =	shalt  }
0x60: {  	_ =	shalt  }
0x61: {  	_ =	shalt  }
0x62: {  	_ =	shalt  }
0x63: {  	_ =	shalt  }
0x64: {  	_ =	shalt  }
0x65: {  	_ =	shalt  }
0x66: {  	_ =	shalt  }
0x67: {  	_ =	shalt  }
0x68: {  	_ =	shalt  }
0x69: {  	_ =	shalt  }
0x6a: {  	_ =	shalt  }
0x6b: {  	_ =	shalt  }
0x6c: {  	_ =	shalt  }
0x6d: {  	_ =	shalt  }
0x6e: {  	_ =	shalt  }
0x6f: {  	_ =	shalt  }
0x70: {  	_ =	shalt  }
0x71: {  	_ =	shalt  }
0x72: {  	_ =	shalt  }
0x73: {  	_ =	shalt  }
0x74: {  	_ =	shalt  }
0x75: {  	_ =	shalt  }
0x76: {  	_ =	shalt  }
0x77: {  	_ =	shalt  }
0x78: {  	_ =	shalt  }
0x79: {  	_ =	shalt  }
0x7a: {  	_ =	shalt  }
0x7b: {  	_ =	shalt  }
0x7c: {  	_ =	shalt  }
0x7d: {  	_ =	shalt  }
0x7e: {  	_ =	shalt  }
0x7f: {  	_ =	shalt  }
0x80: {  	_ =	shalt  }
0x81: {  	_ =	shalt  }
0x82: {  	_ =	shalt  }
0x83: {  	_ =	shalt  }
0x84: {  	_ =	shalt  }
0x85: {  	_ =	shalt  }
0x86: {  	_ =	shalt  }
0x87: {  	_ =	shalt  }
.Lfunc_end0:
.L_simem_size_0:
called_computation.3_lowered:
.L_overlay_start_0:
0x88: {  	s2 =	sld [smem:$0x3FD9]  }
0x89: {  	s3 =	sld [smem:$0x3FFE];
	_ =	sdelay $0x1  }
0x8a: {  	s1 =	srdreg.scid  }
0x8b: {  	s0 =	sand.u32 $0x1, s1  }
0x8c: {  	s14 =	sshll.u32 s0, $0xA;
	s2 =	sadd.s32 s3, s2  }
0x8d: {  	s2 =	sadd.s32 s2, s14  }
0x8e: {  	[smem:$0x3FC4] =	sst s2  }
0x8f: {  	_ = 	snop  }
0x90: {  	s2 =	sld [smem:$0x3FD0];
	_ =	sdelay $0x2  }
0x91: {  	s15 =	simm.s32 $0xB;
	s4 =	simm.s32 $0x10  }
0x92: {  	[smem:s4], [sflag:s15] =	dma.local [hbm:s2], $0x1  }
0x93: {  	_ =	swait.eq [sflag:s15], $0x1  }
0x94: {  	[sflag:s15] =	ssyncset.done $0x0  }
0x95: {  	[sflag:s15] =	ssyncadd.s32 $0xFFFFFFFF  }
0x96: {  	s16 =	sld [smem:$0x10];
	(tm) =	ssettm $0x1  }
0x97: {  	s17 =	sld [smem:$0x3FFB];
	_ =	sdelay $0x3  }
0x98: {  	_ =	strace s17  }
0x99: {  	s3 =	sld [smem:$0x3FFC];
	_ =	sdelay $0x3  }
0x9a: {  	_ =	strace s3  }
0x9b: {  	s3 =	sld [smem:$0x3FFD];
	_ =	sdelay $0x3  }
0x9c: {  	_ =	strace s3  }
0x9d: {  	_ =	strace $0x8FFFFFFF  }
0x9e: {  	s18 =	sld [smem:$0x3FDB];
	_ =	sdelay $0x1  }
0x9f: {  	s19 =	simm.s32 $_scs_section_size  }
0xa0: {  	s5 =	simm.s32 $_size__tile_overlayer_lowered;
	s6 =	simm.s32 $_tile_overlayer_lowered  }
0xa1: {  	s22 =	simm.s32 $0x1BFF;
	s21 =	sshll.u32 s6, $0x1;
	s3 =	sadd.s32 s19, s18  }
0xa2: {  	s7 =	simm.s32 $0x0;
	s20 =	sshll.u32 s5, $0x1;
	s5 =	sadd.s32 s21, s3  }
0xa3: {  	[timem:s7], [sflag:s22] =	dma.local [hbm:s5], s20  }
0xa4: {  	_ =	swait.ge [sflag:s22], s20  }
0xa5: {  	s4 =	ssub.s32 $0x0, s20;
	[sflag:s22] =	ssyncset.done $0x0  }
0xa6: {  	[sflag:s22] =	ssyncadd.s32 s4;
	_ =	sdelay $0x1  }
0xa7: {  	s23 =	simm.s32 $0x1B8B  }
0xa8: {  	_ =	swait.ge [sflag:s23], $0x1  }
0xa9: {  	[sflag:s23] =	ssyncset.done $0x0  }
0xaa: {  	s25 =	simm.s32 $0x1B8E;
	s24 =	sld [smem:$0x3FFE];
	[sflag:s23] =	ssyncadd.s32 $0xFFFFFFFF  }
0xab: {  	s26 =	simm.s32 $execute0_lowered;
	[smem:$0x3FD2] =	sst s25  }
0xac: {  	s5 =	sshll.u32 s26, $0x1;
	_ =	strace $0x80000049;
	[dreg:$0x1] =	wrdreg $0xFFFFFFFF  }
0xad: {  	s28 =	simm.s32 $_size_execute0_lowered;
	s3 =	sadd.s32 s3, s5;
	[dreg:$0x0] =	wrdreg $0x0  }
0xae: {  	s5 =	sshll.u32 s28, $0x1;
	[dreg:$0x2] =	wrdreg s3  }
0xaf: {  	[dreg:$0x3] =	wrdreg s5  }
0xb0: {  	[dreg:$0x4] =	wrdreg $0xC0  }
0xb1: {  	_ =	task [dreg:s7], $0x5FFFF  }
0xb2: {  	[dreg:$0x1] =	wrdreg $0xFFFFFFFF  }
0xb3: {  	[dreg:$0x0] =	wrdreg $0x60  }
0xb4: {  	[dreg:$0x2] =	wrdreg s16  }
0xb5: {  	[dreg:$0x3] =	wrdreg s24  }
0xb6: {  	[dreg:$0x4] =	wrdreg $0x9  }
0xb7: {  	_ =	task.clear_ibuf [dreg:s7], $0x5FFFF;
	_ =	strace $0x90000049  }
0xb8: {  	s29 =	simm.s32 $0x9;
	_ =	strace $0x8000004B  }
0xb9: {  	_ =	swait.ge [sflag:s29], $0x1  }
0xba: {  	[sflag:s29] =	ssyncadd.s32 $0xFFFFFFFF  }
0xbb: {  	_ =	strace $0x9000004B  }
0xbc: {  	_ =	sfence  }
0xbd: {  	s30 =	sld [smem:$0x0];
	_ =	sdelay $0x2  }
0xbe: {  	s31 =	sshll.u32 s1, $0xD;
	s1 =	sshrl.u32 s1, $0x2  }
0xbf: {  	s3 =	sand.u32 $0x4000, s31;
	s1 =	sadd.s32 s1, s30  }
0xc0: {  	s0 =	sor.u32 s3, s0;
	s1 =	sshll.u32 s1, $0x11  }
0xc1: {  	s0 =	sor.u32 s1, s0  }
0xc2: {  	s0 =	sadd.s32 $0x8F2B, s0  }
0xc3: {  	[sflag:s0] =	ssyncadd.remote.s32 $0x1  }
0xc4: {  	_ =	sfence.sel $0xFFFF  }
0xc5: {  	[dreg:$0x0] =	wrdreg $0xFFFFFFFF;
	(pc) =	sbr.abs _section_cstart, $3  }
0xc6: {  	[dreg:$0x1] =	wrdreg $0xFFFFFFFF  }
0xc7: {  	_ =	task.clear_ibuf [dreg:s7], $0x2FFFF;
	_ =	strace $0x9FFFFFFF  }
0xc8: {  	(tm) =	ssettm $0x7FFFFFFF  }
0xc9: {  	_ =	shalt  }
tec
execute0_lowered:
.L_overlay_start_1:
0x0: {  	(tag) =	ssettag $0x1  }
0x1: {  	s0 =	rddreg [dreg:$0x0];
	s1 =	srdreg.scid  }
0x2: {  	s2 =	stileid.u32;
	s3 =	rddreg [dreg:$0x1];
	s16 =	simm.s32 $0x400  }
0x3: {  	s31 =	simm.s32 $0x2;
	s17 =	simm.s32 $0x5400;
	s18 =	simm.s32 $0x5C00  }
0x4: {  	s19 =	simm.s32 $0x6400;
	s28 =	simm.s32 $0x9C00;
	s29 =	simm.s32 $0xA400  }
0x5: {  	s30 =	simm.s32 $0xAC00;
	s8 =	simm.s32 $0xC400;
	s9 =	simm.s32 $0xCC00  }
0x6: {  	s10 =	simm.s32 $0xD400;
	s11 =	simm.s32 $0xDC00;
	s12 =	simm.s32 $0xE400  }
0x7: {  	s13 =	simm.s32 $0xEC00;
	s14 =	simm.s32 $0xF400;
	s15 =	simm.s32 $0xFC00  }
0x8: {  	s1 =	sand.u32 $0x1, s1;
	s4 =	sshll.u32 s2, $0x1;
	s2 =	simm.s32 $0x0  }
0x9: {  	s7 =	sadd.s32 $0xC3A00, s3;
	s3 =	sadd.s32 $0xA3A00, s3;
	s4 =	sor.u32 s1, s4  }
0xa: {  	[smem:$0x7FF] =	sst s2;
	s1 =	ssub.s32 $0x2, s1;
	s5 =	smul.u32 $0x28000, s4  }
0xb: {  	_ =	strace $0x8000004A;
	s6 =	sshll.u32 s4, $0x7;
	s24 =	sshrl.u32 s1, $0x1  }
0xc: {  	s4 =	smul.u32 $0x5000, s4;
	s0 =	sadd.s32 s0, s6;
	s1 =	ssub.s32 s1, s24  }
0xd: {  	s6 =	simm.s32 $0x8400;
	s5 =	sshrl.u32 s5, $0x3;
	[dreg:$0x3] =	wrdreg s0  }
0xe: {  	s20 =	sadd.s32 s7, s4;
	s4 =	smax.u32 s1, $0x1;
	s21 =	sadd.s32 s7, s5  }
0xf: {  	s1 =	simm.s32 $0x3;
	[dreg:$0x4] =	wrdreg s20;
	s22 =	sadd.s32 $0x1000, s21  }
0x10: {  	s0 =	simm.s32 $0x4;
	s23 =	sadd.s32 $0x2000, s21;
	[dreg:$0x5] =	wrdreg s22  }
0x11: {  	s20 =	simm.s32 $0x6C00;
	s25 =	sadd.s32 $0x3000, s21;
	[dreg:$0x6] =	wrdreg s23  }
0x12: {  	v2 =	vlaneseq.u32;
	s7 =	simm.s32 $0xBC00;
	s26 =	sadd.s32 $0x4000, s21;
	[dreg:$0x7] =	wrdreg s25  }
0x13: {  	vm0 =	vmmov $0xffff;
	v1 =	vshrl.u32 v2, $0x3;
	s21 =	simm.s32 $0x7400;
	[dreg:$0x8] =	wrdreg s26;
	s22 =	simm.s32 $0x1  }
0x14: {  	v0 =	vand.u32 $0x7, v2;
	v2 =	vor.u32 $0x8, v2;
	v1 =	vmul.u32 $0x8, v1;
	s23 =	simm.s32 $0x7C00;
	s25 =	simm.s32 $0x8C00;
	s26 =	simm.s32 $0x9400  }
.LBB2_1:
0x15: {  	s24 =	rddreg [dreg:$0x3];
	s5 =	simm.s32 $0x5  }
0x16: {  	[tilespmem:s2], [sflag:$0x5] =	stream.linear.gather [hbm4b:s24+s2], $0x280, $0x38;
	[tilespmem:$0x10400] =	vst v63  }
0x17: {  	_ =	swait.ge [sflag:s5], $0x280  }
0x18: {  	[sflag:s5] =	ssyncset.done $0x0  }
0x19: {  	[sflag:s5] =	ssyncadd.s32 $0xFFFFFD80  }
0x1a: {  	v3 =	vld [tilespmem:$0x0];
	_ =	sdelay $0x4  }
0x1b: {  	v4 =	vshll.u32 v3, $0x1  }
0x1c: {  	v3 =	vand.u32 $0x7, v3;
	v4 =	vand.u32 $0xFFFFFFF0, v4  }
0x1d: {  	v3 =	vor.u32 v3, v4  }
0x1e: {  	v4 =	vperm.xlane v3, v0;
	_ =	sdelay $0x1  }
0x1f: {  	v3 =	vperm.xlane v3, v2;
	v4 =	vadd.s32 v1, v4;
	_ =	sdelay $0x1  }
0x20: {  	v3 =	vadd.s32 v1, v3;
	_ =	sdelay $0x2  }
0x21: {  	[tilespmem:s16], [sflag:$0x1] =	stream.indirect_vreg.gather [hbm4b:s3+s2], $0x80, v4, vm0, $0xb8;
	[tilespmem:$0x10400] =	vst v63  }
0x22: {  	s24 =	simm.s32 $0xC00  }
0x23: {  	[tilespmem:s24], [sflag:$0x1] =	stream.indirect_vreg.gather [hbm4b:s3+s2], $0x80, v3, vm0, $0xb8;
	[tilespmem:$0x10400] =	vst v63  }
0x24: {  	v3 =	vld [tilespmem:$0x10];
	_ =	sdelay $0x4  }
0x25: {  	v25 =	vshll.u32 v3, $0x1  }
0x26: {  	v3 =	vand.u32 $0x7, v3;
	v4 =	vand.u32 $0xFFFFFFF0, v25  }
0x27: {  	v3 =	vor.u32 v3, v4  }
0x28: {  	v4 =	vperm.xlane v3, v0;
	_ =	sdelay $0x1  }
0x29: {  	v3 =	vperm.xlane v3, v2;
	v4 =	vadd.s32 v1, v4;
	_ =	sdelay $0x1  }
0x2a: {  	v3 =	vadd.s32 v1, v3;
	_ =	sdelay $0x1  }
0x2b: {  	s24 =	simm.s32 $0x1400  }
0x2c: {  	[tilespmem:s24], [sflag:$0x1] =	stream.indirect_vreg.gather [hbm4b:s3+s2], $0x80, v4, vm0, $0xb8;
	[tilespmem:$0x10400] =	vst v63  }
0x2d: {  	s24 =	simm.s32 $0x1C00  }
0x2e: {  	[tilespmem:s24], [sflag:$0x1] =	stream.indirect_vreg.gather [hbm4b:s3+s2], $0x80, v3, vm0, $0xb8;
	[tilespmem:$0x10400] =	vst v63  }
0x2f: {  	v3 =	vld [tilespmem:$0x20];
	_ =	sdelay $0x4  }
0x30: {  	v26 =	vshll.u32 v3, $0x1  }
0x31: {  	v3 =	vand.u32 $0x7, v3;
	v4 =	vand.u32 $0xFFFFFFF0, v26  }
0x32: {  	v3 =	vor.u32 v3, v4  }
0x33: {  	v4 =	vperm.xlane v3, v0;
	_ =	sdelay $0x1  }
0x34: {  	v3 =	vperm.xlane v3, v2;
	v4 =	vadd.s32 v1, v4;
	_ =	sdelay $0x1  }
0x35: {  	v3 =	vadd.s32 v1, v3;
	_ =	sdelay $0x1  }
0x36: {  	s24 =	simm.s32 $0x2400  }
0x37: {  	[tilespmem:s24], [sflag:$0x1] =	stream.indirect_vreg.gather [hbm4b:s3+s2], $0x80, v4, vm0, $0xb8;
	[tilespmem:$0x10400] =	vst v63  }
0x38: {  	s24 =	simm.s32 $0x2C00  }
0x39: {  	[tilespmem:s24], [sflag:$0x1] =	stream.indirect_vreg.gather [hbm4b:s3+s2], $0x80, v3, vm0, $0xb8;
	[tilespmem:$0x10400] =	vst v63  }
0x3a: {  	v3 =	vld [tilespmem:$0x30];
	_ =	sdelay $0x4  }
0x3b: {  	v27 =	vshll.u32 v3, $0x1  }
0x3c: {  	v3 =	vand.u32 $0x7, v3;
	v4 =	vand.u32 $0xFFFFFFF0, v27  }
0x3d: {  	v3 =	vor.u32 v3, v4  }
0x3e: {  	v4 =	vperm.xlane v3, v0;
	_ =	sdelay $0x1  }
0x3f: {  	v3 =	vperm.xlane v3, v2;
	v4 =	vadd.s32 v1, v4;
	_ =	sdelay $0x1  }
0x40: {  	v3 =	vadd.s32 v1, v3;
	_ =	sdelay $0x1  }
0x41: {  	s24 =	simm.s32 $0x3400  }
0x42: {  	[tilespmem:s24], [sflag:$0x1] =	stream.indirect_vreg.gather [hbm4b:s3+s2], $0x80, v4, vm0, $0xb8;
	[tilespmem:$0x10400] =	vst v63  }
0x43: {  	s24 =	simm.s32 $0x3C00  }
0x44: {  	[tilespmem:s24], [sflag:$0x1] =	stream.indirect_vreg.gather [hbm4b:s3+s2], $0x80, v3, vm0, $0xb8;
	[tilespmem:$0x10400] =	vst v63  }
0x45: {  	v3 =	vld [tilespmem:$0x40];
	_ =	sdelay $0x4  }
0x46: {  	v28 =	vshll.u32 v3, $0x1  }
0x47: {  	v3 =	vand.u32 $0x7, v3;
	v4 =	vand.u32 $0xFFFFFFF0, v28  }
0x48: {  	v3 =	vor.u32 v3, v4  }
0x49: {  	v4 =	vperm.xlane v3, v0;
	_ =	sdelay $0x1  }
0x4a: {  	v3 =	vperm.xlane v3, v2;
	v4 =	vadd.s32 v1, v4;
	_ =	sdelay $0x1  }
0x4b: {  	v3 =	vadd.s32 v1, v3;
	_ =	sdelay $0x1  }
0x4c: {  	s24 =	simm.s32 $0x4400  }
0x4d: {  	[tilespmem:s24], [sflag:$0x1] =	stream.indirect_vreg.gather [hbm4b:s3+s2], $0x80, v4, vm0, $0xb8;
	[tilespmem:$0x10400] =	vst v63  }
0x4e: {  	s24 =	simm.s32 $0x4C00  }
0x4f: {  	[tilespmem:s24], [sflag:$0x1] =	stream.indirect_vreg.gather [hbm4b:s3+s2], $0x80, v3, vm0, $0xb8;
	[tilespmem:$0x10400] =	vst v63  }
0x50: {  	v3 =	vld [tilespmem:$0x50];
	_ =	sdelay $0x4  }
0x51: {  	v29 =	vshll.u32 v3, $0x1  }
0x52: {  	v3 =	vand.u32 $0x7, v3;
	v4 =	vand.u32 $0xFFFFFFF0, v29  }
0x53: {  	v3 =	vor.u32 v3, v4  }
0x54: {  	v4 =	vperm.xlane v3, v0;
	_ =	sdelay $0x1  }
0x55: {  	v3 =	vperm.xlane v3, v2;
	v4 =	vadd.s32 v1, v4;
	_ =	sdelay $0x1  }
0x56: {  	v3 =	vadd.s32 v1, v3;
	_ =	sdelay $0x2  }
0x57: {  	[tilespmem:s17], [sflag:$0x1] =	stream.indirect_vreg.gather [hbm4b:s3+s2], $0x80, v4, vm0, $0xb8;
	[tilespmem:$0x10400] =	vst v63  }
0x58: {  	_ = 	snop  }
0x59: {  	[tilespmem:s18], [sflag:$0x1] =	stream.indirect_vreg.gather [hbm4b:s3+s2], $0x80, v3, vm0, $0xb8;
	[tilespmem:$0x10400] =	vst v63  }
0x5a: {  	v3 =	vld [tilespmem:$0x60];
	_ =	sdelay $0x4  }
0x5b: {  	v30 =	vshll.u32 v3, $0x1  }
0x5c: {  	v3 =	vand.u32 $0x7, v3;
	v4 =	vand.u32 $0xFFFFFFF0, v30  }
0x5d: {  	v3 =	vor.u32 v3, v4  }
0x5e: {  	v4 =	vperm.xlane v3, v0;
	_ =	sdelay $0x1  }
0x5f: {  	v3 =	vperm.xlane v3, v2;
	v4 =	vadd.s32 v1, v4;
	_ =	sdelay $0x1  }
0x60: {  	v3 =	vadd.s32 v1, v3;
	_ =	sdelay $0x2  }
0x61: {  	[tilespmem:s19], [sflag:$0x1] =	stream.indirect_vreg.gather [hbm4b:s3+s2], $0x80, v4, vm0, $0xb8;
	[tilespmem:$0x10400] =	vst v63  }
0x62: {  	_ = 	snop  }
0x63: {  	[tilespmem:s20], [sflag:$0x1] =	stream.indirect_vreg.gather [hbm4b:s3+s2], $0x80, v3, vm0, $0xb8;
	[tilespmem:$0x10400] =	vst v63  }
0x64: {  	v3 =	vld [tilespmem:$0x70];
	_ =	sdelay $0x4  }
0x65: {  	v31 =	vshll.u32 v3, $0x1  }
0x66: {  	v3 =	vand.u32 $0x7, v3;
	v4 =	vand.u32 $0xFFFFFFF0, v31  }
0x67: {  	v3 =	vor.u32 v3, v4  }
0x68: {  	v4 =	vperm.xlane v3, v0;
	_ =	sdelay $0x1  }
0x69: {  	v3 =	vperm.xlane v3, v2;
	v4 =	vadd.s32 v1, v4;
	_ =	sdelay $0x1  }
0x6a: {  	v3 =	vadd.s32 v1, v3;
	_ =	sdelay $0x2  }
0x6b: {  	[tilespmem:s21], [sflag:$0x1] =	stream.indirect_vreg.gather [hbm4b:s3+s2], $0x80, v4, vm0, $0xb8;
	[tilespmem:$0x10400] =	vst v63  }
0x6c: {  	_ = 	snop  }
0x6d: {  	[tilespmem:s23], [sflag:$0x1] =	stream.indirect_vreg.gather [hbm4b:s3+s2], $0x80, v3, vm0, $0xb8;
	[tilespmem:$0x10400] =	vst v63  }
0x6e: {  	_ =	swait.ge [sflag:s22], $0x8000  }
0x6f: {  	[sflag:s22] =	ssyncset.done $0x0  }
0x70: {  	s5 =	rddreg [dreg:$0x4];
	[sflag:s22] =	ssyncadd.s32 $0xFFFF8000  }
0x71: {  	[hbm4b:s5+s2] =	stream.linear.scatter [tilespmem:s16], [sflag:$0x3], $0x8000, $0x38;
	[tilespmem:$0x10400] =	vst v63  }
0x72: {  	v3 =	vld [tilespmem:$0x80];
	_ =	sdelay $0x4  }
0x73: {  	v32 =	vshll.u32 v3, $0x1  }
0x74: {  	v3 =	vand.u32 $0x7, v3;
	v4 =	vand.u32 $0xFFFFFFF0, v32  }
0x75: {  	v3 =	vor.u32 v3, v4  }
0x76: {  	v4 =	vperm.xlane v3, v0;
	_ =	sdelay $0x1  }
0x77: {  	v3 =	vperm.xlane v3, v2;
	v4 =	vadd.s32 v1, v4;
	_ =	sdelay $0x1  }
0x78: {  	v3 =	vadd.s32 v1, v3;
	_ =	sdelay $0x2  }
0x79: {  	[tilespmem:s6], [sflag:$0x2] =	stream.indirect_vreg.gather [hbm4b:s3+s2], $0x80, v4, vm0, $0xb8;
	[tilespmem:$0x10400] =	vst v63  }
0x7a: {  	_ = 	snop  }
0x7b: {  	[tilespmem:s25], [sflag:$0x2] =	stream.indirect_vreg.gather [hbm4b:s3+s2], $0x80, v3, vm0, $0xb8;
	[tilespmem:$0x10400] =	vst v63  }
0x7c: {  	v3 =	vld [tilespmem:$0x90];
	_ =	sdelay $0x4  }
0x7d: {  	v33 =	vshll.u32 v3, $0x1  }
0x7e: {  	v3 =	vand.u32 $0x7, v3;
	v4 =	vand.u32 $0xFFFFFFF0, v33  }
0x7f: {  	v3 =	vor.u32 v3, v4  }
0x80: {  	v4 =	vperm.xlane v3, v0;
	_ =	sdelay $0x1  }
0x81: {  	v3 =	vperm.xlane v3, v2;
	v4 =	vadd.s32 v1, v4;
	_ =	sdelay $0x1  }
0x82: {  	v3 =	vadd.s32 v1, v3;
	_ =	sdelay $0x2  }
0x83: {  	[tilespmem:s26], [sflag:$0x2] =	stream.indirect_vreg.gather [hbm4b:s3+s2], $0x80, v4, vm0, $0xb8;
	[tilespmem:$0x10400] =	vst v63  }
0x84: {  	_ = 	snop  }
0x85: {  	[tilespmem:s28], [sflag:$0x2] =	stream.indirect_vreg.gather [hbm4b:s3+s2], $0x80, v3, vm0, $0xb8;
	[tilespmem:$0x10400] =	vst v63  }
0x86: {  	v3 =	vld [tilespmem:$0xA0];
	_ =	sdelay $0x4  }
0x87: {  	v34 =	vshll.u32 v3, $0x1  }
0x88: {  	v3 =	vand.u32 $0x7, v3;
	v4 =	vand.u32 $0xFFFFFFF0, v34  }
0x89: {  	v3 =	vor.u32 v3, v4  }
0x8a: {  	v4 =	vperm.xlane v3, v0;
	_ =	sdelay $0x1  }
0x8b: {  	v3 =	vperm.xlane v3, v2;
	v4 =	vadd.s32 v1, v4;
	_ =	sdelay $0x1  }
0x8c: {  	v3 =	vadd.s32 v1, v3;
	_ =	sdelay $0x2  }
0x8d: {  	[tilespmem:s29], [sflag:$0x2] =	stream.indirect_vreg.gather [hbm4b:s3+s2], $0x80, v4, vm0, $0xb8;
	[tilespmem:$0x10400] =	vst v63  }
0x8e: {  	_ = 	snop  }
0x8f: {  	[tilespmem:s30], [sflag:$0x2] =	stream.indirect_vreg.gather [hbm4b:s3+s2], $0x80, v3, vm0, $0xb8;
	[tilespmem:$0x10400] =	vst v63  }
0x90: {  	v3 =	vld [tilespmem:$0xB0];
	_ =	sdelay $0x4  }
0x91: {  	v35 =	vshll.u32 v3, $0x1  }
0x92: {  	v3 =	vand.u32 $0x7, v3;
	v4 =	vand.u32 $0xFFFFFFF0, v35  }
0x93: {  	v3 =	vor.u32 v3, v4  }
0x94: {  	v4 =	vperm.xlane v3, v0;
	_ =	sdelay $0x1  }
0x95: {  	v3 =	vperm.xlane v3, v2;
	v4 =	vadd.s32 v1, v4;
	_ =	sdelay $0x1  }
0x96: {  	v3 =	vadd.s32 v1, v3;
	_ =	sdelay $0x1  }
0x97: {  	s5 =	simm.s32 $0xB400  }
0x98: {  	[tilespmem:s5], [sflag:$0x2] =	stream.indirect_vreg.gather [hbm4b:s3+s2], $0x80, v4, vm0, $0xb8;
	[tilespmem:$0x10400] =	vst v63  }
0x99: {  	_ = 	snop  }
0x9a: {  	[tilespmem:s7], [sflag:$0x2] =	stream.indirect_vreg.gather [hbm4b:s3+s2], $0x80, v3, vm0, $0xb8;
	[tilespmem:$0x10400] =	vst v63  }
0x9b: {  	v3 =	vld [tilespmem:$0xC0];
	_ =	sdelay $0x4  }
0x9c: {  	v36 =	vshll.u32 v3, $0x1  }
0x9d: {  	v3 =	vand.u32 $0x7, v3;
	v4 =	vand.u32 $0xFFFFFFF0, v36  }
0x9e: {  	v3 =	vor.u32 v3, v4  }
0x9f: {  	v4 =	vperm.xlane v3, v0;
	_ =	sdelay $0x1  }
0xa0: {  	v3 =	vperm.xlane v3, v2;
	v4 =	vadd.s32 v1, v4;
	_ =	sdelay $0x1  }
0xa1: {  	v3 =	vadd.s32 v1, v3;
	_ =	sdelay $0x2  }
0xa2: {  	[tilespmem:s8], [sflag:$0x2] =	stream.indirect_vreg.gather [hbm4b:s3+s2], $0x80, v4, vm0, $0xb8;
	[tilespmem:$0x10400] =	vst v63  }
0xa3: {  	_ = 	snop  }
0xa4: {  	[tilespmem:s9], [sflag:$0x2] =	stream.indirect_vreg.gather [hbm4b:s3+s2], $0x80, v3, vm0, $0xb8;
	[tilespmem:$0x10400] =	vst v63  }
0xa5: {  	v3 =	vld [tilespmem:$0xD0];
	_ =	sdelay $0x4  }
0xa6: {  	v37 =	vshll.u32 v3, $0x1  }
0xa7: {  	v3 =	vand.u32 $0x7, v3;
	v4 =	vand.u32 $0xFFFFFFF0, v37  }
0xa8: {  	v3 =	vor.u32 v3, v4  }
0xa9: {  	v4 =	vperm.xlane v3, v0;
	_ =	sdelay $0x1  }
0xaa: {  	v3 =	vperm.xlane v3, v2;
	v4 =	vadd.s32 v1, v4;
	_ =	sdelay $0x1  }
0xab: {  	v3 =	vadd.s32 v1, v3;
	_ =	sdelay $0x2  }
0xac: {  	[tilespmem:s10], [sflag:$0x2] =	stream.indirect_vreg.gather [hbm4b:s3+s2], $0x80, v4, vm0, $0xb8;
	[tilespmem:$0x10400] =	vst v63  }
0xad: {  	_ = 	snop  }
0xae: {  	[tilespmem:s11], [sflag:$0x2] =	stream.indirect_vreg.gather [hbm4b:s3+s2], $0x80, v3, vm0, $0xb8;
	[tilespmem:$0x10400] =	vst v63  }
0xaf: {  	v3 =	vld [tilespmem:$0xE0];
	_ =	sdelay $0x4  }
0xb0: {  	v38 =	vshll.u32 v3, $0x1  }
0xb1: {  	v3 =	vand.u32 $0x7, v3;
	v4 =	vand.u32 $0xFFFFFFF0, v38  }
0xb2: {  	v3 =	vor.u32 v3, v4  }
0xb3: {  	v4 =	vperm.xlane v3, v0;
	_ =	sdelay $0x1  }
0xb4: {  	v3 =	vperm.xlane v3, v2;
	v4 =	vadd.s32 v1, v4;
	_ =	sdelay $0x1  }
0xb5: {  	v3 =	vadd.s32 v1, v3;
	_ =	sdelay $0x2  }
0xb6: {  	[tilespmem:s12], [sflag:$0x2] =	stream.indirect_vreg.gather [hbm4b:s3+s2], $0x80, v4, vm0, $0xb8;
	[tilespmem:$0x10400] =	vst v63  }
0xb7: {  	_ = 	snop  }
0xb8: {  	[tilespmem:s13], [sflag:$0x2] =	stream.indirect_vreg.gather [hbm4b:s3+s2], $0x80, v3, vm0, $0xb8;
	[tilespmem:$0x10400] =	vst v63  }
0xb9: {  	v3 =	vld [tilespmem:$0xF0];
	_ =	sdelay $0x4  }
0xba: {  	v39 =	vshll.u32 v3, $0x1  }
0xbb: {  	v3 =	vand.u32 $0x7, v3;
	v4 =	vand.u32 $0xFFFFFFF0, v39  }
0xbc: {  	v3 =	vor.u32 v3, v4  }
0xbd: {  	v4 =	vperm.xlane v3, v0;
	_ =	sdelay $0x1  }
0xbe: {  	v3 =	vperm.xlane v3, v2;
	v4 =	vadd.s32 v1, v4;
	_ =	sdelay $0x1  }
0xbf: {  	v3 =	vadd.s32 v1, v3;
	_ =	sdelay $0x2  }
0xc0: {  	[tilespmem:s14], [sflag:$0x2] =	stream.indirect_vreg.gather [hbm4b:s3+s2], $0x80, v4, vm0, $0xb8;
	[tilespmem:$0x10400] =	vst v63  }
0xc1: {  	_ = 	snop  }
0xc2: {  	[tilespmem:s15], [sflag:$0x2] =	stream.indirect_vreg.gather [hbm4b:s3+s2], $0x80, v3, vm0, $0xb8;
	[tilespmem:$0x10400] =	vst v63  }
0xc3: {  	_ =	swait.ge [sflag:s31], $0x8000  }
0xc4: {  	[sflag:s31] =	ssyncset.done $0x0  }
0xc5: {  	s24 =	rddreg [dreg:$0x5];
	[sflag:s31] =	ssyncadd.s32 $0xFFFF8000  }
0xc6: {  	[hbm4b:s24+s2] =	stream.linear.scatter [tilespmem:s6], [sflag:$0x4], $0x8000, $0x38;
	[tilespmem:$0x10400] =	vst v63  }
0xc7: {  	_ =	swait.ge [sflag:s1], $0x8000  }
0xc8: {  	[sflag:s1] =	ssyncset.done $0x0  }
0xc9: {  	[sflag:s1] =	ssyncadd.s32 $0xFFFF8000  }
0xca: {  	v3 =	vld [tilespmem:$0x100];
	_ =	sdelay $0x4  }
0xcb: {  	v40 =	vshll.u32 v3, $0x1  }
0xcc: {  	v3 =	vand.u32 $0x7, v3;
	v4 =	vand.u32 $0xFFFFFFF0, v40  }
0xcd: {  	v3 =	vor.u32 v3, v4  }
0xce: {  	v4 =	vperm.xlane v3, v0;
	_ =	sdelay $0x1  }
0xcf: {  	v3 =	vperm.xlane v3, v2;
	v4 =	vadd.s32 v1, v4;
	_ =	sdelay $0x1  }
0xd0: {  	v3 =	vadd.s32 v1, v3;
	_ =	sdelay $0x2  }
0xd1: {  	[tilespmem:s16], [sflag:$0x1] =	stream.indirect_vreg.gather [hbm4b:s3+s2], $0x80, v4, vm0, $0xb8;
	[tilespmem:$0x10400] =	vst v63  }
0xd2: {  	s24 =	simm.s32 $0xC00  }
0xd3: {  	[tilespmem:s24], [sflag:$0x1] =	stream.indirect_vreg.gather [hbm4b:s3+s2], $0x80, v3, vm0, $0xb8;
	[tilespmem:$0x10400] =	vst v63  }
0xd4: {  	v3 =	vld [tilespmem:$0x110];
	_ =	sdelay $0x4  }
0xd5: {  	v41 =	vshll.u32 v3, $0x1  }
0xd6: {  	v3 =	vand.u32 $0x7, v3;
	v4 =	vand.u32 $0xFFFFFFF0, v41  }
0xd7: {  	v3 =	vor.u32 v3, v4  }
0xd8: {  	v4 =	vperm.xlane v3, v0;
	_ =	sdelay $0x1  }
0xd9: {  	v3 =	vperm.xlane v3, v2;
	v4 =	vadd.s32 v1, v4;
	_ =	sdelay $0x1  }
0xda: {  	v3 =	vadd.s32 v1, v3;
	_ =	sdelay $0x1  }
0xdb: {  	s24 =	simm.s32 $0x1400  }
0xdc: {  	[tilespmem:s24], [sflag:$0x1] =	stream.indirect_vreg.gather [hbm4b:s3+s2], $0x80, v4, vm0, $0xb8;
	[tilespmem:$0x10400] =	vst v63  }
0xdd: {  	s24 =	simm.s32 $0x1C00  }
0xde: {  	[tilespmem:s24], [sflag:$0x1] =	stream.indirect_vreg.gather [hbm4b:s3+s2], $0x80, v3, vm0, $0xb8;
	[tilespmem:$0x10400] =	vst v63  }
0xdf: {  	v3 =	vld [tilespmem:$0x120];
	_ =	sdelay $0x4  }
0xe0: {  	v42 =	vshll.u32 v3, $0x1  }
0xe1: {  	v3 =	vand.u32 $0x7, v3;
	v4 =	vand.u32 $0xFFFFFFF0, v42  }
0xe2: {  	v3 =	vor.u32 v3, v4  }
0xe3: {  	v4 =	vperm.xlane v3, v0;
	_ =	sdelay $0x1  }
0xe4: {  	v3 =	vperm.xlane v3, v2;
	v4 =	vadd.s32 v1, v4;
	_ =	sdelay $0x1  }
0xe5: {  	v3 =	vadd.s32 v1, v3;
	_ =	sdelay $0x1  }
0xe6: {  	s24 =	simm.s32 $0x2400  }
0xe7: {  	[tilespmem:s24], [sflag:$0x1] =	stream.indirect_vreg.gather [hbm4b:s3+s2], $0x80, v4, vm0, $0xb8;
	[tilespmem:$0x10400] =	vst v63  }
0xe8: {  	s24 =	simm.s32 $0x2C00  }
0xe9: {  	[tilespmem:s24], [sflag:$0x1] =	stream.indirect_vreg.gather [hbm4b:s3+s2], $0x80, v3, vm0, $0xb8;
	[tilespmem:$0x10400] =	vst v63  }
0xea: {  	v3 =	vld [tilespmem:$0x130];
	_ =	sdelay $0x4  }
0xeb: {  	v43 =	vshll.u32 v3, $0x1  }
0xec: {  	v3 =	vand.u32 $0x7, v3;
	v4 =	vand.u32 $0xFFFFFFF0, v43  }
0xed: {  	v3 =	vor.u32 v3, v4  }
0xee: {  	v4 =	vperm.xlane v3, v0;
	_ =	sdelay $0x1  }
0xef: {  	v3 =	vperm.xlane v3, v2;
	v4 =	vadd.s32 v1, v4;
	_ =	sdelay $0x1  }
0xf0: {  	v3 =	vadd.s32 v1, v3;
	_ =	sdelay $0x1  }
0xf1: {  	s24 =	simm.s32 $0x3400  }
0xf2: {  	[tilespmem:s24], [sflag:$0x1] =	stream.indirect_vreg.gather [hbm4b:s3+s2], $0x80, v4, vm0, $0xb8;
	[tilespmem:$0x10400] =	vst v63  }
0xf3: {  	s24 =	simm.s32 $0x3C00  }
0xf4: {  	[tilespmem:s24], [sflag:$0x1] =	stream.indirect_vreg.gather [hbm4b:s3+s2], $0x80, v3, vm0, $0xb8;
	[tilespmem:$0x10400] =	vst v63  }
0xf5: {  	v3 =	vld [tilespmem:$0x140];
	_ =	sdelay $0x4  }
0xf6: {  	v44 =	vshll.u32 v3, $0x1  }
0xf7: {  	v3 =	vand.u32 $0x7, v3;
	v4 =	vand.u32 $0xFFFFFFF0, v44  }
0xf8: {  	v3 =	vor.u32 v3, v4  }
0xf9: {  	v4 =	vperm.xlane v3, v0;
	_ =	sdelay $0x1  }
0xfa: {  	v3 =	vperm.xlane v3, v2;
	v4 =	vadd.s32 v1, v4;
	_ =	sdelay $0x1  }
0xfb: {  	v3 =	vadd.s32 v1, v3;
	_ =	sdelay $0x1  }
0xfc: {  	s24 =	simm.s32 $0x4400  }
0xfd: {  	[tilespmem:s24], [sflag:$0x1] =	stream.indirect_vreg.gather [hbm4b:s3+s2], $0x80, v4, vm0, $0xb8;
	[tilespmem:$0x10400] =	vst v63  }
0xfe: {  	s24 =	simm.s32 $0x4C00  }
0xff: {  	[tilespmem:s24], [sflag:$0x1] =	stream.indirect_vreg.gather [hbm4b:s3+s2], $0x80, v3, vm0, $0xb8;
	[tilespmem:$0x10400] =	vst v63  }
0x100: {  	v3 =	vld [tilespmem:$0x150];
	_ =	sdelay $0x4  }
0x101: {  	v45 =	vshll.u32 v3, $0x1  }
0x102: {  	v3 =	vand.u32 $0x7, v3;
	v4 =	vand.u32 $0xFFFFFFF0, v45  }
0x103: {  	v3 =	vor.u32 v3, v4  }
0x104: {  	v4 =	vperm.xlane v3, v0;
	_ =	sdelay $0x1  }
0x105: {  	v3 =	vperm.xlane v3, v2;
	v4 =	vadd.s32 v1, v4;
	_ =	sdelay $0x1  }
0x106: {  	v3 =	vadd.s32 v1, v3;
	_ =	sdelay $0x2  }
0x107: {  	[tilespmem:s17], [sflag:$0x1] =	stream.indirect_vreg.gather [hbm4b:s3+s2], $0x80, v4, vm0, $0xb8;
	[tilespmem:$0x10400] =	vst v63  }
0x108: {  	_ = 	snop  }
0x109: {  	[tilespmem:s18], [sflag:$0x1] =	stream.indirect_vreg.gather [hbm4b:s3+s2], $0x80, v3, vm0, $0xb8;
	[tilespmem:$0x10400] =	vst v63  }
0x10a: {  	v3 =	vld [tilespmem:$0x160];
	_ =	sdelay $0x4  }
0x10b: {  	v46 =	vshll.u32 v3, $0x1  }
0x10c: {  	v3 =	vand.u32 $0x7, v3;
	v4 =	vand.u32 $0xFFFFFFF0, v46  }
0x10d: {  	v3 =	vor.u32 v3, v4  }
0x10e: {  	v4 =	vperm.xlane v3, v0;
	_ =	sdelay $0x1  }
0x10f: {  	v3 =	vperm.xlane v3, v2;
	v4 =	vadd.s32 v1, v4;
	_ =	sdelay $0x1  }
0x110: {  	v3 =	vadd.s32 v1, v3;
	_ =	sdelay $0x2  }
0x111: {  	[tilespmem:s19], [sflag:$0x1] =	stream.indirect_vreg.gather [hbm4b:s3+s2], $0x80, v4, vm0, $0xb8;
	[tilespmem:$0x10400] =	vst v63  }
0x112: {  	_ = 	snop  }
0x113: {  	[tilespmem:s20], [sflag:$0x1] =	stream.indirect_vreg.gather [hbm4b:s3+s2], $0x80, v3, vm0, $0xb8;
	[tilespmem:$0x10400] =	vst v63  }
0x114: {  	v3 =	vld [tilespmem:$0x170];
	_ =	sdelay $0x4  }
0x115: {  	v47 =	vshll.u32 v3, $0x1  }
0x116: {  	v3 =	vand.u32 $0x7, v3;
	v4 =	vand.u32 $0xFFFFFFF0, v47  }
0x117: {  	v3 =	vor.u32 v3, v4  }
0x118: {  	v4 =	vperm.xlane v3, v0;
	_ =	sdelay $0x1  }
0x119: {  	v3 =	vperm.xlane v3, v2;
	v4 =	vadd.s32 v1, v4;
	_ =	sdelay $0x1  }
0x11a: {  	v3 =	vadd.s32 v1, v3;
	_ =	sdelay $0x2  }
0x11b: {  	[tilespmem:s21], [sflag:$0x1] =	stream.indirect_vreg.gather [hbm4b:s3+s2], $0x80, v4, vm0, $0xb8;
	[tilespmem:$0x10400] =	vst v63  }
0x11c: {  	_ = 	snop  }
0x11d: {  	[tilespmem:s23], [sflag:$0x1] =	stream.indirect_vreg.gather [hbm4b:s3+s2], $0x80, v3, vm0, $0xb8;
	[tilespmem:$0x10400] =	vst v63  }
0x11e: {  	_ =	swait.ge [sflag:s22], $0x8000  }
0x11f: {  	[sflag:s22] =	ssyncset.done $0x0  }
0x120: {  	s24 =	rddreg [dreg:$0x6];
	[sflag:s22] =	ssyncadd.s32 $0xFFFF8000  }
0x121: {  	[hbm4b:s24+s2] =	stream.linear.scatter [tilespmem:s16], [sflag:$0x3], $0x8000, $0x38;
	[tilespmem:$0x10400] =	vst v63  }
0x122: {  	_ =	swait.ge [sflag:s0], $0x8000  }
0x123: {  	[sflag:s0] =	ssyncset.done $0x0  }
0x124: {  	[sflag:s0] =	ssyncadd.s32 $0xFFFF8000  }
0x125: {  	v3 =	vld [tilespmem:$0x180];
	_ =	sdelay $0x4  }
0x126: {  	v48 =	vshll.u32 v3, $0x1  }
0x127: {  	v3 =	vand.u32 $0x7, v3;
	v4 =	vand.u32 $0xFFFFFFF0, v48  }
0x128: {  	v3 =	vor.u32 v3, v4  }
0x129: {  	v4 =	vperm.xlane v3, v0;
	_ =	sdelay $0x1  }
0x12a: {  	v3 =	vperm.xlane v3, v2;
	v4 =	vadd.s32 v1, v4;
	_ =	sdelay $0x1  }
0x12b: {  	v3 =	vadd.s32 v1, v3;
	_ =	sdelay $0x2  }
0x12c: {  	[tilespmem:s6], [sflag:$0x2] =	stream.indirect_vreg.gather [hbm4b:s3+s2], $0x80, v4, vm0, $0xb8;
	[tilespmem:$0x10400] =	vst v63  }
0x12d: {  	_ = 	snop  }
0x12e: {  	[tilespmem:s25], [sflag:$0x2] =	stream.indirect_vreg.gather [hbm4b:s3+s2], $0x80, v3, vm0, $0xb8;
	[tilespmem:$0x10400] =	vst v63  }
0x12f: {  	v3 =	vld [tilespmem:$0x190];
	_ =	sdelay $0x4  }
0x130: {  	v49 =	vshll.u32 v3, $0x1  }
0x131: {  	v3 =	vand.u32 $0x7, v3;
	v4 =	vand.u32 $0xFFFFFFF0, v49  }
0x132: {  	v3 =	vor.u32 v3, v4  }
0x133: {  	v4 =	vperm.xlane v3, v0;
	_ =	sdelay $0x1  }
0x134: {  	v3 =	vperm.xlane v3, v2;
	v4 =	vadd.s32 v1, v4;
	_ =	sdelay $0x1  }
0x135: {  	v3 =	vadd.s32 v1, v3;
	_ =	sdelay $0x2  }
0x136: {  	[tilespmem:s26], [sflag:$0x2] =	stream.indirect_vreg.gather [hbm4b:s3+s2], $0x80, v4, vm0, $0xb8;
	[tilespmem:$0x10400] =	vst v63  }
0x137: {  	_ = 	snop  }
0x138: {  	[tilespmem:s28], [sflag:$0x2] =	stream.indirect_vreg.gather [hbm4b:s3+s2], $0x80, v3, vm0, $0xb8;
	[tilespmem:$0x10400] =	vst v63  }
0x139: {  	v3 =	vld [tilespmem:$0x1A0];
	_ =	sdelay $0x4  }
0x13a: {  	v50 =	vshll.u32 v3, $0x1  }
0x13b: {  	v3 =	vand.u32 $0x7, v3;
	v4 =	vand.u32 $0xFFFFFFF0, v50  }
0x13c: {  	v3 =	vor.u32 v3, v4  }
0x13d: {  	v4 =	vperm.xlane v3, v0;
	_ =	sdelay $0x1  }
0x13e: {  	v3 =	vperm.xlane v3, v2;
	v4 =	vadd.s32 v1, v4;
	_ =	sdelay $0x1  }
0x13f: {  	v3 =	vadd.s32 v1, v3;
	_ =	sdelay $0x2  }
0x140: {  	[tilespmem:s29], [sflag:$0x2] =	stream.indirect_vreg.gather [hbm4b:s3+s2], $0x80, v4, vm0, $0xb8;
	[tilespmem:$0x10400] =	vst v63  }
0x141: {  	_ = 	snop  }
0x142: {  	[tilespmem:s30], [sflag:$0x2] =	stream.indirect_vreg.gather [hbm4b:s3+s2], $0x80, v3, vm0, $0xb8;
	[tilespmem:$0x10400] =	vst v63  }
0x143: {  	v3 =	vld [tilespmem:$0x1B0];
	_ =	sdelay $0x4  }
0x144: {  	v51 =	vshll.u32 v3, $0x1  }
0x145: {  	v3 =	vand.u32 $0x7, v3;
	v4 =	vand.u32 $0xFFFFFFF0, v51  }
0x146: {  	v3 =	vor.u32 v3, v4  }
0x147: {  	v4 =	vperm.xlane v3, v0;
	_ =	sdelay $0x1  }
0x148: {  	v3 =	vperm.xlane v3, v2;
	v4 =	vadd.s32 v1, v4;
	_ =	sdelay $0x1  }
0x149: {  	v3 =	vadd.s32 v1, v3;
	_ =	sdelay $0x2  }
0x14a: {  	[tilespmem:s5], [sflag:$0x2] =	stream.indirect_vreg.gather [hbm4b:s3+s2], $0x80, v4, vm0, $0xb8;
	[tilespmem:$0x10400] =	vst v63  }
0x14b: {  	_ = 	snop  }
0x14c: {  	[tilespmem:s7], [sflag:$0x2] =	stream.indirect_vreg.gather [hbm4b:s3+s2], $0x80, v3, vm0, $0xb8;
	[tilespmem:$0x10400] =	vst v63  }
0x14d: {  	v3 =	vld [tilespmem:$0x1C0];
	_ =	sdelay $0x4  }
0x14e: {  	v52 =	vshll.u32 v3, $0x1  }
0x14f: {  	v3 =	vand.u32 $0x7, v3;
	v4 =	vand.u32 $0xFFFFFFF0, v52  }
0x150: {  	v3 =	vor.u32 v3, v4  }
0x151: {  	v4 =	vperm.xlane v3, v0;
	_ =	sdelay $0x1  }
0x152: {  	v3 =	vperm.xlane v3, v2;
	v4 =	vadd.s32 v1, v4;
	_ =	sdelay $0x1  }
0x153: {  	v3 =	vadd.s32 v1, v3;
	_ =	sdelay $0x2  }
0x154: {  	[tilespmem:s8], [sflag:$0x2] =	stream.indirect_vreg.gather [hbm4b:s3+s2], $0x80, v4, vm0, $0xb8;
	[tilespmem:$0x10400] =	vst v63  }
0x155: {  	_ = 	snop  }
0x156: {  	[tilespmem:s9], [sflag:$0x2] =	stream.indirect_vreg.gather [hbm4b:s3+s2], $0x80, v3, vm0, $0xb8;
	[tilespmem:$0x10400] =	vst v63  }
0x157: {  	v3 =	vld [tilespmem:$0x1D0];
	_ =	sdelay $0x4  }
0x158: {  	v53 =	vshll.u32 v3, $0x1  }
0x159: {  	v3 =	vand.u32 $0x7, v3;
	v4 =	vand.u32 $0xFFFFFFF0, v53  }
0x15a: {  	v3 =	vor.u32 v3, v4  }
0x15b: {  	v4 =	vperm.xlane v3, v0;
	_ =	sdelay $0x1  }
0x15c: {  	v3 =	vperm.xlane v3, v2;
	v4 =	vadd.s32 v1, v4;
	_ =	sdelay $0x1  }
0x15d: {  	v3 =	vadd.s32 v1, v3;
	_ =	sdelay $0x2  }
0x15e: {  	[tilespmem:s10], [sflag:$0x2] =	stream.indirect_vreg.gather [hbm4b:s3+s2], $0x80, v4, vm0, $0xb8;
	[tilespmem:$0x10400] =	vst v63  }
0x15f: {  	_ = 	snop  }
0x160: {  	[tilespmem:s11], [sflag:$0x2] =	stream.indirect_vreg.gather [hbm4b:s3+s2], $0x80, v3, vm0, $0xb8;
	[tilespmem:$0x10400] =	vst v63  }
0x161: {  	v3 =	vld [tilespmem:$0x1E0];
	_ =	sdelay $0x4  }
0x162: {  	v54 =	vshll.u32 v3, $0x1  }
0x163: {  	v3 =	vand.u32 $0x7, v3;
	v4 =	vand.u32 $0xFFFFFFF0, v54  }
0x164: {  	v3 =	vor.u32 v3, v4  }
0x165: {  	v4 =	vperm.xlane v3, v0;
	_ =	sdelay $0x1  }
0x166: {  	v3 =	vperm.xlane v3, v2;
	v4 =	vadd.s32 v1, v4;
	_ =	sdelay $0x1  }
0x167: {  	v3 =	vadd.s32 v1, v3;
	_ =	sdelay $0x2  }
0x168: {  	[tilespmem:s12], [sflag:$0x2] =	stream.indirect_vreg.gather [hbm4b:s3+s2], $0x80, v4, vm0, $0xb8;
	[tilespmem:$0x10400] =	vst v63  }
0x169: {  	_ = 	snop  }
0x16a: {  	[tilespmem:s13], [sflag:$0x2] =	stream.indirect_vreg.gather [hbm4b:s3+s2], $0x80, v3, vm0, $0xb8;
	[tilespmem:$0x10400] =	vst v63  }
0x16b: {  	v3 =	vld [tilespmem:$0x1F0];
	_ =	sdelay $0x4  }
0x16c: {  	v55 =	vshll.u32 v3, $0x1  }
0x16d: {  	v3 =	vand.u32 $0x7, v3;
	v4 =	vand.u32 $0xFFFFFFF0, v55  }
0x16e: {  	v3 =	vor.u32 v3, v4  }
0x16f: {  	v4 =	vperm.xlane v3, v0;
	_ =	sdelay $0x1  }
0x170: {  	v3 =	vperm.xlane v3, v2;
	v4 =	vadd.s32 v1, v4;
	_ =	sdelay $0x1  }
0x171: {  	v3 =	vadd.s32 v1, v3;
	_ =	sdelay $0x2  }
0x172: {  	[tilespmem:s14], [sflag:$0x2] =	stream.indirect_vreg.gather [hbm4b:s3+s2], $0x80, v4, vm0, $0xb8;
	[tilespmem:$0x10400] =	vst v63  }
0x173: {  	_ = 	snop  }
0x174: {  	[tilespmem:s15], [sflag:$0x2] =	stream.indirect_vreg.gather [hbm4b:s3+s2], $0x80, v3, vm0, $0xb8;
	[tilespmem:$0x10400] =	vst v63  }
0x175: {  	_ =	swait.ge [sflag:s31], $0x8000  }
0x176: {  	[sflag:s31] =	ssyncset.done $0x0  }
0x177: {  	s5 =	rddreg [dreg:$0x7];
	[sflag:s31] =	ssyncadd.s32 $0xFFFF8000  }
0x178: {  	[hbm4b:s5+s2] =	stream.linear.scatter [tilespmem:s6], [sflag:$0x4], $0x8000, $0x38;
	[tilespmem:$0x10400] =	vst v63  }
0x179: {  	_ =	swait.ge [sflag:s1], $0x8000  }
0x17a: {  	[sflag:s1] =	ssyncset.done $0x0  }
0x17b: {  	[sflag:s1] =	ssyncadd.s32 $0xFFFF8000  }
0x17c: {  	v3 =	vld [tilespmem:$0x200];
	_ =	sdelay $0x4  }
0x17d: {  	v56 =	vshll.u32 v3, $0x1  }
0x17e: {  	v3 =	vand.u32 $0x7, v3;
	v4 =	vand.u32 $0xFFFFFFF0, v56  }
0x17f: {  	v3 =	vor.u32 v3, v4  }
0x180: {  	v4 =	vperm.xlane v3, v0;
	_ =	sdelay $0x1  }
0x181: {  	v3 =	vperm.xlane v3, v2;
	v4 =	vadd.s32 v1, v4;
	_ =	sdelay $0x1  }
0x182: {  	v3 =	vadd.s32 v1, v3;
	_ =	sdelay $0x2  }
0x183: {  	[tilespmem:s16], [sflag:$0x1] =	stream.indirect_vreg.gather [hbm4b:s3+s2], $0x80, v4, vm0, $0xb8;
	[tilespmem:$0x10400] =	vst v63  }
0x184: {  	s24 =	simm.s32 $0xC00  }
0x185: {  	[tilespmem:s24], [sflag:$0x1] =	stream.indirect_vreg.gather [hbm4b:s3+s2], $0x80, v3, vm0, $0xb8;
	[tilespmem:$0x10400] =	vst v63  }
0x186: {  	v3 =	vld [tilespmem:$0x210];
	_ =	sdelay $0x4  }
0x187: {  	v57 =	vshll.u32 v3, $0x1  }
0x188: {  	v3 =	vand.u32 $0x7, v3;
	v4 =	vand.u32 $0xFFFFFFF0, v57  }
0x189: {  	v3 =	vor.u32 v3, v4  }
0x18a: {  	v4 =	vperm.xlane v3, v0;
	_ =	sdelay $0x1  }
0x18b: {  	v3 =	vperm.xlane v3, v2;
	v4 =	vadd.s32 v1, v4;
	_ =	sdelay $0x1  }
0x18c: {  	v3 =	vadd.s32 v1, v3;
	_ =	sdelay $0x1  }
0x18d: {  	s24 =	simm.s32 $0x1400  }
0x18e: {  	[tilespmem:s24], [sflag:$0x1] =	stream.indirect_vreg.gather [hbm4b:s3+s2], $0x80, v4, vm0, $0xb8;
	[tilespmem:$0x10400] =	vst v63  }
0x18f: {  	s24 =	simm.s32 $0x1C00  }
0x190: {  	[tilespmem:s24], [sflag:$0x1] =	stream.indirect_vreg.gather [hbm4b:s3+s2], $0x80, v3, vm0, $0xb8;
	[tilespmem:$0x10400] =	vst v63  }
0x191: {  	v3 =	vld [tilespmem:$0x220];
	_ =	sdelay $0x4  }
0x192: {  	v58 =	vshll.u32 v3, $0x1  }
0x193: {  	v3 =	vand.u32 $0x7, v3;
	v4 =	vand.u32 $0xFFFFFFF0, v58  }
0x194: {  	v3 =	vor.u32 v3, v4  }
0x195: {  	v4 =	vperm.xlane v3, v0;
	_ =	sdelay $0x1  }
0x196: {  	v3 =	vperm.xlane v3, v2;
	v4 =	vadd.s32 v1, v4;
	_ =	sdelay $0x1  }
0x197: {  	v3 =	vadd.s32 v1, v3;
	_ =	sdelay $0x1  }
0x198: {  	s24 =	simm.s32 $0x2400  }
0x199: {  	[tilespmem:s24], [sflag:$0x1] =	stream.indirect_vreg.gather [hbm4b:s3+s2], $0x80, v4, vm0, $0xb8;
	[tilespmem:$0x10400] =	vst v63  }
0x19a: {  	s24 =	simm.s32 $0x2C00  }
0x19b: {  	[tilespmem:s24], [sflag:$0x1] =	stream.indirect_vreg.gather [hbm4b:s3+s2], $0x80, v3, vm0, $0xb8;
	[tilespmem:$0x10400] =	vst v63  }
0x19c: {  	v3 =	vld [tilespmem:$0x230];
	_ =	sdelay $0x4  }
0x19d: {  	v59 =	vshll.u32 v3, $0x1  }
0x19e: {  	v3 =	vand.u32 $0x7, v3;
	v4 =	vand.u32 $0xFFFFFFF0, v59  }
0x19f: {  	v3 =	vor.u32 v3, v4  }
0x1a0: {  	v4 =	vperm.xlane v3, v0;
	_ =	sdelay $0x1  }
0x1a1: {  	v3 =	vperm.xlane v3, v2;
	v4 =	vadd.s32 v1, v4;
	_ =	sdelay $0x1  }
0x1a2: {  	v3 =	vadd.s32 v1, v3;
	_ =	sdelay $0x1  }
0x1a3: {  	s24 =	simm.s32 $0x3400  }
0x1a4: {  	[tilespmem:s24], [sflag:$0x1] =	stream.indirect_vreg.gather [hbm4b:s3+s2], $0x80, v4, vm0, $0xb8;
	[tilespmem:$0x10400] =	vst v63  }
0x1a5: {  	s24 =	simm.s32 $0x3C00  }
0x1a6: {  	[tilespmem:s24], [sflag:$0x1] =	stream.indirect_vreg.gather [hbm4b:s3+s2], $0x80, v3, vm0, $0xb8;
	[tilespmem:$0x10400] =	vst v63  }
0x1a7: {  	v3 =	vld [tilespmem:$0x240];
	_ =	sdelay $0x4  }
0x1a8: {  	v60 =	vshll.u32 v3, $0x1  }
0x1a9: {  	v3 =	vand.u32 $0x7, v3;
	v4 =	vand.u32 $0xFFFFFFF0, v60  }
0x1aa: {  	v3 =	vor.u32 v3, v4  }
0x1ab: {  	v4 =	vperm.xlane v3, v0;
	_ =	sdelay $0x1  }
0x1ac: {  	v3 =	vperm.xlane v3, v2;
	v4 =	vadd.s32 v1, v4;
	_ =	sdelay $0x1  }
0x1ad: {  	v3 =	vadd.s32 v1, v3;
	_ =	sdelay $0x1  }
0x1ae: {  	s24 =	simm.s32 $0x4400  }
0x1af: {  	[tilespmem:s24], [sflag:$0x1] =	stream.indirect_vreg.gather [hbm4b:s3+s2], $0x80, v4, vm0, $0xb8;
	[tilespmem:$0x10400] =	vst v63  }
0x1b0: {  	s24 =	simm.s32 $0x4C00  }
0x1b1: {  	[tilespmem:s24], [sflag:$0x1] =	stream.indirect_vreg.gather [hbm4b:s3+s2], $0x80, v3, vm0, $0xb8;
	[tilespmem:$0x10400] =	vst v63  }
0x1b2: {  	v3 =	vld [tilespmem:$0x250];
	_ =	sdelay $0x4  }
0x1b3: {  	v61 =	vshll.u32 v3, $0x1  }
0x1b4: {  	v3 =	vand.u32 $0x7, v3;
	v4 =	vand.u32 $0xFFFFFFF0, v61  }
0x1b5: {  	v3 =	vor.u32 v3, v4  }
0x1b6: {  	v4 =	vperm.xlane v3, v0;
	_ =	sdelay $0x1  }
0x1b7: {  	v3 =	vperm.xlane v3, v2;
	v4 =	vadd.s32 v1, v4;
	_ =	sdelay $0x1  }
0x1b8: {  	v3 =	vadd.s32 v1, v3;
	_ =	sdelay $0x2  }
0x1b9: {  	[tilespmem:s17], [sflag:$0x1] =	stream.indirect_vreg.gather [hbm4b:s3+s2], $0x80, v4, vm0, $0xb8;
	[tilespmem:$0x10400] =	vst v63  }
0x1ba: {  	_ = 	snop  }
0x1bb: {  	[tilespmem:s18], [sflag:$0x1] =	stream.indirect_vreg.gather [hbm4b:s3+s2], $0x80, v3, vm0, $0xb8;
	[tilespmem:$0x10400] =	vst v63  }
0x1bc: {  	v3 =	vld [tilespmem:$0x260];
	_ =	sdelay $0x4  }
0x1bd: {  	v62 =	vshll.u32 v3, $0x1  }
0x1be: {  	v3 =	vand.u32 $0x7, v3;
	v4 =	vand.u32 $0xFFFFFFF0, v62  }
0x1bf: {  	v3 =	vor.u32 v3, v4  }
0x1c0: {  	v4 =	vperm.xlane v3, v0;
	_ =	sdelay $0x1  }
0x1c1: {  	v3 =	vperm.xlane v3, v2;
	v4 =	vadd.s32 v1, v4;
	_ =	sdelay $0x1  }
0x1c2: {  	v3 =	vadd.s32 v1, v3;
	_ =	sdelay $0x2  }
0x1c3: {  	[tilespmem:s19], [sflag:$0x1] =	stream.indirect_vreg.gather [hbm4b:s3+s2], $0x80, v4, vm0, $0xb8;
	[tilespmem:$0x10400] =	vst v63  }
0x1c4: {  	_ = 	snop  }
0x1c5: {  	[tilespmem:s20], [sflag:$0x1] =	stream.indirect_vreg.gather [hbm4b:s3+s2], $0x80, v3, vm0, $0xb8;
	[tilespmem:$0x10400] =	vst v63  }
0x1c6: {  	v3 =	vld [tilespmem:$0x270];
	_ =	sdelay $0x4  }
0x1c7: {  	v63 =	vshll.u32 v3, $0x1  }
0x1c8: {  	v3 =	vand.u32 $0x7, v3;
	v4 =	vand.u32 $0xFFFFFFF0, v63  }
0x1c9: {  	v3 =	vor.u32 v3, v4  }
0x1ca: {  	v4 =	vperm.xlane v3, v0;
	_ =	sdelay $0x1  }
0x1cb: {  	v3 =	vperm.xlane v3, v2;
	v4 =	vadd.s32 v1, v4;
	_ =	sdelay $0x1  }
0x1cc: {  	v3 =	vadd.s32 v1, v3;
	_ =	sdelay $0x2  }
0x1cd: {  	[tilespmem:s21], [sflag:$0x1] =	stream.indirect_vreg.gather [hbm4b:s3+s2], $0x80, v4, vm0, $0xb8;
	[tilespmem:$0x10400] =	vst v63  }
0x1ce: {  	_ = 	snop  }
0x1cf: {  	[tilespmem:s23], [sflag:$0x1] =	stream.indirect_vreg.gather [hbm4b:s3+s2], $0x80, v3, vm0, $0xb8;
	[tilespmem:$0x10400] =	vst v63  }
0x1d0: {  	_ =	swait.ge [sflag:s22], $0x8000  }
0x1d1: {  	[sflag:s22] =	ssyncset.done $0x0  }
0x1d2: {  	s5 =	rddreg [dreg:$0x8];
	[sflag:s22] =	ssyncadd.s32 $0xFFFF8000  }
0x1d3: {  	[hbm4b:s5+s2] =	stream.linear.scatter [tilespmem:s16], [sflag:$0x3], $0x8000, $0x38;
	[tilespmem:$0x10400] =	vst v63  }
0x1d4: {  	p0 =	sne.s32 s4, $0x1;
	_ =	swait.ge [sflag:s1], $0x8000  }
.Ltmp0:
0x1d5: {  	[sflag:s1] =	ssyncset.done $0x0;
	(pc) =	sbr.rel @p0 .LBB2_1-.Ltmp0, $4  }
0x1d6: {  	[sflag:s1] =	ssyncadd.s32 $0xFFFF8000  }
0x1d7: {  	_ =	swait.ge [sflag:s0], $0x8000  }
0x1d8: {  	[sflag:s0] =	ssyncset.done $0x0  }
0x1d9: {  	s4 =	sadd.s32 $0xFFFFFFFF, s4;
	[sflag:s0] =	ssyncadd.s32 $0xFFFF8000  }
0x1da: {  	_ =	sfence.sel $0x180000  }
0x1db: {  	[bflag:$0x0] =	sbarrier.arrive $0xFFFF  }
0x1dc: {  	_ =	strace $0x9000004A  }
0x1dd: {  	s0 =	stileid.u32;
	[bflag:$0x2] =	sbarrier.arrive $0xFFFF  }
0x1de: {  	p0 =	sne.s32 s0, $0x0;
	s0 =	rddreg [dreg:$0x2]  }
0x1df: {  	s0 =	sadd.s32 @!p0 $0x100000, s0  }
0x1e0: {  	[sflag:s0] =	ssyncadd.tile.s32 @!p0 $0x1;
	_ =	shalt  }
.Lfunc_end2:
_tile_overlayer_lowered:
.L_overlay_start_2:
0x1e1: {  	(tag) =	ssettag $0x2  }
0x1e2: {  	s0 =	rddreg [dreg:$0x0];
	s2 =	stileid.u32  }
0x1e3: {  	s1 =	rddreg [dreg:$0x1];
	p0 =	sne.s32 s2, $0x0  }
0x1e4: {  	s3 =	rddreg [dreg:$0x2];
	[bflag:$0x3] =	sbarrier.arrive $0xFFFF;
	s2 =	simm.s32 @!p0 $0x1C05  }
0x1e5: {  	[timem:s3], [sflag:s2] =	dma.local @!p0 [hbm:s0], s1  }
0x1e6: {  	s0 =	simm.s32 @!p0 $0x5  }
0x1e7: {  	_ =	swait.ge @!p0 [sflag:s0], s1  }
0x1e8: {  	s1 =	ssub.s32 @!p0 $0x0, s1;
	[sflag:s0] =	ssyncset.done @!p0 $0x0  }
0x1e9: {  	[sflag:s0] =	ssyncadd.s32 @!p0 s1  }
0x1ea: {  	[bflag:$0x3] =	sbarrier.arrive $0xFFFF  }
0x1eb: {  	_ =	shalt  }

// kernel: kernel.8.cloned.1.call-start
scs
__scs_entry_jumppad:
0x0: {  	(pc) =	sbr.rel $0x88, $3  }
0x1: {  	(tag) =	ssettag $0x0;
	lr =	simm.s32 $0x1  }
0x2: {  	[smem:$0x3F9D] =	sst lr;
	_ =	strace $0xD0000000  }
0x3: {  	_ = 	snop  }
0x4: {  	_ = 	snop  }
0x5: {  	_ = 	snop  }
0x6: {  	_ = 	snop  }
0x7: {  	_ = 	snop  }
__scs_overlays_trampoline_lowered:
0x8: {  	[smem:$0x3FAC] =	sst s0  }
0x9: {  	[smem:$0x3FAD] =	sst s1  }
0xa: {  	[smem:$0x3FAE] =	sst s2  }
0xb: {  	[smem:$0x3FAF] =	sst s3  }
0xc: {  	[smem:$0x3FB0] =	sst s4  }
0xd: {  	[smem:$0x3FB1] =	sst s5  }
0xe: {  	[smem:$0x3FB2] =	sst s6  }
0xf: {  	[smem:$0x3FB3] =	sst s7  }
0x10: {  	[smem:$0x3FB4] =	sst s8  }
0x11: {  	[smem:$0x3FB5] =	sst s9;
	s0 =	simm.s32 @!p0 $0x0  }
0x12: {  	s1 =	sld [smem:$0x3F9B];
	s0 =	simm.s32 @p0 $0x1  }
0x13: {  	[smem:$0x3FB6] =	sst s0;
	s0 =	simm.s32 @!p1 $0x0  }
0x14: {  	s2 =	sld [smem:$0x3F9A];
	s0 =	simm.s32 @p1 $0x1  }
0x15: {  	[smem:$0x3FB7] =	sst s0;
	s0 =	simm.s32 @!p2 $0x0  }
0x16: {  	s3 =	sld [smem:$0x3FDB];
	s0 =	simm.s32 @p2 $0x1  }
0x17: {  	s4 =	simm.s32 $0x1BF5;
	[smem:$0x3FB9] =	sst s0  }
0x18: {  	s0 =	sld [smem:$0x3F9C];
	_ =	swait.ge [sflag:s4], $0x0  }
0x19: {  	s7 =	sld [smem:$0x3F9D]  }
0x1a: {  	s8 =	sadd.s32 $0xFFFFE003, lr  }
0x1b: {  	s9 =	sadd.s32 $0xFFFFFEF7, lr;
	s5 =	simm.s32 $0xFFFFFFFF;
	p2 =	slt.u32 s8, $0xFFFFF086  }
0x1c: {  	p1 =	slt.u32 s9, $0xF7A;
	s5 =	simm.s32 @!p2 $0x0  }
0x1d: {  	s5 =	simm.s32 @p1 $0x1;
	p0 =	seq.s32 s7, s2  }
0x1e: {  	s7 =	smul.u32 @!p0 $0xF7A, s2;
	p2 =	seq.s32 @!p0 s5, $0x0  }
0x1f: {  	s9 =	smul.u32 $0xF7A, s1;
	s8 =	simm.s32 @!p0 $0x1BF5;
	p2 =	por !p2, p0  }
0x20: {  	[sflag:s8] =	ssyncset.s32 @!p0 $0xFFFFF086;
	s6 =	sadd.s32 @!p0 s3, s7;
	s7 =	simm.s32 @!p0 $0x108  }
0x21: {  	s3 =	sadd.s32 s3, s9;
	s6 =	sadd.s32 @!p0 $0x88, s6;
	s7 =	simm.s32 @p2 $0x1082  }
0x22: {  	[simem:s7], [sflag:s8] =	dma.local @!p0 [hbm:s6], $0xF7A  }
0x23: {  	s9 =	sor.u32 $0xD0000000, s2;
	s6 =	simm.s32 $0x108;
	_ =	swait.ge @!p0 [sflag:s8], $0x0  }
0x24: {  	s3 =	sadd.s32 $0x88, s3;
	s6 =	simm.s32 @!p1 $0x1082;
	[sflag:s4] =	ssyncset.s32 $0xFFFFF086  }
0x25: {  	[simem:s6], [sflag:s4] =	dma.local [hbm:s3], $0xF7A  }
0x26: {  	[smem:$0x3F9D] =	sst s1;
	(tag) =	ssettag s2;
	_ =	strace s9  }
0x27: {  	s1 =	sld [smem:$0x3FAD]  }
0x28: {  	s2 =	sld [smem:$0x3FAE]  }
0x29: {  	s4 =	sld [smem:$0x3FB0]  }
0x2a: {  	p0 =	seq.s32 s5, $0x0;
	s5 =	sld [smem:$0x3FB1]  }
0x2b: {  	s6 =	sld [smem:$0x3FB2]  }
0x2c: {  	s7 =	sld [smem:$0x3FB3]  }
0x2d: {  	s3 =	simm.s32 $0x108;
	s8 =	sld [smem:$0x3FB4]  }
0x2e: {  	s3 =	simm.s32 @!p0 $0x1082;
	s9 =	sld [smem:$0x3FB5]  }
0x2f: {  	lr =	sadd.s32 s0, s3;
	s0 =	sld [smem:$0x3FAC]  }
0x30: {  	s3 =	sld [smem:$0x3FAF]  }
0x31: {  	[smem:$0x3FB8] =	sst s10  }
0x32: {  	s10 =	sld [smem:$0x3FB6];
	_ =	sdelay $0x3  }
0x33: {  	p0 =	seq.s32 s10, $0x1;
	s10 =	sld [smem:$0x3FB8];
	_ =	sdelay $0x3  }
0x34: {  	[smem:$0x3FB8] =	sst s10  }
0x35: {  	s10 =	sld [smem:$0x3FB7];
	_ =	sdelay $0x3  }
0x36: {  	p1 =	seq.s32 s10, $0x1;
	s10 =	sld [smem:$0x3FB8];
	_ =	sdelay $0x3  }
0x37: {  	[smem:$0x3FB8] =	sst s10  }
0x38: {  	s10 =	sld [smem:$0x3FB9]  }
0x39: {  	_ = 	snop;
	(pc) =	sbr.ind lr, $3  }
0x3a: {  	_ = 	snop  }
0x3b: {  	_ = 	snop  }
0x3c: {  	p2 =	seq.s32 s10, $0x1;
	s10 =	sld [smem:$0x3FB8]  }
0x3d: {  	_ =	shalt  }
0x3e: {  	_ =	shalt  }
0x3f: {  	_ =	shalt  }
0x40: {  	_ =	shalt  }
0x41: {  	_ =	shalt  }
0x42: {  	_ =	shalt  }
0x43: {  	_ =	shalt  }
0x44: {  	_ =	shalt  }
0x45: {  	_ =	shalt  }
0x46: {  	_ =	shalt  }
0x47: {  	_ =	shalt  }
0x48: {  	_ =	shalt  }
0x49: {  	_ =	shalt  }
0x4a: {  	_ =	shalt  }
0x4b: {  	_ =	shalt  }
0x4c: {  	_ =	shalt  }
0x4d: {  	_ =	shalt  }
0x4e: {  	_ =	shalt  }
0x4f: {  	_ =	shalt  }
0x50: {  	_ =	shalt  }
0x51: {  	_ =	shalt  }
0x52: {  	_ =	shalt  }
0x53: {  	_ =	shalt  }
0x54: {  	_ =	shalt  }
0x55: {  	_ =	shalt  }
0x56: {  	_ =	shalt  }
0x57: {  	_ =	shalt  }
0x58: {  	_ =	shalt  }
0x59: {  	_ =	shalt  }
0x5a: {  	_ =	shalt  }
0x5b: {  	_ =	shalt  }
0x5c: {  	_ =	shalt  }
0x5d: {  	_ =	shalt  }
0x5e: {  	_ =	shalt  }
0x5f: {  	_ =	shalt  }
0x60: {  	_ =	shalt  }
0x61: {  	_ =	shalt  }
0x62: {  	_ =	shalt  }
0x63: {  	_ =	shalt  }
0x64: {  	_ =	shalt  }
0x65: {  	_ =	shalt  }
0x66: {  	_ =	shalt  }
0x67: {  	_ =	shalt  }
0x68: {  	_ =	shalt  }
0x69: {  	_ =	shalt  }
0x6a: {  	_ =	shalt  }
0x6b: {  	_ =	shalt  }
0x6c: {  	_ =	shalt  }
0x6d: {  	_ =	shalt  }
0x6e: {  	_ =	shalt  }
0x6f: {  	_ =	shalt  }
0x70: {  	_ =	shalt  }
0x71: {  	_ =	shalt  }
0x72: {  	_ =	shalt  }
0x73: {  	_ =	shalt  }
0x74: {  	_ =	shalt  }
0x75: {  	_ =	shalt  }
0x76: {  	_ =	shalt  }
0x77: {  	_ =	shalt  }
0x78: {  	_ =	shalt  }
0x79: {  	_ =	shalt  }
0x7a: {  	_ =	shalt  }
0x7b: {  	_ =	shalt  }
0x7c: {  	_ =	shalt  }
0x7d: {  	_ =	shalt  }
0x7e: {  	_ =	shalt  }
0x7f: {  	_ =	shalt  }
0x80: {  	_ =	shalt  }
0x81: {  	_ =	shalt  }
0x82: {  	_ =	shalt  }
0x83: {  	_ =	shalt  }
0x84: {  	_ =	shalt  }
0x85: {  	_ =	shalt  }
0x86: {  	_ =	shalt  }
0x87: {  	_ =	shalt  }
.Lfunc_end0:
.L_simem_size_0:
called_computation.2_lowered:
.L_overlay_start_0:
0x88: {  	s2 =	sld [smem:$0x3FD9]  }
0x89: {  	s3 =	sld [smem:$0x3FFE];
	_ =	sdelay $0x1  }
0x8a: {  	s1 =	srdreg.scid  }
0x8b: {  	s0 =	sand.u32 $0x1, s1  }
0x8c: {  	s14 =	sshll.u32 s0, $0xA;
	s2 =	sadd.s32 s3, s2  }
0x8d: {  	s2 =	sadd.s32 s2, s14  }
0x8e: {  	[smem:$0x3FC4] =	sst s2  }
0x8f: {  	_ = 	snop  }
0x90: {  	s2 =	sld [smem:$0x3FD0];
	_ =	sdelay $0x2  }
0x91: {  	s4 =	simm.s32 $0xB;
	s5 =	simm.s32 $0x10;
	s15 =	sld [smem:$0x3FC7]  }
0x92: {  	[smem:s5], [sflag:s4] =	dma.local [hbm:s2], $0x1  }
0x93: {  	_ =	swait.eq [sflag:s4], $0x1  }
0x94: {  	[sflag:s4] =	ssyncset.done $0x0  }
0x95: {  	[sflag:s4] =	ssyncadd.s32 $0xFFFFFFFF  }
0x96: {  	s16 =	sld [smem:$0x10];
	(tm) =	ssettm $0x1  }
0x97: {  	s17 =	sld [smem:$0x3FFB];
	_ =	sdelay $0x3  }
0x98: {  	_ =	strace s17  }
0x99: {  	s4 =	sld [smem:$0x3FFC];
	_ =	sdelay $0x3  }
0x9a: {  	_ =	strace s4  }
0x9b: {  	s4 =	sld [smem:$0x3FFD];
	_ =	sdelay $0x3  }
0x9c: {  	_ =	strace s4  }
0x9d: {  	_ =	strace $0x8FFFFFFF  }
0x9e: {  	s18 =	sld [smem:$0x3FDB];
	_ =	sdelay $0x1  }
0x9f: {  	s19 =	simm.s32 $_scs_section_size  }
0xa0: {  	s6 =	simm.s32 $_size__tile_overlayer_lowered;
	s7 =	simm.s32 $_tile_overlayer_lowered  }
0xa1: {  	s22 =	simm.s32 $0x1BFF;
	s21 =	sshll.u32 s7, $0x1;
	s4 =	sadd.s32 s19, s18  }
0xa2: {  	s8 =	simm.s32 $0x0;
	s20 =	sshll.u32 s6, $0x1;
	s6 =	sadd.s32 s21, s4  }
0xa3: {  	[timem:s8], [sflag:s22] =	dma.local [hbm:s6], s20  }
0xa4: {  	_ =	swait.ge [sflag:s22], s20  }
0xa5: {  	s5 =	ssub.s32 $0x0, s20;
	[sflag:s22] =	ssyncset.done $0x0  }
0xa6: {  	[sflag:s22] =	ssyncadd.s32 s5;
	_ =	sdelay $0x1  }
0xa7: {  	s23 =	simm.s32 $0x1B8B  }
0xa8: {  	_ =	swait.ge [sflag:s23], $0x1  }
0xa9: {  	[sflag:s23] =	ssyncset.done $0x0  }
0xaa: {  	s25 =	simm.s32 $0x1B8E;
	s24 =	sld [smem:$0x3FFE];
	[sflag:s23] =	ssyncadd.s32 $0xFFFFFFFF  }
0xab: {  	s26 =	simm.s32 $execute0_lowered;
	[smem:$0x3FD2] =	sst s25  }
0xac: {  	s6 =	sshll.u32 s26, $0x1;
	_ =	strace $0x80000046;
	[dreg:$0x1] =	wrdreg $0xFFFFFFFF  }
0xad: {  	s28 =	simm.s32 $_size_execute0_lowered;
	s4 =	sadd.s32 s4, s6;
	[dreg:$0x0] =	wrdreg $0x0  }
0xae: {  	s6 =	sshll.u32 s28, $0x1;
	[dreg:$0x2] =	wrdreg s4  }
0xaf: {  	[dreg:$0x3] =	wrdreg s6  }
0xb0: {  	[dreg:$0x4] =	wrdreg $0xC0  }
0xb1: {  	_ =	task [dreg:s8], $0x5FFFF  }
0xb2: {  	[dreg:$0x1] =	wrdreg $0xFFFFFFFF  }
0xb3: {  	[dreg:$0x0] =	wrdreg $0x60  }
0xb4: {  	[dreg:$0x2] =	wrdreg s16  }
0xb5: {  	[dreg:$0x3] =	wrdreg s15  }
0xb6: {  	[dreg:$0x4] =	wrdreg s24  }
0xb7: {  	[dreg:$0x5] =	wrdreg $0x9  }
0xb8: {  	_ =	task.clear_ibuf [dreg:s8], $0x6FFFF;
	_ =	strace $0x90000046  }
0xb9: {  	s29 =	simm.s32 $0x9;
	_ =	strace $0x80000048  }
0xba: {  	_ =	swait.ge [sflag:s29], $0x1  }
0xbb: {  	[sflag:s29] =	ssyncadd.s32 $0xFFFFFFFF  }
0xbc: {  	_ =	strace $0x90000048  }
0xbd: {  	_ =	sfence  }
0xbe: {  	s30 =	sld [smem:$0x0];
	_ =	sdelay $0x2  }
0xbf: {  	s31 =	sshll.u32 s1, $0xD;
	s1 =	sshrl.u32 s1, $0x2  }
0xc0: {  	s3 =	sand.u32 $0x4000, s31;
	s1 =	sadd.s32 s1, s30  }
0xc1: {  	s0 =	sor.u32 s3, s0;
	s1 =	sshll.u32 s1, $0x11  }
0xc2: {  	s0 =	sor.u32 s1, s0  }
0xc3: {  	s0 =	sadd.s32 $0x8F2B, s0  }
0xc4: {  	[sflag:s0] =	ssyncadd.remote.s32 $0x1  }
0xc5: {  	_ =	sfence.sel $0xFFFF  }
0xc6: {  	[dreg:$0x0] =	wrdreg $0xFFFFFFFF;
	(pc) =	sbr.abs _section_cstart, $3  }
0xc7: {  	[dreg:$0x1] =	wrdreg $0xFFFFFFFF  }
0xc8: {  	_ =	task.clear_ibuf [dreg:s8], $0x2FFFF;
	_ =	strace $0x9FFFFFFF  }
0xc9: {  	(tm) =	ssettm $0x7FFFFFFF  }
tec
execute0_lowered:
.L_overlay_start_1:
0x0: {  	(tag) =	ssettag $0x1  }
0x1: {  	s0 =	rddreg [dreg:$0x0]  }
0x2: {  	s1 =	srdreg.scid;
	s2 =	rddreg [dreg:$0x1]  }
0x3: {  	s3 =	stileid.u32;
	s4 =	rddreg [dreg:$0x2];
	s13 =	simm.s32 $0x2  }
0x4: {  	s14 =	simm.s32 $0x3;
	s15 =	simm.s32 $0x4;
	s17 =	simm.s32 $0xA00  }
0x5: {  	s18 =	simm.s32 $0x1200;
	s19 =	simm.s32 $0x1A00;
	s20 =	simm.s32 $0x2200  }
0x6: {  	s21 =	simm.s32 $0x2A00;
	s28 =	simm.s32 $0x4A00;
	s29 =	simm.s32 $0x5200  }
0x7: {  	s30 =	simm.s32 $0x5A00;
	s31 =	simm.s32 $0x6200;
	s7 =	simm.s32 $0x7A00  }
0x8: {  	s8 =	simm.s32 $0x8A00;
	s9 =	simm.s32 $0x9200;
	s10 =	simm.s32 $0x9A00  }
0x9: {  	s11 =	simm.s32 $0xA200;
	s12 =	simm.s32 $0xAA00;
	s1 =	sand.u32 $0x1, s1  }
0xa: {  	s5 =	sshll.u32 s3, $0xA;
	s3 =	simm.s32 $0x0;
	s6 =	sshll.u32 s1, $0x9  }
0xb: {  	[smem:$0x7FF] =	sst s3;
	s1 =	ssub.s32 $0x2, s1;
	s5 =	sor.u32 s6, s5  }
0xc: {  	_ =	strace $0x80000047;
	s6 =	sshll.u32 s5, $0x5;
	s5 =	sshrl.u32 s5, $0x3  }
0xd: {  	s24 =	sshrl.u32 s1, $0x1;
	s4 =	sadd.s32 s6, s4;
	s0 =	sadd.s32 s0, s5  }
0xe: {  	s1 =	ssub.s32 s1, s24;
	[dreg:$0x4] =	wrdreg s0;
	s22 =	sadd.s32 $0x3A00, s4  }
0xf: {  	s24 =	simm.s32 $0x3200;
	s23 =	sadd.s32 $0x4A00, s4;
	[dreg:$0x5] =	wrdreg s22  }
0x10: {  	s5 =	simm.s32 $0x7200;
	s25 =	sadd.s32 $0x5A00, s4;
	[dreg:$0x6] =	wrdreg s23  }
0x11: {  	v2 =	vlaneseq.u32;
	s26 =	sadd.s32 $0x6A00, s4;
	s4 =	smax.u32 s1, $0x1;
	[dreg:$0x7] =	wrdreg s25  }
0x12: {  	vm0 =	vmmov $0xffff;
	v1 =	vshrl.u32 v2, $0x3;
	s1 =	simm.s32 $0x6A00;
	[dreg:$0x8] =	wrdreg s26;
	s23 =	simm.s32 $0x200  }
0x13: {  	v0 =	vand.u32 $0x7, v2;
	v2 =	vor.u32 $0x8, v2;
	v1 =	vmul.u32 $0x8, v1;
	s25 =	simm.s32 $0x3A00;
	s26 =	simm.s32 $0x4200;
	s22 =	simm.s32 $0x8200  }
.LBB2_1:
0x14: {  	s16 =	rddreg [dreg:$0x4];
	s0 =	simm.s32 $0x5  }
0x15: {  	[tilespmem:s3], [sflag:$0x5] =	stream.linear.gather [hbm4b:s16+s3], $0x200, $0x38;
	[tilespmem:$0x10200] =	vst v63  }
0x16: {  	_ =	swait.ge [sflag:s0], $0x200  }
0x17: {  	[sflag:s0] =	ssyncset.done $0x0  }
0x18: {  	[sflag:s0] =	ssyncadd.s32 $0xFFFFFE00  }
0x19: {  	v3 =	vld [tilespmem:$0x0];
	_ =	sdelay $0x4  }
0x1a: {  	v4 =	vshll.u32 v3, $0x1  }
0x1b: {  	v3 =	vand.u32 $0x7, v3;
	v4 =	vand.u32 $0xFFFFFFF0, v4  }
0x1c: {  	v3 =	vor.u32 v3, v4  }
0x1d: {  	v4 =	vperm.xlane v3, v0;
	_ =	sdelay $0x1  }
0x1e: {  	v3 =	vperm.xlane v3, v2;
	v4 =	vadd.s32 v1, v4;
	_ =	sdelay $0x1  }
0x1f: {  	v3 =	vadd.s32 v1, v3;
	_ =	sdelay $0x2  }
0x20: {  	[tilespmem:s23], [sflag:$0x1] =	stream.indirect_vreg.gather [hbm4b:s2+s3], $0x80, v4, vm0, $0xb8;
	[tilespmem:$0x10200] =	vst v63  }
0x21: {  	_ = 	snop  }
0x22: {  	[tilespmem:s17], [sflag:$0x1] =	stream.indirect_vreg.gather [hbm4b:s2+s3], $0x80, v3, vm0, $0xb8;
	[tilespmem:$0x10200] =	vst v63  }
0x23: {  	v3 =	vld [tilespmem:$0x10];
	_ =	sdelay $0x4  }
0x24: {  	v33 =	vshll.u32 v3, $0x1  }
0x25: {  	v3 =	vand.u32 $0x7, v3;
	v4 =	vand.u32 $0xFFFFFFF0, v33  }
0x26: {  	v3 =	vor.u32 v3, v4  }
0x27: {  	v4 =	vperm.xlane v3, v0;
	_ =	sdelay $0x1  }
0x28: {  	v3 =	vperm.xlane v3, v2;
	v4 =	vadd.s32 v1, v4;
	_ =	sdelay $0x1  }
0x29: {  	v3 =	vadd.s32 v1, v3;
	_ =	sdelay $0x2  }
0x2a: {  	[tilespmem:s18], [sflag:$0x1] =	stream.indirect_vreg.gather [hbm4b:s2+s3], $0x80, v4, vm0, $0xb8;
	[tilespmem:$0x10200] =	vst v63  }
0x2b: {  	_ = 	snop  }
0x2c: {  	[tilespmem:s19], [sflag:$0x1] =	stream.indirect_vreg.gather [hbm4b:s2+s3], $0x80, v3, vm0, $0xb8;
	[tilespmem:$0x10200] =	vst v63  }
0x2d: {  	v3 =	vld [tilespmem:$0x20];
	_ =	sdelay $0x4  }
0x2e: {  	v34 =	vshll.u32 v3, $0x1  }
0x2f: {  	v3 =	vand.u32 $0x7, v3;
	v4 =	vand.u32 $0xFFFFFFF0, v34  }
0x30: {  	v3 =	vor.u32 v3, v4  }
0x31: {  	v4 =	vperm.xlane v3, v0;
	_ =	sdelay $0x1  }
0x32: {  	v3 =	vperm.xlane v3, v2;
	v4 =	vadd.s32 v1, v4;
	_ =	sdelay $0x1  }
0x33: {  	v3 =	vadd.s32 v1, v3;
	_ =	sdelay $0x2  }
0x34: {  	[tilespmem:s20], [sflag:$0x1] =	stream.indirect_vreg.gather [hbm4b:s2+s3], $0x80, v4, vm0, $0xb8;
	[tilespmem:$0x10200] =	vst v63  }
0x35: {  	_ = 	snop  }
0x36: {  	[tilespmem:s21], [sflag:$0x1] =	stream.indirect_vreg.gather [hbm4b:s2+s3], $0x80, v3, vm0, $0xb8;
	[tilespmem:$0x10200] =	vst v63  }
0x37: {  	v3 =	vld [tilespmem:$0x30];
	_ =	sdelay $0x4  }
0x38: {  	v35 =	vshll.u32 v3, $0x1  }
0x39: {  	v3 =	vand.u32 $0x7, v3;
	v4 =	vand.u32 $0xFFFFFFF0, v35  }
0x3a: {  	v3 =	vor.u32 v3, v4  }
0x3b: {  	v4 =	vperm.xlane v3, v0;
	_ =	sdelay $0x1  }
0x3c: {  	v3 =	vperm.xlane v3, v2;
	v4 =	vadd.s32 v1, v4;
	_ =	sdelay $0x1  }
0x3d: {  	v3 =	vadd.s32 v1, v3;
	_ =	sdelay $0x2  }
0x3e: {  	[tilespmem:s24], [sflag:$0x1] =	stream.indirect_vreg.gather [hbm4b:s2+s3], $0x80, v4, vm0, $0xb8;
	[tilespmem:$0x10200] =	vst v63  }
0x3f: {  	_ = 	snop  }
0x40: {  	[tilespmem:s25], [sflag:$0x1] =	stream.indirect_vreg.gather [hbm4b:s2+s3], $0x80, v3, vm0, $0xb8;
	[tilespmem:$0x10200] =	vst v63  }
0x41: {  	v3 =	vld [tilespmem:$0x40];
	_ =	sdelay $0x4  }
0x42: {  	v36 =	vshll.u32 v3, $0x1  }
0x43: {  	v3 =	vand.u32 $0x7, v3;
	v4 =	vand.u32 $0xFFFFFFF0, v36  }
0x44: {  	v3 =	vor.u32 v3, v4  }
0x45: {  	v4 =	vperm.xlane v3, v0;
	_ =	sdelay $0x1  }
0x46: {  	v3 =	vperm.xlane v3, v2;
	v4 =	vadd.s32 v1, v4;
	_ =	sdelay $0x1  }
0x47: {  	v3 =	vadd.s32 v1, v3;
	_ =	sdelay $0x2  }
0x48: {  	[tilespmem:s26], [sflag:$0x1] =	stream.indirect_vreg.gather [hbm4b:s2+s3], $0x80, v4, vm0, $0xb8;
	[tilespmem:$0x10200] =	vst v63  }
0x49: {  	_ = 	snop  }
0x4a: {  	[tilespmem:s28], [sflag:$0x1] =	stream.indirect_vreg.gather [hbm4b:s2+s3], $0x80, v3, vm0, $0xb8;
	[tilespmem:$0x10200] =	vst v63  }
0x4b: {  	v3 =	vld [tilespmem:$0x50];
	_ =	sdelay $0x4  }
0x4c: {  	v37 =	vshll.u32 v3, $0x1  }
0x4d: {  	v3 =	vand.u32 $0x7, v3;
	v4 =	vand.u32 $0xFFFFFFF0, v37  }
0x4e: {  	v3 =	vor.u32 v3, v4  }
0x4f: {  	v4 =	vperm.xlane v3, v0;
	_ =	sdelay $0x1  }
0x50: {  	v3 =	vperm.xlane v3, v2;
	v4 =	vadd.s32 v1, v4;
	_ =	sdelay $0x1  }
0x51: {  	v3 =	vadd.s32 v1, v3;
	_ =	sdelay $0x2  }
0x52: {  	[tilespmem:s29], [sflag:$0x1] =	stream.indirect_vreg.gather [hbm4b:s2+s3], $0x80, v4, vm0, $0xb8;
	[tilespmem:$0x10200] =	vst v63  }
0x53: {  	_ = 	snop  }
0x54: {  	[tilespmem:s30], [sflag:$0x1] =	stream.indirect_vreg.gather [hbm4b:s2+s3], $0x80, v3, vm0, $0xb8;
	[tilespmem:$0x10200] =	vst v63  }
0x55: {  	v3 =	vld [tilespmem:$0x60];
	_ =	sdelay $0x4  }
0x56: {  	v38 =	vshll.u32 v3, $0x1  }
0x57: {  	v3 =	vand.u32 $0x7, v3;
	v4 =	vand.u32 $0xFFFFFFF0, v38  }
0x58: {  	v3 =	vor.u32 v3, v4  }
0x59: {  	v4 =	vperm.xlane v3, v0;
	_ =	sdelay $0x1  }
0x5a: {  	v3 =	vperm.xlane v3, v2;
	v4 =	vadd.s32 v1, v4;
	_ =	sdelay $0x1  }
0x5b: {  	v3 =	vadd.s32 v1, v3;
	_ =	sdelay $0x2  }
0x5c: {  	[tilespmem:s31], [sflag:$0x1] =	stream.indirect_vreg.gather [hbm4b:s2+s3], $0x80, v4, vm0, $0xb8;
	[tilespmem:$0x10200] =	vst v63  }
0x5d: {  	_ = 	snop  }
0x5e: {  	[tilespmem:s1], [sflag:$0x1] =	stream.indirect_vreg.gather [hbm4b:s2+s3], $0x80, v3, vm0, $0xb8;
	[tilespmem:$0x10200] =	vst v63  }
0x5f: {  	v3 =	vld [tilespmem:$0x70];
	_ =	sdelay $0x4  }
0x60: {  	v39 =	vshll.u32 v3, $0x1  }
0x61: {  	v3 =	vand.u32 $0x7, v3;
	v4 =	vand.u32 $0xFFFFFFF0, v39  }
0x62: {  	v3 =	vor.u32 v3, v4  }
0x63: {  	v4 =	vperm.xlane v3, v0;
	_ =	sdelay $0x1  }
0x64: {  	v3 =	vperm.xlane v3, v2;
	v4 =	vadd.s32 v1, v4;
	_ =	sdelay $0x1  }
0x65: {  	v3 =	vadd.s32 v1, v3;
	_ =	sdelay $0x2  }
0x66: {  	[tilespmem:s5], [sflag:$0x1] =	stream.indirect_vreg.gather [hbm4b:s2+s3], $0x80, v4, vm0, $0xb8;
	[tilespmem:$0x10200] =	vst v63  }
0x67: {  	s0 =	simm.s32 $0x1  }
0x68: {  	[tilespmem:s7], [sflag:$0x1] =	stream.indirect_vreg.gather [hbm4b:s2+s3], $0x80, v3, vm0, $0xb8;
	[tilespmem:$0x10200] =	vst v63  }
0x69: {  	_ =	swait.ge [sflag:s0], $0x8000  }
0x6a: {  	[sflag:s0] =	ssyncset.done $0x0  }
0x6b: {  	s6 =	rddreg [dreg:$0x5];
	[sflag:s0] =	ssyncadd.s32 $0xFFFF8000  }
0x6c: {  	[hbm4b:s6+s3] =	stream.linear.scatter [tilespmem:s23], [sflag:$0x3], $0x8000, $0x38;
	[tilespmem:$0x10200] =	vst v63  }
0x6d: {  	v3 =	vld [tilespmem:$0x80];
	_ =	sdelay $0x4  }
0x6e: {  	v40 =	vshll.u32 v3, $0x1  }
0x6f: {  	v3 =	vand.u32 $0x7, v3;
	v4 =	vand.u32 $0xFFFFFFF0, v40  }
0x70: {  	v3 =	vor.u32 v3, v4  }
0x71: {  	v4 =	vperm.xlane v3, v0;
	_ =	sdelay $0x1  }
0x72: {  	v3 =	vperm.xlane v3, v2;
	v4 =	vadd.s32 v1, v4;
	_ =	sdelay $0x1  }
0x73: {  	v3 =	vadd.s32 v1, v3;
	_ =	sdelay $0x2  }
0x74: {  	[tilespmem:s22], [sflag:$0x2] =	stream.indirect_vreg.gather [hbm4b:s2+s3], $0x80, v4, vm0, $0xb8;
	[tilespmem:$0x10200] =	vst v63  }
0x75: {  	_ = 	snop  }
0x76: {  	[tilespmem:s8], [sflag:$0x2] =	stream.indirect_vreg.gather [hbm4b:s2+s3], $0x80, v3, vm0, $0xb8;
	[tilespmem:$0x10200] =	vst v63  }
0x77: {  	v3 =	vld [tilespmem:$0x90];
	_ =	sdelay $0x4  }
0x78: {  	v41 =	vshll.u32 v3, $0x1  }
0x79: {  	v3 =	vand.u32 $0x7, v3;
	v4 =	vand.u32 $0xFFFFFFF0, v41  }
0x7a: {  	v3 =	vor.u32 v3, v4  }
0x7b: {  	v4 =	vperm.xlane v3, v0;
	_ =	sdelay $0x1  }
0x7c: {  	v3 =	vperm.xlane v3, v2;
	v4 =	vadd.s32 v1, v4;
	_ =	sdelay $0x1  }
0x7d: {  	v3 =	vadd.s32 v1, v3;
	_ =	sdelay $0x2  }
0x7e: {  	[tilespmem:s9], [sflag:$0x2] =	stream.indirect_vreg.gather [hbm4b:s2+s3], $0x80, v4, vm0, $0xb8;
	[tilespmem:$0x10200] =	vst v63  }
0x7f: {  	_ = 	snop  }
0x80: {  	[tilespmem:s10], [sflag:$0x2] =	stream.indirect_vreg.gather [hbm4b:s2+s3], $0x80, v3, vm0, $0xb8;
	[tilespmem:$0x10200] =	vst v63  }
0x81: {  	v3 =	vld [tilespmem:$0xA0];
	_ =	sdelay $0x4  }
0x82: {  	v42 =	vshll.u32 v3, $0x1  }
0x83: {  	v3 =	vand.u32 $0x7, v3;
	v4 =	vand.u32 $0xFFFFFFF0, v42  }
0x84: {  	v3 =	vor.u32 v3, v4  }
0x85: {  	v4 =	vperm.xlane v3, v0;
	_ =	sdelay $0x1  }
0x86: {  	v3 =	vperm.xlane v3, v2;
	v4 =	vadd.s32 v1, v4;
	_ =	sdelay $0x1  }
0x87: {  	v3 =	vadd.s32 v1, v3;
	_ =	sdelay $0x2  }
0x88: {  	[tilespmem:s11], [sflag:$0x2] =	stream.indirect_vreg.gather [hbm4b:s2+s3], $0x80, v4, vm0, $0xb8;
	[tilespmem:$0x10200] =	vst v63  }
0x89: {  	_ = 	snop  }
0x8a: {  	[tilespmem:s12], [sflag:$0x2] =	stream.indirect_vreg.gather [hbm4b:s2+s3], $0x80, v3, vm0, $0xb8;
	[tilespmem:$0x10200] =	vst v63  }
0x8b: {  	v3 =	vld [tilespmem:$0xB0];
	_ =	sdelay $0x4  }
0x8c: {  	v43 =	vshll.u32 v3, $0x1  }
0x8d: {  	v3 =	vand.u32 $0x7, v3;
	v4 =	vand.u32 $0xFFFFFFF0, v43  }
0x8e: {  	v3 =	vor.u32 v3, v4  }
0x8f: {  	v4 =	vperm.xlane v3, v0;
	_ =	sdelay $0x1  }
0x90: {  	v3 =	vperm.xlane v3, v2;
	v4 =	vadd.s32 v1, v4;
	_ =	sdelay $0x1  }
0x91: {  	v3 =	vadd.s32 v1, v3;
	_ =	sdelay $0x1  }
0x92: {  	s6 =	simm.s32 $0xB200  }
0x93: {  	[tilespmem:s6], [sflag:$0x2] =	stream.indirect_vreg.gather [hbm4b:s2+s3], $0x80, v4, vm0, $0xb8;
	[tilespmem:$0x10200] =	vst v63  }
0x94: {  	s6 =	simm.s32 $0xBA00  }
0x95: {  	[tilespmem:s6], [sflag:$0x2] =	stream.indirect_vreg.gather [hbm4b:s2+s3], $0x80, v3, vm0, $0xb8;
	[tilespmem:$0x10200] =	vst v63  }
0x96: {  	v3 =	vld [tilespmem:$0xC0];
	_ =	sdelay $0x4  }
0x97: {  	v44 =	vshll.u32 v3, $0x1  }
0x98: {  	v3 =	vand.u32 $0x7, v3;
	v4 =	vand.u32 $0xFFFFFFF0, v44  }
0x99: {  	v3 =	vor.u32 v3, v4  }
0x9a: {  	v4 =	vperm.xlane v3, v0;
	_ =	sdelay $0x1  }
0x9b: {  	v3 =	vperm.xlane v3, v2;
	v4 =	vadd.s32 v1, v4;
	_ =	sdelay $0x1  }
0x9c: {  	v3 =	vadd.s32 v1, v3;
	_ =	sdelay $0x1  }
0x9d: {  	s16 =	simm.s32 $0xC200  }
0x9e: {  	[tilespmem:s16], [sflag:$0x2] =	stream.indirect_vreg.gather [hbm4b:s2+s3], $0x80, v4, vm0, $0xb8;
	[tilespmem:$0x10200] =	vst v63  }
0x9f: {  	s16 =	simm.s32 $0xCA00  }
0xa0: {  	[tilespmem:s16], [sflag:$0x2] =	stream.indirect_vreg.gather [hbm4b:s2+s3], $0x80, v3, vm0, $0xb8;
	[tilespmem:$0x10200] =	vst v63  }
0xa1: {  	v3 =	vld [tilespmem:$0xD0];
	_ =	sdelay $0x4  }
0xa2: {  	v45 =	vshll.u32 v3, $0x1  }
0xa3: {  	v3 =	vand.u32 $0x7, v3;
	v4 =	vand.u32 $0xFFFFFFF0, v45  }
0xa4: {  	v3 =	vor.u32 v3, v4  }
0xa5: {  	v4 =	vperm.xlane v3, v0;
	_ =	sdelay $0x1  }
0xa6: {  	v3 =	vperm.xlane v3, v2;
	v4 =	vadd.s32 v1, v4;
	_ =	sdelay $0x1  }
0xa7: {  	v3 =	vadd.s32 v1, v3;
	_ =	sdelay $0x1  }
0xa8: {  	s16 =	simm.s32 $0xD200  }
0xa9: {  	[tilespmem:s16], [sflag:$0x2] =	stream.indirect_vreg.gather [hbm4b:s2+s3], $0x80, v4, vm0, $0xb8;
	[tilespmem:$0x10200] =	vst v63  }
0xaa: {  	s16 =	simm.s32 $0xDA00  }
0xab: {  	[tilespmem:s16], [sflag:$0x2] =	stream.indirect_vreg.gather [hbm4b:s2+s3], $0x80, v3, vm0, $0xb8;
	[tilespmem:$0x10200] =	vst v63  }
0xac: {  	v3 =	vld [tilespmem:$0xE0];
	_ =	sdelay $0x4  }
0xad: {  	v46 =	vshll.u32 v3, $0x1  }
0xae: {  	v3 =	vand.u32 $0x7, v3;
	v4 =	vand.u32 $0xFFFFFFF0, v46  }
0xaf: {  	v3 =	vor.u32 v3, v4  }
0xb0: {  	v4 =	vperm.xlane v3, v0;
	_ =	sdelay $0x1  }
0xb1: {  	v3 =	vperm.xlane v3, v2;
	v4 =	vadd.s32 v1, v4;
	_ =	sdelay $0x1  }
0xb2: {  	v3 =	vadd.s32 v1, v3;
	_ =	sdelay $0x1  }
0xb3: {  	s16 =	simm.s32 $0xE200  }
0xb4: {  	[tilespmem:s16], [sflag:$0x2] =	stream.indirect_vreg.gather [hbm4b:s2+s3], $0x80, v4, vm0, $0xb8;
	[tilespmem:$0x10200] =	vst v63  }
0xb5: {  	s16 =	simm.s32 $0xEA00  }
0xb6: {  	[tilespmem:s16], [sflag:$0x2] =	stream.indirect_vreg.gather [hbm4b:s2+s3], $0x80, v3, vm0, $0xb8;
	[tilespmem:$0x10200] =	vst v63  }
0xb7: {  	v3 =	vld [tilespmem:$0xF0];
	_ =	sdelay $0x4  }
0xb8: {  	v47 =	vshll.u32 v3, $0x1  }
0xb9: {  	v3 =	vand.u32 $0x7, v3;
	v4 =	vand.u32 $0xFFFFFFF0, v47  }
0xba: {  	v3 =	vor.u32 v3, v4  }
0xbb: {  	v4 =	vperm.xlane v3, v0;
	_ =	sdelay $0x1  }
0xbc: {  	v3 =	vperm.xlane v3, v2;
	v4 =	vadd.s32 v1, v4;
	_ =	sdelay $0x1  }
0xbd: {  	v3 =	vadd.s32 v1, v3;
	_ =	sdelay $0x1  }
0xbe: {  	s16 =	simm.s32 $0xF200  }
0xbf: {  	[tilespmem:s16], [sflag:$0x2] =	stream.indirect_vreg.gather [hbm4b:s2+s3], $0x80, v4, vm0, $0xb8;
	[tilespmem:$0x10200] =	vst v63  }
0xc0: {  	s16 =	simm.s32 $0xFA00  }
0xc1: {  	[tilespmem:s16], [sflag:$0x2] =	stream.indirect_vreg.gather [hbm4b:s2+s3], $0x80, v3, vm0, $0xb8;
	[tilespmem:$0x10200] =	vst v63  }
0xc2: {  	_ =	swait.ge [sflag:s13], $0x8000  }
0xc3: {  	[sflag:s13] =	ssyncset.done $0x0  }
0xc4: {  	s16 =	rddreg [dreg:$0x6];
	[sflag:s13] =	ssyncadd.s32 $0xFFFF8000  }
0xc5: {  	[hbm4b:s16+s3] =	stream.linear.scatter [tilespmem:s22], [sflag:$0x4], $0x8000, $0x38;
	[tilespmem:$0x10200] =	vst v63  }
0xc6: {  	_ =	swait.ge [sflag:s14], $0x8000  }
0xc7: {  	[sflag:s14] =	ssyncset.done $0x0  }
0xc8: {  	[sflag:s14] =	ssyncadd.s32 $0xFFFF8000  }
0xc9: {  	v3 =	vld [tilespmem:$0x100];
	_ =	sdelay $0x4  }
0xca: {  	v48 =	vshll.u32 v3, $0x1  }
0xcb: {  	v3 =	vand.u32 $0x7, v3;
	v4 =	vand.u32 $0xFFFFFFF0, v48  }
0xcc: {  	v3 =	vor.u32 v3, v4  }
0xcd: {  	v4 =	vperm.xlane v3, v0;
	_ =	sdelay $0x1  }
0xce: {  	v3 =	vperm.xlane v3, v2;
	v4 =	vadd.s32 v1, v4;
	_ =	sdelay $0x1  }
0xcf: {  	v3 =	vadd.s32 v1, v3;
	_ =	sdelay $0x2  }
0xd0: {  	[tilespmem:s23], [sflag:$0x1] =	stream.indirect_vreg.gather [hbm4b:s2+s3], $0x80, v4, vm0, $0xb8;
	[tilespmem:$0x10200] =	vst v63  }
0xd1: {  	_ = 	snop  }
0xd2: {  	[tilespmem:s17], [sflag:$0x1] =	stream.indirect_vreg.gather [hbm4b:s2+s3], $0x80, v3, vm0, $0xb8;
	[tilespmem:$0x10200] =	vst v63  }
0xd3: {  	v3 =	vld [tilespmem:$0x110];
	_ =	sdelay $0x4  }
0xd4: {  	v49 =	vshll.u32 v3, $0x1  }
0xd5: {  	v3 =	vand.u32 $0x7, v3;
	v4 =	vand.u32 $0xFFFFFFF0, v49  }
0xd6: {  	v3 =	vor.u32 v3, v4  }
0xd7: {  	v4 =	vperm.xlane v3, v0;
	_ =	sdelay $0x1  }
0xd8: {  	v3 =	vperm.xlane v3, v2;
	v4 =	vadd.s32 v1, v4;
	_ =	sdelay $0x1  }
0xd9: {  	v3 =	vadd.s32 v1, v3;
	_ =	sdelay $0x2  }
0xda: {  	[tilespmem:s18], [sflag:$0x1] =	stream.indirect_vreg.gather [hbm4b:s2+s3], $0x80, v4, vm0, $0xb8;
	[tilespmem:$0x10200] =	vst v63  }
0xdb: {  	_ = 	snop  }
0xdc: {  	[tilespmem:s19], [sflag:$0x1] =	stream.indirect_vreg.gather [hbm4b:s2+s3], $0x80, v3, vm0, $0xb8;
	[tilespmem:$0x10200] =	vst v63  }
0xdd: {  	v3 =	vld [tilespmem:$0x120];
	_ =	sdelay $0x4  }
0xde: {  	v50 =	vshll.u32 v3, $0x1  }
0xdf: {  	v3 =	vand.u32 $0x7, v3;
	v4 =	vand.u32 $0xFFFFFFF0, v50  }
0xe0: {  	v3 =	vor.u32 v3, v4  }
0xe1: {  	v4 =	vperm.xlane v3, v0;
	_ =	sdelay $0x1  }
0xe2: {  	v3 =	vperm.xlane v3, v2;
	v4 =	vadd.s32 v1, v4;
	_ =	sdelay $0x1  }
0xe3: {  	v3 =	vadd.s32 v1, v3;
	_ =	sdelay $0x2  }
0xe4: {  	[tilespmem:s20], [sflag:$0x1] =	stream.indirect_vreg.gather [hbm4b:s2+s3], $0x80, v4, vm0, $0xb8;
	[tilespmem:$0x10200] =	vst v63  }
0xe5: {  	_ = 	snop  }
0xe6: {  	[tilespmem:s21], [sflag:$0x1] =	stream.indirect_vreg.gather [hbm4b:s2+s3], $0x80, v3, vm0, $0xb8;
	[tilespmem:$0x10200] =	vst v63  }
0xe7: {  	v3 =	vld [tilespmem:$0x130];
	_ =	sdelay $0x4  }
0xe8: {  	v51 =	vshll.u32 v3, $0x1  }
0xe9: {  	v3 =	vand.u32 $0x7, v3;
	v4 =	vand.u32 $0xFFFFFFF0, v51  }
0xea: {  	v3 =	vor.u32 v3, v4  }
0xeb: {  	v4 =	vperm.xlane v3, v0;
	_ =	sdelay $0x1  }
0xec: {  	v3 =	vperm.xlane v3, v2;
	v4 =	vadd.s32 v1, v4;
	_ =	sdelay $0x1  }
0xed: {  	v3 =	vadd.s32 v1, v3;
	_ =	sdelay $0x2  }
0xee: {  	[tilespmem:s24], [sflag:$0x1] =	stream.indirect_vreg.gather [hbm4b:s2+s3], $0x80, v4, vm0, $0xb8;
	[tilespmem:$0x10200] =	vst v63  }
0xef: {  	_ = 	snop  }
0xf0: {  	[tilespmem:s25], [sflag:$0x1] =	stream.indirect_vreg.gather [hbm4b:s2+s3], $0x80, v3, vm0, $0xb8;
	[tilespmem:$0x10200] =	vst v63  }
0xf1: {  	v3 =	vld [tilespmem:$0x140];
	_ =	sdelay $0x4  }
0xf2: {  	v52 =	vshll.u32 v3, $0x1  }
0xf3: {  	v3 =	vand.u32 $0x7, v3;
	v4 =	vand.u32 $0xFFFFFFF0, v52  }
0xf4: {  	v3 =	vor.u32 v3, v4  }
0xf5: {  	v4 =	vperm.xlane v3, v0;
	_ =	sdelay $0x1  }
0xf6: {  	v3 =	vperm.xlane v3, v2;
	v4 =	vadd.s32 v1, v4;
	_ =	sdelay $0x1  }
0xf7: {  	v3 =	vadd.s32 v1, v3;
	_ =	sdelay $0x2  }
0xf8: {  	[tilespmem:s26], [sflag:$0x1] =	stream.indirect_vreg.gather [hbm4b:s2+s3], $0x80, v4, vm0, $0xb8;
	[tilespmem:$0x10200] =	vst v63  }
0xf9: {  	_ = 	snop  }
0xfa: {  	[tilespmem:s28], [sflag:$0x1] =	stream.indirect_vreg.gather [hbm4b:s2+s3], $0x80, v3, vm0, $0xb8;
	[tilespmem:$0x10200] =	vst v63  }
0xfb: {  	v3 =	vld [tilespmem:$0x150];
	_ =	sdelay $0x4  }
0xfc: {  	v53 =	vshll.u32 v3, $0x1  }
0xfd: {  	v3 =	vand.u32 $0x7, v3;
	v4 =	vand.u32 $0xFFFFFFF0, v53  }
0xfe: {  	v3 =	vor.u32 v3, v4  }
0xff: {  	v4 =	vperm.xlane v3, v0;
	_ =	sdelay $0x1  }
0x100: {  	v3 =	vperm.xlane v3, v2;
	v4 =	vadd.s32 v1, v4;
	_ =	sdelay $0x1  }
0x101: {  	v3 =	vadd.s32 v1, v3;
	_ =	sdelay $0x2  }
0x102: {  	[tilespmem:s29], [sflag:$0x1] =	stream.indirect_vreg.gather [hbm4b:s2+s3], $0x80, v4, vm0, $0xb8;
	[tilespmem:$0x10200] =	vst v63  }
0x103: {  	_ = 	snop  }
0x104: {  	[tilespmem:s30], [sflag:$0x1] =	stream.indirect_vreg.gather [hbm4b:s2+s3], $0x80, v3, vm0, $0xb8;
	[tilespmem:$0x10200] =	vst v63  }
0x105: {  	v3 =	vld [tilespmem:$0x160];
	_ =	sdelay $0x4  }
0x106: {  	v54 =	vshll.u32 v3, $0x1  }
0x107: {  	v3 =	vand.u32 $0x7, v3;
	v4 =	vand.u32 $0xFFFFFFF0, v54  }
0x108: {  	v3 =	vor.u32 v3, v4  }
0x109: {  	v4 =	vperm.xlane v3, v0;
	_ =	sdelay $0x1  }
0x10a: {  	v3 =	vperm.xlane v3, v2;
	v4 =	vadd.s32 v1, v4;
	_ =	sdelay $0x1  }
0x10b: {  	v3 =	vadd.s32 v1, v3;
	_ =	sdelay $0x2  }
0x10c: {  	[tilespmem:s31], [sflag:$0x1] =	stream.indirect_vreg.gather [hbm4b:s2+s3], $0x80, v4, vm0, $0xb8;
	[tilespmem:$0x10200] =	vst v63  }
0x10d: {  	_ = 	snop  }
0x10e: {  	[tilespmem:s1], [sflag:$0x1] =	stream.indirect_vreg.gather [hbm4b:s2+s3], $0x80, v3, vm0, $0xb8;
	[tilespmem:$0x10200] =	vst v63  }
0x10f: {  	v3 =	vld [tilespmem:$0x170];
	_ =	sdelay $0x4  }
0x110: {  	v55 =	vshll.u32 v3, $0x1  }
0x111: {  	v3 =	vand.u32 $0x7, v3;
	v4 =	vand.u32 $0xFFFFFFF0, v55  }
0x112: {  	v3 =	vor.u32 v3, v4  }
0x113: {  	v4 =	vperm.xlane v3, v0;
	_ =	sdelay $0x1  }
0x114: {  	v3 =	vperm.xlane v3, v2;
	v4 =	vadd.s32 v1, v4;
	_ =	sdelay $0x1  }
0x115: {  	v3 =	vadd.s32 v1, v3;
	_ =	sdelay $0x2  }
0x116: {  	[tilespmem:s5], [sflag:$0x1] =	stream.indirect_vreg.gather [hbm4b:s2+s3], $0x80, v4, vm0, $0xb8;
	[tilespmem:$0x10200] =	vst v63  }
0x117: {  	_ = 	snop  }
0x118: {  	[tilespmem:s7], [sflag:$0x1] =	stream.indirect_vreg.gather [hbm4b:s2+s3], $0x80, v3, vm0, $0xb8;
	[tilespmem:$0x10200] =	vst v63  }
0x119: {  	_ =	swait.ge [sflag:s0], $0x8000  }
0x11a: {  	[sflag:s0] =	ssyncset.done $0x0  }
0x11b: {  	s16 =	rddreg [dreg:$0x7];
	[sflag:s0] =	ssyncadd.s32 $0xFFFF8000  }
0x11c: {  	[hbm4b:s16+s3] =	stream.linear.scatter [tilespmem:s23], [sflag:$0x3], $0x8000, $0x38;
	[tilespmem:$0x10200] =	vst v63  }
0x11d: {  	_ =	swait.ge [sflag:s15], $0x8000  }
0x11e: {  	[sflag:s15] =	ssyncset.done $0x0  }
0x11f: {  	[sflag:s15] =	ssyncadd.s32 $0xFFFF8000  }
0x120: {  	v3 =	vld [tilespmem:$0x180];
	_ =	sdelay $0x4  }
0x121: {  	v56 =	vshll.u32 v3, $0x1  }
0x122: {  	v3 =	vand.u32 $0x7, v3;
	v4 =	vand.u32 $0xFFFFFFF0, v56  }
0x123: {  	v3 =	vor.u32 v3, v4  }
0x124: {  	v4 =	vperm.xlane v3, v0;
	_ =	sdelay $0x1  }
0x125: {  	v3 =	vperm.xlane v3, v2;
	v4 =	vadd.s32 v1, v4;
	_ =	sdelay $0x1  }
0x126: {  	v3 =	vadd.s32 v1, v3;
	_ =	sdelay $0x2  }
0x127: {  	[tilespmem:s22], [sflag:$0x2] =	stream.indirect_vreg.gather [hbm4b:s2+s3], $0x80, v4, vm0, $0xb8;
	[tilespmem:$0x10200] =	vst v63  }
0x128: {  	_ = 	snop  }
0x129: {  	[tilespmem:s8], [sflag:$0x2] =	stream.indirect_vreg.gather [hbm4b:s2+s3], $0x80, v3, vm0, $0xb8;
	[tilespmem:$0x10200] =	vst v63  }
0x12a: {  	v3 =	vld [tilespmem:$0x190];
	_ =	sdelay $0x4  }
0x12b: {  	v57 =	vshll.u32 v3, $0x1  }
0x12c: {  	v3 =	vand.u32 $0x7, v3;
	v4 =	vand.u32 $0xFFFFFFF0, v57  }
0x12d: {  	v3 =	vor.u32 v3, v4  }
0x12e: {  	v4 =	vperm.xlane v3, v0;
	_ =	sdelay $0x1  }
0x12f: {  	v3 =	vperm.xlane v3, v2;
	v4 =	vadd.s32 v1, v4;
	_ =	sdelay $0x1  }
0x130: {  	v3 =	vadd.s32 v1, v3;
	_ =	sdelay $0x2  }
0x131: {  	[tilespmem:s9], [sflag:$0x2] =	stream.indirect_vreg.gather [hbm4b:s2+s3], $0x80, v4, vm0, $0xb8;
	[tilespmem:$0x10200] =	vst v63  }
0x132: {  	_ = 	snop  }
0x133: {  	[tilespmem:s10], [sflag:$0x2] =	stream.indirect_vreg.gather [hbm4b:s2+s3], $0x80, v3, vm0, $0xb8;
	[tilespmem:$0x10200] =	vst v63  }
0x134: {  	v3 =	vld [tilespmem:$0x1A0];
	_ =	sdelay $0x4  }
0x135: {  	v58 =	vshll.u32 v3, $0x1  }
0x136: {  	v3 =	vand.u32 $0x7, v3;
	v4 =	vand.u32 $0xFFFFFFF0, v58  }
0x137: {  	v3 =	vor.u32 v3, v4  }
0x138: {  	v4 =	vperm.xlane v3, v0;
	_ =	sdelay $0x1  }
0x139: {  	v3 =	vperm.xlane v3, v2;
	v4 =	vadd.s32 v1, v4;
	_ =	sdelay $0x1  }
0x13a: {  	v3 =	vadd.s32 v1, v3;
	_ =	sdelay $0x2  }
0x13b: {  	[tilespmem:s11], [sflag:$0x2] =	stream.indirect_vreg.gather [hbm4b:s2+s3], $0x80, v4, vm0, $0xb8;
	[tilespmem:$0x10200] =	vst v63  }
0x13c: {  	_ = 	snop  }
0x13d: {  	[tilespmem:s12], [sflag:$0x2] =	stream.indirect_vreg.gather [hbm4b:s2+s3], $0x80, v3, vm0, $0xb8;
	[tilespmem:$0x10200] =	vst v63  }
0x13e: {  	v3 =	vld [tilespmem:$0x1B0];
	_ =	sdelay $0x4  }
0x13f: {  	v59 =	vshll.u32 v3, $0x1  }
0x140: {  	v3 =	vand.u32 $0x7, v3;
	v4 =	vand.u32 $0xFFFFFFF0, v59  }
0x141: {  	v3 =	vor.u32 v3, v4  }
0x142: {  	v4 =	vperm.xlane v3, v0;
	_ =	sdelay $0x1  }
0x143: {  	v3 =	vperm.xlane v3, v2;
	v4 =	vadd.s32 v1, v4;
	_ =	sdelay $0x1  }
0x144: {  	v3 =	vadd.s32 v1, v3;
	_ =	sdelay $0x1  }
0x145: {  	s16 =	simm.s32 $0xB200  }
0x146: {  	[tilespmem:s16], [sflag:$0x2] =	stream.indirect_vreg.gather [hbm4b:s2+s3], $0x80, v4, vm0, $0xb8;
	[tilespmem:$0x10200] =	vst v63  }
0x147: {  	_ = 	snop  }
0x148: {  	[tilespmem:s6], [sflag:$0x2] =	stream.indirect_vreg.gather [hbm4b:s2+s3], $0x80, v3, vm0, $0xb8;
	[tilespmem:$0x10200] =	vst v63  }
0x149: {  	v3 =	vld [tilespmem:$0x1C0];
	_ =	sdelay $0x4  }
0x14a: {  	v60 =	vshll.u32 v3, $0x1  }
0x14b: {  	v3 =	vand.u32 $0x7, v3;
	v4 =	vand.u32 $0xFFFFFFF0, v60  }
0x14c: {  	v3 =	vor.u32 v3, v4  }
0x14d: {  	v4 =	vperm.xlane v3, v0;
	_ =	sdelay $0x1  }
0x14e: {  	v3 =	vperm.xlane v3, v2;
	v4 =	vadd.s32 v1, v4;
	_ =	sdelay $0x1  }
0x14f: {  	v3 =	vadd.s32 v1, v3;
	_ =	sdelay $0x1  }
0x150: {  	s6 =	simm.s32 $0xC200  }
0x151: {  	[tilespmem:s6], [sflag:$0x2] =	stream.indirect_vreg.gather [hbm4b:s2+s3], $0x80, v4, vm0, $0xb8;
	[tilespmem:$0x10200] =	vst v63  }
0x152: {  	s16 =	simm.s32 $0xCA00  }
0x153: {  	[tilespmem:s16], [sflag:$0x2] =	stream.indirect_vreg.gather [hbm4b:s2+s3], $0x80, v3, vm0, $0xb8;
	[tilespmem:$0x10200] =	vst v63  }
0x154: {  	v3 =	vld [tilespmem:$0x1D0];
	_ =	sdelay $0x4  }
0x155: {  	v61 =	vshll.u32 v3, $0x1  }
0x156: {  	v3 =	vand.u32 $0x7, v3;
	v4 =	vand.u32 $0xFFFFFFF0, v61  }
0x157: {  	v3 =	vor.u32 v3, v4  }
0x158: {  	v4 =	vperm.xlane v3, v0;
	_ =	sdelay $0x1  }
0x159: {  	v3 =	vperm.xlane v3, v2;
	v4 =	vadd.s32 v1, v4;
	_ =	sdelay $0x1  }
0x15a: {  	v3 =	vadd.s32 v1, v3;
	_ =	sdelay $0x1  }
0x15b: {  	s6 =	simm.s32 $0xD200  }
0x15c: {  	[tilespmem:s6], [sflag:$0x2] =	stream.indirect_vreg.gather [hbm4b:s2+s3], $0x80, v4, vm0, $0xb8;
	[tilespmem:$0x10200] =	vst v63  }
0x15d: {  	s16 =	simm.s32 $0xDA00  }
0x15e: {  	[tilespmem:s16], [sflag:$0x2] =	stream.indirect_vreg.gather [hbm4b:s2+s3], $0x80, v3, vm0, $0xb8;
	[tilespmem:$0x10200] =	vst v63  }
0x15f: {  	v3 =	vld [tilespmem:$0x1E0];
	_ =	sdelay $0x4  }
0x160: {  	v62 =	vshll.u32 v3, $0x1  }
0x161: {  	v3 =	vand.u32 $0x7, v3;
	v4 =	vand.u32 $0xFFFFFFF0, v62  }
0x162: {  	v3 =	vor.u32 v3, v4  }
0x163: {  	v4 =	vperm.xlane v3, v0;
	_ =	sdelay $0x1  }
0x164: {  	v3 =	vperm.xlane v3, v2;
	v4 =	vadd.s32 v1, v4;
	_ =	sdelay $0x1  }
0x165: {  	v3 =	vadd.s32 v1, v3;
	_ =	sdelay $0x1  }
0x166: {  	s6 =	simm.s32 $0xE200  }
0x167: {  	[tilespmem:s6], [sflag:$0x2] =	stream.indirect_vreg.gather [hbm4b:s2+s3], $0x80, v4, vm0, $0xb8;
	[tilespmem:$0x10200] =	vst v63  }
0x168: {  	s16 =	simm.s32 $0xEA00  }
0x169: {  	[tilespmem:s16], [sflag:$0x2] =	stream.indirect_vreg.gather [hbm4b:s2+s3], $0x80, v3, vm0, $0xb8;
	[tilespmem:$0x10200] =	vst v63  }
0x16a: {  	v3 =	vld [tilespmem:$0x1F0];
	_ =	sdelay $0x4  }
0x16b: {  	v63 =	vshll.u32 v3, $0x1  }
0x16c: {  	v3 =	vand.u32 $0x7, v3;
	v4 =	vand.u32 $0xFFFFFFF0, v63  }
0x16d: {  	v3 =	vor.u32 v3, v4  }
0x16e: {  	v4 =	vperm.xlane v3, v0;
	_ =	sdelay $0x1  }
0x16f: {  	v3 =	vperm.xlane v3, v2;
	v4 =	vadd.s32 v1, v4;
	_ =	sdelay $0x1  }
0x170: {  	v3 =	vadd.s32 v1, v3;
	_ =	sdelay $0x1  }
0x171: {  	s6 =	simm.s32 $0xF200  }
0x172: {  	[tilespmem:s6], [sflag:$0x2] =	stream.indirect_vreg.gather [hbm4b:s2+s3], $0x80, v4, vm0, $0xb8;
	[tilespmem:$0x10200] =	vst v63  }
0x173: {  	s16 =	simm.s32 $0xFA00  }
0x174: {  	[tilespmem:s16], [sflag:$0x2] =	stream.indirect_vreg.gather [hbm4b:s2+s3], $0x80, v3, vm0, $0xb8;
	[tilespmem:$0x10200] =	vst v63  }
0x175: {  	_ =	swait.ge [sflag:s13], $0x8000  }
0x176: {  	[sflag:s13] =	ssyncset.done $0x0  }
0x177: {  	s6 =	rddreg [dreg:$0x8];
	[sflag:s13] =	ssyncadd.s32 $0xFFFF8000  }
0x178: {  	[hbm4b:s6+s3] =	stream.linear.scatter [tilespmem:s22], [sflag:$0x4], $0x8000, $0x38;
	[tilespmem:$0x10200] =	vst v63  }
0x179: {  	p0 =	sne.s32 s4, $0x1;
	_ =	swait.ge [sflag:s14], $0x8000  }
.Ltmp0:
0x17a: {  	[sflag:s14] =	ssyncset.done $0x0;
	(pc) =	sbr.rel @p0 .LBB2_1-.Ltmp0, $4  }
0x17b: {  	[sflag:s14] =	ssyncadd.s32 $0xFFFF8000  }
0x17c: {  	_ =	swait.ge [sflag:s15], $0x8000  }
0x17d: {  	[sflag:s15] =	ssyncset.done $0x0  }
0x17e: {  	s4 =	sadd.s32 $0xFFFFFFFF, s4;
	[sflag:s15] =	ssyncadd.s32 $0xFFFF8000  }
0x17f: {  	_ =	sfence.sel $0x180000  }
0x180: {  	[bflag:$0x0] =	sbarrier.arrive $0xFFFF  }
0x181: {  	_ =	strace $0x90000047  }
0x182: {  	s0 =	stileid.u32;
	[bflag:$0x2] =	sbarrier.arrive $0xFFFF  }
0x183: {  	p0 =	sne.s32 s0, $0x0;
	s0 =	rddreg [dreg:$0x3]  }
0x184: {  	s0 =	sadd.s32 @!p0 $0x100000, s0  }
0x185: {  	[sflag:s0] =	ssyncadd.tile.s32 @!p0 $0x1;
	_ =	shalt  }
.Lfunc_end2:
_tile_overlayer_lowered:
.L_overlay_start_2:
0x186: {  	(tag) =	ssettag $0x2  }
0x187: {  	s0 =	rddreg [dreg:$0x0];
	s2 =	stileid.u32  }
0x188: {  	s1 =	rddreg [dreg:$0x1];
	p0 =	sne.s32 s2, $0x0  }
0x189: {  	s3 =	rddreg [dreg:$0x2];
	[bflag:$0x3] =	sbarrier.arrive $0xFFFF;
	s2 =	simm.s32 @!p0 $0x1C05  }
0x18a: {  	[timem:s3], [sflag:s2] =	dma.local @!p0 [hbm:s0], s1  }
0x18b: {  	s0 =	simm.s32 @!p0 $0x5  }
0x18c: {  	_ =	swait.ge @!p0 [sflag:s0], s1  }
0x18d: {  	s1 =	ssub.s32 @!p0 $0x0, s1;
	[sflag:s0] =	ssyncset.done @!p0 $0x0  }
0x18e: {  	[sflag:s0] =	ssyncadd.s32 @!p0 s1  }
0x18f: {  	[bflag:$0x3] =	sbarrier.arrive $0xFFFF  }
0x190: {  	_ =	shalt  }

</sc_bundles>
